<compile_context>
chip_gen: v7x
topology: tpu7x:2x2x1
jax: 0.10.2.dev20260603
libtpu: 0.0.44.dev20260713+nightly
codegen_flags: <defaults>
</compile_context>

<pallas_src>
import functools

import jax
import jax.numpy as jnp
from jax import lax
from jax.experimental import pallas as pl
from jax.experimental.pallas import tpu as pltpu
from jax.experimental.pallas import tpu_sc as plsc

EMB_D = 64
PAD_D = 128
SCALE = float(EMB_D) ** 0.5
LANES = 16
NBUF = 2
CHUNK = 256


@functools.partial(jax.jit, static_argnames=("b_total", "h_total"))
def _lookup(x_flat, table_p, b_total, h_total):
    info = plsc.get_sparse_core_info()
    nw = info.num_cores * info.num_subcores
    b_per_w = b_total // nw
    sub_per_h = b_per_w // CHUNK
    n_chunks = h_total * sub_per_h
    assert b_per_w % CHUNK == 0 and b_total % nw == 0

    mesh = plsc.VectorSubcoreMesh(core_axis_name="c", subcore_axis_name="s")

    @functools.partial(
        pl.kernel,
        mesh=mesh,
        out_type=jax.ShapeDtypeStruct((h_total, EMB_D, b_total), jnp.float32),
        scratch_types=[
            [pltpu.VMEM((CHUNK,), jnp.int32) for _ in range(NBUF)],
            [pltpu.VMEM((CHUNK, PAD_D), jnp.float32) for _ in range(NBUF)],
            pltpu.VMEM((128, 128), jnp.float32),
            [pltpu.SemaphoreType.DMA for _ in range(NBUF)],
            pltpu.SemaphoreType.DMA,
            [pltpu.SemaphoreType.DMA for _ in range(NBUF)],
        ],
        compiler_params=pltpu.CompilerParams(
            use_tc_tiling_on_sc=True, needs_layout_passes=False
        ),
    )
    def k(x_hbm, table_hbm, out_hbm, idx_v, rows, tbuf, sem_g, sem_t, sem_i):
        wid = lax.axis_index("s") * info.num_cores + lax.axis_index("c")
        wb = wid * b_per_w
        biota = lax.iota(jnp.int32, LANES)
        e_k = [(biota + k) & 15 for k in range(LANES)]
        rs_k = [e + (e & 8) for e in e_k]

        def x_off(c):
            h = c // sub_per_h
            return h * b_total + wb + (c % sub_per_h) * CHUNK

        pltpu.async_copy(x_hbm.at[pl.ds(x_off(0), CHUNK)], idx_v[0], sem_i[0])
        pltpu.make_async_copy(
            x_hbm.at[pl.ds(x_off(0), CHUNK)], idx_v[0], sem_i[0]
        ).wait()
        pltpu.async_copy(table_hbm.at[idx_v[0]], rows[0], sem_g[0])
        pltpu.async_copy(x_hbm.at[pl.ds(x_off(1), CHUNK)], idx_v[1], sem_i[1])

        @pl.loop(0, n_chunks, step=NBUF)
        def _chunk_loop(c0):
            for b in range(NBUF):
                c = c0 + b
                nb = (b + 1) % NBUF
                nxt = c + 1
                h = c // sub_per_h
                bb = wb + (c % sub_per_h) * CHUNK

                @pl.when(nxt < n_chunks)
                def _issue_next_gather():
                    pltpu.make_async_copy(
                        x_hbm.at[pl.ds(x_off(nxt), CHUNK)], idx_v[nb], sem_i[nb]
                    ).wait()
                    pltpu.async_copy(
                        table_hbm.at[idx_v[nb]], rows[nb], sem_g[nb]
                    )

                pltpu.make_async_copy(
                    table_hbm.at[idx_v[b]], rows[b], sem_g[b]
                ).wait()

                @pl.when(c + 2 < n_chunks)
                def _prefetch_idx():
                    pltpu.async_copy(
                        x_hbm.at[pl.ds(x_off(c + 2), CHUNK)],
                        idx_v[b],
                        sem_i[b],
                    )

                @pl.when(c > 0)
                def _drain_prev_tiles():
                    for t in range(16):
                        i, j = divmod(t, 2)
                        pltpu.make_async_copy(
                            tbuf.at[pl.ds(8 * t, 8), pl.ds(0, 128)],
                            out_hbm.at[
                                h, pl.ds(8 * i, 8), pl.ds(bb + 128 * j, 128)
                            ],
                            sem_t,
                        ).wait()

                @pl.loop(0, LANES)
                def _g16(g16):
                    b0l = g16 * LANES
                    j = g16 // 8
                    row_idx = biota + b0l
                    lane_idx = biota + (b0l - j * 128)
                    for dg in range(4):
                        d0 = dg * LANES
                        for k in range(LANES):
                            vals = plsc.load_gather(
                                rows[b], [row_idx, e_k[k] + d0]
                            )
                            plsc.store_scatter(
                                tbuf,
                                [rs_k[k] + (32 * dg + 8 * j), lane_idx],
                                vals * SCALE,
                            )

                for t in range(16):
                    i, j = divmod(t, 2)
                    pltpu.async_copy(
                        tbuf.at[pl.ds(8 * t, 8), pl.ds(0, 128)],
                        out_hbm.at[
                            h, pl.ds(8 * i, 8), pl.ds(bb + 128 * j, 128)
                        ],
                        sem_t,
                    )

        lastc = n_chunks - 1
        lh = lastc // sub_per_h
        lbb = wb + (lastc % sub_per_h) * CHUNK
        for t in range(16):
            i, j = divmod(t, 2)
            pltpu.make_async_copy(
                tbuf.at[pl.ds(8 * t, 8), pl.ds(0, 128)],
                out_hbm.at[lh, pl.ds(8 * i, 8), pl.ds(lbb + 128 * j, 128)],
                sem_t,
            ).wait()

    return k(x_flat, table_p)


def kernel(x, table):
    b, h = x.shape
    x_flat = x.T.reshape(-1)
    table_p = jnp.pad(table, ((0, 0), (0, PAD_D - EMB_D)))
    out = _lookup(x_flat, table_p, b, h)
    return out.transpose(2, 0, 1)

# --- scband reference (transcript-rebuilt; emitter-appended) ---
"""Pipeline reference for scband-embedding-47863115546636 (READ-ONLY COPY).

The authoritative reference and input builder live on the scoring server;
editing this copy changes nothing except your own understanding.
"""

import jax, jax.numpy as jnp
import numpy as np

EMB_SIZE = 1000000
EMB_DIM = 64
BATCH = 16384
HIST = 50

def setup_inputs(seed: int = 0) -> dict:
    key = jax.random.key(seed)
    k_idx, k_tab = jax.random.split(key)
    x = jax.random.randint(k_idx, (BATCH, HIST), 0, EMB_SIZE, dtype=jnp.int64 if jax.config.jax_enable_x64 else jnp.int32)
    table = jax.random.normal(k_tab, (EMB_SIZE, EMB_DIM), dtype=jnp.float32)
    return {"x": x, "table": table}

def reference(x, table):
    scale_factor = EMB_DIM ** 0.5
    emb = jnp.take(table, x, axis=0)
    return scale_factor * emb

if __name__ == "__main__":
    import jax
    _d = setup_inputs()
    print(jax.jit(kernel)(*tuple(_d.values())))

</pallas_src>

<mosaic_0001>
#map = affine_map<(d0, d1) -> (0)>
#map1 = affine_map<(d0, d1) -> (0, 0)>
#map2 = affine_map<(d0, d1) -> (0, 0, 0)>
module attributes {stable_mosaic.version = 14 : i64} {
  func.func @k(%arg0: i32, %arg1: i32, %arg2: memref<819200xi32, #tpu.memory_space<hbm>>, %arg3: memref<1000000x128xf32, #tpu.memory_space<hbm>>, %arg4: memref<50x64x16384xf32, #tpu.memory_space<hbm>>, %arg5: memref<256xi32, #tpu.memory_space<vmem>>, %arg6: memref<256xi32, #tpu.memory_space<vmem>>, %arg7: memref<256x128xf32, #tpu.memory_space<vmem>>, %arg8: memref<256x128xf32, #tpu.memory_space<vmem>>, %arg9: memref<128x128xf32, #tpu.memory_space<vmem>>, %arg10: memref<!tpu.dma_semaphore, #tpu.memory_space<semaphore_mem>>, %arg11: memref<!tpu.dma_semaphore, #tpu.memory_space<semaphore_mem>>, %arg12: memref<!tpu.dma_semaphore, #tpu.memory_space<semaphore_mem>>, %arg13: memref<!tpu.dma_semaphore, #tpu.memory_space<semaphore_mem>>, %arg14: memref<!tpu.dma_semaphore, #tpu.memory_space<semaphore_mem>>) attributes {dimension_semantics = [#tpu.dimension_semantics<core_parallel>, #tpu.dimension_semantics<subcore_parallel>], iteration_bounds = array<i64: 2, 16>, scalar_prefetch = 0 : i64, scratch_operands = 10 : i64, tpu.core_type = #tpu.core_type<sc_vector_subcore>, window_params = [{transform_indices = #map}, {transform_indices = #map1}, {transform_indices = #map2}]} {
    %mul3A = arith.constant 2 : i32
    %mul3A_0 = arith.muli %arg1, %mul3A : i32
    %add3A = arith.addi %mul3A_0, %arg0 : i32
    %mul3A_1 = arith.constant 512 : i32
    %mul3A_2 = arith.muli %add3A, %mul3A_1 : i32
    %iota3A = tpu.iota {dimensions = array<i32: 0>} : vector<16xi32>
    %add3A_3 = arith.constant 0 : i32
    %add3A_4 = vector.broadcast %add3A_3 : i32 to vector<16xi32>
    %add3A_5 = arith.addi %iota3A, %add3A_4 : vector<16xi32>
    %and3A = arith.constant 15 : i32
    %and3A_6 = vector.broadcast %and3A : i32 to vector<16xi32>
    %and3A_7 = arith.andi %add3A_5, %and3A_6 : vector<16xi32>
    %add3A_8 = arith.constant 1 : i32
    %add3A_9 = vector.broadcast %add3A_8 : i32 to vector<16xi32>
    %add3A_10 = arith.addi %iota3A, %add3A_9 : vector<16xi32>
    %and3A_11 = arith.constant 15 : i32
    %and3A_12 = vector.broadcast %and3A_11 : i32 to vector<16xi32>
    %and3A_13 = arith.andi %add3A_10, %and3A_12 : vector<16xi32>
    %add3A_14 = arith.constant 2 : i32
    %add3A_15 = vector.broadcast %add3A_14 : i32 to vector<16xi32>
    %add3A_16 = arith.addi %iota3A, %add3A_15 : vector<16xi32>
    %and3A_17 = arith.constant 15 : i32
    %and3A_18 = vector.broadcast %and3A_17 : i32 to vector<16xi32>
    %and3A_19 = arith.andi %add3A_16, %and3A_18 : vector<16xi32>
    %add3A_20 = arith.constant 3 : i32
    %add3A_21 = vector.broadcast %add3A_20 : i32 to vector<16xi32>
    %add3A_22 = arith.addi %iota3A, %add3A_21 : vector<16xi32>
    %and3A_23 = arith.constant 15 : i32
    %and3A_24 = vector.broadcast %and3A_23 : i32 to vector<16xi32>
    %and3A_25 = arith.andi %add3A_22, %and3A_24 : vector<16xi32>
    %add3A_26 = arith.constant 4 : i32
    %add3A_27 = vector.broadcast %add3A_26 : i32 to vector<16xi32>
    %add3A_28 = arith.addi %iota3A, %add3A_27 : vector<16xi32>
    %and3A_29 = arith.constant 15 : i32
    %and3A_30 = vector.broadcast %and3A_29 : i32 to vector<16xi32>
    %and3A_31 = arith.andi %add3A_28, %and3A_30 : vector<16xi32>
    %add3A_32 = arith.constant 5 : i32
    %add3A_33 = vector.broadcast %add3A_32 : i32 to vector<16xi32>
    %add3A_34 = arith.addi %iota3A, %add3A_33 : vector<16xi32>
    %and3A_35 = arith.constant 15 : i32
    %and3A_36 = vector.broadcast %and3A_35 : i32 to vector<16xi32>
    %and3A_37 = arith.andi %add3A_34, %and3A_36 : vector<16xi32>
    %add3A_38 = arith.constant 6 : i32
    %add3A_39 = vector.broadcast %add3A_38 : i32 to vector<16xi32>
    %add3A_40 = arith.addi %iota3A, %add3A_39 : vector<16xi32>
    %and3A_41 = arith.constant 15 : i32
    %and3A_42 = vector.broadcast %and3A_41 : i32 to vector<16xi32>
    %and3A_43 = arith.andi %add3A_40, %and3A_42 : vector<16xi32>
    %add3A_44 = arith.constant 7 : i32
    %add3A_45 = vector.broadcast %add3A_44 : i32 to vector<16xi32>
    %add3A_46 = arith.addi %iota3A, %add3A_45 : vector<16xi32>
    %and3A_47 = arith.constant 15 : i32
    %and3A_48 = vector.broadcast %and3A_47 : i32 to vector<16xi32>
    %and3A_49 = arith.andi %add3A_46, %and3A_48 : vector<16xi32>
    %add3A_50 = arith.constant 8 : i32
    %add3A_51 = vector.broadcast %add3A_50 : i32 to vector<16xi32>
    %add3A_52 = arith.addi %iota3A, %add3A_51 : vector<16xi32>
    %and3A_53 = arith.constant 15 : i32
    %and3A_54 = vector.broadcast %and3A_53 : i32 to vector<16xi32>
    %and3A_55 = arith.andi %add3A_52, %and3A_54 : vector<16xi32>
    %add3A_56 = arith.constant 9 : i32
    %add3A_57 = vector.broadcast %add3A_56 : i32 to vector<16xi32>
    %add3A_58 = arith.addi %iota3A, %add3A_57 : vector<16xi32>
    %and3A_59 = arith.constant 15 : i32
    %and3A_60 = vector.broadcast %and3A_59 : i32 to vector<16xi32>
    %and3A_61 = arith.andi %add3A_58, %and3A_60 : vector<16xi32>
    %add3A_62 = arith.constant 10 : i32
    %add3A_63 = vector.broadcast %add3A_62 : i32 to vector<16xi32>
    %add3A_64 = arith.addi %iota3A, %add3A_63 : vector<16xi32>
    %and3A_65 = arith.constant 15 : i32
    %and3A_66 = vector.broadcast %and3A_65 : i32 to vector<16xi32>
    %and3A_67 = arith.andi %add3A_64, %and3A_66 : vector<16xi32>
    %add3A_68 = arith.constant 11 : i32
    %add3A_69 = vector.broadcast %add3A_68 : i32 to vector<16xi32>
    %add3A_70 = arith.addi %iota3A, %add3A_69 : vector<16xi32>
    %and3A_71 = arith.constant 15 : i32
    %and3A_72 = vector.broadcast %and3A_71 : i32 to vector<16xi32>
    %and3A_73 = arith.andi %add3A_70, %and3A_72 : vector<16xi32>
    %add3A_74 = arith.constant 12 : i32
    %add3A_75 = vector.broadcast %add3A_74 : i32 to vector<16xi32>
    %add3A_76 = arith.addi %iota3A, %add3A_75 : vector<16xi32>
    %and3A_77 = arith.constant 15 : i32
    %and3A_78 = vector.broadcast %and3A_77 : i32 to vector<16xi32>
    %and3A_79 = arith.andi %add3A_76, %and3A_78 : vector<16xi32>
    %add3A_80 = arith.constant 13 : i32
    %add3A_81 = vector.broadcast %add3A_80 : i32 to vector<16xi32>
    %add3A_82 = arith.addi %iota3A, %add3A_81 : vector<16xi32>
    %and3A_83 = arith.constant 15 : i32
    %and3A_84 = vector.broadcast %and3A_83 : i32 to vector<16xi32>
    %and3A_85 = arith.andi %add3A_82, %and3A_84 : vector<16xi32>
    %add3A_86 = arith.constant 14 : i32
    %add3A_87 = vector.broadcast %add3A_86 : i32 to vector<16xi32>
    %add3A_88 = arith.addi %iota3A, %add3A_87 : vector<16xi32>
    %and3A_89 = arith.constant 15 : i32
    %and3A_90 = vector.broadcast %and3A_89 : i32 to vector<16xi32>
    %and3A_91 = arith.andi %add3A_88, %and3A_90 : vector<16xi32>
    %add3A_92 = arith.constant 15 : i32
    %add3A_93 = vector.broadcast %add3A_92 : i32 to vector<16xi32>
    %add3A_94 = arith.addi %iota3A, %add3A_93 : vector<16xi32>
    %and3A_95 = arith.constant 15 : i32
    %and3A_96 = vector.broadcast %and3A_95 : i32 to vector<16xi32>
    %and3A_97 = arith.andi %add3A_94, %and3A_96 : vector<16xi32>
    %and3A_98 = arith.constant 8 : i32
    %and3A_99 = vector.broadcast %and3A_98 : i32 to vector<16xi32>
    %and3A_100 = arith.andi %and3A_7, %and3A_99 : vector<16xi32>
    %add3A_101 = arith.addi %and3A_7, %and3A_100 : vector<16xi32>
    %and3A_102 = arith.constant 8 : i32
    %and3A_103 = vector.broadcast %and3A_102 : i32 to vector<16xi32>
    %and3A_104 = arith.andi %and3A_13, %and3A_103 : vector<16xi32>
    %add3A_105 = arith.addi %and3A_13, %and3A_104 : vector<16xi32>
    %and3A_106 = arith.constant 8 : i32
    %and3A_107 = vector.broadcast %and3A_106 : i32 to vector<16xi32>
    %and3A_108 = arith.andi %and3A_19, %and3A_107 : vector<16xi32>
    %add3A_109 = arith.addi %and3A_19, %and3A_108 : vector<16xi32>
    %and3A_110 = arith.constant 8 : i32
    %and3A_111 = vector.broadcast %and3A_110 : i32 to vector<16xi32>
    %and3A_112 = arith.andi %and3A_25, %and3A_111 : vector<16xi32>
    %add3A_113 = arith.addi %and3A_25, %and3A_112 : vector<16xi32>
    %and3A_114 = arith.constant 8 : i32
    %and3A_115 = vector.broadcast %and3A_114 : i32 to vector<16xi32>
    %and3A_116 = arith.andi %and3A_31, %and3A_115 : vector<16xi32>
    %add3A_117 = arith.addi %and3A_31, %and3A_116 : vector<16xi32>
    %and3A_118 = arith.constant 8 : i32
    %and3A_119 = vector.broadcast %and3A_118 : i32 to vector<16xi32>
    %and3A_120 = arith.andi %and3A_37, %and3A_119 : vector<16xi32>
    %add3A_121 = arith.addi %and3A_37, %and3A_120 : vector<16xi32>
    %and3A_122 = arith.constant 8 : i32
    %and3A_123 = vector.broadcast %and3A_122 : i32 to vector<16xi32>
    %and3A_124 = arith.andi %and3A_43, %and3A_123 : vector<16xi32>
    %add3A_125 = arith.addi %and3A_43, %and3A_124 : vector<16xi32>
    %and3A_126 = arith.constant 8 : i32
    %and3A_127 = vector.broadcast %and3A_126 : i32 to vector<16xi32>
    %and3A_128 = arith.andi %and3A_49, %and3A_127 : vector<16xi32>
    %add3A_129 = arith.addi %and3A_49, %and3A_128 : vector<16xi32>
    %and3A_130 = arith.constant 8 : i32
    %and3A_131 = vector.broadcast %and3A_130 : i32 to vector<16xi32>
    %and3A_132 = arith.andi %and3A_55, %and3A_131 : vector<16xi32>
    %add3A_133 = arith.addi %and3A_55, %and3A_132 : vector<16xi32>
    %and3A_134 = arith.constant 8 : i32
    %and3A_135 = vector.broadcast %and3A_134 : i32 to vector<16xi32>
    %and3A_136 = arith.andi %and3A_61, %and3A_135 : vector<16xi32>
    %add3A_137 = arith.addi %and3A_61, %and3A_136 : vector<16xi32>
    %and3A_138 = arith.constant 8 : i32
    %and3A_139 = vector.broadcast %and3A_138 : i32 to vector<16xi32>
    %and3A_140 = arith.andi %and3A_67, %and3A_139 : vector<16xi32>
    %add3A_141 = arith.addi %and3A_67, %and3A_140 : vector<16xi32>
    %and3A_142 = arith.constant 8 : i32
    %and3A_143 = vector.broadcast %and3A_142 : i32 to vector<16xi32>
    %and3A_144 = arith.andi %and3A_73, %and3A_143 : vector<16xi32>
    %add3A_145 = arith.addi %and3A_73, %and3A_144 : vector<16xi32>
    %and3A_146 = arith.constant 8 : i32
    %and3A_147 = vector.broadcast %and3A_146 : i32 to vector<16xi32>
    %and3A_148 = arith.andi %and3A_79, %and3A_147 : vector<16xi32>
    %add3A_149 = arith.addi %and3A_79, %and3A_148 : vector<16xi32>
    %and3A_150 = arith.constant 8 : i32
    %and3A_151 = vector.broadcast %and3A_150 : i32 to vector<16xi32>
    %and3A_152 = arith.andi %and3A_85, %and3A_151 : vector<16xi32>
    %add3A_153 = arith.addi %and3A_85, %and3A_152 : vector<16xi32>
    %and3A_154 = arith.constant 8 : i32
    %and3A_155 = vector.broadcast %and3A_154 : i32 to vector<16xi32>
    %and3A_156 = arith.andi %and3A_91, %and3A_155 : vector<16xi32>
    %add3A_157 = arith.addi %and3A_91, %and3A_156 : vector<16xi32>
    %and3A_158 = arith.constant 8 : i32
    %and3A_159 = vector.broadcast %and3A_158 : i32 to vector<16xi32>
    %and3A_160 = arith.andi %and3A_97, %and3A_159 : vector<16xi32>
    %add3A_161 = arith.addi %and3A_97, %and3A_160 : vector<16xi32>
    %add3A_162 = arith.constant 0 : i32
    %add3A_163 = arith.addi %add3A_162, %mul3A_2 : i32
    %add3A_164 = arith.constant 0 : i32
    %add3A_165 = arith.addi %add3A_163, %add3A_164 : i32
    %dma_start3A = tpu.memref_slice %arg2[%add3A_165] : memref<819200xi32, #tpu.memory_space<hbm>> -> memref<256xi32, #tpu.memory_space<hbm>>
    %dma_start3A_166 = tpu.memref_slice %arg2[%add3A_165] : memref<819200xi32, #tpu.memory_space<hbm>> -> memref<256xi32, #tpu.memory_space<hbm>>
    tpu.enqueue_dma source(%dma_start3A_166 : memref<256xi32, #tpu.memory_space<hbm>>) target(%arg5 : memref<256xi32, #tpu.memory_space<vmem>>) target_semaphore(%arg13 : memref<!tpu.dma_semaphore, #tpu.memory_space<semaphore_mem>>)
    %add3A_167 = arith.constant 0 : i32
    %add3A_168 = arith.addi %add3A_167, %mul3A_2 : i32
    %add3A_169 = arith.constant 0 : i32
    %add3A_170 = arith.addi %add3A_168, %add3A_169 : i32
    %dma_wait3A = tpu.memref_slice %arg2[%add3A_170] : memref<819200xi32, #tpu.memory_space<hbm>> -> memref<256xi32, #tpu.memory_space<hbm>>
    %dma_wait3A_171 = tpu.memref_slice %arg2[%add3A_170] : memref<819200xi32, #tpu.memory_space<hbm>> -> memref<256xi32, #tpu.memory_space<hbm>>
    tpu.wait_dma2 semaphore(%arg13 : memref<!tpu.dma_semaphore, #tpu.memory_space<semaphore_mem>>) src(%dma_wait3A_171 : memref<256xi32, #tpu.memory_space<hbm>>) dst(%arg5 : memref<256xi32, #tpu.memory_space<vmem>>)
    %dma_start3A_172 = arith.constant 0 : i32
    %dma_start3A_173 = arith.constant 0 : i32
    %dma_start3A_174 = tpu.memref_slice %arg3[%dma_start3A_172, %dma_start3A_173] : memref<1000000x128xf32, #tpu.memory_space<hbm>> -> memref<1000000x128xf32, #tpu.memory_space<hbm>>
    tpu.enqueue_indirect_dma source(%dma_start3A_174 : memref<1000000x128xf32, #tpu.memory_space<hbm>>) target(%arg7 : memref<256x128xf32, #tpu.memory_space<vmem>>) offsets(%arg5 : memref<256xi32, #tpu.memory_space<vmem>>) semaphore(%arg10 : memref<!tpu.dma_semaphore, #tpu.memory_space<semaphore_mem>>)
    %add3A_175 = arith.constant 0 : i32
    %add3A_176 = arith.addi %add3A_175, %mul3A_2 : i32
    %add3A_177 = arith.constant 256 : i32
    %add3A_178 = arith.addi %add3A_176, %add3A_177 : i32
    %dma_start3A_179 = tpu.memref_slice %arg2[%add3A_178] : memref<819200xi32, #tpu.memory_space<hbm>> -> memref<256xi32, #tpu.memory_space<hbm>>
    %dma_start3A_180 = tpu.memref_slice %arg2[%add3A_178] : memref<819200xi32, #tpu.memory_space<hbm>> -> memref<256xi32, #tpu.memory_space<hbm>>
    tpu.enqueue_dma source(%dma_start3A_180 : memref<256xi32, #tpu.memory_space<hbm>>) target(%arg6 : memref<256xi32, #tpu.memory_space<vmem>>) target_semaphore(%arg14 : memref<!tpu.dma_semaphore, #tpu.memory_space<semaphore_mem>>)
    %scan3A = arith.constant 0 : i32
    %scan3A_181 = arith.constant 50 : i32
    %scan3A_182 = arith.addi %scan3A, %scan3A_181 : i32
    %scan3A_183 = arith.constant 1 : i32
    scf.for %scan3A_427 = %scan3A to %scan3A_182 step %scan3A_183  : i32 {
      %mul3A_428 = arith.constant 2 : i32
      %mul3A_429 = arith.muli %scan3A_427, %mul3A_428 : i32
      %add3A_430 = arith.constant 0 : i32
      %add3A_431 = arith.addi %add3A_430, %mul3A_429 : i32
      %add3A_432 = arith.constant 0 : i32
      %add3A_433 = arith.addi %add3A_431, %add3A_432 : i32
      %add3A_434 = arith.constant 1 : i32
      %add3A_435 = arith.addi %add3A_433, %add3A_434 : i32
      %jit3A = arith.constant 2 : i32
      %div3A = arith.divsi %add3A_433, %jit3A : i32
      %sign3A = arith.constant 0 : i32
      %sign3A_436 = arith.cmpi sgt, %add3A_433, %sign3A : i32
      %sign3A_437 = arith.extui %sign3A_436 : i1 to i32
      %sign3A_438 = arith.constant 0 : i32
      %sign3A_439 = arith.cmpi slt, %add3A_433, %sign3A_438 : i32
      %sign3A_440 = arith.extui %sign3A_439 : i1 to i32
      %sign3A_441 = arith.subi %sign3A_437, %sign3A_440 : i32
      %sign3A_442 = arith.constant 0 : i32
      %sign3A_443 = arith.cmpi sgt, %jit3A, %sign3A_442 : i32
      %sign3A_444 = arith.extui %sign3A_443 : i1 to i32
      %sign3A_445 = arith.constant 0 : i32
      %sign3A_446 = arith.cmpi slt, %jit3A, %sign3A_445 : i32
      %sign3A_447 = arith.extui %sign3A_446 : i1 to i32
      %sign3A_448 = arith.subi %sign3A_444, %sign3A_447 : i32
      %ne3A = arith.cmpi ne, %sign3A_441, %sign3A_448 : i32
      %rem3A = arith.remsi %add3A_433, %jit3A : i32
      %ne3A_449 = arith.constant 0 : i32
      %ne3A_450 = arith.cmpi ne, %rem3A, %ne3A_449 : i32
      %and3A_451 = arith.andi %ne3A, %ne3A_450 : i1
      %sub3A = arith.constant 1 : i32
      %sub3A_452 = arith.subi %div3A, %sub3A : i32
      %select_n3A = arith.select %and3A_451, %sub3A_452, %div3A : i32
      %jit3A_453 = arith.constant 2 : i32
      %eq3A = arith.constant 0 : i32
      %eq3A_454 = arith.cmpi eq, %jit3A_453, %eq3A : i32
      %jit3A_455 = arith.constant 1 : i32
      %select_n3A_456 = arith.select %eq3A_454, %jit3A_455, %jit3A_453 : i32
      %rem3A_457 = arith.remsi %add3A_433, %select_n3A_456 : i32
      %ne3A_458 = arith.constant 0 : i32
      %ne3A_459 = arith.cmpi ne, %rem3A_457, %ne3A_458 : i32
      %lt3A = arith.constant 0 : i32
      %lt3A_460 = arith.cmpi slt, %rem3A_457, %lt3A : i32
      %lt3A_461 = arith.constant 0 : i32
      %lt3A_462 = arith.cmpi slt, %select_n3A_456, %lt3A_461 : i32
      %ne3A_463 = arith.xori %lt3A_460, %lt3A_462 : i1
      %and3A_464 = arith.andi %ne3A_463, %ne3A_459 : i1
      %add3A_465 = arith.addi %rem3A_457, %select_n3A_456 : i32
      %select_n3A_466 = arith.select %and3A_464, %add3A_465, %rem3A_457 : i32
      %mul3A_467 = arith.constant 256 : i32
      %mul3A_468 = arith.muli %select_n3A_466, %mul3A_467 : i32
      %add3A_469 = arith.addi %mul3A_2, %mul3A_468 : i32
      %lt3A_470 = arith.constant 100 : i32
      %lt3A_471 = arith.cmpi slt, %add3A_435, %lt3A_470 : i32
      %convert_element_type3A = arith.extui %lt3A_471 : i1 to i32
      %cond3A = arith.constant 0 : i32
      %cond3A_472 = arith.cmpi ne, %convert_element_type3A, %cond3A : i32
      scf.if %cond3A_472 {
        %jit3A_1012 = arith.constant 2 : i32
        %div3A_1013 = arith.divsi %add3A_435, %jit3A_1012 : i32
        %sign3A_1014 = arith.constant 0 : i32
        %sign3A_1015 = arith.cmpi sgt, %add3A_435, %sign3A_1014 : i32
        %sign3A_1016 = arith.extui %sign3A_1015 : i1 to i32
        %sign3A_1017 = arith.constant 0 : i32
        %sign3A_1018 = arith.cmpi slt, %add3A_435, %sign3A_1017 : i32
        %sign3A_1019 = arith.extui %sign3A_1018 : i1 to i32
        %sign3A_1020 = arith.subi %sign3A_1016, %sign3A_1019 : i32
        %sign3A_1021 = arith.constant 0 : i32
        %sign3A_1022 = arith.cmpi sgt, %jit3A_1012, %sign3A_1021 : i32
        %sign3A_1023 = arith.extui %sign3A_1022 : i1 to i32
        %sign3A_1024 = arith.constant 0 : i32
        %sign3A_1025 = arith.cmpi slt, %jit3A_1012, %sign3A_1024 : i32
        %sign3A_1026 = arith.extui %sign3A_1025 : i1 to i32
        %sign3A_1027 = arith.subi %sign3A_1023, %sign3A_1026 : i32
        %ne3A_1028 = arith.cmpi ne, %sign3A_1020, %sign3A_1027 : i32
        %rem3A_1029 = arith.remsi %add3A_435, %jit3A_1012 : i32
        %ne3A_1030 = arith.constant 0 : i32
        %ne3A_1031 = arith.cmpi ne, %rem3A_1029, %ne3A_1030 : i32
        %and3A_1032 = arith.andi %ne3A_1028, %ne3A_1031 : i1
        %sub3A_1033 = arith.constant 1 : i32
        %sub3A_1034 = arith.subi %div3A_1013, %sub3A_1033 : i32
        %select_n3A_1035 = arith.select %and3A_1032, %sub3A_1034, %div3A_1013 : i32
        %mul3A_1036 = arith.constant 16384 : i32
        %mul3A_1037 = arith.muli %select_n3A_1035, %mul3A_1036 : i32
        %add3A_1038 = arith.addi %mul3A_1037, %mul3A_2 : i32
        %jit3A_1039 = arith.constant 2 : i32
        %eq3A_1040 = arith.constant 0 : i32
        %eq3A_1041 = arith.cmpi eq, %jit3A_1039, %eq3A_1040 : i32
        %jit3A_1042 = arith.constant 1 : i32
        %select_n3A_1043 = arith.select %eq3A_1041, %jit3A_1042, %jit3A_1039 : i32
        %rem3A_1044 = arith.remsi %add3A_435, %select_n3A_1043 : i32
        %ne3A_1045 = arith.constant 0 : i32
        %ne3A_1046 = arith.cmpi ne, %rem3A_1044, %ne3A_1045 : i32
        %lt3A_1047 = arith.constant 0 : i32
        %lt3A_1048 = arith.cmpi slt, %rem3A_1044, %lt3A_1047 : i32
        %lt3A_1049 = arith.constant 0 : i32
        %lt3A_1050 = arith.cmpi slt, %select_n3A_1043, %lt3A_1049 : i32
        %ne3A_1051 = arith.xori %lt3A_1048, %lt3A_1050 : i1
        %and3A_1052 = arith.andi %ne3A_1051, %ne3A_1046 : i1
        %add3A_1053 = arith.addi %rem3A_1044, %select_n3A_1043 : i32
        %select_n3A_1054 = arith.select %and3A_1052, %add3A_1053, %rem3A_1044 : i32
        %mul3A_1055 = arith.constant 256 : i32
        %mul3A_1056 = arith.muli %select_n3A_1054, %mul3A_1055 : i32
        %add3A_1057 = arith.addi %add3A_1038, %mul3A_1056 : i32
        %dma_wait3A_1058 = tpu.memref_slice %arg2[%add3A_1057] : memref<819200xi32, #tpu.memory_space<hbm>> -> memref<256xi32, #tpu.memory_space<hbm>>
        %dma_wait3A_1059 = tpu.memref_slice %arg2[%add3A_1057] : memref<819200xi32, #tpu.memory_space<hbm>> -> memref<256xi32, #tpu.memory_space<hbm>>
        tpu.wait_dma2 semaphore(%arg14 : memref<!tpu.dma_semaphore, #tpu.memory_space<semaphore_mem>>) src(%dma_wait3A_1059 : memref<256xi32, #tpu.memory_space<hbm>>) dst(%arg6 : memref<256xi32, #tpu.memory_space<vmem>>)
        %dma_start3A_1060 = arith.constant 0 : i32
        %dma_start3A_1061 = arith.constant 0 : i32
        %dma_start3A_1062 = tpu.memref_slice %arg3[%dma_start3A_1060, %dma_start3A_1061] : memref<1000000x128xf32, #tpu.memory_space<hbm>> -> memref<1000000x128xf32, #tpu.memory_space<hbm>>
        tpu.enqueue_indirect_dma source(%dma_start3A_1062 : memref<1000000x128xf32, #tpu.memory_space<hbm>>) target(%arg8 : memref<256x128xf32, #tpu.memory_space<vmem>>) offsets(%arg6 : memref<256xi32, #tpu.memory_space<vmem>>) semaphore(%arg11 : memref<!tpu.dma_semaphore, #tpu.memory_space<semaphore_mem>>)
      } else {
      }
      %dma_wait3A_473 = arith.constant 0 : i32
      %dma_wait3A_474 = arith.constant 0 : i32
      %dma_wait3A_475 = tpu.memref_slice %arg3[%dma_wait3A_473, %dma_wait3A_474] : memref<1000000x128xf32, #tpu.memory_space<hbm>> -> memref<1000000x128xf32, #tpu.memory_space<hbm>>
      tpu.wait_indirect_dma semaphore(%arg10 : memref<!tpu.dma_semaphore, #tpu.memory_space<semaphore_mem>>) src(%dma_wait3A_475 : memref<1000000x128xf32, #tpu.memory_space<hbm>>) dst(%arg7 : memref<256x128xf32, #tpu.memory_space<vmem>>)
      %add3A_476 = arith.constant 2 : i32
      %add3A_477 = arith.addi %add3A_433, %add3A_476 : i32
      %lt3A_478 = arith.constant 100 : i32
      %lt3A_479 = arith.cmpi slt, %add3A_477, %lt3A_478 : i32
      %convert_element_type3A_480 = arith.extui %lt3A_479 : i1 to i32
      %cond3A_481 = arith.constant 0 : i32
      %cond3A_482 = arith.cmpi ne, %convert_element_type3A_480, %cond3A_481 : i32
      scf.if %cond3A_482 {
        %add3A_1012 = arith.constant 2 : i32
        %add3A_1013 = arith.addi %add3A_433, %add3A_1012 : i32
        %jit3A_1014 = arith.constant 2 : i32
        %div3A_1015 = arith.divsi %add3A_1013, %jit3A_1014 : i32
        %sign3A_1016 = arith.constant 0 : i32
        %sign3A_1017 = arith.cmpi sgt, %add3A_1013, %sign3A_1016 : i32
        %sign3A_1018 = arith.extui %sign3A_1017 : i1 to i32
        %sign3A_1019 = arith.constant 0 : i32
        %sign3A_1020 = arith.cmpi slt, %add3A_1013, %sign3A_1019 : i32
        %sign3A_1021 = arith.extui %sign3A_1020 : i1 to i32
        %sign3A_1022 = arith.subi %sign3A_1018, %sign3A_1021 : i32
        %sign3A_1023 = arith.constant 0 : i32
        %sign3A_1024 = arith.cmpi sgt, %jit3A_1014, %sign3A_1023 : i32
        %sign3A_1025 = arith.extui %sign3A_1024 : i1 to i32
        %sign3A_1026 = arith.constant 0 : i32
        %sign3A_1027 = arith.cmpi slt, %jit3A_1014, %sign3A_1026 : i32
        %sign3A_1028 = arith.extui %sign3A_1027 : i1 to i32
        %sign3A_1029 = arith.subi %sign3A_1025, %sign3A_1028 : i32
        %ne3A_1030 = arith.cmpi ne, %sign3A_1022, %sign3A_1029 : i32
        %rem3A_1031 = arith.remsi %add3A_1013, %jit3A_1014 : i32
        %ne3A_1032 = arith.constant 0 : i32
        %ne3A_1033 = arith.cmpi ne, %rem3A_1031, %ne3A_1032 : i32
        %and3A_1034 = arith.andi %ne3A_1030, %ne3A_1033 : i1
        %sub3A_1035 = arith.constant 1 : i32
        %sub3A_1036 = arith.subi %div3A_1015, %sub3A_1035 : i32
        %select_n3A_1037 = arith.select %and3A_1034, %sub3A_1036, %div3A_1015 : i32
        %mul3A_1038 = arith.constant 16384 : i32
        %mul3A_1039 = arith.muli %select_n3A_1037, %mul3A_1038 : i32
        %add3A_1040 = arith.addi %mul3A_1039, %mul3A_2 : i32
        %jit3A_1041 = arith.constant 2 : i32
        %eq3A_1042 = arith.constant 0 : i32
        %eq3A_1043 = arith.cmpi eq, %jit3A_1041, %eq3A_1042 : i32
        %jit3A_1044 = arith.constant 1 : i32
        %select_n3A_1045 = arith.select %eq3A_1043, %jit3A_1044, %jit3A_1041 : i32
        %rem3A_1046 = arith.remsi %add3A_1013, %select_n3A_1045 : i32
        %ne3A_1047 = arith.constant 0 : i32
        %ne3A_1048 = arith.cmpi ne, %rem3A_1046, %ne3A_1047 : i32
        %lt3A_1049 = arith.constant 0 : i32
        %lt3A_1050 = arith.cmpi slt, %rem3A_1046, %lt3A_1049 : i32
        %lt3A_1051 = arith.constant 0 : i32
        %lt3A_1052 = arith.cmpi slt, %select_n3A_1045, %lt3A_1051 : i32
        %ne3A_1053 = arith.xori %lt3A_1050, %lt3A_1052 : i1
        %and3A_1054 = arith.andi %ne3A_1053, %ne3A_1048 : i1
        %add3A_1055 = arith.addi %rem3A_1046, %select_n3A_1045 : i32
        %select_n3A_1056 = arith.select %and3A_1054, %add3A_1055, %rem3A_1046 : i32
        %mul3A_1057 = arith.constant 256 : i32
        %mul3A_1058 = arith.muli %select_n3A_1056, %mul3A_1057 : i32
        %add3A_1059 = arith.addi %add3A_1040, %mul3A_1058 : i32
        %dma_start3A_1060 = tpu.memref_slice %arg2[%add3A_1059] : memref<819200xi32, #tpu.memory_space<hbm>> -> memref<256xi32, #tpu.memory_space<hbm>>
        %dma_start3A_1061 = tpu.memref_slice %arg2[%add3A_1059] : memref<819200xi32, #tpu.memory_space<hbm>> -> memref<256xi32, #tpu.memory_space<hbm>>
        tpu.enqueue_dma source(%dma_start3A_1061 : memref<256xi32, #tpu.memory_space<hbm>>) target(%arg5 : memref<256xi32, #tpu.memory_space<vmem>>) target_semaphore(%arg13 : memref<!tpu.dma_semaphore, #tpu.memory_space<semaphore_mem>>)
      } else {
      }
      %gt3A = arith.constant 0 : i32
      %gt3A_483 = arith.cmpi sgt, %add3A_433, %gt3A : i32
      %convert_element_type3A_484 = arith.extui %gt3A_483 : i1 to i32
      %cond3A_485 = arith.constant 0 : i32
      %cond3A_486 = arith.cmpi ne, %convert_element_type3A_484, %cond3A_485 : i32
      scf.if %cond3A_486 {
        %add3A_1012 = arith.constant 0 : i32
        %add3A_1013 = arith.addi %add3A_469, %add3A_1012 : i32
        %dma_wait3A_1014 = arith.constant 0 : i32
        %dma_wait3A_1015 = arith.constant 0 : i32
        %dma_wait3A_1016 = tpu.memref_slice %arg9[%dma_wait3A_1014, %dma_wait3A_1015] : memref<128x128xf32, #tpu.memory_space<vmem>> -> memref<8x128xf32, #tpu.memory_space<vmem>>
        %dma_wait3A_1017 = arith.constant 0 : i32
        %dma_wait3A_1018 = tpu.memref_slice %arg4[%select_n3A, %dma_wait3A_1017, %add3A_1013] : memref<50x64x16384xf32, #tpu.memory_space<hbm>> -> memref<1x8x128xf32, #tpu.memory_space<hbm>>
        %dma_wait3A_1019 = tpu.memref_squeeze %dma_wait3A_1018 : memref<1x8x128xf32, #tpu.memory_space<hbm>> -> memref<8x128xf32, #tpu.memory_space<hbm>>
        %dma_wait3A_1020 = arith.constant 0 : i32
        %dma_wait3A_1021 = tpu.memref_slice %arg4[%select_n3A, %dma_wait3A_1020, %add3A_1013] : memref<50x64x16384xf32, #tpu.memory_space<hbm>> -> memref<1x8x128xf32, #tpu.memory_space<hbm>>
        %dma_wait3A_1022 = tpu.memref_squeeze %dma_wait3A_1021 : memref<1x8x128xf32, #tpu.memory_space<hbm>> -> memref<8x128xf32, #tpu.memory_space<hbm>>
        %dma_wait3A_1023 = arith.constant 0 : i32
        %dma_wait3A_1024 = arith.constant 0 : i32
        %dma_wait3A_1025 = tpu.memref_slice %arg9[%dma_wait3A_1023, %dma_wait3A_1024] : memref<128x128xf32, #tpu.memory_space<vmem>> -> memref<8x128xf32, #tpu.memory_space<vmem>>
        tpu.wait_dma2 semaphore(%arg12 : memref<!tpu.dma_semaphore, #tpu.memory_space<semaphore_mem>>) src(%dma_wait3A_1025 : memref<8x128xf32, #tpu.memory_space<vmem>>) dst(%dma_wait3A_1022 : memref<8x128xf32, #tpu.memory_space<hbm>>)
        %add3A_1026 = arith.constant 128 : i32
        %add3A_1027 = arith.addi %add3A_469, %add3A_1026 : i32
        %dma_wait3A_1028 = arith.constant 8 : i32
        %dma_wait3A_1029 = arith.constant 0 : i32
        %dma_wait3A_1030 = tpu.memref_slice %arg9[%dma_wait3A_1028, %dma_wait3A_1029] : memref<128x128xf32, #tpu.memory_space<vmem>> -> memref<8x128xf32, #tpu.memory_space<vmem>>
        %dma_wait3A_1031 = arith.constant 0 : i32
        %dma_wait3A_1032 = tpu.memref_slice %arg4[%select_n3A, %dma_wait3A_1031, %add3A_1027] : memref<50x64x16384xf32, #tpu.memory_space<hbm>> -> memref<1x8x128xf32, #tpu.memory_space<hbm>>
        %dma_wait3A_1033 = tpu.memref_squeeze %dma_wait3A_1032 : memref<1x8x128xf32, #tpu.memory_space<hbm>> -> memref<8x128xf32, #tpu.memory_space<hbm>>
        %dma_wait3A_1034 = arith.constant 0 : i32
        %dma_wait3A_1035 = tpu.memref_slice %arg4[%select_n3A, %dma_wait3A_1034, %add3A_1027] : memref<50x64x16384xf32, #tpu.memory_space<hbm>> -> memref<1x8x128xf32, #tpu.memory_space<hbm>>
        %dma_wait3A_1036 = tpu.memref_squeeze %dma_wait3A_1035 : memref<1x8x128xf32, #tpu.memory_space<hbm>> -> memref<8x128xf32, #tpu.memory_space<hbm>>
        %dma_wait3A_1037 = arith.constant 8 : i32
        %dma_wait3A_1038 = arith.constant 0 : i32
        %dma_wait3A_1039 = tpu.memref_slice %arg9[%dma_wait3A_1037, %dma_wait3A_1038] : memref<128x128xf32, #tpu.memory_space<vmem>> -> memref<8x128xf32, #tpu.memory_space<vmem>>
        tpu.wait_dma2 semaphore(%arg12 : memref<!tpu.dma_semaphore, #tpu.memory_space<semaphore_mem>>) src(%dma_wait3A_1039 : memref<8x128xf32, #tpu.memory_space<vmem>>) dst(%dma_wait3A_1036 : memref<8x128xf32, #tpu.memory_space<hbm>>)
        %add3A_1040 = arith.constant 0 : i32
        %add3A_1041 = arith.addi %add3A_469, %add3A_1040 : i32
        %dma_wait3A_1042 = arith.constant 16 : i32
        %dma_wait3A_1043 = arith.constant 0 : i32
        %dma_wait3A_1044 = tpu.memref_slice %arg9[%dma_wait3A_1042, %dma_wait3A_1043] : memref<128x128xf32, #tpu.memory_space<vmem>> -> memref<8x128xf32, #tpu.memory_space<vmem>>
        %dma_wait3A_1045 = arith.constant 8 : i32
        %dma_wait3A_1046 = tpu.memref_slice %arg4[%select_n3A, %dma_wait3A_1045, %add3A_1041] : memref<50x64x16384xf32, #tpu.memory_space<hbm>> -> memref<1x8x128xf32, #tpu.memory_space<hbm>>
        %dma_wait3A_1047 = tpu.memref_squeeze %dma_wait3A_1046 : memref<1x8x128xf32, #tpu.memory_space<hbm>> -> memref<8x128xf32, #tpu.memory_space<hbm>>
        %dma_wait3A_1048 = arith.constant 8 : i32
        %dma_wait3A_1049 = tpu.memref_slice %arg4[%select_n3A, %dma_wait3A_1048, %add3A_1041] : memref<50x64x16384xf32, #tpu.memory_space<hbm>> -> memref<1x8x128xf32, #tpu.memory_space<hbm>>
        %dma_wait3A_1050 = tpu.memref_squeeze %dma_wait3A_1049 : memref<1x8x128xf32, #tpu.memory_space<hbm>> -> memref<8x128xf32, #tpu.memory_space<hbm>>
        %dma_wait3A_1051 = arith.constant 16 : i32
        %dma_wait3A_1052 = arith.constant 0 : i32
        %dma_wait3A_1053 = tpu.memref_slice %arg9[%dma_wait3A_1051, %dma_wait3A_1052] : memref<128x128xf32, #tpu.memory_space<vmem>> -> memref<8x128xf32, #tpu.memory_space<vmem>>
        tpu.wait_dma2 semaphore(%arg12 : memref<!tpu.dma_semaphore, #tpu.memory_space<semaphore_mem>>) src(%dma_wait3A_1053 : memref<8x128xf32, #tpu.memory_space<vmem>>) dst(%dma_wait3A_1050 : memref<8x128xf32, #tpu.memory_space<hbm>>)
        %add3A_1054 = arith.constant 128 : i32
        %add3A_1055 = arith.addi %add3A_469, %add3A_1054 : i32
        %dma_wait3A_1056 = arith.constant 24 : i32
        %dma_wait3A_1057 = arith.constant 0 : i32
        %dma_wait3A_1058 = tpu.memref_slice %arg9[%dma_wait3A_1056, %dma_wait3A_1057] : memref<128x128xf32, #tpu.memory_space<vmem>> -> memref<8x128xf32, #tpu.memory_space<vmem>>
        %dma_wait3A_1059 = arith.constant 8 : i32
        %dma_wait3A_1060 = tpu.memref_slice %arg4[%select_n3A, %dma_wait3A_1059, %add3A_1055] : memref<50x64x16384xf32, #tpu.memory_space<hbm>> -> memref<1x8x128xf32, #tpu.memory_space<hbm>>
        %dma_wait3A_1061 = tpu.memref_squeeze %dma_wait3A_1060 : memref<1x8x128xf32, #tpu.memory_space<hbm>> -> memref<8x128xf32, #tpu.memory_space<hbm>>
        %dma_wait3A_1062 = arith.constant 8 : i32
        %dma_wait3A_1063 = tpu.memref_slice %arg4[%select_n3A, %dma_wait3A_1062, %add3A_1055] : memref<50x64x16384xf32, #tpu.memory_space<hbm>> -> memref<1x8x128xf32, #tpu.memory_space<hbm>>
        %dma_wait3A_1064 = tpu.memref_squeeze %dma_wait3A_1063 : memref<1x8x128xf32, #tpu.memory_space<hbm>> -> memref<8x128xf32, #tpu.memory_space<hbm>>
        %dma_wait3A_1065 = arith.constant 24 : i32
        %dma_wait3A_1066 = arith.constant 0 : i32
        %dma_wait3A_1067 = tpu.memref_slice %arg9[%dma_wait3A_1065, %dma_wait3A_1066] : memref<128x128xf32, #tpu.memory_space<vmem>> -> memref<8x128xf32, #tpu.memory_space<vmem>>
        tpu.wait_dma2 semaphore(%arg12 : memref<!tpu.dma_semaphore, #tpu.memory_space<semaphore_mem>>) src(%dma_wait3A_1067 : memref<8x128xf32, #tpu.memory_space<vmem>>) dst(%dma_wait3A_1064 : memref<8x128xf32, #tpu.memory_space<hbm>>)
        %add3A_1068 = arith.constant 0 : i32
        %add3A_1069 = arith.addi %add3A_469, %add3A_1068 : i32
        %dma_wait3A_1070 = arith.constant 32 : i32
        %dma_wait3A_1071 = arith.constant 0 : i32
        %dma_wait3A_1072 = tpu.memref_slice %arg9[%dma_wait3A_1070, %dma_wait3A_1071] : memref<128x128xf32, #tpu.memory_space<vmem>> -> memref<8x128xf32, #tpu.memory_space<vmem>>
        %dma_wait3A_1073 = arith.constant 16 : i32
        %dma_wait3A_1074 = tpu.memref_slice %arg4[%select_n3A, %dma_wait3A_1073, %add3A_1069] : memref<50x64x16384xf32, #tpu.memory_space<hbm>> -> memref<1x8x128xf32, #tpu.memory_space<hbm>>
        %dma_wait3A_1075 = tpu.memref_squeeze %dma_wait3A_1074 : memref<1x8x128xf32, #tpu.memory_space<hbm>> -> memref<8x128xf32, #tpu.memory_space<hbm>>
        %dma_wait3A_1076 = arith.constant 16 : i32
        %dma_wait3A_1077 = tpu.memref_slice %arg4[%select_n3A, %dma_wait3A_1076, %add3A_1069] : memref<50x64x16384xf32, #tpu.memory_space<hbm>> -> memref<1x8x128xf32, #tpu.memory_space<hbm>>
        %dma_wait3A_1078 = tpu.memref_squeeze %dma_wait3A_1077 : memref<1x8x128xf32, #tpu.memory_space<hbm>> -> memref<8x128xf32, #tpu.memory_space<hbm>>
        %dma_wait3A_1079 = arith.constant 32 : i32
        %dma_wait3A_1080 = arith.constant 0 : i32
        %dma_wait3A_1081 = tpu.memref_slice %arg9[%dma_wait3A_1079, %dma_wait3A_1080] : memref<128x128xf32, #tpu.memory_space<vmem>> -> memref<8x128xf32, #tpu.memory_space<vmem>>
        tpu.wait_dma2 semaphore(%arg12 : memref<!tpu.dma_semaphore, #tpu.memory_space<semaphore_mem>>) src(%dma_wait3A_1081 : memref<8x128xf32, #tpu.memory_space<vmem>>) dst(%dma_wait3A_1078 : memref<8x128xf32, #tpu.memory_space<hbm>>)
        %add3A_1082 = arith.constant 128 : i32
        %add3A_1083 = arith.addi %add3A_469, %add3A_1082 : i32
        %dma_wait3A_1084 = arith.constant 40 : i32
        %dma_wait3A_1085 = arith.constant 0 : i32
        %dma_wait3A_1086 = tpu.memref_slice %arg9[%dma_wait3A_1084, %dma_wait3A_1085] : memref<128x128xf32, #tpu.memory_space<vmem>> -> memref<8x128xf32, #tpu.memory_space<vmem>>
        %dma_wait3A_1087 = arith.constant 16 : i32
        %dma_wait3A_1088 = tpu.memref_slice %arg4[%select_n3A, %dma_wait3A_1087, %add3A_1083] : memref<50x64x16384xf32, #tpu.memory_space<hbm>> -> memref<1x8x128xf32, #tpu.memory_space<hbm>>
        %dma_wait3A_1089 = tpu.memref_squeeze %dma_wait3A_1088 : memref<1x8x128xf32, #tpu.memory_space<hbm>> -> memref<8x128xf32, #tpu.memory_space<hbm>>
        %dma_wait3A_1090 = arith.constant 16 : i32
        %dma_wait3A_1091 = tpu.memref_slice %arg4[%select_n3A, %dma_wait3A_1090, %add3A_1083] : memref<50x64x16384xf32, #tpu.memory_space<hbm>> -> memref<1x8x128xf32, #tpu.memory_space<hbm>>
        %dma_wait3A_1092 = tpu.memref_squeeze %dma_wait3A_1091 : memref<1x8x128xf32, #tpu.memory_space<hbm>> -> memref<8x128xf32, #tpu.memory_space<hbm>>
        %dma_wait3A_1093 = arith.constant 40 : i32
        %dma_wait3A_1094 = arith.constant 0 : i32
        %dma_wait3A_1095 = tpu.memref_slice %arg9[%dma_wait3A_1093, %dma_wait3A_1094] : memref<128x128xf32, #tpu.memory_space<vmem>> -> memref<8x128xf32, #tpu.memory_space<vmem>>
        tpu.wait_dma2 semaphore(%arg12 : memref<!tpu.dma_semaphore, #tpu.memory_space<semaphore_mem>>) src(%dma_wait3A_1095 : memref<8x128xf32, #tpu.memory_space<vmem>>) dst(%dma_wait3A_1092 : memref<8x128xf32, #tpu.memory_space<hbm>>)
        %add3A_1096 = arith.constant 0 : i32
        %add3A_1097 = arith.addi %add3A_469, %add3A_1096 : i32
        %dma_wait3A_1098 = arith.constant 48 : i32
        %dma_wait3A_1099 = arith.constant 0 : i32
        %dma_wait3A_1100 = tpu.memref_slice %arg9[%dma_wait3A_1098, %dma_wait3A_1099] : memref<128x128xf32, #tpu.memory_space<vmem>> -> memref<8x128xf32, #tpu.memory_space<vmem>>
        %dma_wait3A_1101 = arith.constant 24 : i32
        %dma_wait3A_1102 = tpu.memref_slice %arg4[%select_n3A, %dma_wait3A_1101, %add3A_1097] : memref<50x64x16384xf32, #tpu.memory_space<hbm>> -> memref<1x8x128xf32, #tpu.memory_space<hbm>>
        %dma_wait3A_1103 = tpu.memref_squeeze %dma_wait3A_1102 : memref<1x8x128xf32, #tpu.memory_space<hbm>> -> memref<8x128xf32, #tpu.memory_space<hbm>>
        %dma_wait3A_1104 = arith.constant 24 : i32
        %dma_wait3A_1105 = tpu.memref_slice %arg4[%select_n3A, %dma_wait3A_1104, %add3A_1097] : memref<50x64x16384xf32, #tpu.memory_space<hbm>> -> memref<1x8x128xf32, #tpu.memory_space<hbm>>
        %dma_wait3A_1106 = tpu.memref_squeeze %dma_wait3A_1105 : memref<1x8x128xf32, #tpu.memory_space<hbm>> -> memref<8x128xf32, #tpu.memory_space<hbm>>
        %dma_wait3A_1107 = arith.constant 48 : i32
        %dma_wait3A_1108 = arith.constant 0 : i32
        %dma_wait3A_1109 = tpu.memref_slice %arg9[%dma_wait3A_1107, %dma_wait3A_1108] : memref<128x128xf32, #tpu.memory_space<vmem>> -> memref<8x128xf32, #tpu.memory_space<vmem>>
        tpu.wait_dma2 semaphore(%arg12 : memref<!tpu.dma_semaphore, #tpu.memory_space<semaphore_mem>>) src(%dma_wait3A_1109 : memref<8x128xf32, #tpu.memory_space<vmem>>) dst(%dma_wait3A_1106 : memref<8x128xf32, #tpu.memory_space<hbm>>)
        %add3A_1110 = arith.constant 128 : i32
        %add3A_1111 = arith.addi %add3A_469, %add3A_1110 : i32
        %dma_wait3A_1112 = arith.constant 56 : i32
        %dma_wait3A_1113 = arith.constant 0 : i32
        %dma_wait3A_1114 = tpu.memref_slice %arg9[%dma_wait3A_1112, %dma_wait3A_1113] : memref<128x128xf32, #tpu.memory_space<vmem>> -> memref<8x128xf32, #tpu.memory_space<vmem>>
        %dma_wait3A_1115 = arith.constant 24 : i32
        %dma_wait3A_1116 = tpu.memref_slice %arg4[%select_n3A, %dma_wait3A_1115, %add3A_1111] : memref<50x64x16384xf32, #tpu.memory_space<hbm>> -> memref<1x8x128xf32, #tpu.memory_space<hbm>>
        %dma_wait3A_1117 = tpu.memref_squeeze %dma_wait3A_1116 : memref<1x8x128xf32, #tpu.memory_space<hbm>> -> memref<8x128xf32, #tpu.memory_space<hbm>>
        %dma_wait3A_1118 = arith.constant 24 : i32
        %dma_wait3A_1119 = tpu.memref_slice %arg4[%select_n3A, %dma_wait3A_1118, %add3A_1111] : memref<50x64x16384xf32, #tpu.memory_space<hbm>> -> memref<1x8x128xf32, #tpu.memory_space<hbm>>
        %dma_wait3A_1120 = tpu.memref_squeeze %dma_wait3A_1119 : memref<1x8x128xf32, #tpu.memory_space<hbm>> -> memref<8x128xf32, #tpu.memory_space<hbm>>
        %dma_wait3A_1121 = arith.constant 56 : i32
        %dma_wait3A_1122 = arith.constant 0 : i32
        %dma_wait3A_1123 = tpu.memref_slice %arg9[%dma_wait3A_1121, %dma_wait3A_1122] : memref<128x128xf32, #tpu.memory_space<vmem>> -> memref<8x128xf32, #tpu.memory_space<vmem>>
        tpu.wait_dma2 semaphore(%arg12 : memref<!tpu.dma_semaphore, #tpu.memory_space<semaphore_mem>>) src(%dma_wait3A_1123 : memref<8x128xf32, #tpu.memory_space<vmem>>) dst(%dma_wait3A_1120 : memref<8x128xf32, #tpu.memory_space<hbm>>)
        %add3A_1124 = arith.constant 0 : i32
        %add3A_1125 = arith.addi %add3A_469, %add3A_1124 : i32
        %dma_wait3A_1126 = arith.constant 64 : i32
        %dma_wait3A_1127 = arith.constant 0 : i32
        %dma_wait3A_1128 = tpu.memref_slice %arg9[%dma_wait3A_1126, %dma_wait3A_1127] : memref<128x128xf32, #tpu.memory_space<vmem>> -> memref<8x128xf32, #tpu.memory_space<vmem>>
        %dma_wait3A_1129 = arith.constant 32 : i32
        %dma_wait3A_1130 = tpu.memref_slice %arg4[%select_n3A, %dma_wait3A_1129, %add3A_1125] : memref<50x64x16384xf32, #tpu.memory_space<hbm>> -> memref<1x8x128xf32, #tpu.memory_space<hbm>>
        %dma_wait3A_1131 = tpu.memref_squeeze %dma_wait3A_1130 : memref<1x8x128xf32, #tpu.memory_space<hbm>> -> memref<8x128xf32, #tpu.memory_space<hbm>>
        %dma_wait3A_1132 = arith.constant 32 : i32
        %dma_wait3A_1133 = tpu.memref_slice %arg4[%select_n3A, %dma_wait3A_1132, %add3A_1125] : memref<50x64x16384xf32, #tpu.memory_space<hbm>> -> memref<1x8x128xf32, #tpu.memory_space<hbm>>
        %dma_wait3A_1134 = tpu.memref_squeeze %dma_wait3A_1133 : memref<1x8x128xf32, #tpu.memory_space<hbm>> -> memref<8x128xf32, #tpu.memory_space<hbm>>
        %dma_wait3A_1135 = arith.constant 64 : i32
        %dma_wait3A_1136 = arith.constant 0 : i32
        %dma_wait3A_1137 = tpu.memref_slice %arg9[%dma_wait3A_1135, %dma_wait3A_1136] : memref<128x128xf32, #tpu.memory_space<vmem>> -> memref<8x128xf32, #tpu.memory_space<vmem>>
        tpu.wait_dma2 semaphore(%arg12 : memref<!tpu.dma_semaphore, #tpu.memory_space<semaphore_mem>>) src(%dma_wait3A_1137 : memref<8x128xf32, #tpu.memory_space<vmem>>) dst(%dma_wait3A_1134 : memref<8x128xf32, #tpu.memory_space<hbm>>)
        %add3A_1138 = arith.constant 128 : i32
        %add3A_1139 = arith.addi %add3A_469, %add3A_1138 : i32
        %dma_wait3A_1140 = arith.constant 72 : i32
        %dma_wait3A_1141 = arith.constant 0 : i32
        %dma_wait3A_1142 = tpu.memref_slice %arg9[%dma_wait3A_1140, %dma_wait3A_1141] : memref<128x128xf32, #tpu.memory_space<vmem>> -> memref<8x128xf32, #tpu.memory_space<vmem>>
        %dma_wait3A_1143 = arith.constant 32 : i32
        %dma_wait3A_1144 = tpu.memref_slice %arg4[%select_n3A, %dma_wait3A_1143, %add3A_1139] : memref<50x64x16384xf32, #tpu.memory_space<hbm>> -> memref<1x8x128xf32, #tpu.memory_space<hbm>>
        %dma_wait3A_1145 = tpu.memref_squeeze %dma_wait3A_1144 : memref<1x8x128xf32, #tpu.memory_space<hbm>> -> memref<8x128xf32, #tpu.memory_space<hbm>>
        %dma_wait3A_1146 = arith.constant 32 : i32
        %dma_wait3A_1147 = tpu.memref_slice %arg4[%select_n3A, %dma_wait3A_1146, %add3A_1139] : memref<50x64x16384xf32, #tpu.memory_space<hbm>> -> memref<1x8x128xf32, #tpu.memory_space<hbm>>
        %dma_wait3A_1148 = tpu.memref_squeeze %dma_wait3A_1147 : memref<1x8x128xf32, #tpu.memory_space<hbm>> -> memref<8x128xf32, #tpu.memory_space<hbm>>
        %dma_wait3A_1149 = arith.constant 72 : i32
        %dma_wait3A_1150 = arith.constant 0 : i32
        %dma_wait3A_1151 = tpu.memref_slice %arg9[%dma_wait3A_1149, %dma_wait3A_1150] : memref<128x128xf32, #tpu.memory_space<vmem>> -> memref<8x128xf32, #tpu.memory_space<vmem>>
        tpu.wait_dma2 semaphore(%arg12 : memref<!tpu.dma_semaphore, #tpu.memory_space<semaphore_mem>>) src(%dma_wait3A_1151 : memref<8x128xf32, #tpu.memory_space<vmem>>) dst(%dma_wait3A_1148 : memref<8x128xf32, #tpu.memory_space<hbm>>)
        %add3A_1152 = arith.constant 0 : i32
        %add3A_1153 = arith.addi %add3A_469, %add3A_1152 : i32
        %dma_wait3A_1154 = arith.constant 80 : i32
        %dma_wait3A_1155 = arith.constant 0 : i32
        %dma_wait3A_1156 = tpu.memref_slice %arg9[%dma_wait3A_1154, %dma_wait3A_1155] : memref<128x128xf32, #tpu.memory_space<vmem>> -> memref<8x128xf32, #tpu.memory_space<vmem>>
        %dma_wait3A_1157 = arith.constant 40 : i32
        %dma_wait3A_1158 = tpu.memref_slice %arg4[%select_n3A, %dma_wait3A_1157, %add3A_1153] : memref<50x64x16384xf32, #tpu.memory_space<hbm>> -> memref<1x8x128xf32, #tpu.memory_space<hbm>>
        %dma_wait3A_1159 = tpu.memref_squeeze %dma_wait3A_1158 : memref<1x8x128xf32, #tpu.memory_space<hbm>> -> memref<8x128xf32, #tpu.memory_space<hbm>>
        %dma_wait3A_1160 = arith.constant 40 : i32
        %dma_wait3A_1161 = tpu.memref_slice %arg4[%select_n3A, %dma_wait3A_1160, %add3A_1153] : memref<50x64x16384xf32, #tpu.memory_space<hbm>> -> memref<1x8x128xf32, #tpu.memory_space<hbm>>
        %dma_wait3A_1162 = tpu.memref_squeeze %dma_wait3A_1161 : memref<1x8x128xf32, #tpu.memory_space<hbm>> -> memref<8x128xf32, #tpu.memory_space<hbm>>
        %dma_wait3A_1163 = arith.constant 80 : i32
        %dma_wait3A_1164 = arith.constant 0 : i32
        %dma_wait3A_1165 = tpu.memref_slice %arg9[%dma_wait3A_1163, %dma_wait3A_1164] : memref<128x128xf32, #tpu.memory_space<vmem>> -> memref<8x128xf32, #tpu.memory_space<vmem>>
        tpu.wait_dma2 semaphore(%arg12 : memref<!tpu.dma_semaphore, #tpu.memory_space<semaphore_mem>>) src(%dma_wait3A_1165 : memref<8x128xf32, #tpu.memory_space<vmem>>) dst(%dma_wait3A_1162 : memref<8x128xf32, #tpu.memory_space<hbm>>)
        %add3A_1166 = arith.constant 128 : i32
        %add3A_1167 = arith.addi %add3A_469, %add3A_1166 : i32
        %dma_wait3A_1168 = arith.constant 88 : i32
        %dma_wait3A_1169 = arith.constant 0 : i32
        %dma_wait3A_1170 = tpu.memref_slice %arg9[%dma_wait3A_1168, %dma_wait3A_1169] : memref<128x128xf32, #tpu.memory_space<vmem>> -> memref<8x128xf32, #tpu.memory_space<vmem>>
        %dma_wait3A_1171 = arith.constant 40 : i32
        %dma_wait3A_1172 = tpu.memref_slice %arg4[%select_n3A, %dma_wait3A_1171, %add3A_1167] : memref<50x64x16384xf32, #tpu.memory_space<hbm>> -> memref<1x8x128xf32, #tpu.memory_space<hbm>>
        %dma_wait3A_1173 = tpu.memref_squeeze %dma_wait3A_1172 : memref<1x8x128xf32, #tpu.memory_space<hbm>> -> memref<8x128xf32, #tpu.memory_space<hbm>>
        %dma_wait3A_1174 = arith.constant 40 : i32
        %dma_wait3A_1175 = tpu.memref_slice %arg4[%select_n3A, %dma_wait3A_1174, %add3A_1167] : memref<50x64x16384xf32, #tpu.memory_space<hbm>> -> memref<1x8x128xf32, #tpu.memory_space<hbm>>
        %dma_wait3A_1176 = tpu.memref_squeeze %dma_wait3A_1175 : memref<1x8x128xf32, #tpu.memory_space<hbm>> -> memref<8x128xf32, #tpu.memory_space<hbm>>
        %dma_wait3A_1177 = arith.constant 88 : i32
        %dma_wait3A_1178 = arith.constant 0 : i32
        %dma_wait3A_1179 = tpu.memref_slice %arg9[%dma_wait3A_1177, %dma_wait3A_1178] : memref<128x128xf32, #tpu.memory_space<vmem>> -> memref<8x128xf32, #tpu.memory_space<vmem>>
        tpu.wait_dma2 semaphore(%arg12 : memref<!tpu.dma_semaphore, #tpu.memory_space<semaphore_mem>>) src(%dma_wait3A_1179 : memref<8x128xf32, #tpu.memory_space<vmem>>) dst(%dma_wait3A_1176 : memref<8x128xf32, #tpu.memory_space<hbm>>)
        %add3A_1180 = arith.constant 0 : i32
        %add3A_1181 = arith.addi %add3A_469, %add3A_1180 : i32
        %dma_wait3A_1182 = arith.constant 96 : i32
        %dma_wait3A_1183 = arith.constant 0 : i32
        %dma_wait3A_1184 = tpu.memref_slice %arg9[%dma_wait3A_1182, %dma_wait3A_1183] : memref<128x128xf32, #tpu.memory_space<vmem>> -> memref<8x128xf32, #tpu.memory_space<vmem>>
        %dma_wait3A_1185 = arith.constant 48 : i32
        %dma_wait3A_1186 = tpu.memref_slice %arg4[%select_n3A, %dma_wait3A_1185, %add3A_1181] : memref<50x64x16384xf32, #tpu.memory_space<hbm>> -> memref<1x8x128xf32, #tpu.memory_space<hbm>>
        %dma_wait3A_1187 = tpu.memref_squeeze %dma_wait3A_1186 : memref<1x8x128xf32, #tpu.memory_space<hbm>> -> memref<8x128xf32, #tpu.memory_space<hbm>>
        %dma_wait3A_1188 = arith.constant 48 : i32
        %dma_wait3A_1189 = tpu.memref_slice %arg4[%select_n3A, %dma_wait3A_1188, %add3A_1181] : memref<50x64x16384xf32, #tpu.memory_space<hbm>> -> memref<1x8x128xf32, #tpu.memory_space<hbm>>
        %dma_wait3A_1190 = tpu.memref_squeeze %dma_wait3A_1189 : memref<1x8x128xf32, #tpu.memory_space<hbm>> -> memref<8x128xf32, #tpu.memory_space<hbm>>
        %dma_wait3A_1191 = arith.constant 96 : i32
        %dma_wait3A_1192 = arith.constant 0 : i32
        %dma_wait3A_1193 = tpu.memref_slice %arg9[%dma_wait3A_1191, %dma_wait3A_1192] : memref<128x128xf32, #tpu.memory_space<vmem>> -> memref<8x128xf32, #tpu.memory_space<vmem>>
        tpu.wait_dma2 semaphore(%arg12 : memref<!tpu.dma_semaphore, #tpu.memory_space<semaphore_mem>>) src(%dma_wait3A_1193 : memref<8x128xf32, #tpu.memory_space<vmem>>) dst(%dma_wait3A_1190 : memref<8x128xf32, #tpu.memory_space<hbm>>)
        %add3A_1194 = arith.constant 128 : i32
        %add3A_1195 = arith.addi %add3A_469, %add3A_1194 : i32
        %dma_wait3A_1196 = arith.constant 104 : i32
        %dma_wait3A_1197 = arith.constant 0 : i32
        %dma_wait3A_1198 = tpu.memref_slice %arg9[%dma_wait3A_1196, %dma_wait3A_1197] : memref<128x128xf32, #tpu.memory_space<vmem>> -> memref<8x128xf32, #tpu.memory_space<vmem>>
        %dma_wait3A_1199 = arith.constant 48 : i32
        %dma_wait3A_1200 = tpu.memref_slice %arg4[%select_n3A, %dma_wait3A_1199, %add3A_1195] : memref<50x64x16384xf32, #tpu.memory_space<hbm>> -> memref<1x8x128xf32, #tpu.memory_space<hbm>>
        %dma_wait3A_1201 = tpu.memref_squeeze %dma_wait3A_1200 : memref<1x8x128xf32, #tpu.memory_space<hbm>> -> memref<8x128xf32, #tpu.memory_space<hbm>>
        %dma_wait3A_1202 = arith.constant 48 : i32
        %dma_wait3A_1203 = tpu.memref_slice %arg4[%select_n3A, %dma_wait3A_1202, %add3A_1195] : memref<50x64x16384xf32, #tpu.memory_space<hbm>> -> memref<1x8x128xf32, #tpu.memory_space<hbm>>
        %dma_wait3A_1204 = tpu.memref_squeeze %dma_wait3A_1203 : memref<1x8x128xf32, #tpu.memory_space<hbm>> -> memref<8x128xf32, #tpu.memory_space<hbm>>
        %dma_wait3A_1205 = arith.constant 104 : i32
        %dma_wait3A_1206 = arith.constant 0 : i32
        %dma_wait3A_1207 = tpu.memref_slice %arg9[%dma_wait3A_1205, %dma_wait3A_1206] : memref<128x128xf32, #tpu.memory_space<vmem>> -> memref<8x128xf32, #tpu.memory_space<vmem>>
        tpu.wait_dma2 semaphore(%arg12 : memref<!tpu.dma_semaphore, #tpu.memory_space<semaphore_mem>>) src(%dma_wait3A_1207 : memref<8x128xf32, #tpu.memory_space<vmem>>) dst(%dma_wait3A_1204 : memref<8x128xf32, #tpu.memory_space<hbm>>)
        %add3A_1208 = arith.constant 0 : i32
        %add3A_1209 = arith.addi %add3A_469, %add3A_1208 : i32
        %dma_wait3A_1210 = arith.constant 112 : i32
        %dma_wait3A_1211 = arith.constant 0 : i32
        %dma_wait3A_1212 = tpu.memref_slice %arg9[%dma_wait3A_1210, %dma_wait3A_1211] : memref<128x128xf32, #tpu.memory_space<vmem>> -> memref<8x128xf32, #tpu.memory_space<vmem>>
        %dma_wait3A_1213 = arith.constant 56 : i32
        %dma_wait3A_1214 = tpu.memref_slice %arg4[%select_n3A, %dma_wait3A_1213, %add3A_1209] : memref<50x64x16384xf32, #tpu.memory_space<hbm>> -> memref<1x8x128xf32, #tpu.memory_space<hbm>>
        %dma_wait3A_1215 = tpu.memref_squeeze %dma_wait3A_1214 : memref<1x8x128xf32, #tpu.memory_space<hbm>> -> memref<8x128xf32, #tpu.memory_space<hbm>>
        %dma_wait3A_1216 = arith.constant 56 : i32
        %dma_wait3A_1217 = tpu.memref_slice %arg4[%select_n3A, %dma_wait3A_1216, %add3A_1209] : memref<50x64x16384xf32, #tpu.memory_space<hbm>> -> memref<1x8x128xf32, #tpu.memory_space<hbm>>
        %dma_wait3A_1218 = tpu.memref_squeeze %dma_wait3A_1217 : memref<1x8x128xf32, #tpu.memory_space<hbm>> -> memref<8x128xf32, #tpu.memory_space<hbm>>
        %dma_wait3A_1219 = arith.constant 112 : i32
        %dma_wait3A_1220 = arith.constant 0 : i32
        %dma_wait3A_1221 = tpu.memref_slice %arg9[%dma_wait3A_1219, %dma_wait3A_1220] : memref<128x128xf32, #tpu.memory_space<vmem>> -> memref<8x128xf32, #tpu.memory_space<vmem>>
        tpu.wait_dma2 semaphore(%arg12 : memref<!tpu.dma_semaphore, #tpu.memory_space<semaphore_mem>>) src(%dma_wait3A_1221 : memref<8x128xf32, #tpu.memory_space<vmem>>) dst(%dma_wait3A_1218 : memref<8x128xf32, #tpu.memory_space<hbm>>)
        %add3A_1222 = arith.constant 128 : i32
        %add3A_1223 = arith.addi %add3A_469, %add3A_1222 : i32
        %dma_wait3A_1224 = arith.constant 120 : i32
        %dma_wait3A_1225 = arith.constant 0 : i32
        %dma_wait3A_1226 = tpu.memref_slice %arg9[%dma_wait3A_1224, %dma_wait3A_1225] : memref<128x128xf32, #tpu.memory_space<vmem>> -> memref<8x128xf32, #tpu.memory_space<vmem>>
        %dma_wait3A_1227 = arith.constant 56 : i32
        %dma_wait3A_1228 = tpu.memref_slice %arg4[%select_n3A, %dma_wait3A_1227, %add3A_1223] : memref<50x64x16384xf32, #tpu.memory_space<hbm>> -> memref<1x8x128xf32, #tpu.memory_space<hbm>>
        %dma_wait3A_1229 = tpu.memref_squeeze %dma_wait3A_1228 : memref<1x8x128xf32, #tpu.memory_space<hbm>> -> memref<8x128xf32, #tpu.memory_space<hbm>>
        %dma_wait3A_1230 = arith.constant 56 : i32
        %dma_wait3A_1231 = tpu.memref_slice %arg4[%select_n3A, %dma_wait3A_1230, %add3A_1223] : memref<50x64x16384xf32, #tpu.memory_space<hbm>> -> memref<1x8x128xf32, #tpu.memory_space<hbm>>
        %dma_wait3A_1232 = tpu.memref_squeeze %dma_wait3A_1231 : memref<1x8x128xf32, #tpu.memory_space<hbm>> -> memref<8x128xf32, #tpu.memory_space<hbm>>
        %dma_wait3A_1233 = arith.constant 120 : i32
        %dma_wait3A_1234 = arith.constant 0 : i32
        %dma_wait3A_1235 = tpu.memref_slice %arg9[%dma_wait3A_1233, %dma_wait3A_1234] : memref<128x128xf32, #tpu.memory_space<vmem>> -> memref<8x128xf32, #tpu.memory_space<vmem>>
        tpu.wait_dma2 semaphore(%arg12 : memref<!tpu.dma_semaphore, #tpu.memory_space<semaphore_mem>>) src(%dma_wait3A_1235 : memref<8x128xf32, #tpu.memory_space<vmem>>) dst(%dma_wait3A_1232 : memref<8x128xf32, #tpu.memory_space<hbm>>)
      } else {
      }
      %scan3A_487 = arith.constant 0 : i32
      %scan3A_488 = arith.constant 16 : i32
      %scan3A_489 = arith.addi %scan3A_487, %scan3A_488 : i32
      %scan3A_490 = arith.constant 1 : i32
      scf.for %scan3A_1012 = %scan3A_487 to %scan3A_489 step %scan3A_490  : i32 {
        %mul3A_1013 = arith.constant 1 : i32
        %mul3A_1014 = arith.muli %scan3A_1012, %mul3A_1013 : i32
        %add3A_1015 = arith.constant 0 : i32
        %add3A_1016 = arith.addi %add3A_1015, %mul3A_1014 : i32
        %mul3A_1017 = arith.constant 16 : i32
        %mul3A_1018 = arith.muli %add3A_1016, %mul3A_1017 : i32
        %jit3A_1019 = arith.constant 8 : i32
        %div3A_1020 = arith.divsi %add3A_1016, %jit3A_1019 : i32
        %sign3A_1021 = arith.constant 0 : i32
        %sign3A_1022 = arith.cmpi sgt, %add3A_1016, %sign3A_1021 : i32
        %sign3A_1023 = arith.extui %sign3A_1022 : i1 to i32
        %sign3A_1024 = arith.constant 0 : i32
        %sign3A_1025 = arith.cmpi slt, %add3A_1016, %sign3A_1024 : i32
        %sign3A_1026 = arith.extui %sign3A_1025 : i1 to i32
        %sign3A_1027 = arith.subi %sign3A_1023, %sign3A_1026 : i32
        %sign3A_1028 = arith.constant 0 : i32
        %sign3A_1029 = arith.cmpi sgt, %jit3A_1019, %sign3A_1028 : i32
        %sign3A_1030 = arith.extui %sign3A_1029 : i1 to i32
        %sign3A_1031 = arith.constant 0 : i32
        %sign3A_1032 = arith.cmpi slt, %jit3A_1019, %sign3A_1031 : i32
        %sign3A_1033 = arith.extui %sign3A_1032 : i1 to i32
        %sign3A_1034 = arith.subi %sign3A_1030, %sign3A_1033 : i32
        %ne3A_1035 = arith.cmpi ne, %sign3A_1027, %sign3A_1034 : i32
        %rem3A_1036 = arith.remsi %add3A_1016, %jit3A_1019 : i32
        %ne3A_1037 = arith.constant 0 : i32
        %ne3A_1038 = arith.cmpi ne, %rem3A_1036, %ne3A_1037 : i32
        %and3A_1039 = arith.andi %ne3A_1035, %ne3A_1038 : i1
        %sub3A_1040 = arith.constant 1 : i32
        %sub3A_1041 = arith.subi %div3A_1020, %sub3A_1040 : i32
        %select_n3A_1042 = arith.select %and3A_1039, %sub3A_1041, %div3A_1020 : i32
        %add3A_1043 = vector.broadcast %mul3A_1018 : i32 to vector<16xi32>
        %add3A_1044 = arith.addi %iota3A, %add3A_1043 : vector<16xi32>
        %mul3A_1045 = arith.constant 128 : i32
        %mul3A_1046 = arith.muli %select_n3A_1042, %mul3A_1045 : i32
        %sub3A_1047 = arith.subi %mul3A_1018, %mul3A_1046 : i32
        %add3A_1048 = vector.broadcast %sub3A_1047 : i32 to vector<16xi32>
        %add3A_1049 = arith.addi %iota3A, %add3A_1048 : vector<16xi32>
        %add3A_1050 = arith.constant 0 : i32
        %add3A_1051 = vector.broadcast %add3A_1050 : i32 to vector<16xi32>
        %add3A_1052 = arith.addi %and3A_7, %add3A_1051 : vector<16xi32>
        %gather3A = tpu.vector_load_idx %arg7[%add3A_1044, %add3A_1052] : memref<256x128xf32, #tpu.memory_space<vmem>>[vector<16xi32>, vector<16xi32>], vector<16xf32>,
        %mul3A_1053 = arith.constant 8 : i32
        %mul3A_1054 = arith.muli %mul3A_1053, %select_n3A_1042 : i32
        %add3A_1055 = arith.constant 0 : i32
        %add3A_1056 = arith.addi %add3A_1055, %mul3A_1054 : i32
        %add3A_1057 = vector.broadcast %add3A_1056 : i32 to vector<16xi32>
        %add3A_1058 = arith.addi %add3A_101, %add3A_1057 : vector<16xi32>
        %mul3A_1059 = arith.constant 8.000000e+00 : f32
        %mul3A_1060 = vector.broadcast %mul3A_1059 : f32 to vector<16xf32>
        %mul3A_1061 = arith.mulf %gather3A, %mul3A_1060 : vector<16xf32>
        tpu.vector_store_idx %arg9[%add3A_1058, %add3A_1049], %mul3A_1061 : memref<128x128xf32, #tpu.memory_space<vmem>>[vector<16xi32>, vector<16xi32>], vector<16xf32>,
        %add3A_1062 = arith.constant 0 : i32
        %add3A_1063 = vector.broadcast %add3A_1062 : i32 to vector<16xi32>
        %add3A_1064 = arith.addi %and3A_13, %add3A_1063 : vector<16xi32>
        %gather3A_1065 = tpu.vector_load_idx %arg7[%add3A_1044, %add3A_1064] : memref<256x128xf32, #tpu.memory_space<vmem>>[vector<16xi32>, vector<16xi32>], vector<16xf32>,
        %mul3A_1066 = arith.constant 8 : i32
        %mul3A_1067 = arith.muli %mul3A_1066, %select_n3A_1042 : i32
        %add3A_1068 = arith.constant 0 : i32
        %add3A_1069 = arith.addi %add3A_1068, %mul3A_1067 : i32
        %add3A_1070 = vector.broadcast %add3A_1069 : i32 to vector<16xi32>
        %add3A_1071 = arith.addi %add3A_105, %add3A_1070 : vector<16xi32>
        %mul3A_1072 = arith.constant 8.000000e+00 : f32
        %mul3A_1073 = vector.broadcast %mul3A_1072 : f32 to vector<16xf32>
        %mul3A_1074 = arith.mulf %gather3A_1065, %mul3A_1073 : vector<16xf32>
        tpu.vector_store_idx %arg9[%add3A_1071, %add3A_1049], %mul3A_1074 : memref<128x128xf32, #tpu.memory_space<vmem>>[vector<16xi32>, vector<16xi32>], vector<16xf32>,
        %add3A_1075 = arith.constant 0 : i32
        %add3A_1076 = vector.broadcast %add3A_1075 : i32 to vector<16xi32>
        %add3A_1077 = arith.addi %and3A_19, %add3A_1076 : vector<16xi32>
        %gather3A_1078 = tpu.vector_load_idx %arg7[%add3A_1044, %add3A_1077] : memref<256x128xf32, #tpu.memory_space<vmem>>[vector<16xi32>, vector<16xi32>], vector<16xf32>,
        %mul3A_1079 = arith.constant 8 : i32
        %mul3A_1080 = arith.muli %mul3A_1079, %select_n3A_1042 : i32
        %add3A_1081 = arith.constant 0 : i32
        %add3A_1082 = arith.addi %add3A_1081, %mul3A_1080 : i32
        %add3A_1083 = vector.broadcast %add3A_1082 : i32 to vector<16xi32>
        %add3A_1084 = arith.addi %add3A_109, %add3A_1083 : vector<16xi32>
        %mul3A_1085 = arith.constant 8.000000e+00 : f32
        %mul3A_1086 = vector.broadcast %mul3A_1085 : f32 to vector<16xf32>
        %mul3A_1087 = arith.mulf %gather3A_1078, %mul3A_1086 : vector<16xf32>
        tpu.vector_store_idx %arg9[%add3A_1084, %add3A_1049], %mul3A_1087 : memref<128x128xf32, #tpu.memory_space<vmem>>[vector<16xi32>, vector<16xi32>], vector<16xf32>,
        %add3A_1088 = arith.constant 0 : i32
        %add3A_1089 = vector.broadcast %add3A_1088 : i32 to vector<16xi32>
        %add3A_1090 = arith.addi %and3A_25, %add3A_1089 : vector<16xi32>
        %gather3A_1091 = tpu.vector_load_idx %arg7[%add3A_1044, %add3A_1090] : memref<256x128xf32, #tpu.memory_space<vmem>>[vector<16xi32>, vector<16xi32>], vector<16xf32>,
        %mul3A_1092 = arith.constant 8 : i32
        %mul3A_1093 = arith.muli %mul3A_1092, %select_n3A_1042 : i32
        %add3A_1094 = arith.constant 0 : i32
        %add3A_1095 = arith.addi %add3A_1094, %mul3A_1093 : i32
        %add3A_1096 = vector.broadcast %add3A_1095 : i32 to vector<16xi32>
        %add3A_1097 = arith.addi %add3A_113, %add3A_1096 : vector<16xi32>
        %mul3A_1098 = arith.constant 8.000000e+00 : f32
        %mul3A_1099 = vector.broadcast %mul3A_1098 : f32 to vector<16xf32>
        %mul3A_1100 = arith.mulf %gather3A_1091, %mul3A_1099 : vector<16xf32>
        tpu.vector_store_idx %arg9[%add3A_1097, %add3A_1049], %mul3A_1100 : memref<128x128xf32, #tpu.memory_space<vmem>>[vector<16xi32>, vector<16xi32>], vector<16xf32>,
        %add3A_1101 = arith.constant 0 : i32
        %add3A_1102 = vector.broadcast %add3A_1101 : i32 to vector<16xi32>
        %add3A_1103 = arith.addi %and3A_31, %add3A_1102 : vector<16xi32>
        %gather3A_1104 = tpu.vector_load_idx %arg7[%add3A_1044, %add3A_1103] : memref<256x128xf32, #tpu.memory_space<vmem>>[vector<16xi32>, vector<16xi32>], vector<16xf32>,
        %mul3A_1105 = arith.constant 8 : i32
        %mul3A_1106 = arith.muli %mul3A_1105, %select_n3A_1042 : i32
        %add3A_1107 = arith.constant 0 : i32
        %add3A_1108 = arith.addi %add3A_1107, %mul3A_1106 : i32
        %add3A_1109 = vector.broadcast %add3A_1108 : i32 to vector<16xi32>
        %add3A_1110 = arith.addi %add3A_117, %add3A_1109 : vector<16xi32>
        %mul3A_1111 = arith.constant 8.000000e+00 : f32
        %mul3A_1112 = vector.broadcast %mul3A_1111 : f32 to vector<16xf32>
        %mul3A_1113 = arith.mulf %gather3A_1104, %mul3A_1112 : vector<16xf32>
        tpu.vector_store_idx %arg9[%add3A_1110, %add3A_1049], %mul3A_1113 : memref<128x128xf32, #tpu.memory_space<vmem>>[vector<16xi32>, vector<16xi32>], vector<16xf32>,
        %add3A_1114 = arith.constant 0 : i32
        %add3A_1115 = vector.broadcast %add3A_1114 : i32 to vector<16xi32>
        %add3A_1116 = arith.addi %and3A_37, %add3A_1115 : vector<16xi32>
        %gather3A_1117 = tpu.vector_load_idx %arg7[%add3A_1044, %add3A_1116] : memref<256x128xf32, #tpu.memory_space<vmem>>[vector<16xi32>, vector<16xi32>], vector<16xf32>,
        %mul3A_1118 = arith.constant 8 : i32
        %mul3A_1119 = arith.muli %mul3A_1118, %select_n3A_1042 : i32
        %add3A_1120 = arith.constant 0 : i32
        %add3A_1121 = arith.addi %add3A_1120, %mul3A_1119 : i32
        %add3A_1122 = vector.broadcast %add3A_1121 : i32 to vector<16xi32>
        %add3A_1123 = arith.addi %add3A_121, %add3A_1122 : vector<16xi32>
        %mul3A_1124 = arith.constant 8.000000e+00 : f32
        %mul3A_1125 = vector.broadcast %mul3A_1124 : f32 to vector<16xf32>
        %mul3A_1126 = arith.mulf %gather3A_1117, %mul3A_1125 : vector<16xf32>
        tpu.vector_store_idx %arg9[%add3A_1123, %add3A_1049], %mul3A_1126 : memref<128x128xf32, #tpu.memory_space<vmem>>[vector<16xi32>, vector<16xi32>], vector<16xf32>,
        %add3A_1127 = arith.constant 0 : i32
        %add3A_1128 = vector.broadcast %add3A_1127 : i32 to vector<16xi32>
        %add3A_1129 = arith.addi %and3A_43, %add3A_1128 : vector<16xi32>
        %gather3A_1130 = tpu.vector_load_idx %arg7[%add3A_1044, %add3A_1129] : memref<256x128xf32, #tpu.memory_space<vmem>>[vector<16xi32>, vector<16xi32>], vector<16xf32>,
        %mul3A_1131 = arith.constant 8 : i32
        %mul3A_1132 = arith.muli %mul3A_1131, %select_n3A_1042 : i32
        %add3A_1133 = arith.constant 0 : i32
        %add3A_1134 = arith.addi %add3A_1133, %mul3A_1132 : i32
        %add3A_1135 = vector.broadcast %add3A_1134 : i32 to vector<16xi32>
        %add3A_1136 = arith.addi %add3A_125, %add3A_1135 : vector<16xi32>
        %mul3A_1137 = arith.constant 8.000000e+00 : f32
        %mul3A_1138 = vector.broadcast %mul3A_1137 : f32 to vector<16xf32>
        %mul3A_1139 = arith.mulf %gather3A_1130, %mul3A_1138 : vector<16xf32>
        tpu.vector_store_idx %arg9[%add3A_1136, %add3A_1049], %mul3A_1139 : memref<128x128xf32, #tpu.memory_space<vmem>>[vector<16xi32>, vector<16xi32>], vector<16xf32>,
        %add3A_1140 = arith.constant 0 : i32
        %add3A_1141 = vector.broadcast %add3A_1140 : i32 to vector<16xi32>
        %add3A_1142 = arith.addi %and3A_49, %add3A_1141 : vector<16xi32>
        %gather3A_1143 = tpu.vector_load_idx %arg7[%add3A_1044, %add3A_1142] : memref<256x128xf32, #tpu.memory_space<vmem>>[vector<16xi32>, vector<16xi32>], vector<16xf32>,
        %mul3A_1144 = arith.constant 8 : i32
        %mul3A_1145 = arith.muli %mul3A_1144, %select_n3A_1042 : i32
        %add3A_1146 = arith.constant 0 : i32
        %add3A_1147 = arith.addi %add3A_1146, %mul3A_1145 : i32
        %add3A_1148 = vector.broadcast %add3A_1147 : i32 to vector<16xi32>
        %add3A_1149 = arith.addi %add3A_129, %add3A_1148 : vector<16xi32>
        %mul3A_1150 = arith.constant 8.000000e+00 : f32
        %mul3A_1151 = vector.broadcast %mul3A_1150 : f32 to vector<16xf32>
        %mul3A_1152 = arith.mulf %gather3A_1143, %mul3A_1151 : vector<16xf32>
        tpu.vector_store_idx %arg9[%add3A_1149, %add3A_1049], %mul3A_1152 : memref<128x128xf32, #tpu.memory_space<vmem>>[vector<16xi32>, vector<16xi32>], vector<16xf32>,
        %add3A_1153 = arith.constant 0 : i32
        %add3A_1154 = vector.broadcast %add3A_1153 : i32 to vector<16xi32>
        %add3A_1155 = arith.addi %and3A_55, %add3A_1154 : vector<16xi32>
        %gather3A_1156 = tpu.vector_load_idx %arg7[%add3A_1044, %add3A_1155] : memref<256x128xf32, #tpu.memory_space<vmem>>[vector<16xi32>, vector<16xi32>], vector<16xf32>,
        %mul3A_1157 = arith.constant 8 : i32
        %mul3A_1158 = arith.muli %mul3A_1157, %select_n3A_1042 : i32
        %add3A_1159 = arith.constant 0 : i32
        %add3A_1160 = arith.addi %add3A_1159, %mul3A_1158 : i32
        %add3A_1161 = vector.broadcast %add3A_1160 : i32 to vector<16xi32>
        %add3A_1162 = arith.addi %add3A_133, %add3A_1161 : vector<16xi32>
        %mul3A_1163 = arith.constant 8.000000e+00 : f32
        %mul3A_1164 = vector.broadcast %mul3A_1163 : f32 to vector<16xf32>
        %mul3A_1165 = arith.mulf %gather3A_1156, %mul3A_1164 : vector<16xf32>
        tpu.vector_store_idx %arg9[%add3A_1162, %add3A_1049], %mul3A_1165 : memref<128x128xf32, #tpu.memory_space<vmem>>[vector<16xi32>, vector<16xi32>], vector<16xf32>,
        %add3A_1166 = arith.constant 0 : i32
        %add3A_1167 = vector.broadcast %add3A_1166 : i32 to vector<16xi32>
        %add3A_1168 = arith.addi %and3A_61, %add3A_1167 : vector<16xi32>
        %gather3A_1169 = tpu.vector_load_idx %arg7[%add3A_1044, %add3A_1168] : memref<256x128xf32, #tpu.memory_space<vmem>>[vector<16xi32>, vector<16xi32>], vector<16xf32>,
        %mul3A_1170 = arith.constant 8 : i32
        %mul3A_1171 = arith.muli %mul3A_1170, %select_n3A_1042 : i32
        %add3A_1172 = arith.constant 0 : i32
        %add3A_1173 = arith.addi %add3A_1172, %mul3A_1171 : i32
        %add3A_1174 = vector.broadcast %add3A_1173 : i32 to vector<16xi32>
        %add3A_1175 = arith.addi %add3A_137, %add3A_1174 : vector<16xi32>
        %mul3A_1176 = arith.constant 8.000000e+00 : f32
        %mul3A_1177 = vector.broadcast %mul3A_1176 : f32 to vector<16xf32>
        %mul3A_1178 = arith.mulf %gather3A_1169, %mul3A_1177 : vector<16xf32>
        tpu.vector_store_idx %arg9[%add3A_1175, %add3A_1049], %mul3A_1178 : memref<128x128xf32, #tpu.memory_space<vmem>>[vector<16xi32>, vector<16xi32>], vector<16xf32>,
        %add3A_1179 = arith.constant 0 : i32
        %add3A_1180 = vector.broadcast %add3A_1179 : i32 to vector<16xi32>
        %add3A_1181 = arith.addi %and3A_67, %add3A_1180 : vector<16xi32>
        %gather3A_1182 = tpu.vector_load_idx %arg7[%add3A_1044, %add3A_1181] : memref<256x128xf32, #tpu.memory_space<vmem>>[vector<16xi32>, vector<16xi32>], vector<16xf32>,
        %mul3A_1183 = arith.constant 8 : i32
        %mul3A_1184 = arith.muli %mul3A_1183, %select_n3A_1042 : i32
        %add3A_1185 = arith.constant 0 : i32
        %add3A_1186 = arith.addi %add3A_1185, %mul3A_1184 : i32
        %add3A_1187 = vector.broadcast %add3A_1186 : i32 to vector<16xi32>
        %add3A_1188 = arith.addi %add3A_141, %add3A_1187 : vector<16xi32>
        %mul3A_1189 = arith.constant 8.000000e+00 : f32
        %mul3A_1190 = vector.broadcast %mul3A_1189 : f32 to vector<16xf32>
        %mul3A_1191 = arith.mulf %gather3A_1182, %mul3A_1190 : vector<16xf32>
        tpu.vector_store_idx %arg9[%add3A_1188, %add3A_1049], %mul3A_1191 : memref<128x128xf32, #tpu.memory_space<vmem>>[vector<16xi32>, vector<16xi32>], vector<16xf32>,
        %add3A_1192 = arith.constant 0 : i32
        %add3A_1193 = vector.broadcast %add3A_1192 : i32 to vector<16xi32>
        %add3A_1194 = arith.addi %and3A_73, %add3A_1193 : vector<16xi32>
        %gather3A_1195 = tpu.vector_load_idx %arg7[%add3A_1044, %add3A_1194] : memref<256x128xf32, #tpu.memory_space<vmem>>[vector<16xi32>, vector<16xi32>], vector<16xf32>,
        %mul3A_1196 = arith.constant 8 : i32
        %mul3A_1197 = arith.muli %mul3A_1196, %select_n3A_1042 : i32
        %add3A_1198 = arith.constant 0 : i32
        %add3A_1199 = arith.addi %add3A_1198, %mul3A_1197 : i32
        %add3A_1200 = vector.broadcast %add3A_1199 : i32 to vector<16xi32>
        %add3A_1201 = arith.addi %add3A_145, %add3A_1200 : vector<16xi32>
        %mul3A_1202 = arith.constant 8.000000e+00 : f32
        %mul3A_1203 = vector.broadcast %mul3A_1202 : f32 to vector<16xf32>
        %mul3A_1204 = arith.mulf %gather3A_1195, %mul3A_1203 : vector<16xf32>
        tpu.vector_store_idx %arg9[%add3A_1201, %add3A_1049], %mul3A_1204 : memref<128x128xf32, #tpu.memory_space<vmem>>[vector<16xi32>, vector<16xi32>], vector<16xf32>,
        %add3A_1205 = arith.constant 0 : i32
        %add3A_1206 = vector.broadcast %add3A_1205 : i32 to vector<16xi32>
        %add3A_1207 = arith.addi %and3A_79, %add3A_1206 : vector<16xi32>
        %gather3A_1208 = tpu.vector_load_idx %arg7[%add3A_1044, %add3A_1207] : memref<256x128xf32, #tpu.memory_space<vmem>>[vector<16xi32>, vector<16xi32>], vector<16xf32>,
        %mul3A_1209 = arith.constant 8 : i32
        %mul3A_1210 = arith.muli %mul3A_1209, %select_n3A_1042 : i32
        %add3A_1211 = arith.constant 0 : i32
        %add3A_1212 = arith.addi %add3A_1211, %mul3A_1210 : i32
        %add3A_1213 = vector.broadcast %add3A_1212 : i32 to vector<16xi32>
        %add3A_1214 = arith.addi %add3A_149, %add3A_1213 : vector<16xi32>
        %mul3A_1215 = arith.constant 8.000000e+00 : f32
        %mul3A_1216 = vector.broadcast %mul3A_1215 : f32 to vector<16xf32>
        %mul3A_1217 = arith.mulf %gather3A_1208, %mul3A_1216 : vector<16xf32>
        tpu.vector_store_idx %arg9[%add3A_1214, %add3A_1049], %mul3A_1217 : memref<128x128xf32, #tpu.memory_space<vmem>>[vector<16xi32>, vector<16xi32>], vector<16xf32>,
        %add3A_1218 = arith.constant 0 : i32
        %add3A_1219 = vector.broadcast %add3A_1218 : i32 to vector<16xi32>
        %add3A_1220 = arith.addi %and3A_85, %add3A_1219 : vector<16xi32>
        %gather3A_1221 = tpu.vector_load_idx %arg7[%add3A_1044, %add3A_1220] : memref<256x128xf32, #tpu.memory_space<vmem>>[vector<16xi32>, vector<16xi32>], vector<16xf32>,
        %mul3A_1222 = arith.constant 8 : i32
        %mul3A_1223 = arith.muli %mul3A_1222, %select_n3A_1042 : i32
        %add3A_1224 = arith.constant 0 : i32
        %add3A_1225 = arith.addi %add3A_1224, %mul3A_1223 : i32
        %add3A_1226 = vector.broadcast %add3A_1225 : i32 to vector<16xi32>
        %add3A_1227 = arith.addi %add3A_153, %add3A_1226 : vector<16xi32>
        %mul3A_1228 = arith.constant 8.000000e+00 : f32
        %mul3A_1229 = vector.broadcast %mul3A_1228 : f32 to vector<16xf32>
        %mul3A_1230 = arith.mulf %gather3A_1221, %mul3A_1229 : vector<16xf32>
        tpu.vector_store_idx %arg9[%add3A_1227, %add3A_1049], %mul3A_1230 : memref<128x128xf32, #tpu.memory_space<vmem>>[vector<16xi32>, vector<16xi32>], vector<16xf32>,
        %add3A_1231 = arith.constant 0 : i32
        %add3A_1232 = vector.broadcast %add3A_1231 : i32 to vector<16xi32>
        %add3A_1233 = arith.addi %and3A_91, %add3A_1232 : vector<16xi32>
        %gather3A_1234 = tpu.vector_load_idx %arg7[%add3A_1044, %add3A_1233] : memref<256x128xf32, #tpu.memory_space<vmem>>[vector<16xi32>, vector<16xi32>], vector<16xf32>,
        %mul3A_1235 = arith.constant 8 : i32
        %mul3A_1236 = arith.muli %mul3A_1235, %select_n3A_1042 : i32
        %add3A_1237 = arith.constant 0 : i32
        %add3A_1238 = arith.addi %add3A_1237, %mul3A_1236 : i32
        %add3A_1239 = vector.broadcast %add3A_1238 : i32 to vector<16xi32>
        %add3A_1240 = arith.addi %add3A_157, %add3A_1239 : vector<16xi32>
        %mul3A_1241 = arith.constant 8.000000e+00 : f32
        %mul3A_1242 = vector.broadcast %mul3A_1241 : f32 to vector<16xf32>
        %mul3A_1243 = arith.mulf %gather3A_1234, %mul3A_1242 : vector<16xf32>
        tpu.vector_store_idx %arg9[%add3A_1240, %add3A_1049], %mul3A_1243 : memref<128x128xf32, #tpu.memory_space<vmem>>[vector<16xi32>, vector<16xi32>], vector<16xf32>,
        %add3A_1244 = arith.constant 0 : i32
        %add3A_1245 = vector.broadcast %add3A_1244 : i32 to vector<16xi32>
        %add3A_1246 = arith.addi %and3A_97, %add3A_1245 : vector<16xi32>
        %gather3A_1247 = tpu.vector_load_idx %arg7[%add3A_1044, %add3A_1246] : memref<256x128xf32, #tpu.memory_space<vmem>>[vector<16xi32>, vector<16xi32>], vector<16xf32>,
        %mul3A_1248 = arith.constant 8 : i32
        %mul3A_1249 = arith.muli %mul3A_1248, %select_n3A_1042 : i32
        %add3A_1250 = arith.constant 0 : i32
        %add3A_1251 = arith.addi %add3A_1250, %mul3A_1249 : i32
        %add3A_1252 = vector.broadcast %add3A_1251 : i32 to vector<16xi32>
        %add3A_1253 = arith.addi %add3A_161, %add3A_1252 : vector<16xi32>
        %mul3A_1254 = arith.constant 8.000000e+00 : f32
        %mul3A_1255 = vector.broadcast %mul3A_1254 : f32 to vector<16xf32>
        %mul3A_1256 = arith.mulf %gather3A_1247, %mul3A_1255 : vector<16xf32>
        tpu.vector_store_idx %arg9[%add3A_1253, %add3A_1049], %mul3A_1256 : memref<128x128xf32, #tpu.memory_space<vmem>>[vector<16xi32>, vector<16xi32>], vector<16xf32>,
        %add3A_1257 = arith.constant 16 : i32
        %add3A_1258 = vector.broadcast %add3A_1257 : i32 to vector<16xi32>
        %add3A_1259 = arith.addi %and3A_7, %add3A_1258 : vector<16xi32>
        %gather3A_1260 = tpu.vector_load_idx %arg7[%add3A_1044, %add3A_1259] : memref<256x128xf32, #tpu.memory_space<vmem>>[vector<16xi32>, vector<16xi32>], vector<16xf32>,
        %mul3A_1261 = arith.constant 8 : i32
        %mul3A_1262 = arith.muli %mul3A_1261, %select_n3A_1042 : i32
        %add3A_1263 = arith.constant 32 : i32
        %add3A_1264 = arith.addi %add3A_1263, %mul3A_1262 : i32
        %add3A_1265 = vector.broadcast %add3A_1264 : i32 to vector<16xi32>
        %add3A_1266 = arith.addi %add3A_101, %add3A_1265 : vector<16xi32>
        %mul3A_1267 = arith.constant 8.000000e+00 : f32
        %mul3A_1268 = vector.broadcast %mul3A_1267 : f32 to vector<16xf32>
        %mul3A_1269 = arith.mulf %gather3A_1260, %mul3A_1268 : vector<16xf32>
        tpu.vector_store_idx %arg9[%add3A_1266, %add3A_1049], %mul3A_1269 : memref<128x128xf32, #tpu.memory_space<vmem>>[vector<16xi32>, vector<16xi32>], vector<16xf32>,
        %add3A_1270 = arith.constant 16 : i32
        %add3A_1271 = vector.broadcast %add3A_1270 : i32 to vector<16xi32>
        %add3A_1272 = arith.addi %and3A_13, %add3A_1271 : vector<16xi32>
        %gather3A_1273 = tpu.vector_load_idx %arg7[%add3A_1044, %add3A_1272] : memref<256x128xf32, #tpu.memory_space<vmem>>[vector<16xi32>, vector<16xi32>], vector<16xf32>,
        %mul3A_1274 = arith.constant 8 : i32
        %mul3A_1275 = arith.muli %mul3A_1274, %select_n3A_1042 : i32
        %add3A_1276 = arith.constant 32 : i32
        %add3A_1277 = arith.addi %add3A_1276, %mul3A_1275 : i32
        %add3A_1278 = vector.broadcast %add3A_1277 : i32 to vector<16xi32>
        %add3A_1279 = arith.addi %add3A_105, %add3A_1278 : vector<16xi32>
        %mul3A_1280 = arith.constant 8.000000e+00 : f32
        %mul3A_1281 = vector.broadcast %mul3A_1280 : f32 to vector<16xf32>
        %mul3A_1282 = arith.mulf %gather3A_1273, %mul3A_1281 : vector<16xf32>
        tpu.vector_store_idx %arg9[%add3A_1279, %add3A_1049], %mul3A_1282 : memref<128x128xf32, #tpu.memory_space<vmem>>[vector<16xi32>, vector<16xi32>], vector<16xf32>,
        %add3A_1283 = arith.constant 16 : i32
        %add3A_1284 = vector.broadcast %add3A_1283 : i32 to vector<16xi32>
        %add3A_1285 = arith.addi %and3A_19, %add3A_1284 : vector<16xi32>
        %gather3A_1286 = tpu.vector_load_idx %arg7[%add3A_1044, %add3A_1285] : memref<256x128xf32, #tpu.memory_space<vmem>>[vector<16xi32>, vector<16xi32>], vector<16xf32>,
        %mul3A_1287 = arith.constant 8 : i32
        %mul3A_1288 = arith.muli %mul3A_1287, %select_n3A_1042 : i32
        %add3A_1289 = arith.constant 32 : i32
        %add3A_1290 = arith.addi %add3A_1289, %mul3A_1288 : i32
        %add3A_1291 = vector.broadcast %add3A_1290 : i32 to vector<16xi32>
        %add3A_1292 = arith.addi %add3A_109, %add3A_1291 : vector<16xi32>
        %mul3A_1293 = arith.constant 8.000000e+00 : f32
        %mul3A_1294 = vector.broadcast %mul3A_1293 : f32 to vector<16xf32>
        %mul3A_1295 = arith.mulf %gather3A_1286, %mul3A_1294 : vector<16xf32>
        tpu.vector_store_idx %arg9[%add3A_1292, %add3A_1049], %mul3A_1295 : memref<128x128xf32, #tpu.memory_space<vmem>>[vector<16xi32>, vector<16xi32>], vector<16xf32>,
        %add3A_1296 = arith.constant 16 : i32
        %add3A_1297 = vector.broadcast %add3A_1296 : i32 to vector<16xi32>
        %add3A_1298 = arith.addi %and3A_25, %add3A_1297 : vector<16xi32>
        %gather3A_1299 = tpu.vector_load_idx %arg7[%add3A_1044, %add3A_1298] : memref<256x128xf32, #tpu.memory_space<vmem>>[vector<16xi32>, vector<16xi32>], vector<16xf32>,
        %mul3A_1300 = arith.constant 8 : i32
        %mul3A_1301 = arith.muli %mul3A_1300, %select_n3A_1042 : i32
        %add3A_1302 = arith.constant 32 : i32
        %add3A_1303 = arith.addi %add3A_1302, %mul3A_1301 : i32
        %add3A_1304 = vector.broadcast %add3A_1303 : i32 to vector<16xi32>
        %add3A_1305 = arith.addi %add3A_113, %add3A_1304 : vector<16xi32>
        %mul3A_1306 = arith.constant 8.000000e+00 : f32
        %mul3A_1307 = vector.broadcast %mul3A_1306 : f32 to vector<16xf32>
        %mul3A_1308 = arith.mulf %gather3A_1299, %mul3A_1307 : vector<16xf32>
        tpu.vector_store_idx %arg9[%add3A_1305, %add3A_1049], %mul3A_1308 : memref<128x128xf32, #tpu.memory_space<vmem>>[vector<16xi32>, vector<16xi32>], vector<16xf32>,
        %add3A_1309 = arith.constant 16 : i32
        %add3A_1310 = vector.broadcast %add3A_1309 : i32 to vector<16xi32>
        %add3A_1311 = arith.addi %and3A_31, %add3A_1310 : vector<16xi32>
        %gather3A_1312 = tpu.vector_load_idx %arg7[%add3A_1044, %add3A_1311] : memref<256x128xf32, #tpu.memory_space<vmem>>[vector<16xi32>, vector<16xi32>], vector<16xf32>,
        %mul3A_1313 = arith.constant 8 : i32
        %mul3A_1314 = arith.muli %mul3A_1313, %select_n3A_1042 : i32
        %add3A_1315 = arith.constant 32 : i32
        %add3A_1316 = arith.addi %add3A_1315, %mul3A_1314 : i32
        %add3A_1317 = vector.broadcast %add3A_1316 : i32 to vector<16xi32>
        %add3A_1318 = arith.addi %add3A_117, %add3A_1317 : vector<16xi32>
        %mul3A_1319 = arith.constant 8.000000e+00 : f32
        %mul3A_1320 = vector.broadcast %mul3A_1319 : f32 to vector<16xf32>
        %mul3A_1321 = arith.mulf %gather3A_1312, %mul3A_1320 : vector<16xf32>
        tpu.vector_store_idx %arg9[%add3A_1318, %add3A_1049], %mul3A_1321 : memref<128x128xf32, #tpu.memory_space<vmem>>[vector<16xi32>, vector<16xi32>], vector<16xf32>,
        %add3A_1322 = arith.constant 16 : i32
        %add3A_1323 = vector.broadcast %add3A_1322 : i32 to vector<16xi32>
        %add3A_1324 = arith.addi %and3A_37, %add3A_1323 : vector<16xi32>
        %gather3A_1325 = tpu.vector_load_idx %arg7[%add3A_1044, %add3A_1324] : memref<256x128xf32, #tpu.memory_space<vmem>>[vector<16xi32>, vector<16xi32>], vector<16xf32>,
        %mul3A_1326 = arith.constant 8 : i32
        %mul3A_1327 = arith.muli %mul3A_1326, %select_n3A_1042 : i32
        %add3A_1328 = arith.constant 32 : i32
        %add3A_1329 = arith.addi %add3A_1328, %mul3A_1327 : i32
        %add3A_1330 = vector.broadcast %add3A_1329 : i32 to vector<16xi32>
        %add3A_1331 = arith.addi %add3A_121, %add3A_1330 : vector<16xi32>
        %mul3A_1332 = arith.constant 8.000000e+00 : f32
        %mul3A_1333 = vector.broadcast %mul3A_1332 : f32 to vector<16xf32>
        %mul3A_1334 = arith.mulf %gather3A_1325, %mul3A_1333 : vector<16xf32>
        tpu.vector_store_idx %arg9[%add3A_1331, %add3A_1049], %mul3A_1334 : memref<128x128xf32, #tpu.memory_space<vmem>>[vector<16xi32>, vector<16xi32>], vector<16xf32>,
        %add3A_1335 = arith.constant 16 : i32
        %add3A_1336 = vector.broadcast %add3A_1335 : i32 to vector<16xi32>
        %add3A_1337 = arith.addi %and3A_43, %add3A_1336 : vector<16xi32>
        %gather3A_1338 = tpu.vector_load_idx %arg7[%add3A_1044, %add3A_1337] : memref<256x128xf32, #tpu.memory_space<vmem>>[vector<16xi32>, vector<16xi32>], vector<16xf32>,
        %mul3A_1339 = arith.constant 8 : i32
        %mul3A_1340 = arith.muli %mul3A_1339, %select_n3A_1042 : i32
        %add3A_1341 = arith.constant 32 : i32
        %add3A_1342 = arith.addi %add3A_1341, %mul3A_1340 : i32
        %add3A_1343 = vector.broadcast %add3A_1342 : i32 to vector<16xi32>
        %add3A_1344 = arith.addi %add3A_125, %add3A_1343 : vector<16xi32>
        %mul3A_1345 = arith.constant 8.000000e+00 : f32
        %mul3A_1346 = vector.broadcast %mul3A_1345 : f32 to vector<16xf32>
        %mul3A_1347 = arith.mulf %gather3A_1338, %mul3A_1346 : vector<16xf32>
        tpu.vector_store_idx %arg9[%add3A_1344, %add3A_1049], %mul3A_1347 : memref<128x128xf32, #tpu.memory_space<vmem>>[vector<16xi32>, vector<16xi32>], vector<16xf32>,
        %add3A_1348 = arith.constant 16 : i32
        %add3A_1349 = vector.broadcast %add3A_1348 : i32 to vector<16xi32>
        %add3A_1350 = arith.addi %and3A_49, %add3A_1349 : vector<16xi32>
        %gather3A_1351 = tpu.vector_load_idx %arg7[%add3A_1044, %add3A_1350] : memref<256x128xf32, #tpu.memory_space<vmem>>[vector<16xi32>, vector<16xi32>], vector<16xf32>,
        %mul3A_1352 = arith.constant 8 : i32
        %mul3A_1353 = arith.muli %mul3A_1352, %select_n3A_1042 : i32
        %add3A_1354 = arith.constant 32 : i32
        %add3A_1355 = arith.addi %add3A_1354, %mul3A_1353 : i32
        %add3A_1356 = vector.broadcast %add3A_1355 : i32 to vector<16xi32>
        %add3A_1357 = arith.addi %add3A_129, %add3A_1356 : vector<16xi32>
        %mul3A_1358 = arith.constant 8.000000e+00 : f32
        %mul3A_1359 = vector.broadcast %mul3A_1358 : f32 to vector<16xf32>
        %mul3A_1360 = arith.mulf %gather3A_1351, %mul3A_1359 : vector<16xf32>
        tpu.vector_store_idx %arg9[%add3A_1357, %add3A_1049], %mul3A_1360 : memref<128x128xf32, #tpu.memory_space<vmem>>[vector<16xi32>, vector<16xi32>], vector<16xf32>,
        %add3A_1361 = arith.constant 16 : i32
        %add3A_1362 = vector.broadcast %add3A_1361 : i32 to vector<16xi32>
        %add3A_1363 = arith.addi %and3A_55, %add3A_1362 : vector<16xi32>
        %gather3A_1364 = tpu.vector_load_idx %arg7[%add3A_1044, %add3A_1363] : memref<256x128xf32, #tpu.memory_space<vmem>>[vector<16xi32>, vector<16xi32>], vector<16xf32>,
        %mul3A_1365 = arith.constant 8 : i32
        %mul3A_1366 = arith.muli %mul3A_1365, %select_n3A_1042 : i32
        %add3A_1367 = arith.constant 32 : i32
        %add3A_1368 = arith.addi %add3A_1367, %mul3A_1366 : i32
        %add3A_1369 = vector.broadcast %add3A_1368 : i32 to vector<16xi32>
        %add3A_1370 = arith.addi %add3A_133, %add3A_1369 : vector<16xi32>
        %mul3A_1371 = arith.constant 8.000000e+00 : f32
        %mul3A_1372 = vector.broadcast %mul3A_1371 : f32 to vector<16xf32>
        %mul3A_1373 = arith.mulf %gather3A_1364, %mul3A_1372 : vector<16xf32>
        tpu.vector_store_idx %arg9[%add3A_1370, %add3A_1049], %mul3A_1373 : memref<128x128xf32, #tpu.memory_space<vmem>>[vector<16xi32>, vector<16xi32>], vector<16xf32>,
        %add3A_1374 = arith.constant 16 : i32
        %add3A_1375 = vector.broadcast %add3A_1374 : i32 to vector<16xi32>
        %add3A_1376 = arith.addi %and3A_61, %add3A_1375 : vector<16xi32>
        %gather3A_1377 = tpu.vector_load_idx %arg7[%add3A_1044, %add3A_1376] : memref<256x128xf32, #tpu.memory_space<vmem>>[vector<16xi32>, vector<16xi32>], vector<16xf32>,
        %mul3A_1378 = arith.constant 8 : i32
        %mul3A_1379 = arith.muli %mul3A_1378, %select_n3A_1042 : i32
        %add3A_1380 = arith.constant 32 : i32
        %add3A_1381 = arith.addi %add3A_1380, %mul3A_1379 : i32
        %add3A_1382 = vector.broadcast %add3A_1381 : i32 to vector<16xi32>
        %add3A_1383 = arith.addi %add3A_137, %add3A_1382 : vector<16xi32>
        %mul3A_1384 = arith.constant 8.000000e+00 : f32
        %mul3A_1385 = vector.broadcast %mul3A_1384 : f32 to vector<16xf32>
        %mul3A_1386 = arith.mulf %gather3A_1377, %mul3A_1385 : vector<16xf32>
        tpu.vector_store_idx %arg9[%add3A_1383, %add3A_1049], %mul3A_1386 : memref<128x128xf32, #tpu.memory_space<vmem>>[vector<16xi32>, vector<16xi32>], vector<16xf32>,
        %add3A_1387 = arith.constant 16 : i32
        %add3A_1388 = vector.broadcast %add3A_1387 : i32 to vector<16xi32>
        %add3A_1389 = arith.addi %and3A_67, %add3A_1388 : vector<16xi32>
        %gather3A_1390 = tpu.vector_load_idx %arg7[%add3A_1044, %add3A_1389] : memref<256x128xf32, #tpu.memory_space<vmem>>[vector<16xi32>, vector<16xi32>], vector<16xf32>,
        %mul3A_1391 = arith.constant 8 : i32
        %mul3A_1392 = arith.muli %mul3A_1391, %select_n3A_1042 : i32
        %add3A_1393 = arith.constant 32 : i32
        %add3A_1394 = arith.addi %add3A_1393, %mul3A_1392 : i32
        %add3A_1395 = vector.broadcast %add3A_1394 : i32 to vector<16xi32>
        %add3A_1396 = arith.addi %add3A_141, %add3A_1395 : vector<16xi32>
        %mul3A_1397 = arith.constant 8.000000e+00 : f32
        %mul3A_1398 = vector.broadcast %mul3A_1397 : f32 to vector<16xf32>
        %mul3A_1399 = arith.mulf %gather3A_1390, %mul3A_1398 : vector<16xf32>
        tpu.vector_store_idx %arg9[%add3A_1396, %add3A_1049], %mul3A_1399 : memref<128x128xf32, #tpu.memory_space<vmem>>[vector<16xi32>, vector<16xi32>], vector<16xf32>,
        %add3A_1400 = arith.constant 16 : i32
        %add3A_1401 = vector.broadcast %add3A_1400 : i32 to vector<16xi32>
        %add3A_1402 = arith.addi %and3A_73, %add3A_1401 : vector<16xi32>
        %gather3A_1403 = tpu.vector_load_idx %arg7[%add3A_1044, %add3A_1402] : memref<256x128xf32, #tpu.memory_space<vmem>>[vector<16xi32>, vector<16xi32>], vector<16xf32>,
        %mul3A_1404 = arith.constant 8 : i32
        %mul3A_1405 = arith.muli %mul3A_1404, %select_n3A_1042 : i32
        %add3A_1406 = arith.constant 32 : i32
        %add3A_1407 = arith.addi %add3A_1406, %mul3A_1405 : i32
        %add3A_1408 = vector.broadcast %add3A_1407 : i32 to vector<16xi32>
        %add3A_1409 = arith.addi %add3A_145, %add3A_1408 : vector<16xi32>
        %mul3A_1410 = arith.constant 8.000000e+00 : f32
        %mul3A_1411 = vector.broadcast %mul3A_1410 : f32 to vector<16xf32>
        %mul3A_1412 = arith.mulf %gather3A_1403, %mul3A_1411 : vector<16xf32>
        tpu.vector_store_idx %arg9[%add3A_1409, %add3A_1049], %mul3A_1412 : memref<128x128xf32, #tpu.memory_space<vmem>>[vector<16xi32>, vector<16xi32>], vector<16xf32>,
        %add3A_1413 = arith.constant 16 : i32
        %add3A_1414 = vector.broadcast %add3A_1413 : i32 to vector<16xi32>
        %add3A_1415 = arith.addi %and3A_79, %add3A_1414 : vector<16xi32>
        %gather3A_1416 = tpu.vector_load_idx %arg7[%add3A_1044, %add3A_1415] : memref<256x128xf32, #tpu.memory_space<vmem>>[vector<16xi32>, vector<16xi32>], vector<16xf32>,
        %mul3A_1417 = arith.constant 8 : i32
        %mul3A_1418 = arith.muli %mul3A_1417, %select_n3A_1042 : i32
        %add3A_1419 = arith.constant 32 : i32
        %add3A_1420 = arith.addi %add3A_1419, %mul3A_1418 : i32
        %add3A_1421 = vector.broadcast %add3A_1420 : i32 to vector<16xi32>
        %add3A_1422 = arith.addi %add3A_149, %add3A_1421 : vector<16xi32>
        %mul3A_1423 = arith.constant 8.000000e+00 : f32
        %mul3A_1424 = vector.broadcast %mul3A_1423 : f32 to vector<16xf32>
        %mul3A_1425 = arith.mulf %gather3A_1416, %mul3A_1424 : vector<16xf32>
        tpu.vector_store_idx %arg9[%add3A_1422, %add3A_1049], %mul3A_1425 : memref<128x128xf32, #tpu.memory_space<vmem>>[vector<16xi32>, vector<16xi32>], vector<16xf32>,
        %add3A_1426 = arith.constant 16 : i32
        %add3A_1427 = vector.broadcast %add3A_1426 : i32 to vector<16xi32>
        %add3A_1428 = arith.addi %and3A_85, %add3A_1427 : vector<16xi32>
        %gather3A_1429 = tpu.vector_load_idx %arg7[%add3A_1044, %add3A_1428] : memref<256x128xf32, #tpu.memory_space<vmem>>[vector<16xi32>, vector<16xi32>], vector<16xf32>,
        %mul3A_1430 = arith.constant 8 : i32
        %mul3A_1431 = arith.muli %mul3A_1430, %select_n3A_1042 : i32
        %add3A_1432 = arith.constant 32 : i32
        %add3A_1433 = arith.addi %add3A_1432, %mul3A_1431 : i32
        %add3A_1434 = vector.broadcast %add3A_1433 : i32 to vector<16xi32>
        %add3A_1435 = arith.addi %add3A_153, %add3A_1434 : vector<16xi32>
        %mul3A_1436 = arith.constant 8.000000e+00 : f32
        %mul3A_1437 = vector.broadcast %mul3A_1436 : f32 to vector<16xf32>
        %mul3A_1438 = arith.mulf %gather3A_1429, %mul3A_1437 : vector<16xf32>
        tpu.vector_store_idx %arg9[%add3A_1435, %add3A_1049], %mul3A_1438 : memref<128x128xf32, #tpu.memory_space<vmem>>[vector<16xi32>, vector<16xi32>], vector<16xf32>,
        %add3A_1439 = arith.constant 16 : i32
        %add3A_1440 = vector.broadcast %add3A_1439 : i32 to vector<16xi32>
        %add3A_1441 = arith.addi %and3A_91, %add3A_1440 : vector<16xi32>
        %gather3A_1442 = tpu.vector_load_idx %arg7[%add3A_1044, %add3A_1441] : memref<256x128xf32, #tpu.memory_space<vmem>>[vector<16xi32>, vector<16xi32>], vector<16xf32>,
        %mul3A_1443 = arith.constant 8 : i32
        %mul3A_1444 = arith.muli %mul3A_1443, %select_n3A_1042 : i32
        %add3A_1445 = arith.constant 32 : i32
        %add3A_1446 = arith.addi %add3A_1445, %mul3A_1444 : i32
        %add3A_1447 = vector.broadcast %add3A_1446 : i32 to vector<16xi32>
        %add3A_1448 = arith.addi %add3A_157, %add3A_1447 : vector<16xi32>
        %mul3A_1449 = arith.constant 8.000000e+00 : f32
        %mul3A_1450 = vector.broadcast %mul3A_1449 : f32 to vector<16xf32>
        %mul3A_1451 = arith.mulf %gather3A_1442, %mul3A_1450 : vector<16xf32>
        tpu.vector_store_idx %arg9[%add3A_1448, %add3A_1049], %mul3A_1451 : memref<128x128xf32, #tpu.memory_space<vmem>>[vector<16xi32>, vector<16xi32>], vector<16xf32>,
        %add3A_1452 = arith.constant 16 : i32
        %add3A_1453 = vector.broadcast %add3A_1452 : i32 to vector<16xi32>
        %add3A_1454 = arith.addi %and3A_97, %add3A_1453 : vector<16xi32>
        %gather3A_1455 = tpu.vector_load_idx %arg7[%add3A_1044, %add3A_1454] : memref<256x128xf32, #tpu.memory_space<vmem>>[vector<16xi32>, vector<16xi32>], vector<16xf32>,
        %mul3A_1456 = arith.constant 8 : i32
        %mul3A_1457 = arith.muli %mul3A_1456, %select_n3A_1042 : i32
        %add3A_1458 = arith.constant 32 : i32
        %add3A_1459 = arith.addi %add3A_1458, %mul3A_1457 : i32
        %add3A_1460 = vector.broadcast %add3A_1459 : i32 to vector<16xi32>
        %add3A_1461 = arith.addi %add3A_161, %add3A_1460 : vector<16xi32>
        %mul3A_1462 = arith.constant 8.000000e+00 : f32
        %mul3A_1463 = vector.broadcast %mul3A_1462 : f32 to vector<16xf32>
        %mul3A_1464 = arith.mulf %gather3A_1455, %mul3A_1463 : vector<16xf32>
        tpu.vector_store_idx %arg9[%add3A_1461, %add3A_1049], %mul3A_1464 : memref<128x128xf32, #tpu.memory_space<vmem>>[vector<16xi32>, vector<16xi32>], vector<16xf32>,
        %add3A_1465 = arith.constant 32 : i32
        %add3A_1466 = vector.broadcast %add3A_1465 : i32 to vector<16xi32>
        %add3A_1467 = arith.addi %and3A_7, %add3A_1466 : vector<16xi32>
        %gather3A_1468 = tpu.vector_load_idx %arg7[%add3A_1044, %add3A_1467] : memref<256x128xf32, #tpu.memory_space<vmem>>[vector<16xi32>, vector<16xi32>], vector<16xf32>,
        %mul3A_1469 = arith.constant 8 : i32
        %mul3A_1470 = arith.muli %mul3A_1469, %select_n3A_1042 : i32
        %add3A_1471 = arith.constant 64 : i32
        %add3A_1472 = arith.addi %add3A_1471, %mul3A_1470 : i32
        %add3A_1473 = vector.broadcast %add3A_1472 : i32 to vector<16xi32>
        %add3A_1474 = arith.addi %add3A_101, %add3A_1473 : vector<16xi32>
        %mul3A_1475 = arith.constant 8.000000e+00 : f32
        %mul3A_1476 = vector.broadcast %mul3A_1475 : f32 to vector<16xf32>
        %mul3A_1477 = arith.mulf %gather3A_1468, %mul3A_1476 : vector<16xf32>
        tpu.vector_store_idx %arg9[%add3A_1474, %add3A_1049], %mul3A_1477 : memref<128x128xf32, #tpu.memory_space<vmem>>[vector<16xi32>, vector<16xi32>], vector<16xf32>,
        %add3A_1478 = arith.constant 32 : i32
        %add3A_1479 = vector.broadcast %add3A_1478 : i32 to vector<16xi32>
        %add3A_1480 = arith.addi %and3A_13, %add3A_1479 : vector<16xi32>
        %gather3A_1481 = tpu.vector_load_idx %arg7[%add3A_1044, %add3A_1480] : memref<256x128xf32, #tpu.memory_space<vmem>>[vector<16xi32>, vector<16xi32>], vector<16xf32>,
        %mul3A_1482 = arith.constant 8 : i32
        %mul3A_1483 = arith.muli %mul3A_1482, %select_n3A_1042 : i32
        %add3A_1484 = arith.constant 64 : i32
        %add3A_1485 = arith.addi %add3A_1484, %mul3A_1483 : i32
        %add3A_1486 = vector.broadcast %add3A_1485 : i32 to vector<16xi32>
        %add3A_1487 = arith.addi %add3A_105, %add3A_1486 : vector<16xi32>
        %mul3A_1488 = arith.constant 8.000000e+00 : f32
        %mul3A_1489 = vector.broadcast %mul3A_1488 : f32 to vector<16xf32>
        %mul3A_1490 = arith.mulf %gather3A_1481, %mul3A_1489 : vector<16xf32>
        tpu.vector_store_idx %arg9[%add3A_1487, %add3A_1049], %mul3A_1490 : memref<128x128xf32, #tpu.memory_space<vmem>>[vector<16xi32>, vector<16xi32>], vector<16xf32>,
        %add3A_1491 = arith.constant 32 : i32
        %add3A_1492 = vector.broadcast %add3A_1491 : i32 to vector<16xi32>
        %add3A_1493 = arith.addi %and3A_19, %add3A_1492 : vector<16xi32>
        %gather3A_1494 = tpu.vector_load_idx %arg7[%add3A_1044, %add3A_1493] : memref<256x128xf32, #tpu.memory_space<vmem>>[vector<16xi32>, vector<16xi32>], vector<16xf32>,
        %mul3A_1495 = arith.constant 8 : i32
        %mul3A_1496 = arith.muli %mul3A_1495, %select_n3A_1042 : i32
        %add3A_1497 = arith.constant 64 : i32
        %add3A_1498 = arith.addi %add3A_1497, %mul3A_1496 : i32
        %add3A_1499 = vector.broadcast %add3A_1498 : i32 to vector<16xi32>
        %add3A_1500 = arith.addi %add3A_109, %add3A_1499 : vector<16xi32>
        %mul3A_1501 = arith.constant 8.000000e+00 : f32
        %mul3A_1502 = vector.broadcast %mul3A_1501 : f32 to vector<16xf32>
        %mul3A_1503 = arith.mulf %gather3A_1494, %mul3A_1502 : vector<16xf32>
        tpu.vector_store_idx %arg9[%add3A_1500, %add3A_1049], %mul3A_1503 : memref<128x128xf32, #tpu.memory_space<vmem>>[vector<16xi32>, vector<16xi32>], vector<16xf32>,
        %add3A_1504 = arith.constant 32 : i32
        %add3A_1505 = vector.broadcast %add3A_1504 : i32 to vector<16xi32>
        %add3A_1506 = arith.addi %and3A_25, %add3A_1505 : vector<16xi32>
        %gather3A_1507 = tpu.vector_load_idx %arg7[%add3A_1044, %add3A_1506] : memref<256x128xf32, #tpu.memory_space<vmem>>[vector<16xi32>, vector<16xi32>], vector<16xf32>,
        %mul3A_1508 = arith.constant 8 : i32
        %mul3A_1509 = arith.muli %mul3A_1508, %select_n3A_1042 : i32
        %add3A_1510 = arith.constant 64 : i32
        %add3A_1511 = arith.addi %add3A_1510, %mul3A_1509 : i32
        %add3A_1512 = vector.broadcast %add3A_1511 : i32 to vector<16xi32>
        %add3A_1513 = arith.addi %add3A_113, %add3A_1512 : vector<16xi32>
        %mul3A_1514 = arith.constant 8.000000e+00 : f32
        %mul3A_1515 = vector.broadcast %mul3A_1514 : f32 to vector<16xf32>
        %mul3A_1516 = arith.mulf %gather3A_1507, %mul3A_1515 : vector<16xf32>
        tpu.vector_store_idx %arg9[%add3A_1513, %add3A_1049], %mul3A_1516 : memref<128x128xf32, #tpu.memory_space<vmem>>[vector<16xi32>, vector<16xi32>], vector<16xf32>,
        %add3A_1517 = arith.constant 32 : i32
        %add3A_1518 = vector.broadcast %add3A_1517 : i32 to vector<16xi32>
        %add3A_1519 = arith.addi %and3A_31, %add3A_1518 : vector<16xi32>
        %gather3A_1520 = tpu.vector_load_idx %arg7[%add3A_1044, %add3A_1519] : memref<256x128xf32, #tpu.memory_space<vmem>>[vector<16xi32>, vector<16xi32>], vector<16xf32>,
        %mul3A_1521 = arith.constant 8 : i32
        %mul3A_1522 = arith.muli %mul3A_1521, %select_n3A_1042 : i32
        %add3A_1523 = arith.constant 64 : i32
        %add3A_1524 = arith.addi %add3A_1523, %mul3A_1522 : i32
        %add3A_1525 = vector.broadcast %add3A_1524 : i32 to vector<16xi32>
        %add3A_1526 = arith.addi %add3A_117, %add3A_1525 : vector<16xi32>
        %mul3A_1527 = arith.constant 8.000000e+00 : f32
        %mul3A_1528 = vector.broadcast %mul3A_1527 : f32 to vector<16xf32>
        %mul3A_1529 = arith.mulf %gather3A_1520, %mul3A_1528 : vector<16xf32>
        tpu.vector_store_idx %arg9[%add3A_1526, %add3A_1049], %mul3A_1529 : memref<128x128xf32, #tpu.memory_space<vmem>>[vector<16xi32>, vector<16xi32>], vector<16xf32>,
        %add3A_1530 = arith.constant 32 : i32
        %add3A_1531 = vector.broadcast %add3A_1530 : i32 to vector<16xi32>
        %add3A_1532 = arith.addi %and3A_37, %add3A_1531 : vector<16xi32>
        %gather3A_1533 = tpu.vector_load_idx %arg7[%add3A_1044, %add3A_1532] : memref<256x128xf32, #tpu.memory_space<vmem>>[vector<16xi32>, vector<16xi32>], vector<16xf32>,
        %mul3A_1534 = arith.constant 8 : i32
        %mul3A_1535 = arith.muli %mul3A_1534, %select_n3A_1042 : i32
        %add3A_1536 = arith.constant 64 : i32
        %add3A_1537 = arith.addi %add3A_1536, %mul3A_1535 : i32
        %add3A_1538 = vector.broadcast %add3A_1537 : i32 to vector<16xi32>
        %add3A_1539 = arith.addi %add3A_121, %add3A_1538 : vector<16xi32>
        %mul3A_1540 = arith.constant 8.000000e+00 : f32
        %mul3A_1541 = vector.broadcast %mul3A_1540 : f32 to vector<16xf32>
        %mul3A_1542 = arith.mulf %gather3A_1533, %mul3A_1541 : vector<16xf32>
        tpu.vector_store_idx %arg9[%add3A_1539, %add3A_1049], %mul3A_1542 : memref<128x128xf32, #tpu.memory_space<vmem>>[vector<16xi32>, vector<16xi32>], vector<16xf32>,
        %add3A_1543 = arith.constant 32 : i32
        %add3A_1544 = vector.broadcast %add3A_1543 : i32 to vector<16xi32>
        %add3A_1545 = arith.addi %and3A_43, %add3A_1544 : vector<16xi32>
        %gather3A_1546 = tpu.vector_load_idx %arg7[%add3A_1044, %add3A_1545] : memref<256x128xf32, #tpu.memory_space<vmem>>[vector<16xi32>, vector<16xi32>], vector<16xf32>,
        %mul3A_1547 = arith.constant 8 : i32
        %mul3A_1548 = arith.muli %mul3A_1547, %select_n3A_1042 : i32
        %add3A_1549 = arith.constant 64 : i32
        %add3A_1550 = arith.addi %add3A_1549, %mul3A_1548 : i32
        %add3A_1551 = vector.broadcast %add3A_1550 : i32 to vector<16xi32>
        %add3A_1552 = arith.addi %add3A_125, %add3A_1551 : vector<16xi32>
        %mul3A_1553 = arith.constant 8.000000e+00 : f32
        %mul3A_1554 = vector.broadcast %mul3A_1553 : f32 to vector<16xf32>
        %mul3A_1555 = arith.mulf %gather3A_1546, %mul3A_1554 : vector<16xf32>
        tpu.vector_store_idx %arg9[%add3A_1552, %add3A_1049], %mul3A_1555 : memref<128x128xf32, #tpu.memory_space<vmem>>[vector<16xi32>, vector<16xi32>], vector<16xf32>,
        %add3A_1556 = arith.constant 32 : i32
        %add3A_1557 = vector.broadcast %add3A_1556 : i32 to vector<16xi32>
        %add3A_1558 = arith.addi %and3A_49, %add3A_1557 : vector<16xi32>
        %gather3A_1559 = tpu.vector_load_idx %arg7[%add3A_1044, %add3A_1558] : memref<256x128xf32, #tpu.memory_space<vmem>>[vector<16xi32>, vector<16xi32>], vector<16xf32>,
        %mul3A_1560 = arith.constant 8 : i32
        %mul3A_1561 = arith.muli %mul3A_1560, %select_n3A_1042 : i32
        %add3A_1562 = arith.constant 64 : i32
        %add3A_1563 = arith.addi %add3A_1562, %mul3A_1561 : i32
        %add3A_1564 = vector.broadcast %add3A_1563 : i32 to vector<16xi32>
        %add3A_1565 = arith.addi %add3A_129, %add3A_1564 : vector<16xi32>
        %mul3A_1566 = arith.constant 8.000000e+00 : f32
        %mul3A_1567 = vector.broadcast %mul3A_1566 : f32 to vector<16xf32>
        %mul3A_1568 = arith.mulf %gather3A_1559, %mul3A_1567 : vector<16xf32>
        tpu.vector_store_idx %arg9[%add3A_1565, %add3A_1049], %mul3A_1568 : memref<128x128xf32, #tpu.memory_space<vmem>>[vector<16xi32>, vector<16xi32>], vector<16xf32>,
        %add3A_1569 = arith.constant 32 : i32
        %add3A_1570 = vector.broadcast %add3A_1569 : i32 to vector<16xi32>
        %add3A_1571 = arith.addi %and3A_55, %add3A_1570 : vector<16xi32>
        %gather3A_1572 = tpu.vector_load_idx %arg7[%add3A_1044, %add3A_1571] : memref<256x128xf32, #tpu.memory_space<vmem>>[vector<16xi32>, vector<16xi32>], vector<16xf32>,
        %mul3A_1573 = arith.constant 8 : i32
        %mul3A_1574 = arith.muli %mul3A_1573, %select_n3A_1042 : i32
        %add3A_1575 = arith.constant 64 : i32
        %add3A_1576 = arith.addi %add3A_1575, %mul3A_1574 : i32
        %add3A_1577 = vector.broadcast %add3A_1576 : i32 to vector<16xi32>
        %add3A_1578 = arith.addi %add3A_133, %add3A_1577 : vector<16xi32>
        %mul3A_1579 = arith.constant 8.000000e+00 : f32
        %mul3A_1580 = vector.broadcast %mul3A_1579 : f32 to vector<16xf32>
        %mul3A_1581 = arith.mulf %gather3A_1572, %mul3A_1580 : vector<16xf32>
        tpu.vector_store_idx %arg9[%add3A_1578, %add3A_1049], %mul3A_1581 : memref<128x128xf32, #tpu.memory_space<vmem>>[vector<16xi32>, vector<16xi32>], vector<16xf32>,
        %add3A_1582 = arith.constant 32 : i32
        %add3A_1583 = vector.broadcast %add3A_1582 : i32 to vector<16xi32>
        %add3A_1584 = arith.addi %and3A_61, %add3A_1583 : vector<16xi32>
        %gather3A_1585 = tpu.vector_load_idx %arg7[%add3A_1044, %add3A_1584] : memref<256x128xf32, #tpu.memory_space<vmem>>[vector<16xi32>, vector<16xi32>], vector<16xf32>,
        %mul3A_1586 = arith.constant 8 : i32
        %mul3A_1587 = arith.muli %mul3A_1586, %select_n3A_1042 : i32
        %add3A_1588 = arith.constant 64 : i32
        %add3A_1589 = arith.addi %add3A_1588, %mul3A_1587 : i32
        %add3A_1590 = vector.broadcast %add3A_1589 : i32 to vector<16xi32>
        %add3A_1591 = arith.addi %add3A_137, %add3A_1590 : vector<16xi32>
        %mul3A_1592 = arith.constant 8.000000e+00 : f32
        %mul3A_1593 = vector.broadcast %mul3A_1592 : f32 to vector<16xf32>
        %mul3A_1594 = arith.mulf %gather3A_1585, %mul3A_1593 : vector<16xf32>
        tpu.vector_store_idx %arg9[%add3A_1591, %add3A_1049], %mul3A_1594 : memref<128x128xf32, #tpu.memory_space<vmem>>[vector<16xi32>, vector<16xi32>], vector<16xf32>,
        %add3A_1595 = arith.constant 32 : i32
        %add3A_1596 = vector.broadcast %add3A_1595 : i32 to vector<16xi32>
        %add3A_1597 = arith.addi %and3A_67, %add3A_1596 : vector<16xi32>
        %gather3A_1598 = tpu.vector_load_idx %arg7[%add3A_1044, %add3A_1597] : memref<256x128xf32, #tpu.memory_space<vmem>>[vector<16xi32>, vector<16xi32>], vector<16xf32>,
        %mul3A_1599 = arith.constant 8 : i32
        %mul3A_1600 = arith.muli %mul3A_1599, %select_n3A_1042 : i32
        %add3A_1601 = arith.constant 64 : i32
        %add3A_1602 = arith.addi %add3A_1601, %mul3A_1600 : i32
        %add3A_1603 = vector.broadcast %add3A_1602 : i32 to vector<16xi32>
        %add3A_1604 = arith.addi %add3A_141, %add3A_1603 : vector<16xi32>
        %mul3A_1605 = arith.constant 8.000000e+00 : f32
        %mul3A_1606 = vector.broadcast %mul3A_1605 : f32 to vector<16xf32>
        %mul3A_1607 = arith.mulf %gather3A_1598, %mul3A_1606 : vector<16xf32>
        tpu.vector_store_idx %arg9[%add3A_1604, %add3A_1049], %mul3A_1607 : memref<128x128xf32, #tpu.memory_space<vmem>>[vector<16xi32>, vector<16xi32>], vector<16xf32>,
        %add3A_1608 = arith.constant 32 : i32
        %add3A_1609 = vector.broadcast %add3A_1608 : i32 to vector<16xi32>
        %add3A_1610 = arith.addi %and3A_73, %add3A_1609 : vector<16xi32>
        %gather3A_1611 = tpu.vector_load_idx %arg7[%add3A_1044, %add3A_1610] : memref<256x128xf32, #tpu.memory_space<vmem>>[vector<16xi32>, vector<16xi32>], vector<16xf32>,
        %mul3A_1612 = arith.constant 8 : i32
        %mul3A_1613 = arith.muli %mul3A_1612, %select_n3A_1042 : i32
        %add3A_1614 = arith.constant 64 : i32
        %add3A_1615 = arith.addi %add3A_1614, %mul3A_1613 : i32
        %add3A_1616 = vector.broadcast %add3A_1615 : i32 to vector<16xi32>
        %add3A_1617 = arith.addi %add3A_145, %add3A_1616 : vector<16xi32>
        %mul3A_1618 = arith.constant 8.000000e+00 : f32
        %mul3A_1619 = vector.broadcast %mul3A_1618 : f32 to vector<16xf32>
        %mul3A_1620 = arith.mulf %gather3A_1611, %mul3A_1619 : vector<16xf32>
        tpu.vector_store_idx %arg9[%add3A_1617, %add3A_1049], %mul3A_1620 : memref<128x128xf32, #tpu.memory_space<vmem>>[vector<16xi32>, vector<16xi32>], vector<16xf32>,
        %add3A_1621 = arith.constant 32 : i32
        %add3A_1622 = vector.broadcast %add3A_1621 : i32 to vector<16xi32>
        %add3A_1623 = arith.addi %and3A_79, %add3A_1622 : vector<16xi32>
        %gather3A_1624 = tpu.vector_load_idx %arg7[%add3A_1044, %add3A_1623] : memref<256x128xf32, #tpu.memory_space<vmem>>[vector<16xi32>, vector<16xi32>], vector<16xf32>,
        %mul3A_1625 = arith.constant 8 : i32
        %mul3A_1626 = arith.muli %mul3A_1625, %select_n3A_1042 : i32
        %add3A_1627 = arith.constant 64 : i32
        %add3A_1628 = arith.addi %add3A_1627, %mul3A_1626 : i32
        %add3A_1629 = vector.broadcast %add3A_1628 : i32 to vector<16xi32>
        %add3A_1630 = arith.addi %add3A_149, %add3A_1629 : vector<16xi32>
        %mul3A_1631 = arith.constant 8.000000e+00 : f32
        %mul3A_1632 = vector.broadcast %mul3A_1631 : f32 to vector<16xf32>
        %mul3A_1633 = arith.mulf %gather3A_1624, %mul3A_1632 : vector<16xf32>
        tpu.vector_store_idx %arg9[%add3A_1630, %add3A_1049], %mul3A_1633 : memref<128x128xf32, #tpu.memory_space<vmem>>[vector<16xi32>, vector<16xi32>], vector<16xf32>,
        %add3A_1634 = arith.constant 32 : i32
        %add3A_1635 = vector.broadcast %add3A_1634 : i32 to vector<16xi32>
        %add3A_1636 = arith.addi %and3A_85, %add3A_1635 : vector<16xi32>
        %gather3A_1637 = tpu.vector_load_idx %arg7[%add3A_1044, %add3A_1636] : memref<256x128xf32, #tpu.memory_space<vmem>>[vector<16xi32>, vector<16xi32>], vector<16xf32>,
        %mul3A_1638 = arith.constant 8 : i32
        %mul3A_1639 = arith.muli %mul3A_1638, %select_n3A_1042 : i32
        %add3A_1640 = arith.constant 64 : i32
        %add3A_1641 = arith.addi %add3A_1640, %mul3A_1639 : i32
        %add3A_1642 = vector.broadcast %add3A_1641 : i32 to vector<16xi32>
        %add3A_1643 = arith.addi %add3A_153, %add3A_1642 : vector<16xi32>
        %mul3A_1644 = arith.constant 8.000000e+00 : f32
        %mul3A_1645 = vector.broadcast %mul3A_1644 : f32 to vector<16xf32>
        %mul3A_1646 = arith.mulf %gather3A_1637, %mul3A_1645 : vector<16xf32>
        tpu.vector_store_idx %arg9[%add3A_1643, %add3A_1049], %mul3A_1646 : memref<128x128xf32, #tpu.memory_space<vmem>>[vector<16xi32>, vector<16xi32>], vector<16xf32>,
        %add3A_1647 = arith.constant 32 : i32
        %add3A_1648 = vector.broadcast %add3A_1647 : i32 to vector<16xi32>
        %add3A_1649 = arith.addi %and3A_91, %add3A_1648 : vector<16xi32>
        %gather3A_1650 = tpu.vector_load_idx %arg7[%add3A_1044, %add3A_1649] : memref<256x128xf32, #tpu.memory_space<vmem>>[vector<16xi32>, vector<16xi32>], vector<16xf32>,
        %mul3A_1651 = arith.constant 8 : i32
        %mul3A_1652 = arith.muli %mul3A_1651, %select_n3A_1042 : i32
        %add3A_1653 = arith.constant 64 : i32
        %add3A_1654 = arith.addi %add3A_1653, %mul3A_1652 : i32
        %add3A_1655 = vector.broadcast %add3A_1654 : i32 to vector<16xi32>
        %add3A_1656 = arith.addi %add3A_157, %add3A_1655 : vector<16xi32>
        %mul3A_1657 = arith.constant 8.000000e+00 : f32
        %mul3A_1658 = vector.broadcast %mul3A_1657 : f32 to vector<16xf32>
        %mul3A_1659 = arith.mulf %gather3A_1650, %mul3A_1658 : vector<16xf32>
        tpu.vector_store_idx %arg9[%add3A_1656, %add3A_1049], %mul3A_1659 : memref<128x128xf32, #tpu.memory_space<vmem>>[vector<16xi32>, vector<16xi32>], vector<16xf32>,
        %add3A_1660 = arith.constant 32 : i32
        %add3A_1661 = vector.broadcast %add3A_1660 : i32 to vector<16xi32>
        %add3A_1662 = arith.addi %and3A_97, %add3A_1661 : vector<16xi32>
        %gather3A_1663 = tpu.vector_load_idx %arg7[%add3A_1044, %add3A_1662] : memref<256x128xf32, #tpu.memory_space<vmem>>[vector<16xi32>, vector<16xi32>], vector<16xf32>,
        %mul3A_1664 = arith.constant 8 : i32
        %mul3A_1665 = arith.muli %mul3A_1664, %select_n3A_1042 : i32
        %add3A_1666 = arith.constant 64 : i32
        %add3A_1667 = arith.addi %add3A_1666, %mul3A_1665 : i32
        %add3A_1668 = vector.broadcast %add3A_1667 : i32 to vector<16xi32>
        %add3A_1669 = arith.addi %add3A_161, %add3A_1668 : vector<16xi32>
        %mul3A_1670 = arith.constant 8.000000e+00 : f32
        %mul3A_1671 = vector.broadcast %mul3A_1670 : f32 to vector<16xf32>
        %mul3A_1672 = arith.mulf %gather3A_1663, %mul3A_1671 : vector<16xf32>
        tpu.vector_store_idx %arg9[%add3A_1669, %add3A_1049], %mul3A_1672 : memref<128x128xf32, #tpu.memory_space<vmem>>[vector<16xi32>, vector<16xi32>], vector<16xf32>,
        %add3A_1673 = arith.constant 48 : i32
        %add3A_1674 = vector.broadcast %add3A_1673 : i32 to vector<16xi32>
        %add3A_1675 = arith.addi %and3A_7, %add3A_1674 : vector<16xi32>
        %gather3A_1676 = tpu.vector_load_idx %arg7[%add3A_1044, %add3A_1675] : memref<256x128xf32, #tpu.memory_space<vmem>>[vector<16xi32>, vector<16xi32>], vector<16xf32>,
        %mul3A_1677 = arith.constant 8 : i32
        %mul3A_1678 = arith.muli %mul3A_1677, %select_n3A_1042 : i32
        %add3A_1679 = arith.constant 96 : i32
        %add3A_1680 = arith.addi %add3A_1679, %mul3A_1678 : i32
        %add3A_1681 = vector.broadcast %add3A_1680 : i32 to vector<16xi32>
        %add3A_1682 = arith.addi %add3A_101, %add3A_1681 : vector<16xi32>
        %mul3A_1683 = arith.constant 8.000000e+00 : f32
        %mul3A_1684 = vector.broadcast %mul3A_1683 : f32 to vector<16xf32>
        %mul3A_1685 = arith.mulf %gather3A_1676, %mul3A_1684 : vector<16xf32>
        tpu.vector_store_idx %arg9[%add3A_1682, %add3A_1049], %mul3A_1685 : memref<128x128xf32, #tpu.memory_space<vmem>>[vector<16xi32>, vector<16xi32>], vector<16xf32>,
        %add3A_1686 = arith.constant 48 : i32
        %add3A_1687 = vector.broadcast %add3A_1686 : i32 to vector<16xi32>
        %add3A_1688 = arith.addi %and3A_13, %add3A_1687 : vector<16xi32>
        %gather3A_1689 = tpu.vector_load_idx %arg7[%add3A_1044, %add3A_1688] : memref<256x128xf32, #tpu.memory_space<vmem>>[vector<16xi32>, vector<16xi32>], vector<16xf32>,
        %mul3A_1690 = arith.constant 8 : i32
        %mul3A_1691 = arith.muli %mul3A_1690, %select_n3A_1042 : i32
        %add3A_1692 = arith.constant 96 : i32
        %add3A_1693 = arith.addi %add3A_1692, %mul3A_1691 : i32
        %add3A_1694 = vector.broadcast %add3A_1693 : i32 to vector<16xi32>
        %add3A_1695 = arith.addi %add3A_105, %add3A_1694 : vector<16xi32>
        %mul3A_1696 = arith.constant 8.000000e+00 : f32
        %mul3A_1697 = vector.broadcast %mul3A_1696 : f32 to vector<16xf32>
        %mul3A_1698 = arith.mulf %gather3A_1689, %mul3A_1697 : vector<16xf32>
        tpu.vector_store_idx %arg9[%add3A_1695, %add3A_1049], %mul3A_1698 : memref<128x128xf32, #tpu.memory_space<vmem>>[vector<16xi32>, vector<16xi32>], vector<16xf32>,
        %add3A_1699 = arith.constant 48 : i32
        %add3A_1700 = vector.broadcast %add3A_1699 : i32 to vector<16xi32>
        %add3A_1701 = arith.addi %and3A_19, %add3A_1700 : vector<16xi32>
        %gather3A_1702 = tpu.vector_load_idx %arg7[%add3A_1044, %add3A_1701] : memref<256x128xf32, #tpu.memory_space<vmem>>[vector<16xi32>, vector<16xi32>], vector<16xf32>,
        %mul3A_1703 = arith.constant 8 : i32
        %mul3A_1704 = arith.muli %mul3A_1703, %select_n3A_1042 : i32
        %add3A_1705 = arith.constant 96 : i32
        %add3A_1706 = arith.addi %add3A_1705, %mul3A_1704 : i32
        %add3A_1707 = vector.broadcast %add3A_1706 : i32 to vector<16xi32>
        %add3A_1708 = arith.addi %add3A_109, %add3A_1707 : vector<16xi32>
        %mul3A_1709 = arith.constant 8.000000e+00 : f32
        %mul3A_1710 = vector.broadcast %mul3A_1709 : f32 to vector<16xf32>
        %mul3A_1711 = arith.mulf %gather3A_1702, %mul3A_1710 : vector<16xf32>
        tpu.vector_store_idx %arg9[%add3A_1708, %add3A_1049], %mul3A_1711 : memref<128x128xf32, #tpu.memory_space<vmem>>[vector<16xi32>, vector<16xi32>], vector<16xf32>,
        %add3A_1712 = arith.constant 48 : i32
        %add3A_1713 = vector.broadcast %add3A_1712 : i32 to vector<16xi32>
        %add3A_1714 = arith.addi %and3A_25, %add3A_1713 : vector<16xi32>
        %gather3A_1715 = tpu.vector_load_idx %arg7[%add3A_1044, %add3A_1714] : memref<256x128xf32, #tpu.memory_space<vmem>>[vector<16xi32>, vector<16xi32>], vector<16xf32>,
        %mul3A_1716 = arith.constant 8 : i32
        %mul3A_1717 = arith.muli %mul3A_1716, %select_n3A_1042 : i32
        %add3A_1718 = arith.constant 96 : i32
        %add3A_1719 = arith.addi %add3A_1718, %mul3A_1717 : i32
        %add3A_1720 = vector.broadcast %add3A_1719 : i32 to vector<16xi32>
        %add3A_1721 = arith.addi %add3A_113, %add3A_1720 : vector<16xi32>
        %mul3A_1722 = arith.constant 8.000000e+00 : f32
        %mul3A_1723 = vector.broadcast %mul3A_1722 : f32 to vector<16xf32>
        %mul3A_1724 = arith.mulf %gather3A_1715, %mul3A_1723 : vector<16xf32>
        tpu.vector_store_idx %arg9[%add3A_1721, %add3A_1049], %mul3A_1724 : memref<128x128xf32, #tpu.memory_space<vmem>>[vector<16xi32>, vector<16xi32>], vector<16xf32>,
        %add3A_1725 = arith.constant 48 : i32
        %add3A_1726 = vector.broadcast %add3A_1725 : i32 to vector<16xi32>
        %add3A_1727 = arith.addi %and3A_31, %add3A_1726 : vector<16xi32>
        %gather3A_1728 = tpu.vector_load_idx %arg7[%add3A_1044, %add3A_1727] : memref<256x128xf32, #tpu.memory_space<vmem>>[vector<16xi32>, vector<16xi32>], vector<16xf32>,
        %mul3A_1729 = arith.constant 8 : i32
        %mul3A_1730 = arith.muli %mul3A_1729, %select_n3A_1042 : i32
        %add3A_1731 = arith.constant 96 : i32
        %add3A_1732 = arith.addi %add3A_1731, %mul3A_1730 : i32
        %add3A_1733 = vector.broadcast %add3A_1732 : i32 to vector<16xi32>
        %add3A_1734 = arith.addi %add3A_117, %add3A_1733 : vector<16xi32>
        %mul3A_1735 = arith.constant 8.000000e+00 : f32
        %mul3A_1736 = vector.broadcast %mul3A_1735 : f32 to vector<16xf32>
        %mul3A_1737 = arith.mulf %gather3A_1728, %mul3A_1736 : vector<16xf32>
        tpu.vector_store_idx %arg9[%add3A_1734, %add3A_1049], %mul3A_1737 : memref<128x128xf32, #tpu.memory_space<vmem>>[vector<16xi32>, vector<16xi32>], vector<16xf32>,
        %add3A_1738 = arith.constant 48 : i32
        %add3A_1739 = vector.broadcast %add3A_1738 : i32 to vector<16xi32>
        %add3A_1740 = arith.addi %and3A_37, %add3A_1739 : vector<16xi32>
        %gather3A_1741 = tpu.vector_load_idx %arg7[%add3A_1044, %add3A_1740] : memref<256x128xf32, #tpu.memory_space<vmem>>[vector<16xi32>, vector<16xi32>], vector<16xf32>,
        %mul3A_1742 = arith.constant 8 : i32
        %mul3A_1743 = arith.muli %mul3A_1742, %select_n3A_1042 : i32
        %add3A_1744 = arith.constant 96 : i32
        %add3A_1745 = arith.addi %add3A_1744, %mul3A_1743 : i32
        %add3A_1746 = vector.broadcast %add3A_1745 : i32 to vector<16xi32>
        %add3A_1747 = arith.addi %add3A_121, %add3A_1746 : vector<16xi32>
        %mul3A_1748 = arith.constant 8.000000e+00 : f32
        %mul3A_1749 = vector.broadcast %mul3A_1748 : f32 to vector<16xf32>
        %mul3A_1750 = arith.mulf %gather3A_1741, %mul3A_1749 : vector<16xf32>
        tpu.vector_store_idx %arg9[%add3A_1747, %add3A_1049], %mul3A_1750 : memref<128x128xf32, #tpu.memory_space<vmem>>[vector<16xi32>, vector<16xi32>], vector<16xf32>,
        %add3A_1751 = arith.constant 48 : i32
        %add3A_1752 = vector.broadcast %add3A_1751 : i32 to vector<16xi32>
        %add3A_1753 = arith.addi %and3A_43, %add3A_1752 : vector<16xi32>
        %gather3A_1754 = tpu.vector_load_idx %arg7[%add3A_1044, %add3A_1753] : memref<256x128xf32, #tpu.memory_space<vmem>>[vector<16xi32>, vector<16xi32>], vector<16xf32>,
        %mul3A_1755 = arith.constant 8 : i32
        %mul3A_1756 = arith.muli %mul3A_1755, %select_n3A_1042 : i32
        %add3A_1757 = arith.constant 96 : i32
        %add3A_1758 = arith.addi %add3A_1757, %mul3A_1756 : i32
        %add3A_1759 = vector.broadcast %add3A_1758 : i32 to vector<16xi32>
        %add3A_1760 = arith.addi %add3A_125, %add3A_1759 : vector<16xi32>
        %mul3A_1761 = arith.constant 8.000000e+00 : f32
        %mul3A_1762 = vector.broadcast %mul3A_1761 : f32 to vector<16xf32>
        %mul3A_1763 = arith.mulf %gather3A_1754, %mul3A_1762 : vector<16xf32>
        tpu.vector_store_idx %arg9[%add3A_1760, %add3A_1049], %mul3A_1763 : memref<128x128xf32, #tpu.memory_space<vmem>>[vector<16xi32>, vector<16xi32>], vector<16xf32>,
        %add3A_1764 = arith.constant 48 : i32
        %add3A_1765 = vector.broadcast %add3A_1764 : i32 to vector<16xi32>
        %add3A_1766 = arith.addi %and3A_49, %add3A_1765 : vector<16xi32>
        %gather3A_1767 = tpu.vector_load_idx %arg7[%add3A_1044, %add3A_1766] : memref<256x128xf32, #tpu.memory_space<vmem>>[vector<16xi32>, vector<16xi32>], vector<16xf32>,
        %mul3A_1768 = arith.constant 8 : i32
        %mul3A_1769 = arith.muli %mul3A_1768, %select_n3A_1042 : i32
        %add3A_1770 = arith.constant 96 : i32
        %add3A_1771 = arith.addi %add3A_1770, %mul3A_1769 : i32
        %add3A_1772 = vector.broadcast %add3A_1771 : i32 to vector<16xi32>
        %add3A_1773 = arith.addi %add3A_129, %add3A_1772 : vector<16xi32>
        %mul3A_1774 = arith.constant 8.000000e+00 : f32
        %mul3A_1775 = vector.broadcast %mul3A_1774 : f32 to vector<16xf32>
        %mul3A_1776 = arith.mulf %gather3A_1767, %mul3A_1775 : vector<16xf32>
        tpu.vector_store_idx %arg9[%add3A_1773, %add3A_1049], %mul3A_1776 : memref<128x128xf32, #tpu.memory_space<vmem>>[vector<16xi32>, vector<16xi32>], vector<16xf32>,
        %add3A_1777 = arith.constant 48 : i32
        %add3A_1778 = vector.broadcast %add3A_1777 : i32 to vector<16xi32>
        %add3A_1779 = arith.addi %and3A_55, %add3A_1778 : vector<16xi32>
        %gather3A_1780 = tpu.vector_load_idx %arg7[%add3A_1044, %add3A_1779] : memref<256x128xf32, #tpu.memory_space<vmem>>[vector<16xi32>, vector<16xi32>], vector<16xf32>,
        %mul3A_1781 = arith.constant 8 : i32
        %mul3A_1782 = arith.muli %mul3A_1781, %select_n3A_1042 : i32
        %add3A_1783 = arith.constant 96 : i32
        %add3A_1784 = arith.addi %add3A_1783, %mul3A_1782 : i32
        %add3A_1785 = vector.broadcast %add3A_1784 : i32 to vector<16xi32>
        %add3A_1786 = arith.addi %add3A_133, %add3A_1785 : vector<16xi32>
        %mul3A_1787 = arith.constant 8.000000e+00 : f32
        %mul3A_1788 = vector.broadcast %mul3A_1787 : f32 to vector<16xf32>
        %mul3A_1789 = arith.mulf %gather3A_1780, %mul3A_1788 : vector<16xf32>
        tpu.vector_store_idx %arg9[%add3A_1786, %add3A_1049], %mul3A_1789 : memref<128x128xf32, #tpu.memory_space<vmem>>[vector<16xi32>, vector<16xi32>], vector<16xf32>,
        %add3A_1790 = arith.constant 48 : i32
        %add3A_1791 = vector.broadcast %add3A_1790 : i32 to vector<16xi32>
        %add3A_1792 = arith.addi %and3A_61, %add3A_1791 : vector<16xi32>
        %gather3A_1793 = tpu.vector_load_idx %arg7[%add3A_1044, %add3A_1792] : memref<256x128xf32, #tpu.memory_space<vmem>>[vector<16xi32>, vector<16xi32>], vector<16xf32>,
        %mul3A_1794 = arith.constant 8 : i32
        %mul3A_1795 = arith.muli %mul3A_1794, %select_n3A_1042 : i32
        %add3A_1796 = arith.constant 96 : i32
        %add3A_1797 = arith.addi %add3A_1796, %mul3A_1795 : i32
        %add3A_1798 = vector.broadcast %add3A_1797 : i32 to vector<16xi32>
        %add3A_1799 = arith.addi %add3A_137, %add3A_1798 : vector<16xi32>
        %mul3A_1800 = arith.constant 8.000000e+00 : f32
        %mul3A_1801 = vector.broadcast %mul3A_1800 : f32 to vector<16xf32>
        %mul3A_1802 = arith.mulf %gather3A_1793, %mul3A_1801 : vector<16xf32>
        tpu.vector_store_idx %arg9[%add3A_1799, %add3A_1049], %mul3A_1802 : memref<128x128xf32, #tpu.memory_space<vmem>>[vector<16xi32>, vector<16xi32>], vector<16xf32>,
        %add3A_1803 = arith.constant 48 : i32
        %add3A_1804 = vector.broadcast %add3A_1803 : i32 to vector<16xi32>
        %add3A_1805 = arith.addi %and3A_67, %add3A_1804 : vector<16xi32>
        %gather3A_1806 = tpu.vector_load_idx %arg7[%add3A_1044, %add3A_1805] : memref<256x128xf32, #tpu.memory_space<vmem>>[vector<16xi32>, vector<16xi32>], vector<16xf32>,
        %mul3A_1807 = arith.constant 8 : i32
        %mul3A_1808 = arith.muli %mul3A_1807, %select_n3A_1042 : i32
        %add3A_1809 = arith.constant 96 : i32
        %add3A_1810 = arith.addi %add3A_1809, %mul3A_1808 : i32
        %add3A_1811 = vector.broadcast %add3A_1810 : i32 to vector<16xi32>
        %add3A_1812 = arith.addi %add3A_141, %add3A_1811 : vector<16xi32>
        %mul3A_1813 = arith.constant 8.000000e+00 : f32
        %mul3A_1814 = vector.broadcast %mul3A_1813 : f32 to vector<16xf32>
        %mul3A_1815 = arith.mulf %gather3A_1806, %mul3A_1814 : vector<16xf32>
        tpu.vector_store_idx %arg9[%add3A_1812, %add3A_1049], %mul3A_1815 : memref<128x128xf32, #tpu.memory_space<vmem>>[vector<16xi32>, vector<16xi32>], vector<16xf32>,
        %add3A_1816 = arith.constant 48 : i32
        %add3A_1817 = vector.broadcast %add3A_1816 : i32 to vector<16xi32>
        %add3A_1818 = arith.addi %and3A_73, %add3A_1817 : vector<16xi32>
        %gather3A_1819 = tpu.vector_load_idx %arg7[%add3A_1044, %add3A_1818] : memref<256x128xf32, #tpu.memory_space<vmem>>[vector<16xi32>, vector<16xi32>], vector<16xf32>,
        %mul3A_1820 = arith.constant 8 : i32
        %mul3A_1821 = arith.muli %mul3A_1820, %select_n3A_1042 : i32
        %add3A_1822 = arith.constant 96 : i32
        %add3A_1823 = arith.addi %add3A_1822, %mul3A_1821 : i32
        %add3A_1824 = vector.broadcast %add3A_1823 : i32 to vector<16xi32>
        %add3A_1825 = arith.addi %add3A_145, %add3A_1824 : vector<16xi32>
        %mul3A_1826 = arith.constant 8.000000e+00 : f32
        %mul3A_1827 = vector.broadcast %mul3A_1826 : f32 to vector<16xf32>
        %mul3A_1828 = arith.mulf %gather3A_1819, %mul3A_1827 : vector<16xf32>
        tpu.vector_store_idx %arg9[%add3A_1825, %add3A_1049], %mul3A_1828 : memref<128x128xf32, #tpu.memory_space<vmem>>[vector<16xi32>, vector<16xi32>], vector<16xf32>,
        %add3A_1829 = arith.constant 48 : i32
        %add3A_1830 = vector.broadcast %add3A_1829 : i32 to vector<16xi32>
        %add3A_1831 = arith.addi %and3A_79, %add3A_1830 : vector<16xi32>
        %gather3A_1832 = tpu.vector_load_idx %arg7[%add3A_1044, %add3A_1831] : memref<256x128xf32, #tpu.memory_space<vmem>>[vector<16xi32>, vector<16xi32>], vector<16xf32>,
        %mul3A_1833 = arith.constant 8 : i32
        %mul3A_1834 = arith.muli %mul3A_1833, %select_n3A_1042 : i32
        %add3A_1835 = arith.constant 96 : i32
        %add3A_1836 = arith.addi %add3A_1835, %mul3A_1834 : i32
        %add3A_1837 = vector.broadcast %add3A_1836 : i32 to vector<16xi32>
        %add3A_1838 = arith.addi %add3A_149, %add3A_1837 : vector<16xi32>
        %mul3A_1839 = arith.constant 8.000000e+00 : f32
        %mul3A_1840 = vector.broadcast %mul3A_1839 : f32 to vector<16xf32>
        %mul3A_1841 = arith.mulf %gather3A_1832, %mul3A_1840 : vector<16xf32>
        tpu.vector_store_idx %arg9[%add3A_1838, %add3A_1049], %mul3A_1841 : memref<128x128xf32, #tpu.memory_space<vmem>>[vector<16xi32>, vector<16xi32>], vector<16xf32>,
        %add3A_1842 = arith.constant 48 : i32
        %add3A_1843 = vector.broadcast %add3A_1842 : i32 to vector<16xi32>
        %add3A_1844 = arith.addi %and3A_85, %add3A_1843 : vector<16xi32>
        %gather3A_1845 = tpu.vector_load_idx %arg7[%add3A_1044, %add3A_1844] : memref<256x128xf32, #tpu.memory_space<vmem>>[vector<16xi32>, vector<16xi32>], vector<16xf32>,
        %mul3A_1846 = arith.constant 8 : i32
        %mul3A_1847 = arith.muli %mul3A_1846, %select_n3A_1042 : i32
        %add3A_1848 = arith.constant 96 : i32
        %add3A_1849 = arith.addi %add3A_1848, %mul3A_1847 : i32
        %add3A_1850 = vector.broadcast %add3A_1849 : i32 to vector<16xi32>
        %add3A_1851 = arith.addi %add3A_153, %add3A_1850 : vector<16xi32>
        %mul3A_1852 = arith.constant 8.000000e+00 : f32
        %mul3A_1853 = vector.broadcast %mul3A_1852 : f32 to vector<16xf32>
        %mul3A_1854 = arith.mulf %gather3A_1845, %mul3A_1853 : vector<16xf32>
        tpu.vector_store_idx %arg9[%add3A_1851, %add3A_1049], %mul3A_1854 : memref<128x128xf32, #tpu.memory_space<vmem>>[vector<16xi32>, vector<16xi32>], vector<16xf32>,
        %add3A_1855 = arith.constant 48 : i32
        %add3A_1856 = vector.broadcast %add3A_1855 : i32 to vector<16xi32>
        %add3A_1857 = arith.addi %and3A_91, %add3A_1856 : vector<16xi32>
        %gather3A_1858 = tpu.vector_load_idx %arg7[%add3A_1044, %add3A_1857] : memref<256x128xf32, #tpu.memory_space<vmem>>[vector<16xi32>, vector<16xi32>], vector<16xf32>,
        %mul3A_1859 = arith.constant 8 : i32
        %mul3A_1860 = arith.muli %mul3A_1859, %select_n3A_1042 : i32
        %add3A_1861 = arith.constant 96 : i32
        %add3A_1862 = arith.addi %add3A_1861, %mul3A_1860 : i32
        %add3A_1863 = vector.broadcast %add3A_1862 : i32 to vector<16xi32>
        %add3A_1864 = arith.addi %add3A_157, %add3A_1863 : vector<16xi32>
        %mul3A_1865 = arith.constant 8.000000e+00 : f32
        %mul3A_1866 = vector.broadcast %mul3A_1865 : f32 to vector<16xf32>
        %mul3A_1867 = arith.mulf %gather3A_1858, %mul3A_1866 : vector<16xf32>
        tpu.vector_store_idx %arg9[%add3A_1864, %add3A_1049], %mul3A_1867 : memref<128x128xf32, #tpu.memory_space<vmem>>[vector<16xi32>, vector<16xi32>], vector<16xf32>,
        %add3A_1868 = arith.constant 48 : i32
        %add3A_1869 = vector.broadcast %add3A_1868 : i32 to vector<16xi32>
        %add3A_1870 = arith.addi %and3A_97, %add3A_1869 : vector<16xi32>
        %gather3A_1871 = tpu.vector_load_idx %arg7[%add3A_1044, %add3A_1870] : memref<256x128xf32, #tpu.memory_space<vmem>>[vector<16xi32>, vector<16xi32>], vector<16xf32>,
        %mul3A_1872 = arith.constant 8 : i32
        %mul3A_1873 = arith.muli %mul3A_1872, %select_n3A_1042 : i32
        %add3A_1874 = arith.constant 96 : i32
        %add3A_1875 = arith.addi %add3A_1874, %mul3A_1873 : i32
        %add3A_1876 = vector.broadcast %add3A_1875 : i32 to vector<16xi32>
        %add3A_1877 = arith.addi %add3A_161, %add3A_1876 : vector<16xi32>
        %mul3A_1878 = arith.constant 8.000000e+00 : f32
        %mul3A_1879 = vector.broadcast %mul3A_1878 : f32 to vector<16xf32>
        %mul3A_1880 = arith.mulf %gather3A_1871, %mul3A_1879 : vector<16xf32>
        tpu.vector_store_idx %arg9[%add3A_1877, %add3A_1049], %mul3A_1880 : memref<128x128xf32, #tpu.memory_space<vmem>>[vector<16xi32>, vector<16xi32>], vector<16xf32>,
      }
      %scan3A_491 = arith.constant 16 : i32
      %add3A_492 = arith.constant 0 : i32
      %add3A_493 = arith.addi %add3A_469, %add3A_492 : i32
      %dma_start3A_494 = arith.constant 0 : i32
      %dma_start3A_495 = arith.constant 0 : i32
      %dma_start3A_496 = tpu.memref_slice %arg9[%dma_start3A_494, %dma_start3A_495] : memref<128x128xf32, #tpu.memory_space<vmem>> -> memref<8x128xf32, #tpu.memory_space<vmem>>
      %dma_start3A_497 = arith.constant 0 : i32
      %dma_start3A_498 = tpu.memref_slice %arg4[%select_n3A, %dma_start3A_497, %add3A_493] : memref<50x64x16384xf32, #tpu.memory_space<hbm>> -> memref<1x8x128xf32, #tpu.memory_space<hbm>>
      %dma_start3A_499 = tpu.memref_squeeze %dma_start3A_498 : memref<1x8x128xf32, #tpu.memory_space<hbm>> -> memref<8x128xf32, #tpu.memory_space<hbm>>
      %dma_start3A_500 = arith.constant 0 : i32
      %dma_start3A_501 = tpu.memref_slice %arg4[%select_n3A, %dma_start3A_500, %add3A_493] : memref<50x64x16384xf32, #tpu.memory_space<hbm>> -> memref<1x8x128xf32, #tpu.memory_space<hbm>>
      %dma_start3A_502 = tpu.memref_squeeze %dma_start3A_501 : memref<1x8x128xf32, #tpu.memory_space<hbm>> -> memref<8x128xf32, #tpu.memory_space<hbm>>
      %dma_start3A_503 = arith.constant 0 : i32
      %dma_start3A_504 = arith.constant 0 : i32
      %dma_start3A_505 = tpu.memref_slice %arg9[%dma_start3A_503, %dma_start3A_504] : memref<128x128xf32, #tpu.memory_space<vmem>> -> memref<8x128xf32, #tpu.memory_space<vmem>>
      tpu.enqueue_dma source(%dma_start3A_505 : memref<8x128xf32, #tpu.memory_space<vmem>>) target(%dma_start3A_502 : memref<8x128xf32, #tpu.memory_space<hbm>>) target_semaphore(%arg12 : memref<!tpu.dma_semaphore, #tpu.memory_space<semaphore_mem>>)
      %add3A_506 = arith.constant 128 : i32
      %add3A_507 = arith.addi %add3A_469, %add3A_506 : i32
      %dma_start3A_508 = arith.constant 8 : i32
      %dma_start3A_509 = arith.constant 0 : i32
      %dma_start3A_510 = tpu.memref_slice %arg9[%dma_start3A_508, %dma_start3A_509] : memref<128x128xf32, #tpu.memory_space<vmem>> -> memref<8x128xf32, #tpu.memory_space<vmem>>
      %dma_start3A_511 = arith.constant 0 : i32
      %dma_start3A_512 = tpu.memref_slice %arg4[%select_n3A, %dma_start3A_511, %add3A_507] : memref<50x64x16384xf32, #tpu.memory_space<hbm>> -> memref<1x8x128xf32, #tpu.memory_space<hbm>>
      %dma_start3A_513 = tpu.memref_squeeze %dma_start3A_512 : memref<1x8x128xf32, #tpu.memory_space<hbm>> -> memref<8x128xf32, #tpu.memory_space<hbm>>
      %dma_start3A_514 = arith.constant 0 : i32
      %dma_start3A_515 = tpu.memref_slice %arg4[%select_n3A, %dma_start3A_514, %add3A_507] : memref<50x64x16384xf32, #tpu.memory_space<hbm>> -> memref<1x8x128xf32, #tpu.memory_space<hbm>>
      %dma_start3A_516 = tpu.memref_squeeze %dma_start3A_515 : memref<1x8x128xf32, #tpu.memory_space<hbm>> -> memref<8x128xf32, #tpu.memory_space<hbm>>
      %dma_start3A_517 = arith.constant 8 : i32
      %dma_start3A_518 = arith.constant 0 : i32
      %dma_start3A_519 = tpu.memref_slice %arg9[%dma_start3A_517, %dma_start3A_518] : memref<128x128xf32, #tpu.memory_space<vmem>> -> memref<8x128xf32, #tpu.memory_space<vmem>>
      tpu.enqueue_dma source(%dma_start3A_519 : memref<8x128xf32, #tpu.memory_space<vmem>>) target(%dma_start3A_516 : memref<8x128xf32, #tpu.memory_space<hbm>>) target_semaphore(%arg12 : memref<!tpu.dma_semaphore, #tpu.memory_space<semaphore_mem>>)
      %add3A_520 = arith.constant 0 : i32
      %add3A_521 = arith.addi %add3A_469, %add3A_520 : i32
      %dma_start3A_522 = arith.constant 16 : i32
      %dma_start3A_523 = arith.constant 0 : i32
      %dma_start3A_524 = tpu.memref_slice %arg9[%dma_start3A_522, %dma_start3A_523] : memref<128x128xf32, #tpu.memory_space<vmem>> -> memref<8x128xf32, #tpu.memory_space<vmem>>
      %dma_start3A_525 = arith.constant 8 : i32
      %dma_start3A_526 = tpu.memref_slice %arg4[%select_n3A, %dma_start3A_525, %add3A_521] : memref<50x64x16384xf32, #tpu.memory_space<hbm>> -> memref<1x8x128xf32, #tpu.memory_space<hbm>>
      %dma_start3A_527 = tpu.memref_squeeze %dma_start3A_526 : memref<1x8x128xf32, #tpu.memory_space<hbm>> -> memref<8x128xf32, #tpu.memory_space<hbm>>
      %dma_start3A_528 = arith.constant 8 : i32
      %dma_start3A_529 = tpu.memref_slice %arg4[%select_n3A, %dma_start3A_528, %add3A_521] : memref<50x64x16384xf32, #tpu.memory_space<hbm>> -> memref<1x8x128xf32, #tpu.memory_space<hbm>>
      %dma_start3A_530 = tpu.memref_squeeze %dma_start3A_529 : memref<1x8x128xf32, #tpu.memory_space<hbm>> -> memref<8x128xf32, #tpu.memory_space<hbm>>
      %dma_start3A_531 = arith.constant 16 : i32
      %dma_start3A_532 = arith.constant 0 : i32
      %dma_start3A_533 = tpu.memref_slice %arg9[%dma_start3A_531, %dma_start3A_532] : memref<128x128xf32, #tpu.memory_space<vmem>> -> memref<8x128xf32, #tpu.memory_space<vmem>>
      tpu.enqueue_dma source(%dma_start3A_533 : memref<8x128xf32, #tpu.memory_space<vmem>>) target(%dma_start3A_530 : memref<8x128xf32, #tpu.memory_space<hbm>>) target_semaphore(%arg12 : memref<!tpu.dma_semaphore, #tpu.memory_space<semaphore_mem>>)
      %add3A_534 = arith.constant 128 : i32
      %add3A_535 = arith.addi %add3A_469, %add3A_534 : i32
      %dma_start3A_536 = arith.constant 24 : i32
      %dma_start3A_537 = arith.constant 0 : i32
      %dma_start3A_538 = tpu.memref_slice %arg9[%dma_start3A_536, %dma_start3A_537] : memref<128x128xf32, #tpu.memory_space<vmem>> -> memref<8x128xf32, #tpu.memory_space<vmem>>
      %dma_start3A_539 = arith.constant 8 : i32
      %dma_start3A_540 = tpu.memref_slice %arg4[%select_n3A, %dma_start3A_539, %add3A_535] : memref<50x64x16384xf32, #tpu.memory_space<hbm>> -> memref<1x8x128xf32, #tpu.memory_space<hbm>>
      %dma_start3A_541 = tpu.memref_squeeze %dma_start3A_540 : memref<1x8x128xf32, #tpu.memory_space<hbm>> -> memref<8x128xf32, #tpu.memory_space<hbm>>
      %dma_start3A_542 = arith.constant 8 : i32
      %dma_start3A_543 = tpu.memref_slice %arg4[%select_n3A, %dma_start3A_542, %add3A_535] : memref<50x64x16384xf32, #tpu.memory_space<hbm>> -> memref<1x8x128xf32, #tpu.memory_space<hbm>>
      %dma_start3A_544 = tpu.memref_squeeze %dma_start3A_543 : memref<1x8x128xf32, #tpu.memory_space<hbm>> -> memref<8x128xf32, #tpu.memory_space<hbm>>
      %dma_start3A_545 = arith.constant 24 : i32
      %dma_start3A_546 = arith.constant 0 : i32
      %dma_start3A_547 = tpu.memref_slice %arg9[%dma_start3A_545, %dma_start3A_546] : memref<128x128xf32, #tpu.memory_space<vmem>> -> memref<8x128xf32, #tpu.memory_space<vmem>>
      tpu.enqueue_dma source(%dma_start3A_547 : memref<8x128xf32, #tpu.memory_space<vmem>>) target(%dma_start3A_544 : memref<8x128xf32, #tpu.memory_space<hbm>>) target_semaphore(%arg12 : memref<!tpu.dma_semaphore, #tpu.memory_space<semaphore_mem>>)
      %add3A_548 = arith.constant 0 : i32
      %add3A_549 = arith.addi %add3A_469, %add3A_548 : i32
      %dma_start3A_550 = arith.constant 32 : i32
      %dma_start3A_551 = arith.constant 0 : i32
      %dma_start3A_552 = tpu.memref_slice %arg9[%dma_start3A_550, %dma_start3A_551] : memref<128x128xf32, #tpu.memory_space<vmem>> -> memref<8x128xf32, #tpu.memory_space<vmem>>
      %dma_start3A_553 = arith.constant 16 : i32
      %dma_start3A_554 = tpu.memref_slice %arg4[%select_n3A, %dma_start3A_553, %add3A_549] : memref<50x64x16384xf32, #tpu.memory_space<hbm>> -> memref<1x8x128xf32, #tpu.memory_space<hbm>>
      %dma_start3A_555 = tpu.memref_squeeze %dma_start3A_554 : memref<1x8x128xf32, #tpu.memory_space<hbm>> -> memref<8x128xf32, #tpu.memory_space<hbm>>
      %dma_start3A_556 = arith.constant 16 : i32
      %dma_start3A_557 = tpu.memref_slice %arg4[%select_n3A, %dma_start3A_556, %add3A_549] : memref<50x64x16384xf32, #tpu.memory_space<hbm>> -> memref<1x8x128xf32, #tpu.memory_space<hbm>>
      %dma_start3A_558 = tpu.memref_squeeze %dma_start3A_557 : memref<1x8x128xf32, #tpu.memory_space<hbm>> -> memref<8x128xf32, #tpu.memory_space<hbm>>
      %dma_start3A_559 = arith.constant 32 : i32
      %dma_start3A_560 = arith.constant 0 : i32
      %dma_start3A_561 = tpu.memref_slice %arg9[%dma_start3A_559, %dma_start3A_560] : memref<128x128xf32, #tpu.memory_space<vmem>> -> memref<8x128xf32, #tpu.memory_space<vmem>>
      tpu.enqueue_dma source(%dma_start3A_561 : memref<8x128xf32, #tpu.memory_space<vmem>>) target(%dma_start3A_558 : memref<8x128xf32, #tpu.memory_space<hbm>>) target_semaphore(%arg12 : memref<!tpu.dma_semaphore, #tpu.memory_space<semaphore_mem>>)
      %add3A_562 = arith.constant 128 : i32
      %add3A_563 = arith.addi %add3A_469, %add3A_562 : i32
      %dma_start3A_564 = arith.constant 40 : i32
      %dma_start3A_565 = arith.constant 0 : i32
      %dma_start3A_566 = tpu.memref_slice %arg9[%dma_start3A_564, %dma_start3A_565] : memref<128x128xf32, #tpu.memory_space<vmem>> -> memref<8x128xf32, #tpu.memory_space<vmem>>
      %dma_start3A_567 = arith.constant 16 : i32
      %dma_start3A_568 = tpu.memref_slice %arg4[%select_n3A, %dma_start3A_567, %add3A_563] : memref<50x64x16384xf32, #tpu.memory_space<hbm>> -> memref<1x8x128xf32, #tpu.memory_space<hbm>>
      %dma_start3A_569 = tpu.memref_squeeze %dma_start3A_568 : memref<1x8x128xf32, #tpu.memory_space<hbm>> -> memref<8x128xf32, #tpu.memory_space<hbm>>
      %dma_start3A_570 = arith.constant 16 : i32
      %dma_start3A_571 = tpu.memref_slice %arg4[%select_n3A, %dma_start3A_570, %add3A_563] : memref<50x64x16384xf32, #tpu.memory_space<hbm>> -> memref<1x8x128xf32, #tpu.memory_space<hbm>>
      %dma_start3A_572 = tpu.memref_squeeze %dma_start3A_571 : memref<1x8x128xf32, #tpu.memory_space<hbm>> -> memref<8x128xf32, #tpu.memory_space<hbm>>
      %dma_start3A_573 = arith.constant 40 : i32
      %dma_start3A_574 = arith.constant 0 : i32
      %dma_start3A_575 = tpu.memref_slice %arg9[%dma_start3A_573, %dma_start3A_574] : memref<128x128xf32, #tpu.memory_space<vmem>> -> memref<8x128xf32, #tpu.memory_space<vmem>>
      tpu.enqueue_dma source(%dma_start3A_575 : memref<8x128xf32, #tpu.memory_space<vmem>>) target(%dma_start3A_572 : memref<8x128xf32, #tpu.memory_space<hbm>>) target_semaphore(%arg12 : memref<!tpu.dma_semaphore, #tpu.memory_space<semaphore_mem>>)
      %add3A_576 = arith.constant 0 : i32
      %add3A_577 = arith.addi %add3A_469, %add3A_576 : i32
      %dma_start3A_578 = arith.constant 48 : i32
      %dma_start3A_579 = arith.constant 0 : i32
      %dma_start3A_580 = tpu.memref_slice %arg9[%dma_start3A_578, %dma_start3A_579] : memref<128x128xf32, #tpu.memory_space<vmem>> -> memref<8x128xf32, #tpu.memory_space<vmem>>
      %dma_start3A_581 = arith.constant 24 : i32
      %dma_start3A_582 = tpu.memref_slice %arg4[%select_n3A, %dma_start3A_581, %add3A_577] : memref<50x64x16384xf32, #tpu.memory_space<hbm>> -> memref<1x8x128xf32, #tpu.memory_space<hbm>>
      %dma_start3A_583 = tpu.memref_squeeze %dma_start3A_582 : memref<1x8x128xf32, #tpu.memory_space<hbm>> -> memref<8x128xf32, #tpu.memory_space<hbm>>
      %dma_start3A_584 = arith.constant 24 : i32
      %dma_start3A_585 = tpu.memref_slice %arg4[%select_n3A, %dma_start3A_584, %add3A_577] : memref<50x64x16384xf32, #tpu.memory_space<hbm>> -> memref<1x8x128xf32, #tpu.memory_space<hbm>>
      %dma_start3A_586 = tpu.memref_squeeze %dma_start3A_585 : memref<1x8x128xf32, #tpu.memory_space<hbm>> -> memref<8x128xf32, #tpu.memory_space<hbm>>
      %dma_start3A_587 = arith.constant 48 : i32
      %dma_start3A_588 = arith.constant 0 : i32
      %dma_start3A_589 = tpu.memref_slice %arg9[%dma_start3A_587, %dma_start3A_588] : memref<128x128xf32, #tpu.memory_space<vmem>> -> memref<8x128xf32, #tpu.memory_space<vmem>>
      tpu.enqueue_dma source(%dma_start3A_589 : memref<8x128xf32, #tpu.memory_space<vmem>>) target(%dma_start3A_586 : memref<8x128xf32, #tpu.memory_space<hbm>>) target_semaphore(%arg12 : memref<!tpu.dma_semaphore, #tpu.memory_space<semaphore_mem>>)
      %add3A_590 = arith.constant 128 : i32
      %add3A_591 = arith.addi %add3A_469, %add3A_590 : i32
      %dma_start3A_592 = arith.constant 56 : i32
      %dma_start3A_593 = arith.constant 0 : i32
      %dma_start3A_594 = tpu.memref_slice %arg9[%dma_start3A_592, %dma_start3A_593] : memref<128x128xf32, #tpu.memory_space<vmem>> -> memref<8x128xf32, #tpu.memory_space<vmem>>
      %dma_start3A_595 = arith.constant 24 : i32
      %dma_start3A_596 = tpu.memref_slice %arg4[%select_n3A, %dma_start3A_595, %add3A_591] : memref<50x64x16384xf32, #tpu.memory_space<hbm>> -> memref<1x8x128xf32, #tpu.memory_space<hbm>>
      %dma_start3A_597 = tpu.memref_squeeze %dma_start3A_596 : memref<1x8x128xf32, #tpu.memory_space<hbm>> -> memref<8x128xf32, #tpu.memory_space<hbm>>
      %dma_start3A_598 = arith.constant 24 : i32
      %dma_start3A_599 = tpu.memref_slice %arg4[%select_n3A, %dma_start3A_598, %add3A_591] : memref<50x64x16384xf32, #tpu.memory_space<hbm>> -> memref<1x8x128xf32, #tpu.memory_space<hbm>>
      %dma_start3A_600 = tpu.memref_squeeze %dma_start3A_599 : memref<1x8x128xf32, #tpu.memory_space<hbm>> -> memref<8x128xf32, #tpu.memory_space<hbm>>
      %dma_start3A_601 = arith.constant 56 : i32
      %dma_start3A_602 = arith.constant 0 : i32
      %dma_start3A_603 = tpu.memref_slice %arg9[%dma_start3A_601, %dma_start3A_602] : memref<128x128xf32, #tpu.memory_space<vmem>> -> memref<8x128xf32, #tpu.memory_space<vmem>>
      tpu.enqueue_dma source(%dma_start3A_603 : memref<8x128xf32, #tpu.memory_space<vmem>>) target(%dma_start3A_600 : memref<8x128xf32, #tpu.memory_space<hbm>>) target_semaphore(%arg12 : memref<!tpu.dma_semaphore, #tpu.memory_space<semaphore_mem>>)
      %add3A_604 = arith.constant 0 : i32
      %add3A_605 = arith.addi %add3A_469, %add3A_604 : i32
      %dma_start3A_606 = arith.constant 64 : i32
      %dma_start3A_607 = arith.constant 0 : i32
      %dma_start3A_608 = tpu.memref_slice %arg9[%dma_start3A_606, %dma_start3A_607] : memref<128x128xf32, #tpu.memory_space<vmem>> -> memref<8x128xf32, #tpu.memory_space<vmem>>
      %dma_start3A_609 = arith.constant 32 : i32
      %dma_start3A_610 = tpu.memref_slice %arg4[%select_n3A, %dma_start3A_609, %add3A_605] : memref<50x64x16384xf32, #tpu.memory_space<hbm>> -> memref<1x8x128xf32, #tpu.memory_space<hbm>>
      %dma_start3A_611 = tpu.memref_squeeze %dma_start3A_610 : memref<1x8x128xf32, #tpu.memory_space<hbm>> -> memref<8x128xf32, #tpu.memory_space<hbm>>
      %dma_start3A_612 = arith.constant 32 : i32
      %dma_start3A_613 = tpu.memref_slice %arg4[%select_n3A, %dma_start3A_612, %add3A_605] : memref<50x64x16384xf32, #tpu.memory_space<hbm>> -> memref<1x8x128xf32, #tpu.memory_space<hbm>>
      %dma_start3A_614 = tpu.memref_squeeze %dma_start3A_613 : memref<1x8x128xf32, #tpu.memory_space<hbm>> -> memref<8x128xf32, #tpu.memory_space<hbm>>
      %dma_start3A_615 = arith.constant 64 : i32
      %dma_start3A_616 = arith.constant 0 : i32
      %dma_start3A_617 = tpu.memref_slice %arg9[%dma_start3A_615, %dma_start3A_616] : memref<128x128xf32, #tpu.memory_space<vmem>> -> memref<8x128xf32, #tpu.memory_space<vmem>>
      tpu.enqueue_dma source(%dma_start3A_617 : memref<8x128xf32, #tpu.memory_space<vmem>>) target(%dma_start3A_614 : memref<8x128xf32, #tpu.memory_space<hbm>>) target_semaphore(%arg12 : memref<!tpu.dma_semaphore, #tpu.memory_space<semaphore_mem>>)
      %add3A_618 = arith.constant 128 : i32
      %add3A_619 = arith.addi %add3A_469, %add3A_618 : i32
      %dma_start3A_620 = arith.constant 72 : i32
      %dma_start3A_621 = arith.constant 0 : i32
      %dma_start3A_622 = tpu.memref_slice %arg9[%dma_start3A_620, %dma_start3A_621] : memref<128x128xf32, #tpu.memory_space<vmem>> -> memref<8x128xf32, #tpu.memory_space<vmem>>
      %dma_start3A_623 = arith.constant 32 : i32
      %dma_start3A_624 = tpu.memref_slice %arg4[%select_n3A, %dma_start3A_623, %add3A_619] : memref<50x64x16384xf32, #tpu.memory_space<hbm>> -> memref<1x8x128xf32, #tpu.memory_space<hbm>>
      %dma_start3A_625 = tpu.memref_squeeze %dma_start3A_624 : memref<1x8x128xf32, #tpu.memory_space<hbm>> -> memref<8x128xf32, #tpu.memory_space<hbm>>
      %dma_start3A_626 = arith.constant 32 : i32
      %dma_start3A_627 = tpu.memref_slice %arg4[%select_n3A, %dma_start3A_626, %add3A_619] : memref<50x64x16384xf32, #tpu.memory_space<hbm>> -> memref<1x8x128xf32, #tpu.memory_space<hbm>>
      %dma_start3A_628 = tpu.memref_squeeze %dma_start3A_627 : memref<1x8x128xf32, #tpu.memory_space<hbm>> -> memref<8x128xf32, #tpu.memory_space<hbm>>
      %dma_start3A_629 = arith.constant 72 : i32
      %dma_start3A_630 = arith.constant 0 : i32
      %dma_start3A_631 = tpu.memref_slice %arg9[%dma_start3A_629, %dma_start3A_630] : memref<128x128xf32, #tpu.memory_space<vmem>> -> memref<8x128xf32, #tpu.memory_space<vmem>>
      tpu.enqueue_dma source(%dma_start3A_631 : memref<8x128xf32, #tpu.memory_space<vmem>>) target(%dma_start3A_628 : memref<8x128xf32, #tpu.memory_space<hbm>>) target_semaphore(%arg12 : memref<!tpu.dma_semaphore, #tpu.memory_space<semaphore_mem>>)
      %add3A_632 = arith.constant 0 : i32
      %add3A_633 = arith.addi %add3A_469, %add3A_632 : i32
      %dma_start3A_634 = arith.constant 80 : i32
      %dma_start3A_635 = arith.constant 0 : i32
      %dma_start3A_636 = tpu.memref_slice %arg9[%dma_start3A_634, %dma_start3A_635] : memref<128x128xf32, #tpu.memory_space<vmem>> -> memref<8x128xf32, #tpu.memory_space<vmem>>
      %dma_start3A_637 = arith.constant 40 : i32
      %dma_start3A_638 = tpu.memref_slice %arg4[%select_n3A, %dma_start3A_637, %add3A_633] : memref<50x64x16384xf32, #tpu.memory_space<hbm>> -> memref<1x8x128xf32, #tpu.memory_space<hbm>>
      %dma_start3A_639 = tpu.memref_squeeze %dma_start3A_638 : memref<1x8x128xf32, #tpu.memory_space<hbm>> -> memref<8x128xf32, #tpu.memory_space<hbm>>
      %dma_start3A_640 = arith.constant 40 : i32
      %dma_start3A_641 = tpu.memref_slice %arg4[%select_n3A, %dma_start3A_640, %add3A_633] : memref<50x64x16384xf32, #tpu.memory_space<hbm>> -> memref<1x8x128xf32, #tpu.memory_space<hbm>>
      %dma_start3A_642 = tpu.memref_squeeze %dma_start3A_641 : memref<1x8x128xf32, #tpu.memory_space<hbm>> -> memref<8x128xf32, #tpu.memory_space<hbm>>
      %dma_start3A_643 = arith.constant 80 : i32
      %dma_start3A_644 = arith.constant 0 : i32
      %dma_start3A_645 = tpu.memref_slice %arg9[%dma_start3A_643, %dma_start3A_644] : memref<128x128xf32, #tpu.memory_space<vmem>> -> memref<8x128xf32, #tpu.memory_space<vmem>>
      tpu.enqueue_dma source(%dma_start3A_645 : memref<8x128xf32, #tpu.memory_space<vmem>>) target(%dma_start3A_642 : memref<8x128xf32, #tpu.memory_space<hbm>>) target_semaphore(%arg12 : memref<!tpu.dma_semaphore, #tpu.memory_space<semaphore_mem>>)
      %add3A_646 = arith.constant 128 : i32
      %add3A_647 = arith.addi %add3A_469, %add3A_646 : i32
      %dma_start3A_648 = arith.constant 88 : i32
      %dma_start3A_649 = arith.constant 0 : i32
      %dma_start3A_650 = tpu.memref_slice %arg9[%dma_start3A_648, %dma_start3A_649] : memref<128x128xf32, #tpu.memory_space<vmem>> -> memref<8x128xf32, #tpu.memory_space<vmem>>
      %dma_start3A_651 = arith.constant 40 : i32
      %dma_start3A_652 = tpu.memref_slice %arg4[%select_n3A, %dma_start3A_651, %add3A_647] : memref<50x64x16384xf32, #tpu.memory_space<hbm>> -> memref<1x8x128xf32, #tpu.memory_space<hbm>>
      %dma_start3A_653 = tpu.memref_squeeze %dma_start3A_652 : memref<1x8x128xf32, #tpu.memory_space<hbm>> -> memref<8x128xf32, #tpu.memory_space<hbm>>
      %dma_start3A_654 = arith.constant 40 : i32
      %dma_start3A_655 = tpu.memref_slice %arg4[%select_n3A, %dma_start3A_654, %add3A_647] : memref<50x64x16384xf32, #tpu.memory_space<hbm>> -> memref<1x8x128xf32, #tpu.memory_space<hbm>>
      %dma_start3A_656 = tpu.memref_squeeze %dma_start3A_655 : memref<1x8x128xf32, #tpu.memory_space<hbm>> -> memref<8x128xf32, #tpu.memory_space<hbm>>
      %dma_start3A_657 = arith.constant 88 : i32
      %dma_start3A_658 = arith.constant 0 : i32
      %dma_start3A_659 = tpu.memref_slice %arg9[%dma_start3A_657, %dma_start3A_658] : memref<128x128xf32, #tpu.memory_space<vmem>> -> memref<8x128xf32, #tpu.memory_space<vmem>>
      tpu.enqueue_dma source(%dma_start3A_659 : memref<8x128xf32, #tpu.memory_space<vmem>>) target(%dma_start3A_656 : memref<8x128xf32, #tpu.memory_space<hbm>>) target_semaphore(%arg12 : memref<!tpu.dma_semaphore, #tpu.memory_space<semaphore_mem>>)
      %add3A_660 = arith.constant 0 : i32
      %add3A_661 = arith.addi %add3A_469, %add3A_660 : i32
      %dma_start3A_662 = arith.constant 96 : i32
      %dma_start3A_663 = arith.constant 0 : i32
      %dma_start3A_664 = tpu.memref_slice %arg9[%dma_start3A_662, %dma_start3A_663] : memref<128x128xf32, #tpu.memory_space<vmem>> -> memref<8x128xf32, #tpu.memory_space<vmem>>
      %dma_start3A_665 = arith.constant 48 : i32
      %dma_start3A_666 = tpu.memref_slice %arg4[%select_n3A, %dma_start3A_665, %add3A_661] : memref<50x64x16384xf32, #tpu.memory_space<hbm>> -> memref<1x8x128xf32, #tpu.memory_space<hbm>>
      %dma_start3A_667 = tpu.memref_squeeze %dma_start3A_666 : memref<1x8x128xf32, #tpu.memory_space<hbm>> -> memref<8x128xf32, #tpu.memory_space<hbm>>
      %dma_start3A_668 = arith.constant 48 : i32
      %dma_start3A_669 = tpu.memref_slice %arg4[%select_n3A, %dma_start3A_668, %add3A_661] : memref<50x64x16384xf32, #tpu.memory_space<hbm>> -> memref<1x8x128xf32, #tpu.memory_space<hbm>>
      %dma_start3A_670 = tpu.memref_squeeze %dma_start3A_669 : memref<1x8x128xf32, #tpu.memory_space<hbm>> -> memref<8x128xf32, #tpu.memory_space<hbm>>
      %dma_start3A_671 = arith.constant 96 : i32
      %dma_start3A_672 = arith.constant 0 : i32
      %dma_start3A_673 = tpu.memref_slice %arg9[%dma_start3A_671, %dma_start3A_672] : memref<128x128xf32, #tpu.memory_space<vmem>> -> memref<8x128xf32, #tpu.memory_space<vmem>>
      tpu.enqueue_dma source(%dma_start3A_673 : memref<8x128xf32, #tpu.memory_space<vmem>>) target(%dma_start3A_670 : memref<8x128xf32, #tpu.memory_space<hbm>>) target_semaphore(%arg12 : memref<!tpu.dma_semaphore, #tpu.memory_space<semaphore_mem>>)
      %add3A_674 = arith.constant 128 : i32
      %add3A_675 = arith.addi %add3A_469, %add3A_674 : i32
      %dma_start3A_676 = arith.constant 104 : i32
      %dma_start3A_677 = arith.constant 0 : i32
      %dma_start3A_678 = tpu.memref_slice %arg9[%dma_start3A_676, %dma_start3A_677] : memref<128x128xf32, #tpu.memory_space<vmem>> -> memref<8x128xf32, #tpu.memory_space<vmem>>
      %dma_start3A_679 = arith.constant 48 : i32
      %dma_start3A_680 = tpu.memref_slice %arg4[%select_n3A, %dma_start3A_679, %add3A_675] : memref<50x64x16384xf32, #tpu.memory_space<hbm>> -> memref<1x8x128xf32, #tpu.memory_space<hbm>>
      %dma_start3A_681 = tpu.memref_squeeze %dma_start3A_680 : memref<1x8x128xf32, #tpu.memory_space<hbm>> -> memref<8x128xf32, #tpu.memory_space<hbm>>
      %dma_start3A_682 = arith.constant 48 : i32
      %dma_start3A_683 = tpu.memref_slice %arg4[%select_n3A, %dma_start3A_682, %add3A_675] : memref<50x64x16384xf32, #tpu.memory_space<hbm>> -> memref<1x8x128xf32, #tpu.memory_space<hbm>>
      %dma_start3A_684 = tpu.memref_squeeze %dma_start3A_683 : memref<1x8x128xf32, #tpu.memory_space<hbm>> -> memref<8x128xf32, #tpu.memory_space<hbm>>
      %dma_start3A_685 = arith.constant 104 : i32
      %dma_start3A_686 = arith.constant 0 : i32
      %dma_start3A_687 = tpu.memref_slice %arg9[%dma_start3A_685, %dma_start3A_686] : memref<128x128xf32, #tpu.memory_space<vmem>> -> memref<8x128xf32, #tpu.memory_space<vmem>>
      tpu.enqueue_dma source(%dma_start3A_687 : memref<8x128xf32, #tpu.memory_space<vmem>>) target(%dma_start3A_684 : memref<8x128xf32, #tpu.memory_space<hbm>>) target_semaphore(%arg12 : memref<!tpu.dma_semaphore, #tpu.memory_space<semaphore_mem>>)
      %add3A_688 = arith.constant 0 : i32
      %add3A_689 = arith.addi %add3A_469, %add3A_688 : i32
      %dma_start3A_690 = arith.constant 112 : i32
      %dma_start3A_691 = arith.constant 0 : i32
      %dma_start3A_692 = tpu.memref_slice %arg9[%dma_start3A_690, %dma_start3A_691] : memref<128x128xf32, #tpu.memory_space<vmem>> -> memref<8x128xf32, #tpu.memory_space<vmem>>
      %dma_start3A_693 = arith.constant 56 : i32
      %dma_start3A_694 = tpu.memref_slice %arg4[%select_n3A, %dma_start3A_693, %add3A_689] : memref<50x64x16384xf32, #tpu.memory_space<hbm>> -> memref<1x8x128xf32, #tpu.memory_space<hbm>>
      %dma_start3A_695 = tpu.memref_squeeze %dma_start3A_694 : memref<1x8x128xf32, #tpu.memory_space<hbm>> -> memref<8x128xf32, #tpu.memory_space<hbm>>
      %dma_start3A_696 = arith.constant 56 : i32
      %dma_start3A_697 = tpu.memref_slice %arg4[%select_n3A, %dma_start3A_696, %add3A_689] : memref<50x64x16384xf32, #tpu.memory_space<hbm>> -> memref<1x8x128xf32, #tpu.memory_space<hbm>>
      %dma_start3A_698 = tpu.memref_squeeze %dma_start3A_697 : memref<1x8x128xf32, #tpu.memory_space<hbm>> -> memref<8x128xf32, #tpu.memory_space<hbm>>
      %dma_start3A_699 = arith.constant 112 : i32
      %dma_start3A_700 = arith.constant 0 : i32
      %dma_start3A_701 = tpu.memref_slice %arg9[%dma_start3A_699, %dma_start3A_700] : memref<128x128xf32, #tpu.memory_space<vmem>> -> memref<8x128xf32, #tpu.memory_space<vmem>>
      tpu.enqueue_dma source(%dma_start3A_701 : memref<8x128xf32, #tpu.memory_space<vmem>>) target(%dma_start3A_698 : memref<8x128xf32, #tpu.memory_space<hbm>>) target_semaphore(%arg12 : memref<!tpu.dma_semaphore, #tpu.memory_space<semaphore_mem>>)
      %add3A_702 = arith.constant 128 : i32
      %add3A_703 = arith.addi %add3A_469, %add3A_702 : i32
      %dma_start3A_704 = arith.constant 120 : i32
      %dma_start3A_705 = arith.constant 0 : i32
      %dma_start3A_706 = tpu.memref_slice %arg9[%dma_start3A_704, %dma_start3A_705] : memref<128x128xf32, #tpu.memory_space<vmem>> -> memref<8x128xf32, #tpu.memory_space<vmem>>
      %dma_start3A_707 = arith.constant 56 : i32
      %dma_start3A_708 = tpu.memref_slice %arg4[%select_n3A, %dma_start3A_707, %add3A_703] : memref<50x64x16384xf32, #tpu.memory_space<hbm>> -> memref<1x8x128xf32, #tpu.memory_space<hbm>>
      %dma_start3A_709 = tpu.memref_squeeze %dma_start3A_708 : memref<1x8x128xf32, #tpu.memory_space<hbm>> -> memref<8x128xf32, #tpu.memory_space<hbm>>
      %dma_start3A_710 = arith.constant 56 : i32
      %dma_start3A_711 = tpu.memref_slice %arg4[%select_n3A, %dma_start3A_710, %add3A_703] : memref<50x64x16384xf32, #tpu.memory_space<hbm>> -> memref<1x8x128xf32, #tpu.memory_space<hbm>>
      %dma_start3A_712 = tpu.memref_squeeze %dma_start3A_711 : memref<1x8x128xf32, #tpu.memory_space<hbm>> -> memref<8x128xf32, #tpu.memory_space<hbm>>
      %dma_start3A_713 = arith.constant 120 : i32
      %dma_start3A_714 = arith.constant 0 : i32
      %dma_start3A_715 = tpu.memref_slice %arg9[%dma_start3A_713, %dma_start3A_714] : memref<128x128xf32, #tpu.memory_space<vmem>> -> memref<8x128xf32, #tpu.memory_space<vmem>>
      tpu.enqueue_dma source(%dma_start3A_715 : memref<8x128xf32, #tpu.memory_space<vmem>>) target(%dma_start3A_712 : memref<8x128xf32, #tpu.memory_space<hbm>>) target_semaphore(%arg12 : memref<!tpu.dma_semaphore, #tpu.memory_space<semaphore_mem>>)
      %add3A_716 = arith.constant 1 : i32
      %add3A_717 = arith.addi %add3A_431, %add3A_716 : i32
      %add3A_718 = arith.constant 1 : i32
      %add3A_719 = arith.addi %add3A_717, %add3A_718 : i32
      %jit3A_720 = arith.constant 2 : i32
      %div3A_721 = arith.divsi %add3A_717, %jit3A_720 : i32
      %sign3A_722 = arith.constant 0 : i32
      %sign3A_723 = arith.cmpi sgt, %add3A_717, %sign3A_722 : i32
      %sign3A_724 = arith.extui %sign3A_723 : i1 to i32
      %sign3A_725 = arith.constant 0 : i32
      %sign3A_726 = arith.cmpi slt, %add3A_717, %sign3A_725 : i32
      %sign3A_727 = arith.extui %sign3A_726 : i1 to i32
      %sign3A_728 = arith.subi %sign3A_724, %sign3A_727 : i32
      %sign3A_729 = arith.constant 0 : i32
      %sign3A_730 = arith.cmpi sgt, %jit3A_720, %sign3A_729 : i32
      %sign3A_731 = arith.extui %sign3A_730 : i1 to i32
      %sign3A_732 = arith.constant 0 : i32
      %sign3A_733 = arith.cmpi slt, %jit3A_720, %sign3A_732 : i32
      %sign3A_734 = arith.extui %sign3A_733 : i1 to i32
      %sign3A_735 = arith.subi %sign3A_731, %sign3A_734 : i32
      %ne3A_736 = arith.cmpi ne, %sign3A_728, %sign3A_735 : i32
      %rem3A_737 = arith.remsi %add3A_717, %jit3A_720 : i32
      %ne3A_738 = arith.constant 0 : i32
      %ne3A_739 = arith.cmpi ne, %rem3A_737, %ne3A_738 : i32
      %and3A_740 = arith.andi %ne3A_736, %ne3A_739 : i1
      %sub3A_741 = arith.constant 1 : i32
      %sub3A_742 = arith.subi %div3A_721, %sub3A_741 : i32
      %select_n3A_743 = arith.select %and3A_740, %sub3A_742, %div3A_721 : i32
      %jit3A_744 = arith.constant 2 : i32
      %eq3A_745 = arith.constant 0 : i32
      %eq3A_746 = arith.cmpi eq, %jit3A_744, %eq3A_745 : i32
      %jit3A_747 = arith.constant 1 : i32
      %select_n3A_748 = arith.select %eq3A_746, %jit3A_747, %jit3A_744 : i32
      %rem3A_749 = arith.remsi %add3A_717, %select_n3A_748 : i32
      %ne3A_750 = arith.constant 0 : i32
      %ne3A_751 = arith.cmpi ne, %rem3A_749, %ne3A_750 : i32
      %lt3A_752 = arith.constant 0 : i32
      %lt3A_753 = arith.cmpi slt, %rem3A_749, %lt3A_752 : i32
      %lt3A_754 = arith.constant 0 : i32
      %lt3A_755 = arith.cmpi slt, %select_n3A_748, %lt3A_754 : i32
      %ne3A_756 = arith.xori %lt3A_753, %lt3A_755 : i1
      %and3A_757 = arith.andi %ne3A_756, %ne3A_751 : i1
      %add3A_758 = arith.addi %rem3A_749, %select_n3A_748 : i32
      %select_n3A_759 = arith.select %and3A_757, %add3A_758, %rem3A_749 : i32
      %mul3A_760 = arith.constant 256 : i32
      %mul3A_761 = arith.muli %select_n3A_759, %mul3A_760 : i32
      %add3A_762 = arith.addi %mul3A_2, %mul3A_761 : i32
      %lt3A_763 = arith.constant 100 : i32
      %lt3A_764 = arith.cmpi slt, %add3A_719, %lt3A_763 : i32
      %convert_element_type3A_765 = arith.extui %lt3A_764 : i1 to i32
      %cond3A_766 = arith.constant 0 : i32
      %cond3A_767 = arith.cmpi ne, %convert_element_type3A_765, %cond3A_766 : i32
      scf.if %cond3A_767 {
        %jit3A_1012 = arith.constant 2 : i32
        %div3A_1013 = arith.divsi %add3A_719, %jit3A_1012 : i32
        %sign3A_1014 = arith.constant 0 : i32
        %sign3A_1015 = arith.cmpi sgt, %add3A_719, %sign3A_1014 : i32
        %sign3A_1016 = arith.extui %sign3A_1015 : i1 to i32
        %sign3A_1017 = arith.constant 0 : i32
        %sign3A_1018 = arith.cmpi slt, %add3A_719, %sign3A_1017 : i32
        %sign3A_1019 = arith.extui %sign3A_1018 : i1 to i32
        %sign3A_1020 = arith.subi %sign3A_1016, %sign3A_1019 : i32
        %sign3A_1021 = arith.constant 0 : i32
        %sign3A_1022 = arith.cmpi sgt, %jit3A_1012, %sign3A_1021 : i32
        %sign3A_1023 = arith.extui %sign3A_1022 : i1 to i32
        %sign3A_1024 = arith.constant 0 : i32
        %sign3A_1025 = arith.cmpi slt, %jit3A_1012, %sign3A_1024 : i32
        %sign3A_1026 = arith.extui %sign3A_1025 : i1 to i32
        %sign3A_1027 = arith.subi %sign3A_1023, %sign3A_1026 : i32
        %ne3A_1028 = arith.cmpi ne, %sign3A_1020, %sign3A_1027 : i32
        %rem3A_1029 = arith.remsi %add3A_719, %jit3A_1012 : i32
        %ne3A_1030 = arith.constant 0 : i32
        %ne3A_1031 = arith.cmpi ne, %rem3A_1029, %ne3A_1030 : i32
        %and3A_1032 = arith.andi %ne3A_1028, %ne3A_1031 : i1
        %sub3A_1033 = arith.constant 1 : i32
        %sub3A_1034 = arith.subi %div3A_1013, %sub3A_1033 : i32
        %select_n3A_1035 = arith.select %and3A_1032, %sub3A_1034, %div3A_1013 : i32
        %mul3A_1036 = arith.constant 16384 : i32
        %mul3A_1037 = arith.muli %select_n3A_1035, %mul3A_1036 : i32
        %add3A_1038 = arith.addi %mul3A_1037, %mul3A_2 : i32
        %jit3A_1039 = arith.constant 2 : i32
        %eq3A_1040 = arith.constant 0 : i32
        %eq3A_1041 = arith.cmpi eq, %jit3A_1039, %eq3A_1040 : i32
        %jit3A_1042 = arith.constant 1 : i32
        %select_n3A_1043 = arith.select %eq3A_1041, %jit3A_1042, %jit3A_1039 : i32
        %rem3A_1044 = arith.remsi %add3A_719, %select_n3A_1043 : i32
        %ne3A_1045 = arith.constant 0 : i32
        %ne3A_1046 = arith.cmpi ne, %rem3A_1044, %ne3A_1045 : i32
        %lt3A_1047 = arith.constant 0 : i32
        %lt3A_1048 = arith.cmpi slt, %rem3A_1044, %lt3A_1047 : i32
        %lt3A_1049 = arith.constant 0 : i32
        %lt3A_1050 = arith.cmpi slt, %select_n3A_1043, %lt3A_1049 : i32
        %ne3A_1051 = arith.xori %lt3A_1048, %lt3A_1050 : i1
        %and3A_1052 = arith.andi %ne3A_1051, %ne3A_1046 : i1
        %add3A_1053 = arith.addi %rem3A_1044, %select_n3A_1043 : i32
        %select_n3A_1054 = arith.select %and3A_1052, %add3A_1053, %rem3A_1044 : i32
        %mul3A_1055 = arith.constant 256 : i32
        %mul3A_1056 = arith.muli %select_n3A_1054, %mul3A_1055 : i32
        %add3A_1057 = arith.addi %add3A_1038, %mul3A_1056 : i32
        %dma_wait3A_1058 = tpu.memref_slice %arg2[%add3A_1057] : memref<819200xi32, #tpu.memory_space<hbm>> -> memref<256xi32, #tpu.memory_space<hbm>>
        %dma_wait3A_1059 = tpu.memref_slice %arg2[%add3A_1057] : memref<819200xi32, #tpu.memory_space<hbm>> -> memref<256xi32, #tpu.memory_space<hbm>>
        tpu.wait_dma2 semaphore(%arg13 : memref<!tpu.dma_semaphore, #tpu.memory_space<semaphore_mem>>) src(%dma_wait3A_1059 : memref<256xi32, #tpu.memory_space<hbm>>) dst(%arg5 : memref<256xi32, #tpu.memory_space<vmem>>)
        %dma_start3A_1060 = arith.constant 0 : i32
        %dma_start3A_1061 = arith.constant 0 : i32
        %dma_start3A_1062 = tpu.memref_slice %arg3[%dma_start3A_1060, %dma_start3A_1061] : memref<1000000x128xf32, #tpu.memory_space<hbm>> -> memref<1000000x128xf32, #tpu.memory_space<hbm>>
        tpu.enqueue_indirect_dma source(%dma_start3A_1062 : memref<1000000x128xf32, #tpu.memory_space<hbm>>) target(%arg7 : memref<256x128xf32, #tpu.memory_space<vmem>>) offsets(%arg5 : memref<256xi32, #tpu.memory_space<vmem>>) semaphore(%arg10 : memref<!tpu.dma_semaphore, #tpu.memory_space<semaphore_mem>>)
      } else {
      }
      %dma_wait3A_768 = arith.constant 0 : i32
      %dma_wait3A_769 = arith.constant 0 : i32
      %dma_wait3A_770 = tpu.memref_slice %arg3[%dma_wait3A_768, %dma_wait3A_769] : memref<1000000x128xf32, #tpu.memory_space<hbm>> -> memref<1000000x128xf32, #tpu.memory_space<hbm>>
      tpu.wait_indirect_dma semaphore(%arg11 : memref<!tpu.dma_semaphore, #tpu.memory_space<semaphore_mem>>) src(%dma_wait3A_770 : memref<1000000x128xf32, #tpu.memory_space<hbm>>) dst(%arg8 : memref<256x128xf32, #tpu.memory_space<vmem>>)
      %add3A_771 = arith.constant 2 : i32
      %add3A_772 = arith.addi %add3A_717, %add3A_771 : i32
      %lt3A_773 = arith.constant 100 : i32
      %lt3A_774 = arith.cmpi slt, %add3A_772, %lt3A_773 : i32
      %convert_element_type3A_775 = arith.extui %lt3A_774 : i1 to i32
      %cond3A_776 = arith.constant 0 : i32
      %cond3A_777 = arith.cmpi ne, %convert_element_type3A_775, %cond3A_776 : i32
      scf.if %cond3A_777 {
        %add3A_1012 = arith.constant 2 : i32
        %add3A_1013 = arith.addi %add3A_717, %add3A_1012 : i32
        %jit3A_1014 = arith.constant 2 : i32
        %div3A_1015 = arith.divsi %add3A_1013, %jit3A_1014 : i32
        %sign3A_1016 = arith.constant 0 : i32
        %sign3A_1017 = arith.cmpi sgt, %add3A_1013, %sign3A_1016 : i32
        %sign3A_1018 = arith.extui %sign3A_1017 : i1 to i32
        %sign3A_1019 = arith.constant 0 : i32
        %sign3A_1020 = arith.cmpi slt, %add3A_1013, %sign3A_1019 : i32
        %sign3A_1021 = arith.extui %sign3A_1020 : i1 to i32
        %sign3A_1022 = arith.subi %sign3A_1018, %sign3A_1021 : i32
        %sign3A_1023 = arith.constant 0 : i32
        %sign3A_1024 = arith.cmpi sgt, %jit3A_1014, %sign3A_1023 : i32
        %sign3A_1025 = arith.extui %sign3A_1024 : i1 to i32
        %sign3A_1026 = arith.constant 0 : i32
        %sign3A_1027 = arith.cmpi slt, %jit3A_1014, %sign3A_1026 : i32
        %sign3A_1028 = arith.extui %sign3A_1027 : i1 to i32
        %sign3A_1029 = arith.subi %sign3A_1025, %sign3A_1028 : i32
        %ne3A_1030 = arith.cmpi ne, %sign3A_1022, %sign3A_1029 : i32
        %rem3A_1031 = arith.remsi %add3A_1013, %jit3A_1014 : i32
        %ne3A_1032 = arith.constant 0 : i32
        %ne3A_1033 = arith.cmpi ne, %rem3A_1031, %ne3A_1032 : i32
        %and3A_1034 = arith.andi %ne3A_1030, %ne3A_1033 : i1
        %sub3A_1035 = arith.constant 1 : i32
        %sub3A_1036 = arith.subi %div3A_1015, %sub3A_1035 : i32
        %select_n3A_1037 = arith.select %and3A_1034, %sub3A_1036, %div3A_1015 : i32
        %mul3A_1038 = arith.constant 16384 : i32
        %mul3A_1039 = arith.muli %select_n3A_1037, %mul3A_1038 : i32
        %add3A_1040 = arith.addi %mul3A_1039, %mul3A_2 : i32
        %jit3A_1041 = arith.constant 2 : i32
        %eq3A_1042 = arith.constant 0 : i32
        %eq3A_1043 = arith.cmpi eq, %jit3A_1041, %eq3A_1042 : i32
        %jit3A_1044 = arith.constant 1 : i32
        %select_n3A_1045 = arith.select %eq3A_1043, %jit3A_1044, %jit3A_1041 : i32
        %rem3A_1046 = arith.remsi %add3A_1013, %select_n3A_1045 : i32
        %ne3A_1047 = arith.constant 0 : i32
        %ne3A_1048 = arith.cmpi ne, %rem3A_1046, %ne3A_1047 : i32
        %lt3A_1049 = arith.constant 0 : i32
        %lt3A_1050 = arith.cmpi slt, %rem3A_1046, %lt3A_1049 : i32
        %lt3A_1051 = arith.constant 0 : i32
        %lt3A_1052 = arith.cmpi slt, %select_n3A_1045, %lt3A_1051 : i32
        %ne3A_1053 = arith.xori %lt3A_1050, %lt3A_1052 : i1
        %and3A_1054 = arith.andi %ne3A_1053, %ne3A_1048 : i1
        %add3A_1055 = arith.addi %rem3A_1046, %select_n3A_1045 : i32
        %select_n3A_1056 = arith.select %and3A_1054, %add3A_1055, %rem3A_1046 : i32
        %mul3A_1057 = arith.constant 256 : i32
        %mul3A_1058 = arith.muli %select_n3A_1056, %mul3A_1057 : i32
        %add3A_1059 = arith.addi %add3A_1040, %mul3A_1058 : i32
        %dma_start3A_1060 = tpu.memref_slice %arg2[%add3A_1059] : memref<819200xi32, #tpu.memory_space<hbm>> -> memref<256xi32, #tpu.memory_space<hbm>>
        %dma_start3A_1061 = tpu.memref_slice %arg2[%add3A_1059] : memref<819200xi32, #tpu.memory_space<hbm>> -> memref<256xi32, #tpu.memory_space<hbm>>
        tpu.enqueue_dma source(%dma_start3A_1061 : memref<256xi32, #tpu.memory_space<hbm>>) target(%arg6 : memref<256xi32, #tpu.memory_space<vmem>>) target_semaphore(%arg14 : memref<!tpu.dma_semaphore, #tpu.memory_space<semaphore_mem>>)
      } else {
      }
      %gt3A_778 = arith.constant 0 : i32
      %gt3A_779 = arith.cmpi sgt, %add3A_717, %gt3A_778 : i32
      %convert_element_type3A_780 = arith.extui %gt3A_779 : i1 to i32
      %cond3A_781 = arith.constant 0 : i32
      %cond3A_782 = arith.cmpi ne, %convert_element_type3A_780, %cond3A_781 : i32
      scf.if %cond3A_782 {
        %add3A_1012 = arith.constant 0 : i32
        %add3A_1013 = arith.addi %add3A_762, %add3A_1012 : i32
        %dma_wait3A_1014 = arith.constant 0 : i32
        %dma_wait3A_1015 = arith.constant 0 : i32
        %dma_wait3A_1016 = tpu.memref_slice %arg9[%dma_wait3A_1014, %dma_wait3A_1015] : memref<128x128xf32, #tpu.memory_space<vmem>> -> memref<8x128xf32, #tpu.memory_space<vmem>>
        %dma_wait3A_1017 = arith.constant 0 : i32
        %dma_wait3A_1018 = tpu.memref_slice %arg4[%select_n3A_743, %dma_wait3A_1017, %add3A_1013] : memref<50x64x16384xf32, #tpu.memory_space<hbm>> -> memref<1x8x128xf32, #tpu.memory_space<hbm>>
        %dma_wait3A_1019 = tpu.memref_squeeze %dma_wait3A_1018 : memref<1x8x128xf32, #tpu.memory_space<hbm>> -> memref<8x128xf32, #tpu.memory_space<hbm>>
        %dma_wait3A_1020 = arith.constant 0 : i32
        %dma_wait3A_1021 = tpu.memref_slice %arg4[%select_n3A_743, %dma_wait3A_1020, %add3A_1013] : memref<50x64x16384xf32, #tpu.memory_space<hbm>> -> memref<1x8x128xf32, #tpu.memory_space<hbm>>
        %dma_wait3A_1022 = tpu.memref_squeeze %dma_wait3A_1021 : memref<1x8x128xf32, #tpu.memory_space<hbm>> -> memref<8x128xf32, #tpu.memory_space<hbm>>
        %dma_wait3A_1023 = arith.constant 0 : i32
        %dma_wait3A_1024 = arith.constant 0 : i32
        %dma_wait3A_1025 = tpu.memref_slice %arg9[%dma_wait3A_1023, %dma_wait3A_1024] : memref<128x128xf32, #tpu.memory_space<vmem>> -> memref<8x128xf32, #tpu.memory_space<vmem>>
        tpu.wait_dma2 semaphore(%arg12 : memref<!tpu.dma_semaphore, #tpu.memory_space<semaphore_mem>>) src(%dma_wait3A_1025 : memref<8x128xf32, #tpu.memory_space<vmem>>) dst(%dma_wait3A_1022 : memref<8x128xf32, #tpu.memory_space<hbm>>)
        %add3A_1026 = arith.constant 128 : i32
        %add3A_1027 = arith.addi %add3A_762, %add3A_1026 : i32
        %dma_wait3A_1028 = arith.constant 8 : i32
        %dma_wait3A_1029 = arith.constant 0 : i32
        %dma_wait3A_1030 = tpu.memref_slice %arg9[%dma_wait3A_1028, %dma_wait3A_1029] : memref<128x128xf32, #tpu.memory_space<vmem>> -> memref<8x128xf32, #tpu.memory_space<vmem>>
        %dma_wait3A_1031 = arith.constant 0 : i32
        %dma_wait3A_1032 = tpu.memref_slice %arg4[%select_n3A_743, %dma_wait3A_1031, %add3A_1027] : memref<50x64x16384xf32, #tpu.memory_space<hbm>> -> memref<1x8x128xf32, #tpu.memory_space<hbm>>
        %dma_wait3A_1033 = tpu.memref_squeeze %dma_wait3A_1032 : memref<1x8x128xf32, #tpu.memory_space<hbm>> -> memref<8x128xf32, #tpu.memory_space<hbm>>
        %dma_wait3A_1034 = arith.constant 0 : i32
        %dma_wait3A_1035 = tpu.memref_slice %arg4[%select_n3A_743, %dma_wait3A_1034, %add3A_1027] : memref<50x64x16384xf32, #tpu.memory_space<hbm>> -> memref<1x8x128xf32, #tpu.memory_space<hbm>>
        %dma_wait3A_1036 = tpu.memref_squeeze %dma_wait3A_1035 : memref<1x8x128xf32, #tpu.memory_space<hbm>> -> memref<8x128xf32, #tpu.memory_space<hbm>>
        %dma_wait3A_1037 = arith.constant 8 : i32
        %dma_wait3A_1038 = arith.constant 0 : i32
        %dma_wait3A_1039 = tpu.memref_slice %arg9[%dma_wait3A_1037, %dma_wait3A_1038] : memref<128x128xf32, #tpu.memory_space<vmem>> -> memref<8x128xf32, #tpu.memory_space<vmem>>
        tpu.wait_dma2 semaphore(%arg12 : memref<!tpu.dma_semaphore, #tpu.memory_space<semaphore_mem>>) src(%dma_wait3A_1039 : memref<8x128xf32, #tpu.memory_space<vmem>>) dst(%dma_wait3A_1036 : memref<8x128xf32, #tpu.memory_space<hbm>>)
        %add3A_1040 = arith.constant 0 : i32
        %add3A_1041 = arith.addi %add3A_762, %add3A_1040 : i32
        %dma_wait3A_1042 = arith.constant 16 : i32
        %dma_wait3A_1043 = arith.constant 0 : i32
        %dma_wait3A_1044 = tpu.memref_slice %arg9[%dma_wait3A_1042, %dma_wait3A_1043] : memref<128x128xf32, #tpu.memory_space<vmem>> -> memref<8x128xf32, #tpu.memory_space<vmem>>
        %dma_wait3A_1045 = arith.constant 8 : i32
        %dma_wait3A_1046 = tpu.memref_slice %arg4[%select_n3A_743, %dma_wait3A_1045, %add3A_1041] : memref<50x64x16384xf32, #tpu.memory_space<hbm>> -> memref<1x8x128xf32, #tpu.memory_space<hbm>>
        %dma_wait3A_1047 = tpu.memref_squeeze %dma_wait3A_1046 : memref<1x8x128xf32, #tpu.memory_space<hbm>> -> memref<8x128xf32, #tpu.memory_space<hbm>>
        %dma_wait3A_1048 = arith.constant 8 : i32
        %dma_wait3A_1049 = tpu.memref_slice %arg4[%select_n3A_743, %dma_wait3A_1048, %add3A_1041] : memref<50x64x16384xf32, #tpu.memory_space<hbm>> -> memref<1x8x128xf32, #tpu.memory_space<hbm>>
        %dma_wait3A_1050 = tpu.memref_squeeze %dma_wait3A_1049 : memref<1x8x128xf32, #tpu.memory_space<hbm>> -> memref<8x128xf32, #tpu.memory_space<hbm>>
        %dma_wait3A_1051 = arith.constant 16 : i32
        %dma_wait3A_1052 = arith.constant 0 : i32
        %dma_wait3A_1053 = tpu.memref_slice %arg9[%dma_wait3A_1051, %dma_wait3A_1052] : memref<128x128xf32, #tpu.memory_space<vmem>> -> memref<8x128xf32, #tpu.memory_space<vmem>>
        tpu.wait_dma2 semaphore(%arg12 : memref<!tpu.dma_semaphore, #tpu.memory_space<semaphore_mem>>) src(%dma_wait3A_1053 : memref<8x128xf32, #tpu.memory_space<vmem>>) dst(%dma_wait3A_1050 : memref<8x128xf32, #tpu.memory_space<hbm>>)
        %add3A_1054 = arith.constant 128 : i32
        %add3A_1055 = arith.addi %add3A_762, %add3A_1054 : i32
        %dma_wait3A_1056 = arith.constant 24 : i32
        %dma_wait3A_1057 = arith.constant 0 : i32
        %dma_wait3A_1058 = tpu.memref_slice %arg9[%dma_wait3A_1056, %dma_wait3A_1057] : memref<128x128xf32, #tpu.memory_space<vmem>> -> memref<8x128xf32, #tpu.memory_space<vmem>>
        %dma_wait3A_1059 = arith.constant 8 : i32
        %dma_wait3A_1060 = tpu.memref_slice %arg4[%select_n3A_743, %dma_wait3A_1059, %add3A_1055] : memref<50x64x16384xf32, #tpu.memory_space<hbm>> -> memref<1x8x128xf32, #tpu.memory_space<hbm>>
        %dma_wait3A_1061 = tpu.memref_squeeze %dma_wait3A_1060 : memref<1x8x128xf32, #tpu.memory_space<hbm>> -> memref<8x128xf32, #tpu.memory_space<hbm>>
        %dma_wait3A_1062 = arith.constant 8 : i32
        %dma_wait3A_1063 = tpu.memref_slice %arg4[%select_n3A_743, %dma_wait3A_1062, %add3A_1055] : memref<50x64x16384xf32, #tpu.memory_space<hbm>> -> memref<1x8x128xf32, #tpu.memory_space<hbm>>
        %dma_wait3A_1064 = tpu.memref_squeeze %dma_wait3A_1063 : memref<1x8x128xf32, #tpu.memory_space<hbm>> -> memref<8x128xf32, #tpu.memory_space<hbm>>
        %dma_wait3A_1065 = arith.constant 24 : i32
        %dma_wait3A_1066 = arith.constant 0 : i32
        %dma_wait3A_1067 = tpu.memref_slice %arg9[%dma_wait3A_1065, %dma_wait3A_1066] : memref<128x128xf32, #tpu.memory_space<vmem>> -> memref<8x128xf32, #tpu.memory_space<vmem>>
        tpu.wait_dma2 semaphore(%arg12 : memref<!tpu.dma_semaphore, #tpu.memory_space<semaphore_mem>>) src(%dma_wait3A_1067 : memref<8x128xf32, #tpu.memory_space<vmem>>) dst(%dma_wait3A_1064 : memref<8x128xf32, #tpu.memory_space<hbm>>)
        %add3A_1068 = arith.constant 0 : i32
        %add3A_1069 = arith.addi %add3A_762, %add3A_1068 : i32
        %dma_wait3A_1070 = arith.constant 32 : i32
        %dma_wait3A_1071 = arith.constant 0 : i32
        %dma_wait3A_1072 = tpu.memref_slice %arg9[%dma_wait3A_1070, %dma_wait3A_1071] : memref<128x128xf32, #tpu.memory_space<vmem>> -> memref<8x128xf32, #tpu.memory_space<vmem>>
        %dma_wait3A_1073 = arith.constant 16 : i32
        %dma_wait3A_1074 = tpu.memref_slice %arg4[%select_n3A_743, %dma_wait3A_1073, %add3A_1069] : memref<50x64x16384xf32, #tpu.memory_space<hbm>> -> memref<1x8x128xf32, #tpu.memory_space<hbm>>
        %dma_wait3A_1075 = tpu.memref_squeeze %dma_wait3A_1074 : memref<1x8x128xf32, #tpu.memory_space<hbm>> -> memref<8x128xf32, #tpu.memory_space<hbm>>
        %dma_wait3A_1076 = arith.constant 16 : i32
        %dma_wait3A_1077 = tpu.memref_slice %arg4[%select_n3A_743, %dma_wait3A_1076, %add3A_1069] : memref<50x64x16384xf32, #tpu.memory_space<hbm>> -> memref<1x8x128xf32, #tpu.memory_space<hbm>>
        %dma_wait3A_1078 = tpu.memref_squeeze %dma_wait3A_1077 : memref<1x8x128xf32, #tpu.memory_space<hbm>> -> memref<8x128xf32, #tpu.memory_space<hbm>>
        %dma_wait3A_1079 = arith.constant 32 : i32
        %dma_wait3A_1080 = arith.constant 0 : i32
        %dma_wait3A_1081 = tpu.memref_slice %arg9[%dma_wait3A_1079, %dma_wait3A_1080] : memref<128x128xf32, #tpu.memory_space<vmem>> -> memref<8x128xf32, #tpu.memory_space<vmem>>
        tpu.wait_dma2 semaphore(%arg12 : memref<!tpu.dma_semaphore, #tpu.memory_space<semaphore_mem>>) src(%dma_wait3A_1081 : memref<8x128xf32, #tpu.memory_space<vmem>>) dst(%dma_wait3A_1078 : memref<8x128xf32, #tpu.memory_space<hbm>>)
        %add3A_1082 = arith.constant 128 : i32
        %add3A_1083 = arith.addi %add3A_762, %add3A_1082 : i32
        %dma_wait3A_1084 = arith.constant 40 : i32
        %dma_wait3A_1085 = arith.constant 0 : i32
        %dma_wait3A_1086 = tpu.memref_slice %arg9[%dma_wait3A_1084, %dma_wait3A_1085] : memref<128x128xf32, #tpu.memory_space<vmem>> -> memref<8x128xf32, #tpu.memory_space<vmem>>
        %dma_wait3A_1087 = arith.constant 16 : i32
        %dma_wait3A_1088 = tpu.memref_slice %arg4[%select_n3A_743, %dma_wait3A_1087, %add3A_1083] : memref<50x64x16384xf32, #tpu.memory_space<hbm>> -> memref<1x8x128xf32, #tpu.memory_space<hbm>>
        %dma_wait3A_1089 = tpu.memref_squeeze %dma_wait3A_1088 : memref<1x8x128xf32, #tpu.memory_space<hbm>> -> memref<8x128xf32, #tpu.memory_space<hbm>>
        %dma_wait3A_1090 = arith.constant 16 : i32
        %dma_wait3A_1091 = tpu.memref_slice %arg4[%select_n3A_743, %dma_wait3A_1090, %add3A_1083] : memref<50x64x16384xf32, #tpu.memory_space<hbm>> -> memref<1x8x128xf32, #tpu.memory_space<hbm>>
        %dma_wait3A_1092 = tpu.memref_squeeze %dma_wait3A_1091 : memref<1x8x128xf32, #tpu.memory_space<hbm>> -> memref<8x128xf32, #tpu.memory_space<hbm>>
        %dma_wait3A_1093 = arith.constant 40 : i32
        %dma_wait3A_1094 = arith.constant 0 : i32
        %dma_wait3A_1095 = tpu.memref_slice %arg9[%dma_wait3A_1093, %dma_wait3A_1094] : memref<128x128xf32, #tpu.memory_space<vmem>> -> memref<8x128xf32, #tpu.memory_space<vmem>>
        tpu.wait_dma2 semaphore(%arg12 : memref<!tpu.dma_semaphore, #tpu.memory_space<semaphore_mem>>) src(%dma_wait3A_1095 : memref<8x128xf32, #tpu.memory_space<vmem>>) dst(%dma_wait3A_1092 : memref<8x128xf32, #tpu.memory_space<hbm>>)
        %add3A_1096 = arith.constant 0 : i32
        %add3A_1097 = arith.addi %add3A_762, %add3A_1096 : i32
        %dma_wait3A_1098 = arith.constant 48 : i32
        %dma_wait3A_1099 = arith.constant 0 : i32
        %dma_wait3A_1100 = tpu.memref_slice %arg9[%dma_wait3A_1098, %dma_wait3A_1099] : memref<128x128xf32, #tpu.memory_space<vmem>> -> memref<8x128xf32, #tpu.memory_space<vmem>>
        %dma_wait3A_1101 = arith.constant 24 : i32
        %dma_wait3A_1102 = tpu.memref_slice %arg4[%select_n3A_743, %dma_wait3A_1101, %add3A_1097] : memref<50x64x16384xf32, #tpu.memory_space<hbm>> -> memref<1x8x128xf32, #tpu.memory_space<hbm>>
        %dma_wait3A_1103 = tpu.memref_squeeze %dma_wait3A_1102 : memref<1x8x128xf32, #tpu.memory_space<hbm>> -> memref<8x128xf32, #tpu.memory_space<hbm>>
        %dma_wait3A_1104 = arith.constant 24 : i32
        %dma_wait3A_1105 = tpu.memref_slice %arg4[%select_n3A_743, %dma_wait3A_1104, %add3A_1097] : memref<50x64x16384xf32, #tpu.memory_space<hbm>> -> memref<1x8x128xf32, #tpu.memory_space<hbm>>
        %dma_wait3A_1106 = tpu.memref_squeeze %dma_wait3A_1105 : memref<1x8x128xf32, #tpu.memory_space<hbm>> -> memref<8x128xf32, #tpu.memory_space<hbm>>
        %dma_wait3A_1107 = arith.constant 48 : i32
        %dma_wait3A_1108 = arith.constant 0 : i32
        %dma_wait3A_1109 = tpu.memref_slice %arg9[%dma_wait3A_1107, %dma_wait3A_1108] : memref<128x128xf32, #tpu.memory_space<vmem>> -> memref<8x128xf32, #tpu.memory_space<vmem>>
        tpu.wait_dma2 semaphore(%arg12 : memref<!tpu.dma_semaphore, #tpu.memory_space<semaphore_mem>>) src(%dma_wait3A_1109 : memref<8x128xf32, #tpu.memory_space<vmem>>) dst(%dma_wait3A_1106 : memref<8x128xf32, #tpu.memory_space<hbm>>)
        %add3A_1110 = arith.constant 128 : i32
        %add3A_1111 = arith.addi %add3A_762, %add3A_1110 : i32
        %dma_wait3A_1112 = arith.constant 56 : i32
        %dma_wait3A_1113 = arith.constant 0 : i32
        %dma_wait3A_1114 = tpu.memref_slice %arg9[%dma_wait3A_1112, %dma_wait3A_1113] : memref<128x128xf32, #tpu.memory_space<vmem>> -> memref<8x128xf32, #tpu.memory_space<vmem>>
        %dma_wait3A_1115 = arith.constant 24 : i32
        %dma_wait3A_1116 = tpu.memref_slice %arg4[%select_n3A_743, %dma_wait3A_1115, %add3A_1111] : memref<50x64x16384xf32, #tpu.memory_space<hbm>> -> memref<1x8x128xf32, #tpu.memory_space<hbm>>
        %dma_wait3A_1117 = tpu.memref_squeeze %dma_wait3A_1116 : memref<1x8x128xf32, #tpu.memory_space<hbm>> -> memref<8x128xf32, #tpu.memory_space<hbm>>
        %dma_wait3A_1118 = arith.constant 24 : i32
        %dma_wait3A_1119 = tpu.memref_slice %arg4[%select_n3A_743, %dma_wait3A_1118, %add3A_1111] : memref<50x64x16384xf32, #tpu.memory_space<hbm>> -> memref<1x8x128xf32, #tpu.memory_space<hbm>>
        %dma_wait3A_1120 = tpu.memref_squeeze %dma_wait3A_1119 : memref<1x8x128xf32, #tpu.memory_space<hbm>> -> memref<8x128xf32, #tpu.memory_space<hbm>>
        %dma_wait3A_1121 = arith.constant 56 : i32
        %dma_wait3A_1122 = arith.constant 0 : i32
        %dma_wait3A_1123 = tpu.memref_slice %arg9[%dma_wait3A_1121, %dma_wait3A_1122] : memref<128x128xf32, #tpu.memory_space<vmem>> -> memref<8x128xf32, #tpu.memory_space<vmem>>
        tpu.wait_dma2 semaphore(%arg12 : memref<!tpu.dma_semaphore, #tpu.memory_space<semaphore_mem>>) src(%dma_wait3A_1123 : memref<8x128xf32, #tpu.memory_space<vmem>>) dst(%dma_wait3A_1120 : memref<8x128xf32, #tpu.memory_space<hbm>>)
        %add3A_1124 = arith.constant 0 : i32
        %add3A_1125 = arith.addi %add3A_762, %add3A_1124 : i32
        %dma_wait3A_1126 = arith.constant 64 : i32
        %dma_wait3A_1127 = arith.constant 0 : i32
        %dma_wait3A_1128 = tpu.memref_slice %arg9[%dma_wait3A_1126, %dma_wait3A_1127] : memref<128x128xf32, #tpu.memory_space<vmem>> -> memref<8x128xf32, #tpu.memory_space<vmem>>
        %dma_wait3A_1129 = arith.constant 32 : i32
        %dma_wait3A_1130 = tpu.memref_slice %arg4[%select_n3A_743, %dma_wait3A_1129, %add3A_1125] : memref<50x64x16384xf32, #tpu.memory_space<hbm>> -> memref<1x8x128xf32, #tpu.memory_space<hbm>>
        %dma_wait3A_1131 = tpu.memref_squeeze %dma_wait3A_1130 : memref<1x8x128xf32, #tpu.memory_space<hbm>> -> memref<8x128xf32, #tpu.memory_space<hbm>>
        %dma_wait3A_1132 = arith.constant 32 : i32
        %dma_wait3A_1133 = tpu.memref_slice %arg4[%select_n3A_743, %dma_wait3A_1132, %add3A_1125] : memref<50x64x16384xf32, #tpu.memory_space<hbm>> -> memref<1x8x128xf32, #tpu.memory_space<hbm>>
        %dma_wait3A_1134 = tpu.memref_squeeze %dma_wait3A_1133 : memref<1x8x128xf32, #tpu.memory_space<hbm>> -> memref<8x128xf32, #tpu.memory_space<hbm>>
        %dma_wait3A_1135 = arith.constant 64 : i32
        %dma_wait3A_1136 = arith.constant 0 : i32
        %dma_wait3A_1137 = tpu.memref_slice %arg9[%dma_wait3A_1135, %dma_wait3A_1136] : memref<128x128xf32, #tpu.memory_space<vmem>> -> memref<8x128xf32, #tpu.memory_space<vmem>>
        tpu.wait_dma2 semaphore(%arg12 : memref<!tpu.dma_semaphore, #tpu.memory_space<semaphore_mem>>) src(%dma_wait3A_1137 : memref<8x128xf32, #tpu.memory_space<vmem>>) dst(%dma_wait3A_1134 : memref<8x128xf32, #tpu.memory_space<hbm>>)
        %add3A_1138 = arith.constant 128 : i32
        %add3A_1139 = arith.addi %add3A_762, %add3A_1138 : i32
        %dma_wait3A_1140 = arith.constant 72 : i32
        %dma_wait3A_1141 = arith.constant 0 : i32
        %dma_wait3A_1142 = tpu.memref_slice %arg9[%dma_wait3A_1140, %dma_wait3A_1141] : memref<128x128xf32, #tpu.memory_space<vmem>> -> memref<8x128xf32, #tpu.memory_space<vmem>>
        %dma_wait3A_1143 = arith.constant 32 : i32
        %dma_wait3A_1144 = tpu.memref_slice %arg4[%select_n3A_743, %dma_wait3A_1143, %add3A_1139] : memref<50x64x16384xf32, #tpu.memory_space<hbm>> -> memref<1x8x128xf32, #tpu.memory_space<hbm>>
        %dma_wait3A_1145 = tpu.memref_squeeze %dma_wait3A_1144 : memref<1x8x128xf32, #tpu.memory_space<hbm>> -> memref<8x128xf32, #tpu.memory_space<hbm>>
        %dma_wait3A_1146 = arith.constant 32 : i32
        %dma_wait3A_1147 = tpu.memref_slice %arg4[%select_n3A_743, %dma_wait3A_1146, %add3A_1139] : memref<50x64x16384xf32, #tpu.memory_space<hbm>> -> memref<1x8x128xf32, #tpu.memory_space<hbm>>
        %dma_wait3A_1148 = tpu.memref_squeeze %dma_wait3A_1147 : memref<1x8x128xf32, #tpu.memory_space<hbm>> -> memref<8x128xf32, #tpu.memory_space<hbm>>
        %dma_wait3A_1149 = arith.constant 72 : i32
        %dma_wait3A_1150 = arith.constant 0 : i32
        %dma_wait3A_1151 = tpu.memref_slice %arg9[%dma_wait3A_1149, %dma_wait3A_1150] : memref<128x128xf32, #tpu.memory_space<vmem>> -> memref<8x128xf32, #tpu.memory_space<vmem>>
        tpu.wait_dma2 semaphore(%arg12 : memref<!tpu.dma_semaphore, #tpu.memory_space<semaphore_mem>>) src(%dma_wait3A_1151 : memref<8x128xf32, #tpu.memory_space<vmem>>) dst(%dma_wait3A_1148 : memref<8x128xf32, #tpu.memory_space<hbm>>)
        %add3A_1152 = arith.constant 0 : i32
        %add3A_1153 = arith.addi %add3A_762, %add3A_1152 : i32
        %dma_wait3A_1154 = arith.constant 80 : i32
        %dma_wait3A_1155 = arith.constant 0 : i32
        %dma_wait3A_1156 = tpu.memref_slice %arg9[%dma_wait3A_1154, %dma_wait3A_1155] : memref<128x128xf32, #tpu.memory_space<vmem>> -> memref<8x128xf32, #tpu.memory_space<vmem>>
        %dma_wait3A_1157 = arith.constant 40 : i32
        %dma_wait3A_1158 = tpu.memref_slice %arg4[%select_n3A_743, %dma_wait3A_1157, %add3A_1153] : memref<50x64x16384xf32, #tpu.memory_space<hbm>> -> memref<1x8x128xf32, #tpu.memory_space<hbm>>
        %dma_wait3A_1159 = tpu.memref_squeeze %dma_wait3A_1158 : memref<1x8x128xf32, #tpu.memory_space<hbm>> -> memref<8x128xf32, #tpu.memory_space<hbm>>
        %dma_wait3A_1160 = arith.constant 40 : i32
        %dma_wait3A_1161 = tpu.memref_slice %arg4[%select_n3A_743, %dma_wait3A_1160, %add3A_1153] : memref<50x64x16384xf32, #tpu.memory_space<hbm>> -> memref<1x8x128xf32, #tpu.memory_space<hbm>>
        %dma_wait3A_1162 = tpu.memref_squeeze %dma_wait3A_1161 : memref<1x8x128xf32, #tpu.memory_space<hbm>> -> memref<8x128xf32, #tpu.memory_space<hbm>>
        %dma_wait3A_1163 = arith.constant 80 : i32
        %dma_wait3A_1164 = arith.constant 0 : i32
        %dma_wait3A_1165 = tpu.memref_slice %arg9[%dma_wait3A_1163, %dma_wait3A_1164] : memref<128x128xf32, #tpu.memory_space<vmem>> -> memref<8x128xf32, #tpu.memory_space<vmem>>
        tpu.wait_dma2 semaphore(%arg12 : memref<!tpu.dma_semaphore, #tpu.memory_space<semaphore_mem>>) src(%dma_wait3A_1165 : memref<8x128xf32, #tpu.memory_space<vmem>>) dst(%dma_wait3A_1162 : memref<8x128xf32, #tpu.memory_space<hbm>>)
        %add3A_1166 = arith.constant 128 : i32
        %add3A_1167 = arith.addi %add3A_762, %add3A_1166 : i32
        %dma_wait3A_1168 = arith.constant 88 : i32
        %dma_wait3A_1169 = arith.constant 0 : i32
        %dma_wait3A_1170 = tpu.memref_slice %arg9[%dma_wait3A_1168, %dma_wait3A_1169] : memref<128x128xf32, #tpu.memory_space<vmem>> -> memref<8x128xf32, #tpu.memory_space<vmem>>
        %dma_wait3A_1171 = arith.constant 40 : i32
        %dma_wait3A_1172 = tpu.memref_slice %arg4[%select_n3A_743, %dma_wait3A_1171, %add3A_1167] : memref<50x64x16384xf32, #tpu.memory_space<hbm>> -> memref<1x8x128xf32, #tpu.memory_space<hbm>>
        %dma_wait3A_1173 = tpu.memref_squeeze %dma_wait3A_1172 : memref<1x8x128xf32, #tpu.memory_space<hbm>> -> memref<8x128xf32, #tpu.memory_space<hbm>>
        %dma_wait3A_1174 = arith.constant 40 : i32
        %dma_wait3A_1175 = tpu.memref_slice %arg4[%select_n3A_743, %dma_wait3A_1174, %add3A_1167] : memref<50x64x16384xf32, #tpu.memory_space<hbm>> -> memref<1x8x128xf32, #tpu.memory_space<hbm>>
        %dma_wait3A_1176 = tpu.memref_squeeze %dma_wait3A_1175 : memref<1x8x128xf32, #tpu.memory_space<hbm>> -> memref<8x128xf32, #tpu.memory_space<hbm>>
        %dma_wait3A_1177 = arith.constant 88 : i32
        %dma_wait3A_1178 = arith.constant 0 : i32
        %dma_wait3A_1179 = tpu.memref_slice %arg9[%dma_wait3A_1177, %dma_wait3A_1178] : memref<128x128xf32, #tpu.memory_space<vmem>> -> memref<8x128xf32, #tpu.memory_space<vmem>>
        tpu.wait_dma2 semaphore(%arg12 : memref<!tpu.dma_semaphore, #tpu.memory_space<semaphore_mem>>) src(%dma_wait3A_1179 : memref<8x128xf32, #tpu.memory_space<vmem>>) dst(%dma_wait3A_1176 : memref<8x128xf32, #tpu.memory_space<hbm>>)
        %add3A_1180 = arith.constant 0 : i32
        %add3A_1181 = arith.addi %add3A_762, %add3A_1180 : i32
        %dma_wait3A_1182 = arith.constant 96 : i32
        %dma_wait3A_1183 = arith.constant 0 : i32
        %dma_wait3A_1184 = tpu.memref_slice %arg9[%dma_wait3A_1182, %dma_wait3A_1183] : memref<128x128xf32, #tpu.memory_space<vmem>> -> memref<8x128xf32, #tpu.memory_space<vmem>>
        %dma_wait3A_1185 = arith.constant 48 : i32
        %dma_wait3A_1186 = tpu.memref_slice %arg4[%select_n3A_743, %dma_wait3A_1185, %add3A_1181] : memref<50x64x16384xf32, #tpu.memory_space<hbm>> -> memref<1x8x128xf32, #tpu.memory_space<hbm>>
        %dma_wait3A_1187 = tpu.memref_squeeze %dma_wait3A_1186 : memref<1x8x128xf32, #tpu.memory_space<hbm>> -> memref<8x128xf32, #tpu.memory_space<hbm>>
        %dma_wait3A_1188 = arith.constant 48 : i32
        %dma_wait3A_1189 = tpu.memref_slice %arg4[%select_n3A_743, %dma_wait3A_1188, %add3A_1181] : memref<50x64x16384xf32, #tpu.memory_space<hbm>> -> memref<1x8x128xf32, #tpu.memory_space<hbm>>
        %dma_wait3A_1190 = tpu.memref_squeeze %dma_wait3A_1189 : memref<1x8x128xf32, #tpu.memory_space<hbm>> -> memref<8x128xf32, #tpu.memory_space<hbm>>
        %dma_wait3A_1191 = arith.constant 96 : i32
        %dma_wait3A_1192 = arith.constant 0 : i32
        %dma_wait3A_1193 = tpu.memref_slice %arg9[%dma_wait3A_1191, %dma_wait3A_1192] : memref<128x128xf32, #tpu.memory_space<vmem>> -> memref<8x128xf32, #tpu.memory_space<vmem>>
        tpu.wait_dma2 semaphore(%arg12 : memref<!tpu.dma_semaphore, #tpu.memory_space<semaphore_mem>>) src(%dma_wait3A_1193 : memref<8x128xf32, #tpu.memory_space<vmem>>) dst(%dma_wait3A_1190 : memref<8x128xf32, #tpu.memory_space<hbm>>)
        %add3A_1194 = arith.constant 128 : i32
        %add3A_1195 = arith.addi %add3A_762, %add3A_1194 : i32
        %dma_wait3A_1196 = arith.constant 104 : i32
        %dma_wait3A_1197 = arith.constant 0 : i32
        %dma_wait3A_1198 = tpu.memref_slice %arg9[%dma_wait3A_1196, %dma_wait3A_1197] : memref<128x128xf32, #tpu.memory_space<vmem>> -> memref<8x128xf32, #tpu.memory_space<vmem>>
        %dma_wait3A_1199 = arith.constant 48 : i32
        %dma_wait3A_1200 = tpu.memref_slice %arg4[%select_n3A_743, %dma_wait3A_1199, %add3A_1195] : memref<50x64x16384xf32, #tpu.memory_space<hbm>> -> memref<1x8x128xf32, #tpu.memory_space<hbm>>
        %dma_wait3A_1201 = tpu.memref_squeeze %dma_wait3A_1200 : memref<1x8x128xf32, #tpu.memory_space<hbm>> -> memref<8x128xf32, #tpu.memory_space<hbm>>
        %dma_wait3A_1202 = arith.constant 48 : i32
        %dma_wait3A_1203 = tpu.memref_slice %arg4[%select_n3A_743, %dma_wait3A_1202, %add3A_1195] : memref<50x64x16384xf32, #tpu.memory_space<hbm>> -> memref<1x8x128xf32, #tpu.memory_space<hbm>>
        %dma_wait3A_1204 = tpu.memref_squeeze %dma_wait3A_1203 : memref<1x8x128xf32, #tpu.memory_space<hbm>> -> memref<8x128xf32, #tpu.memory_space<hbm>>
        %dma_wait3A_1205 = arith.constant 104 : i32
        %dma_wait3A_1206 = arith.constant 0 : i32
        %dma_wait3A_1207 = tpu.memref_slice %arg9[%dma_wait3A_1205, %dma_wait3A_1206] : memref<128x128xf32, #tpu.memory_space<vmem>> -> memref<8x128xf32, #tpu.memory_space<vmem>>
        tpu.wait_dma2 semaphore(%arg12 : memref<!tpu.dma_semaphore, #tpu.memory_space<semaphore_mem>>) src(%dma_wait3A_1207 : memref<8x128xf32, #tpu.memory_space<vmem>>) dst(%dma_wait3A_1204 : memref<8x128xf32, #tpu.memory_space<hbm>>)
        %add3A_1208 = arith.constant 0 : i32
        %add3A_1209 = arith.addi %add3A_762, %add3A_1208 : i32
        %dma_wait3A_1210 = arith.constant 112 : i32
        %dma_wait3A_1211 = arith.constant 0 : i32
        %dma_wait3A_1212 = tpu.memref_slice %arg9[%dma_wait3A_1210, %dma_wait3A_1211] : memref<128x128xf32, #tpu.memory_space<vmem>> -> memref<8x128xf32, #tpu.memory_space<vmem>>
        %dma_wait3A_1213 = arith.constant 56 : i32
        %dma_wait3A_1214 = tpu.memref_slice %arg4[%select_n3A_743, %dma_wait3A_1213, %add3A_1209] : memref<50x64x16384xf32, #tpu.memory_space<hbm>> -> memref<1x8x128xf32, #tpu.memory_space<hbm>>
        %dma_wait3A_1215 = tpu.memref_squeeze %dma_wait3A_1214 : memref<1x8x128xf32, #tpu.memory_space<hbm>> -> memref<8x128xf32, #tpu.memory_space<hbm>>
        %dma_wait3A_1216 = arith.constant 56 : i32
        %dma_wait3A_1217 = tpu.memref_slice %arg4[%select_n3A_743, %dma_wait3A_1216, %add3A_1209] : memref<50x64x16384xf32, #tpu.memory_space<hbm>> -> memref<1x8x128xf32, #tpu.memory_space<hbm>>
        %dma_wait3A_1218 = tpu.memref_squeeze %dma_wait3A_1217 : memref<1x8x128xf32, #tpu.memory_space<hbm>> -> memref<8x128xf32, #tpu.memory_space<hbm>>
        %dma_wait3A_1219 = arith.constant 112 : i32
        %dma_wait3A_1220 = arith.constant 0 : i32
        %dma_wait3A_1221 = tpu.memref_slice %arg9[%dma_wait3A_1219, %dma_wait3A_1220] : memref<128x128xf32, #tpu.memory_space<vmem>> -> memref<8x128xf32, #tpu.memory_space<vmem>>
        tpu.wait_dma2 semaphore(%arg12 : memref<!tpu.dma_semaphore, #tpu.memory_space<semaphore_mem>>) src(%dma_wait3A_1221 : memref<8x128xf32, #tpu.memory_space<vmem>>) dst(%dma_wait3A_1218 : memref<8x128xf32, #tpu.memory_space<hbm>>)
        %add3A_1222 = arith.constant 128 : i32
        %add3A_1223 = arith.addi %add3A_762, %add3A_1222 : i32
        %dma_wait3A_1224 = arith.constant 120 : i32
        %dma_wait3A_1225 = arith.constant 0 : i32
        %dma_wait3A_1226 = tpu.memref_slice %arg9[%dma_wait3A_1224, %dma_wait3A_1225] : memref<128x128xf32, #tpu.memory_space<vmem>> -> memref<8x128xf32, #tpu.memory_space<vmem>>
        %dma_wait3A_1227 = arith.constant 56 : i32
        %dma_wait3A_1228 = tpu.memref_slice %arg4[%select_n3A_743, %dma_wait3A_1227, %add3A_1223] : memref<50x64x16384xf32, #tpu.memory_space<hbm>> -> memref<1x8x128xf32, #tpu.memory_space<hbm>>
        %dma_wait3A_1229 = tpu.memref_squeeze %dma_wait3A_1228 : memref<1x8x128xf32, #tpu.memory_space<hbm>> -> memref<8x128xf32, #tpu.memory_space<hbm>>
        %dma_wait3A_1230 = arith.constant 56 : i32
        %dma_wait3A_1231 = tpu.memref_slice %arg4[%select_n3A_743, %dma_wait3A_1230, %add3A_1223] : memref<50x64x16384xf32, #tpu.memory_space<hbm>> -> memref<1x8x128xf32, #tpu.memory_space<hbm>>
        %dma_wait3A_1232 = tpu.memref_squeeze %dma_wait3A_1231 : memref<1x8x128xf32, #tpu.memory_space<hbm>> -> memref<8x128xf32, #tpu.memory_space<hbm>>
        %dma_wait3A_1233 = arith.constant 120 : i32
        %dma_wait3A_1234 = arith.constant 0 : i32
        %dma_wait3A_1235 = tpu.memref_slice %arg9[%dma_wait3A_1233, %dma_wait3A_1234] : memref<128x128xf32, #tpu.memory_space<vmem>> -> memref<8x128xf32, #tpu.memory_space<vmem>>
        tpu.wait_dma2 semaphore(%arg12 : memref<!tpu.dma_semaphore, #tpu.memory_space<semaphore_mem>>) src(%dma_wait3A_1235 : memref<8x128xf32, #tpu.memory_space<vmem>>) dst(%dma_wait3A_1232 : memref<8x128xf32, #tpu.memory_space<hbm>>)
      } else {
      }
      %scan3A_783 = arith.constant 0 : i32
      %scan3A_784 = arith.constant 16 : i32
      %scan3A_785 = arith.addi %scan3A_783, %scan3A_784 : i32
      %scan3A_786 = arith.constant 1 : i32
      scf.for %scan3A_1012 = %scan3A_783 to %scan3A_785 step %scan3A_786  : i32 {
        %mul3A_1013 = arith.constant 1 : i32
        %mul3A_1014 = arith.muli %scan3A_1012, %mul3A_1013 : i32
        %add3A_1015 = arith.constant 0 : i32
        %add3A_1016 = arith.addi %add3A_1015, %mul3A_1014 : i32
        %mul3A_1017 = arith.constant 16 : i32
        %mul3A_1018 = arith.muli %add3A_1016, %mul3A_1017 : i32
        %jit3A_1019 = arith.constant 8 : i32
        %div3A_1020 = arith.divsi %add3A_1016, %jit3A_1019 : i32
        %sign3A_1021 = arith.constant 0 : i32
        %sign3A_1022 = arith.cmpi sgt, %add3A_1016, %sign3A_1021 : i32
        %sign3A_1023 = arith.extui %sign3A_1022 : i1 to i32
        %sign3A_1024 = arith.constant 0 : i32
        %sign3A_1025 = arith.cmpi slt, %add3A_1016, %sign3A_1024 : i32
        %sign3A_1026 = arith.extui %sign3A_1025 : i1 to i32
        %sign3A_1027 = arith.subi %sign3A_1023, %sign3A_1026 : i32
        %sign3A_1028 = arith.constant 0 : i32
        %sign3A_1029 = arith.cmpi sgt, %jit3A_1019, %sign3A_1028 : i32
        %sign3A_1030 = arith.extui %sign3A_1029 : i1 to i32
        %sign3A_1031 = arith.constant 0 : i32
        %sign3A_1032 = arith.cmpi slt, %jit3A_1019, %sign3A_1031 : i32
        %sign3A_1033 = arith.extui %sign3A_1032 : i1 to i32
        %sign3A_1034 = arith.subi %sign3A_1030, %sign3A_1033 : i32
        %ne3A_1035 = arith.cmpi ne, %sign3A_1027, %sign3A_1034 : i32
        %rem3A_1036 = arith.remsi %add3A_1016, %jit3A_1019 : i32
        %ne3A_1037 = arith.constant 0 : i32
        %ne3A_1038 = arith.cmpi ne, %rem3A_1036, %ne3A_1037 : i32
        %and3A_1039 = arith.andi %ne3A_1035, %ne3A_1038 : i1
        %sub3A_1040 = arith.constant 1 : i32
        %sub3A_1041 = arith.subi %div3A_1020, %sub3A_1040 : i32
        %select_n3A_1042 = arith.select %and3A_1039, %sub3A_1041, %div3A_1020 : i32
        %add3A_1043 = vector.broadcast %mul3A_1018 : i32 to vector<16xi32>
        %add3A_1044 = arith.addi %iota3A, %add3A_1043 : vector<16xi32>
        %mul3A_1045 = arith.constant 128 : i32
        %mul3A_1046 = arith.muli %select_n3A_1042, %mul3A_1045 : i32
        %sub3A_1047 = arith.subi %mul3A_1018, %mul3A_1046 : i32
        %add3A_1048 = vector.broadcast %sub3A_1047 : i32 to vector<16xi32>
        %add3A_1049 = arith.addi %iota3A, %add3A_1048 : vector<16xi32>
        %add3A_1050 = arith.constant 0 : i32
        %add3A_1051 = vector.broadcast %add3A_1050 : i32 to vector<16xi32>
        %add3A_1052 = arith.addi %and3A_7, %add3A_1051 : vector<16xi32>
        %gather3A = tpu.vector_load_idx %arg8[%add3A_1044, %add3A_1052] : memref<256x128xf32, #tpu.memory_space<vmem>>[vector<16xi32>, vector<16xi32>], vector<16xf32>,
        %mul3A_1053 = arith.constant 8 : i32
        %mul3A_1054 = arith.muli %mul3A_1053, %select_n3A_1042 : i32
        %add3A_1055 = arith.constant 0 : i32
        %add3A_1056 = arith.addi %add3A_1055, %mul3A_1054 : i32
        %add3A_1057 = vector.broadcast %add3A_1056 : i32 to vector<16xi32>
        %add3A_1058 = arith.addi %add3A_101, %add3A_1057 : vector<16xi32>
        %mul3A_1059 = arith.constant 8.000000e+00 : f32
        %mul3A_1060 = vector.broadcast %mul3A_1059 : f32 to vector<16xf32>
        %mul3A_1061 = arith.mulf %gather3A, %mul3A_1060 : vector<16xf32>
        tpu.vector_store_idx %arg9[%add3A_1058, %add3A_1049], %mul3A_1061 : memref<128x128xf32, #tpu.memory_space<vmem>>[vector<16xi32>, vector<16xi32>], vector<16xf32>,
        %add3A_1062 = arith.constant 0 : i32
        %add3A_1063 = vector.broadcast %add3A_1062 : i32 to vector<16xi32>
        %add3A_1064 = arith.addi %and3A_13, %add3A_1063 : vector<16xi32>
        %gather3A_1065 = tpu.vector_load_idx %arg8[%add3A_1044, %add3A_1064] : memref<256x128xf32, #tpu.memory_space<vmem>>[vector<16xi32>, vector<16xi32>], vector<16xf32>,
        %mul3A_1066 = arith.constant 8 : i32
        %mul3A_1067 = arith.muli %mul3A_1066, %select_n3A_1042 : i32
        %add3A_1068 = arith.constant 0 : i32
        %add3A_1069 = arith.addi %add3A_1068, %mul3A_1067 : i32
        %add3A_1070 = vector.broadcast %add3A_1069 : i32 to vector<16xi32>
        %add3A_1071 = arith.addi %add3A_105, %add3A_1070 : vector<16xi32>
        %mul3A_1072 = arith.constant 8.000000e+00 : f32
        %mul3A_1073 = vector.broadcast %mul3A_1072 : f32 to vector<16xf32>
        %mul3A_1074 = arith.mulf %gather3A_1065, %mul3A_1073 : vector<16xf32>
        tpu.vector_store_idx %arg9[%add3A_1071, %add3A_1049], %mul3A_1074 : memref<128x128xf32, #tpu.memory_space<vmem>>[vector<16xi32>, vector<16xi32>], vector<16xf32>,
        %add3A_1075 = arith.constant 0 : i32
        %add3A_1076 = vector.broadcast %add3A_1075 : i32 to vector<16xi32>
        %add3A_1077 = arith.addi %and3A_19, %add3A_1076 : vector<16xi32>
        %gather3A_1078 = tpu.vector_load_idx %arg8[%add3A_1044, %add3A_1077] : memref<256x128xf32, #tpu.memory_space<vmem>>[vector<16xi32>, vector<16xi32>], vector<16xf32>,
        %mul3A_1079 = arith.constant 8 : i32
        %mul3A_1080 = arith.muli %mul3A_1079, %select_n3A_1042 : i32
        %add3A_1081 = arith.constant 0 : i32
        %add3A_1082 = arith.addi %add3A_1081, %mul3A_1080 : i32
        %add3A_1083 = vector.broadcast %add3A_1082 : i32 to vector<16xi32>
        %add3A_1084 = arith.addi %add3A_109, %add3A_1083 : vector<16xi32>
        %mul3A_1085 = arith.constant 8.000000e+00 : f32
        %mul3A_1086 = vector.broadcast %mul3A_1085 : f32 to vector<16xf32>
        %mul3A_1087 = arith.mulf %gather3A_1078, %mul3A_1086 : vector<16xf32>
        tpu.vector_store_idx %arg9[%add3A_1084, %add3A_1049], %mul3A_1087 : memref<128x128xf32, #tpu.memory_space<vmem>>[vector<16xi32>, vector<16xi32>], vector<16xf32>,
        %add3A_1088 = arith.constant 0 : i32
        %add3A_1089 = vector.broadcast %add3A_1088 : i32 to vector<16xi32>
        %add3A_1090 = arith.addi %and3A_25, %add3A_1089 : vector<16xi32>
        %gather3A_1091 = tpu.vector_load_idx %arg8[%add3A_1044, %add3A_1090] : memref<256x128xf32, #tpu.memory_space<vmem>>[vector<16xi32>, vector<16xi32>], vector<16xf32>,
        %mul3A_1092 = arith.constant 8 : i32
        %mul3A_1093 = arith.muli %mul3A_1092, %select_n3A_1042 : i32
        %add3A_1094 = arith.constant 0 : i32
        %add3A_1095 = arith.addi %add3A_1094, %mul3A_1093 : i32
        %add3A_1096 = vector.broadcast %add3A_1095 : i32 to vector<16xi32>
        %add3A_1097 = arith.addi %add3A_113, %add3A_1096 : vector<16xi32>
        %mul3A_1098 = arith.constant 8.000000e+00 : f32
        %mul3A_1099 = vector.broadcast %mul3A_1098 : f32 to vector<16xf32>
        %mul3A_1100 = arith.mulf %gather3A_1091, %mul3A_1099 : vector<16xf32>
        tpu.vector_store_idx %arg9[%add3A_1097, %add3A_1049], %mul3A_1100 : memref<128x128xf32, #tpu.memory_space<vmem>>[vector<16xi32>, vector<16xi32>], vector<16xf32>,
        %add3A_1101 = arith.constant 0 : i32
        %add3A_1102 = vector.broadcast %add3A_1101 : i32 to vector<16xi32>
        %add3A_1103 = arith.addi %and3A_31, %add3A_1102 : vector<16xi32>
        %gather3A_1104 = tpu.vector_load_idx %arg8[%add3A_1044, %add3A_1103] : memref<256x128xf32, #tpu.memory_space<vmem>>[vector<16xi32>, vector<16xi32>], vector<16xf32>,
        %mul3A_1105 = arith.constant 8 : i32
        %mul3A_1106 = arith.muli %mul3A_1105, %select_n3A_1042 : i32
        %add3A_1107 = arith.constant 0 : i32
        %add3A_1108 = arith.addi %add3A_1107, %mul3A_1106 : i32
        %add3A_1109 = vector.broadcast %add3A_1108 : i32 to vector<16xi32>
        %add3A_1110 = arith.addi %add3A_117, %add3A_1109 : vector<16xi32>
        %mul3A_1111 = arith.constant 8.000000e+00 : f32
        %mul3A_1112 = vector.broadcast %mul3A_1111 : f32 to vector<16xf32>
        %mul3A_1113 = arith.mulf %gather3A_1104, %mul3A_1112 : vector<16xf32>
        tpu.vector_store_idx %arg9[%add3A_1110, %add3A_1049], %mul3A_1113 : memref<128x128xf32, #tpu.memory_space<vmem>>[vector<16xi32>, vector<16xi32>], vector<16xf32>,
        %add3A_1114 = arith.constant 0 : i32
        %add3A_1115 = vector.broadcast %add3A_1114 : i32 to vector<16xi32>
        %add3A_1116 = arith.addi %and3A_37, %add3A_1115 : vector<16xi32>
        %gather3A_1117 = tpu.vector_load_idx %arg8[%add3A_1044, %add3A_1116] : memref<256x128xf32, #tpu.memory_space<vmem>>[vector<16xi32>, vector<16xi32>], vector<16xf32>,
        %mul3A_1118 = arith.constant 8 : i32
        %mul3A_1119 = arith.muli %mul3A_1118, %select_n3A_1042 : i32
        %add3A_1120 = arith.constant 0 : i32
        %add3A_1121 = arith.addi %add3A_1120, %mul3A_1119 : i32
        %add3A_1122 = vector.broadcast %add3A_1121 : i32 to vector<16xi32>
        %add3A_1123 = arith.addi %add3A_121, %add3A_1122 : vector<16xi32>
        %mul3A_1124 = arith.constant 8.000000e+00 : f32
        %mul3A_1125 = vector.broadcast %mul3A_1124 : f32 to vector<16xf32>
        %mul3A_1126 = arith.mulf %gather3A_1117, %mul3A_1125 : vector<16xf32>
        tpu.vector_store_idx %arg9[%add3A_1123, %add3A_1049], %mul3A_1126 : memref<128x128xf32, #tpu.memory_space<vmem>>[vector<16xi32>, vector<16xi32>], vector<16xf32>,
        %add3A_1127 = arith.constant 0 : i32
        %add3A_1128 = vector.broadcast %add3A_1127 : i32 to vector<16xi32>
        %add3A_1129 = arith.addi %and3A_43, %add3A_1128 : vector<16xi32>
        %gather3A_1130 = tpu.vector_load_idx %arg8[%add3A_1044, %add3A_1129] : memref<256x128xf32, #tpu.memory_space<vmem>>[vector<16xi32>, vector<16xi32>], vector<16xf32>,
        %mul3A_1131 = arith.constant 8 : i32
        %mul3A_1132 = arith.muli %mul3A_1131, %select_n3A_1042 : i32
        %add3A_1133 = arith.constant 0 : i32
        %add3A_1134 = arith.addi %add3A_1133, %mul3A_1132 : i32
        %add3A_1135 = vector.broadcast %add3A_1134 : i32 to vector<16xi32>
        %add3A_1136 = arith.addi %add3A_125, %add3A_1135 : vector<16xi32>
        %mul3A_1137 = arith.constant 8.000000e+00 : f32
        %mul3A_1138 = vector.broadcast %mul3A_1137 : f32 to vector<16xf32>
        %mul3A_1139 = arith.mulf %gather3A_1130, %mul3A_1138 : vector<16xf32>
        tpu.vector_store_idx %arg9[%add3A_1136, %add3A_1049], %mul3A_1139 : memref<128x128xf32, #tpu.memory_space<vmem>>[vector<16xi32>, vector<16xi32>], vector<16xf32>,
        %add3A_1140 = arith.constant 0 : i32
        %add3A_1141 = vector.broadcast %add3A_1140 : i32 to vector<16xi32>
        %add3A_1142 = arith.addi %and3A_49, %add3A_1141 : vector<16xi32>
        %gather3A_1143 = tpu.vector_load_idx %arg8[%add3A_1044, %add3A_1142] : memref<256x128xf32, #tpu.memory_space<vmem>>[vector<16xi32>, vector<16xi32>], vector<16xf32>,
        %mul3A_1144 = arith.constant 8 : i32
        %mul3A_1145 = arith.muli %mul3A_1144, %select_n3A_1042 : i32
        %add3A_1146 = arith.constant 0 : i32
        %add3A_1147 = arith.addi %add3A_1146, %mul3A_1145 : i32
        %add3A_1148 = vector.broadcast %add3A_1147 : i32 to vector<16xi32>
        %add3A_1149 = arith.addi %add3A_129, %add3A_1148 : vector<16xi32>
        %mul3A_1150 = arith.constant 8.000000e+00 : f32
        %mul3A_1151 = vector.broadcast %mul3A_1150 : f32 to vector<16xf32>
        %mul3A_1152 = arith.mulf %gather3A_1143, %mul3A_1151 : vector<16xf32>
        tpu.vector_store_idx %arg9[%add3A_1149, %add3A_1049], %mul3A_1152 : memref<128x128xf32, #tpu.memory_space<vmem>>[vector<16xi32>, vector<16xi32>], vector<16xf32>,
        %add3A_1153 = arith.constant 0 : i32
        %add3A_1154 = vector.broadcast %add3A_1153 : i32 to vector<16xi32>
        %add3A_1155 = arith.addi %and3A_55, %add3A_1154 : vector<16xi32>
        %gather3A_1156 = tpu.vector_load_idx %arg8[%add3A_1044, %add3A_1155] : memref<256x128xf32, #tpu.memory_space<vmem>>[vector<16xi32>, vector<16xi32>], vector<16xf32>,
        %mul3A_1157 = arith.constant 8 : i32
        %mul3A_1158 = arith.muli %mul3A_1157, %select_n3A_1042 : i32
        %add3A_1159 = arith.constant 0 : i32
        %add3A_1160 = arith.addi %add3A_1159, %mul3A_1158 : i32
        %add3A_1161 = vector.broadcast %add3A_1160 : i32 to vector<16xi32>
        %add3A_1162 = arith.addi %add3A_133, %add3A_1161 : vector<16xi32>
        %mul3A_1163 = arith.constant 8.000000e+00 : f32
        %mul3A_1164 = vector.broadcast %mul3A_1163 : f32 to vector<16xf32>
        %mul3A_1165 = arith.mulf %gather3A_1156, %mul3A_1164 : vector<16xf32>
        tpu.vector_store_idx %arg9[%add3A_1162, %add3A_1049], %mul3A_1165 : memref<128x128xf32, #tpu.memory_space<vmem>>[vector<16xi32>, vector<16xi32>], vector<16xf32>,
        %add3A_1166 = arith.constant 0 : i32
        %add3A_1167 = vector.broadcast %add3A_1166 : i32 to vector<16xi32>
        %add3A_1168 = arith.addi %and3A_61, %add3A_1167 : vector<16xi32>
        %gather3A_1169 = tpu.vector_load_idx %arg8[%add3A_1044, %add3A_1168] : memref<256x128xf32, #tpu.memory_space<vmem>>[vector<16xi32>, vector<16xi32>], vector<16xf32>,
        %mul3A_1170 = arith.constant 8 : i32
        %mul3A_1171 = arith.muli %mul3A_1170, %select_n3A_1042 : i32
        %add3A_1172 = arith.constant 0 : i32
        %add3A_1173 = arith.addi %add3A_1172, %mul3A_1171 : i32
        %add3A_1174 = vector.broadcast %add3A_1173 : i32 to vector<16xi32>
        %add3A_1175 = arith.addi %add3A_137, %add3A_1174 : vector<16xi32>
        %mul3A_1176 = arith.constant 8.000000e+00 : f32
        %mul3A_1177 = vector.broadcast %mul3A_1176 : f32 to vector<16xf32>
        %mul3A_1178 = arith.mulf %gather3A_1169, %mul3A_1177 : vector<16xf32>
        tpu.vector_store_idx %arg9[%add3A_1175, %add3A_1049], %mul3A_1178 : memref<128x128xf32, #tpu.memory_space<vmem>>[vector<16xi32>, vector<16xi32>], vector<16xf32>,
        %add3A_1179 = arith.constant 0 : i32
        %add3A_1180 = vector.broadcast %add3A_1179 : i32 to vector<16xi32>
        %add3A_1181 = arith.addi %and3A_67, %add3A_1180 : vector<16xi32>
        %gather3A_1182 = tpu.vector_load_idx %arg8[%add3A_1044, %add3A_1181] : memref<256x128xf32, #tpu.memory_space<vmem>>[vector<16xi32>, vector<16xi32>], vector<16xf32>,
        %mul3A_1183 = arith.constant 8 : i32
        %mul3A_1184 = arith.muli %mul3A_1183, %select_n3A_1042 : i32
        %add3A_1185 = arith.constant 0 : i32
        %add3A_1186 = arith.addi %add3A_1185, %mul3A_1184 : i32
        %add3A_1187 = vector.broadcast %add3A_1186 : i32 to vector<16xi32>
        %add3A_1188 = arith.addi %add3A_141, %add3A_1187 : vector<16xi32>
        %mul3A_1189 = arith.constant 8.000000e+00 : f32
        %mul3A_1190 = vector.broadcast %mul3A_1189 : f32 to vector<16xf32>
        %mul3A_1191 = arith.mulf %gather3A_1182, %mul3A_1190 : vector<16xf32>
        tpu.vector_store_idx %arg9[%add3A_1188, %add3A_1049], %mul3A_1191 : memref<128x128xf32, #tpu.memory_space<vmem>>[vector<16xi32>, vector<16xi32>], vector<16xf32>,
        %add3A_1192 = arith.constant 0 : i32
        %add3A_1193 = vector.broadcast %add3A_1192 : i32 to vector<16xi32>
        %add3A_1194 = arith.addi %and3A_73, %add3A_1193 : vector<16xi32>
        %gather3A_1195 = tpu.vector_load_idx %arg8[%add3A_1044, %add3A_1194] : memref<256x128xf32, #tpu.memory_space<vmem>>[vector<16xi32>, vector<16xi32>], vector<16xf32>,
        %mul3A_1196 = arith.constant 8 : i32
        %mul3A_1197 = arith.muli %mul3A_1196, %select_n3A_1042 : i32
        %add3A_1198 = arith.constant 0 : i32
        %add3A_1199 = arith.addi %add3A_1198, %mul3A_1197 : i32
        %add3A_1200 = vector.broadcast %add3A_1199 : i32 to vector<16xi32>
        %add3A_1201 = arith.addi %add3A_145, %add3A_1200 : vector<16xi32>
        %mul3A_1202 = arith.constant 8.000000e+00 : f32
        %mul3A_1203 = vector.broadcast %mul3A_1202 : f32 to vector<16xf32>
        %mul3A_1204 = arith.mulf %gather3A_1195, %mul3A_1203 : vector<16xf32>
        tpu.vector_store_idx %arg9[%add3A_1201, %add3A_1049], %mul3A_1204 : memref<128x128xf32, #tpu.memory_space<vmem>>[vector<16xi32>, vector<16xi32>], vector<16xf32>,
        %add3A_1205 = arith.constant 0 : i32
        %add3A_1206 = vector.broadcast %add3A_1205 : i32 to vector<16xi32>
        %add3A_1207 = arith.addi %and3A_79, %add3A_1206 : vector<16xi32>
        %gather3A_1208 = tpu.vector_load_idx %arg8[%add3A_1044, %add3A_1207] : memref<256x128xf32, #tpu.memory_space<vmem>>[vector<16xi32>, vector<16xi32>], vector<16xf32>,
        %mul3A_1209 = arith.constant 8 : i32
        %mul3A_1210 = arith.muli %mul3A_1209, %select_n3A_1042 : i32
        %add3A_1211 = arith.constant 0 : i32
        %add3A_1212 = arith.addi %add3A_1211, %mul3A_1210 : i32
        %add3A_1213 = vector.broadcast %add3A_1212 : i32 to vector<16xi32>
        %add3A_1214 = arith.addi %add3A_149, %add3A_1213 : vector<16xi32>
        %mul3A_1215 = arith.constant 8.000000e+00 : f32
        %mul3A_1216 = vector.broadcast %mul3A_1215 : f32 to vector<16xf32>
        %mul3A_1217 = arith.mulf %gather3A_1208, %mul3A_1216 : vector<16xf32>
        tpu.vector_store_idx %arg9[%add3A_1214, %add3A_1049], %mul3A_1217 : memref<128x128xf32, #tpu.memory_space<vmem>>[vector<16xi32>, vector<16xi32>], vector<16xf32>,
        %add3A_1218 = arith.constant 0 : i32
        %add3A_1219 = vector.broadcast %add3A_1218 : i32 to vector<16xi32>
        %add3A_1220 = arith.addi %and3A_85, %add3A_1219 : vector<16xi32>
        %gather3A_1221 = tpu.vector_load_idx %arg8[%add3A_1044, %add3A_1220] : memref<256x128xf32, #tpu.memory_space<vmem>>[vector<16xi32>, vector<16xi32>], vector<16xf32>,
        %mul3A_1222 = arith.constant 8 : i32
        %mul3A_1223 = arith.muli %mul3A_1222, %select_n3A_1042 : i32
        %add3A_1224 = arith.constant 0 : i32
        %add3A_1225 = arith.addi %add3A_1224, %mul3A_1223 : i32
        %add3A_1226 = vector.broadcast %add3A_1225 : i32 to vector<16xi32>
        %add3A_1227 = arith.addi %add3A_153, %add3A_1226 : vector<16xi32>
        %mul3A_1228 = arith.constant 8.000000e+00 : f32
        %mul3A_1229 = vector.broadcast %mul3A_1228 : f32 to vector<16xf32>
        %mul3A_1230 = arith.mulf %gather3A_1221, %mul3A_1229 : vector<16xf32>
        tpu.vector_store_idx %arg9[%add3A_1227, %add3A_1049], %mul3A_1230 : memref<128x128xf32, #tpu.memory_space<vmem>>[vector<16xi32>, vector<16xi32>], vector<16xf32>,
        %add3A_1231 = arith.constant 0 : i32
        %add3A_1232 = vector.broadcast %add3A_1231 : i32 to vector<16xi32>
        %add3A_1233 = arith.addi %and3A_91, %add3A_1232 : vector<16xi32>
        %gather3A_1234 = tpu.vector_load_idx %arg8[%add3A_1044, %add3A_1233] : memref<256x128xf32, #tpu.memory_space<vmem>>[vector<16xi32>, vector<16xi32>], vector<16xf32>,
        %mul3A_1235 = arith.constant 8 : i32
        %mul3A_1236 = arith.muli %mul3A_1235, %select_n3A_1042 : i32
        %add3A_1237 = arith.constant 0 : i32
        %add3A_1238 = arith.addi %add3A_1237, %mul3A_1236 : i32
        %add3A_1239 = vector.broadcast %add3A_1238 : i32 to vector<16xi32>
        %add3A_1240 = arith.addi %add3A_157, %add3A_1239 : vector<16xi32>
        %mul3A_1241 = arith.constant 8.000000e+00 : f32
        %mul3A_1242 = vector.broadcast %mul3A_1241 : f32 to vector<16xf32>
        %mul3A_1243 = arith.mulf %gather3A_1234, %mul3A_1242 : vector<16xf32>
        tpu.vector_store_idx %arg9[%add3A_1240, %add3A_1049], %mul3A_1243 : memref<128x128xf32, #tpu.memory_space<vmem>>[vector<16xi32>, vector<16xi32>], vector<16xf32>,
        %add3A_1244 = arith.constant 0 : i32
        %add3A_1245 = vector.broadcast %add3A_1244 : i32 to vector<16xi32>
        %add3A_1246 = arith.addi %and3A_97, %add3A_1245 : vector<16xi32>
        %gather3A_1247 = tpu.vector_load_idx %arg8[%add3A_1044, %add3A_1246] : memref<256x128xf32, #tpu.memory_space<vmem>>[vector<16xi32>, vector<16xi32>], vector<16xf32>,
        %mul3A_1248 = arith.constant 8 : i32
        %mul3A_1249 = arith.muli %mul3A_1248, %select_n3A_1042 : i32
        %add3A_1250 = arith.constant 0 : i32
        %add3A_1251 = arith.addi %add3A_1250, %mul3A_1249 : i32
        %add3A_1252 = vector.broadcast %add3A_1251 : i32 to vector<16xi32>
        %add3A_1253 = arith.addi %add3A_161, %add3A_1252 : vector<16xi32>
        %mul3A_1254 = arith.constant 8.000000e+00 : f32
        %mul3A_1255 = vector.broadcast %mul3A_1254 : f32 to vector<16xf32>
        %mul3A_1256 = arith.mulf %gather3A_1247, %mul3A_1255 : vector<16xf32>
        tpu.vector_store_idx %arg9[%add3A_1253, %add3A_1049], %mul3A_1256 : memref<128x128xf32, #tpu.memory_space<vmem>>[vector<16xi32>, vector<16xi32>], vector<16xf32>,
        %add3A_1257 = arith.constant 16 : i32
        %add3A_1258 = vector.broadcast %add3A_1257 : i32 to vector<16xi32>
        %add3A_1259 = arith.addi %and3A_7, %add3A_1258 : vector<16xi32>
        %gather3A_1260 = tpu.vector_load_idx %arg8[%add3A_1044, %add3A_1259] : memref<256x128xf32, #tpu.memory_space<vmem>>[vector<16xi32>, vector<16xi32>], vector<16xf32>,
        %mul3A_1261 = arith.constant 8 : i32
        %mul3A_1262 = arith.muli %mul3A_1261, %select_n3A_1042 : i32
        %add3A_1263 = arith.constant 32 : i32
        %add3A_1264 = arith.addi %add3A_1263, %mul3A_1262 : i32
        %add3A_1265 = vector.broadcast %add3A_1264 : i32 to vector<16xi32>
        %add3A_1266 = arith.addi %add3A_101, %add3A_1265 : vector<16xi32>
        %mul3A_1267 = arith.constant 8.000000e+00 : f32
        %mul3A_1268 = vector.broadcast %mul3A_1267 : f32 to vector<16xf32>
        %mul3A_1269 = arith.mulf %gather3A_1260, %mul3A_1268 : vector<16xf32>
        tpu.vector_store_idx %arg9[%add3A_1266, %add3A_1049], %mul3A_1269 : memref<128x128xf32, #tpu.memory_space<vmem>>[vector<16xi32>, vector<16xi32>], vector<16xf32>,
        %add3A_1270 = arith.constant 16 : i32
        %add3A_1271 = vector.broadcast %add3A_1270 : i32 to vector<16xi32>
        %add3A_1272 = arith.addi %and3A_13, %add3A_1271 : vector<16xi32>
        %gather3A_1273 = tpu.vector_load_idx %arg8[%add3A_1044, %add3A_1272] : memref<256x128xf32, #tpu.memory_space<vmem>>[vector<16xi32>, vector<16xi32>], vector<16xf32>,
        %mul3A_1274 = arith.constant 8 : i32
        %mul3A_1275 = arith.muli %mul3A_1274, %select_n3A_1042 : i32
        %add3A_1276 = arith.constant 32 : i32
        %add3A_1277 = arith.addi %add3A_1276, %mul3A_1275 : i32
        %add3A_1278 = vector.broadcast %add3A_1277 : i32 to vector<16xi32>
        %add3A_1279 = arith.addi %add3A_105, %add3A_1278 : vector<16xi32>
        %mul3A_1280 = arith.constant 8.000000e+00 : f32
        %mul3A_1281 = vector.broadcast %mul3A_1280 : f32 to vector<16xf32>
        %mul3A_1282 = arith.mulf %gather3A_1273, %mul3A_1281 : vector<16xf32>
        tpu.vector_store_idx %arg9[%add3A_1279, %add3A_1049], %mul3A_1282 : memref<128x128xf32, #tpu.memory_space<vmem>>[vector<16xi32>, vector<16xi32>], vector<16xf32>,
        %add3A_1283 = arith.constant 16 : i32
        %add3A_1284 = vector.broadcast %add3A_1283 : i32 to vector<16xi32>
        %add3A_1285 = arith.addi %and3A_19, %add3A_1284 : vector<16xi32>
        %gather3A_1286 = tpu.vector_load_idx %arg8[%add3A_1044, %add3A_1285] : memref<256x128xf32, #tpu.memory_space<vmem>>[vector<16xi32>, vector<16xi32>], vector<16xf32>,
        %mul3A_1287 = arith.constant 8 : i32
        %mul3A_1288 = arith.muli %mul3A_1287, %select_n3A_1042 : i32
        %add3A_1289 = arith.constant 32 : i32
        %add3A_1290 = arith.addi %add3A_1289, %mul3A_1288 : i32
        %add3A_1291 = vector.broadcast %add3A_1290 : i32 to vector<16xi32>
        %add3A_1292 = arith.addi %add3A_109, %add3A_1291 : vector<16xi32>
        %mul3A_1293 = arith.constant 8.000000e+00 : f32
        %mul3A_1294 = vector.broadcast %mul3A_1293 : f32 to vector<16xf32>
        %mul3A_1295 = arith.mulf %gather3A_1286, %mul3A_1294 : vector<16xf32>
        tpu.vector_store_idx %arg9[%add3A_1292, %add3A_1049], %mul3A_1295 : memref<128x128xf32, #tpu.memory_space<vmem>>[vector<16xi32>, vector<16xi32>], vector<16xf32>,
        %add3A_1296 = arith.constant 16 : i32
        %add3A_1297 = vector.broadcast %add3A_1296 : i32 to vector<16xi32>
        %add3A_1298 = arith.addi %and3A_25, %add3A_1297 : vector<16xi32>
        %gather3A_1299 = tpu.vector_load_idx %arg8[%add3A_1044, %add3A_1298] : memref<256x128xf32, #tpu.memory_space<vmem>>[vector<16xi32>, vector<16xi32>], vector<16xf32>,
        %mul3A_1300 = arith.constant 8 : i32
        %mul3A_1301 = arith.muli %mul3A_1300, %select_n3A_1042 : i32
        %add3A_1302 = arith.constant 32 : i32
        %add3A_1303 = arith.addi %add3A_1302, %mul3A_1301 : i32
        %add3A_1304 = vector.broadcast %add3A_1303 : i32 to vector<16xi32>
        %add3A_1305 = arith.addi %add3A_113, %add3A_1304 : vector<16xi32>
        %mul3A_1306 = arith.constant 8.000000e+00 : f32
        %mul3A_1307 = vector.broadcast %mul3A_1306 : f32 to vector<16xf32>
        %mul3A_1308 = arith.mulf %gather3A_1299, %mul3A_1307 : vector<16xf32>
        tpu.vector_store_idx %arg9[%add3A_1305, %add3A_1049], %mul3A_1308 : memref<128x128xf32, #tpu.memory_space<vmem>>[vector<16xi32>, vector<16xi32>], vector<16xf32>,
        %add3A_1309 = arith.constant 16 : i32
        %add3A_1310 = vector.broadcast %add3A_1309 : i32 to vector<16xi32>
        %add3A_1311 = arith.addi %and3A_31, %add3A_1310 : vector<16xi32>
        %gather3A_1312 = tpu.vector_load_idx %arg8[%add3A_1044, %add3A_1311] : memref<256x128xf32, #tpu.memory_space<vmem>>[vector<16xi32>, vector<16xi32>], vector<16xf32>,
        %mul3A_1313 = arith.constant 8 : i32
        %mul3A_1314 = arith.muli %mul3A_1313, %select_n3A_1042 : i32
        %add3A_1315 = arith.constant 32 : i32
        %add3A_1316 = arith.addi %add3A_1315, %mul3A_1314 : i32
        %add3A_1317 = vector.broadcast %add3A_1316 : i32 to vector<16xi32>
        %add3A_1318 = arith.addi %add3A_117, %add3A_1317 : vector<16xi32>
        %mul3A_1319 = arith.constant 8.000000e+00 : f32
        %mul3A_1320 = vector.broadcast %mul3A_1319 : f32 to vector<16xf32>
        %mul3A_1321 = arith.mulf %gather3A_1312, %mul3A_1320 : vector<16xf32>
        tpu.vector_store_idx %arg9[%add3A_1318, %add3A_1049], %mul3A_1321 : memref<128x128xf32, #tpu.memory_space<vmem>>[vector<16xi32>, vector<16xi32>], vector<16xf32>,
        %add3A_1322 = arith.constant 16 : i32
        %add3A_1323 = vector.broadcast %add3A_1322 : i32 to vector<16xi32>
        %add3A_1324 = arith.addi %and3A_37, %add3A_1323 : vector<16xi32>
        %gather3A_1325 = tpu.vector_load_idx %arg8[%add3A_1044, %add3A_1324] : memref<256x128xf32, #tpu.memory_space<vmem>>[vector<16xi32>, vector<16xi32>], vector<16xf32>,
        %mul3A_1326 = arith.constant 8 : i32
        %mul3A_1327 = arith.muli %mul3A_1326, %select_n3A_1042 : i32
        %add3A_1328 = arith.constant 32 : i32
        %add3A_1329 = arith.addi %add3A_1328, %mul3A_1327 : i32
        %add3A_1330 = vector.broadcast %add3A_1329 : i32 to vector<16xi32>
        %add3A_1331 = arith.addi %add3A_121, %add3A_1330 : vector<16xi32>
        %mul3A_1332 = arith.constant 8.000000e+00 : f32
        %mul3A_1333 = vector.broadcast %mul3A_1332 : f32 to vector<16xf32>
        %mul3A_1334 = arith.mulf %gather3A_1325, %mul3A_1333 : vector<16xf32>
        tpu.vector_store_idx %arg9[%add3A_1331, %add3A_1049], %mul3A_1334 : memref<128x128xf32, #tpu.memory_space<vmem>>[vector<16xi32>, vector<16xi32>], vector<16xf32>,
        %add3A_1335 = arith.constant 16 : i32
        %add3A_1336 = vector.broadcast %add3A_1335 : i32 to vector<16xi32>
        %add3A_1337 = arith.addi %and3A_43, %add3A_1336 : vector<16xi32>
        %gather3A_1338 = tpu.vector_load_idx %arg8[%add3A_1044, %add3A_1337] : memref<256x128xf32, #tpu.memory_space<vmem>>[vector<16xi32>, vector<16xi32>], vector<16xf32>,
        %mul3A_1339 = arith.constant 8 : i32
        %mul3A_1340 = arith.muli %mul3A_1339, %select_n3A_1042 : i32
        %add3A_1341 = arith.constant 32 : i32
        %add3A_1342 = arith.addi %add3A_1341, %mul3A_1340 : i32
        %add3A_1343 = vector.broadcast %add3A_1342 : i32 to vector<16xi32>
        %add3A_1344 = arith.addi %add3A_125, %add3A_1343 : vector<16xi32>
        %mul3A_1345 = arith.constant 8.000000e+00 : f32
        %mul3A_1346 = vector.broadcast %mul3A_1345 : f32 to vector<16xf32>
        %mul3A_1347 = arith.mulf %gather3A_1338, %mul3A_1346 : vector<16xf32>
        tpu.vector_store_idx %arg9[%add3A_1344, %add3A_1049], %mul3A_1347 : memref<128x128xf32, #tpu.memory_space<vmem>>[vector<16xi32>, vector<16xi32>], vector<16xf32>,
        %add3A_1348 = arith.constant 16 : i32
        %add3A_1349 = vector.broadcast %add3A_1348 : i32 to vector<16xi32>
        %add3A_1350 = arith.addi %and3A_49, %add3A_1349 : vector<16xi32>
        %gather3A_1351 = tpu.vector_load_idx %arg8[%add3A_1044, %add3A_1350] : memref<256x128xf32, #tpu.memory_space<vmem>>[vector<16xi32>, vector<16xi32>], vector<16xf32>,
        %mul3A_1352 = arith.constant 8 : i32
        %mul3A_1353 = arith.muli %mul3A_1352, %select_n3A_1042 : i32
        %add3A_1354 = arith.constant 32 : i32
        %add3A_1355 = arith.addi %add3A_1354, %mul3A_1353 : i32
        %add3A_1356 = vector.broadcast %add3A_1355 : i32 to vector<16xi32>
        %add3A_1357 = arith.addi %add3A_129, %add3A_1356 : vector<16xi32>
        %mul3A_1358 = arith.constant 8.000000e+00 : f32
        %mul3A_1359 = vector.broadcast %mul3A_1358 : f32 to vector<16xf32>
        %mul3A_1360 = arith.mulf %gather3A_1351, %mul3A_1359 : vector<16xf32>
        tpu.vector_store_idx %arg9[%add3A_1357, %add3A_1049], %mul3A_1360 : memref<128x128xf32, #tpu.memory_space<vmem>>[vector<16xi32>, vector<16xi32>], vector<16xf32>,
        %add3A_1361 = arith.constant 16 : i32
        %add3A_1362 = vector.broadcast %add3A_1361 : i32 to vector<16xi32>
        %add3A_1363 = arith.addi %and3A_55, %add3A_1362 : vector<16xi32>
        %gather3A_1364 = tpu.vector_load_idx %arg8[%add3A_1044, %add3A_1363] : memref<256x128xf32, #tpu.memory_space<vmem>>[vector<16xi32>, vector<16xi32>], vector<16xf32>,
        %mul3A_1365 = arith.constant 8 : i32
        %mul3A_1366 = arith.muli %mul3A_1365, %select_n3A_1042 : i32
        %add3A_1367 = arith.constant 32 : i32
        %add3A_1368 = arith.addi %add3A_1367, %mul3A_1366 : i32
        %add3A_1369 = vector.broadcast %add3A_1368 : i32 to vector<16xi32>
        %add3A_1370 = arith.addi %add3A_133, %add3A_1369 : vector<16xi32>
        %mul3A_1371 = arith.constant 8.000000e+00 : f32
        %mul3A_1372 = vector.broadcast %mul3A_1371 : f32 to vector<16xf32>
        %mul3A_1373 = arith.mulf %gather3A_1364, %mul3A_1372 : vector<16xf32>
        tpu.vector_store_idx %arg9[%add3A_1370, %add3A_1049], %mul3A_1373 : memref<128x128xf32, #tpu.memory_space<vmem>>[vector<16xi32>, vector<16xi32>], vector<16xf32>,
        %add3A_1374 = arith.constant 16 : i32
        %add3A_1375 = vector.broadcast %add3A_1374 : i32 to vector<16xi32>
        %add3A_1376 = arith.addi %and3A_61, %add3A_1375 : vector<16xi32>
        %gather3A_1377 = tpu.vector_load_idx %arg8[%add3A_1044, %add3A_1376] : memref<256x128xf32, #tpu.memory_space<vmem>>[vector<16xi32>, vector<16xi32>], vector<16xf32>,
        %mul3A_1378 = arith.constant 8 : i32
        %mul3A_1379 = arith.muli %mul3A_1378, %select_n3A_1042 : i32
        %add3A_1380 = arith.constant 32 : i32
        %add3A_1381 = arith.addi %add3A_1380, %mul3A_1379 : i32
        %add3A_1382 = vector.broadcast %add3A_1381 : i32 to vector<16xi32>
        %add3A_1383 = arith.addi %add3A_137, %add3A_1382 : vector<16xi32>
        %mul3A_1384 = arith.constant 8.000000e+00 : f32
        %mul3A_1385 = vector.broadcast %mul3A_1384 : f32 to vector<16xf32>
        %mul3A_1386 = arith.mulf %gather3A_1377, %mul3A_1385 : vector<16xf32>
        tpu.vector_store_idx %arg9[%add3A_1383, %add3A_1049], %mul3A_1386 : memref<128x128xf32, #tpu.memory_space<vmem>>[vector<16xi32>, vector<16xi32>], vector<16xf32>,
        %add3A_1387 = arith.constant 16 : i32
        %add3A_1388 = vector.broadcast %add3A_1387 : i32 to vector<16xi32>
        %add3A_1389 = arith.addi %and3A_67, %add3A_1388 : vector<16xi32>
        %gather3A_1390 = tpu.vector_load_idx %arg8[%add3A_1044, %add3A_1389] : memref<256x128xf32, #tpu.memory_space<vmem>>[vector<16xi32>, vector<16xi32>], vector<16xf32>,
        %mul3A_1391 = arith.constant 8 : i32
        %mul3A_1392 = arith.muli %mul3A_1391, %select_n3A_1042 : i32
        %add3A_1393 = arith.constant 32 : i32
        %add3A_1394 = arith.addi %add3A_1393, %mul3A_1392 : i32
        %add3A_1395 = vector.broadcast %add3A_1394 : i32 to vector<16xi32>
        %add3A_1396 = arith.addi %add3A_141, %add3A_1395 : vector<16xi32>
        %mul3A_1397 = arith.constant 8.000000e+00 : f32
        %mul3A_1398 = vector.broadcast %mul3A_1397 : f32 to vector<16xf32>
        %mul3A_1399 = arith.mulf %gather3A_1390, %mul3A_1398 : vector<16xf32>
        tpu.vector_store_idx %arg9[%add3A_1396, %add3A_1049], %mul3A_1399 : memref<128x128xf32, #tpu.memory_space<vmem>>[vector<16xi32>, vector<16xi32>], vector<16xf32>,
        %add3A_1400 = arith.constant 16 : i32
        %add3A_1401 = vector.broadcast %add3A_1400 : i32 to vector<16xi32>
        %add3A_1402 = arith.addi %and3A_73, %add3A_1401 : vector<16xi32>
        %gather3A_1403 = tpu.vector_load_idx %arg8[%add3A_1044, %add3A_1402] : memref<256x128xf32, #tpu.memory_space<vmem>>[vector<16xi32>, vector<16xi32>], vector<16xf32>,
        %mul3A_1404 = arith.constant 8 : i32
        %mul3A_1405 = arith.muli %mul3A_1404, %select_n3A_1042 : i32
        %add3A_1406 = arith.constant 32 : i32
        %add3A_1407 = arith.addi %add3A_1406, %mul3A_1405 : i32
        %add3A_1408 = vector.broadcast %add3A_1407 : i32 to vector<16xi32>
        %add3A_1409 = arith.addi %add3A_145, %add3A_1408 : vector<16xi32>
        %mul3A_1410 = arith.constant 8.000000e+00 : f32
        %mul3A_1411 = vector.broadcast %mul3A_1410 : f32 to vector<16xf32>
        %mul3A_1412 = arith.mulf %gather3A_1403, %mul3A_1411 : vector<16xf32>
        tpu.vector_store_idx %arg9[%add3A_1409, %add3A_1049], %mul3A_1412 : memref<128x128xf32, #tpu.memory_space<vmem>>[vector<16xi32>, vector<16xi32>], vector<16xf32>,
        %add3A_1413 = arith.constant 16 : i32
        %add3A_1414 = vector.broadcast %add3A_1413 : i32 to vector<16xi32>
        %add3A_1415 = arith.addi %and3A_79, %add3A_1414 : vector<16xi32>
        %gather3A_1416 = tpu.vector_load_idx %arg8[%add3A_1044, %add3A_1415] : memref<256x128xf32, #tpu.memory_space<vmem>>[vector<16xi32>, vector<16xi32>], vector<16xf32>,
        %mul3A_1417 = arith.constant 8 : i32
        %mul3A_1418 = arith.muli %mul3A_1417, %select_n3A_1042 : i32
        %add3A_1419 = arith.constant 32 : i32
        %add3A_1420 = arith.addi %add3A_1419, %mul3A_1418 : i32
        %add3A_1421 = vector.broadcast %add3A_1420 : i32 to vector<16xi32>
        %add3A_1422 = arith.addi %add3A_149, %add3A_1421 : vector<16xi32>
        %mul3A_1423 = arith.constant 8.000000e+00 : f32
        %mul3A_1424 = vector.broadcast %mul3A_1423 : f32 to vector<16xf32>
        %mul3A_1425 = arith.mulf %gather3A_1416, %mul3A_1424 : vector<16xf32>
        tpu.vector_store_idx %arg9[%add3A_1422, %add3A_1049], %mul3A_1425 : memref<128x128xf32, #tpu.memory_space<vmem>>[vector<16xi32>, vector<16xi32>], vector<16xf32>,
        %add3A_1426 = arith.constant 16 : i32
        %add3A_1427 = vector.broadcast %add3A_1426 : i32 to vector<16xi32>
        %add3A_1428 = arith.addi %and3A_85, %add3A_1427 : vector<16xi32>
        %gather3A_1429 = tpu.vector_load_idx %arg8[%add3A_1044, %add3A_1428] : memref<256x128xf32, #tpu.memory_space<vmem>>[vector<16xi32>, vector<16xi32>], vector<16xf32>,
        %mul3A_1430 = arith.constant 8 : i32
        %mul3A_1431 = arith.muli %mul3A_1430, %select_n3A_1042 : i32
        %add3A_1432 = arith.constant 32 : i32
        %add3A_1433 = arith.addi %add3A_1432, %mul3A_1431 : i32
        %add3A_1434 = vector.broadcast %add3A_1433 : i32 to vector<16xi32>
        %add3A_1435 = arith.addi %add3A_153, %add3A_1434 : vector<16xi32>
        %mul3A_1436 = arith.constant 8.000000e+00 : f32
        %mul3A_1437 = vector.broadcast %mul3A_1436 : f32 to vector<16xf32>
        %mul3A_1438 = arith.mulf %gather3A_1429, %mul3A_1437 : vector<16xf32>
        tpu.vector_store_idx %arg9[%add3A_1435, %add3A_1049], %mul3A_1438 : memref<128x128xf32, #tpu.memory_space<vmem>>[vector<16xi32>, vector<16xi32>], vector<16xf32>,
        %add3A_1439 = arith.constant 16 : i32
        %add3A_1440 = vector.broadcast %add3A_1439 : i32 to vector<16xi32>
        %add3A_1441 = arith.addi %and3A_91, %add3A_1440 : vector<16xi32>
        %gather3A_1442 = tpu.vector_load_idx %arg8[%add3A_1044, %add3A_1441] : memref<256x128xf32, #tpu.memory_space<vmem>>[vector<16xi32>, vector<16xi32>], vector<16xf32>,
        %mul3A_1443 = arith.constant 8 : i32
        %mul3A_1444 = arith.muli %mul3A_1443, %select_n3A_1042 : i32
        %add3A_1445 = arith.constant 32 : i32
        %add3A_1446 = arith.addi %add3A_1445, %mul3A_1444 : i32
        %add3A_1447 = vector.broadcast %add3A_1446 : i32 to vector<16xi32>
        %add3A_1448 = arith.addi %add3A_157, %add3A_1447 : vector<16xi32>
        %mul3A_1449 = arith.constant 8.000000e+00 : f32
        %mul3A_1450 = vector.broadcast %mul3A_1449 : f32 to vector<16xf32>
        %mul3A_1451 = arith.mulf %gather3A_1442, %mul3A_1450 : vector<16xf32>
        tpu.vector_store_idx %arg9[%add3A_1448, %add3A_1049], %mul3A_1451 : memref<128x128xf32, #tpu.memory_space<vmem>>[vector<16xi32>, vector<16xi32>], vector<16xf32>,
        %add3A_1452 = arith.constant 16 : i32
        %add3A_1453 = vector.broadcast %add3A_1452 : i32 to vector<16xi32>
        %add3A_1454 = arith.addi %and3A_97, %add3A_1453 : vector<16xi32>
        %gather3A_1455 = tpu.vector_load_idx %arg8[%add3A_1044, %add3A_1454] : memref<256x128xf32, #tpu.memory_space<vmem>>[vector<16xi32>, vector<16xi32>], vector<16xf32>,
        %mul3A_1456 = arith.constant 8 : i32
        %mul3A_1457 = arith.muli %mul3A_1456, %select_n3A_1042 : i32
        %add3A_1458 = arith.constant 32 : i32
        %add3A_1459 = arith.addi %add3A_1458, %mul3A_1457 : i32
        %add3A_1460 = vector.broadcast %add3A_1459 : i32 to vector<16xi32>
        %add3A_1461 = arith.addi %add3A_161, %add3A_1460 : vector<16xi32>
        %mul3A_1462 = arith.constant 8.000000e+00 : f32
        %mul3A_1463 = vector.broadcast %mul3A_1462 : f32 to vector<16xf32>
        %mul3A_1464 = arith.mulf %gather3A_1455, %mul3A_1463 : vector<16xf32>
        tpu.vector_store_idx %arg9[%add3A_1461, %add3A_1049], %mul3A_1464 : memref<128x128xf32, #tpu.memory_space<vmem>>[vector<16xi32>, vector<16xi32>], vector<16xf32>,
        %add3A_1465 = arith.constant 32 : i32
        %add3A_1466 = vector.broadcast %add3A_1465 : i32 to vector<16xi32>
        %add3A_1467 = arith.addi %and3A_7, %add3A_1466 : vector<16xi32>
        %gather3A_1468 = tpu.vector_load_idx %arg8[%add3A_1044, %add3A_1467] : memref<256x128xf32, #tpu.memory_space<vmem>>[vector<16xi32>, vector<16xi32>], vector<16xf32>,
        %mul3A_1469 = arith.constant 8 : i32
        %mul3A_1470 = arith.muli %mul3A_1469, %select_n3A_1042 : i32
        %add3A_1471 = arith.constant 64 : i32
        %add3A_1472 = arith.addi %add3A_1471, %mul3A_1470 : i32
        %add3A_1473 = vector.broadcast %add3A_1472 : i32 to vector<16xi32>
        %add3A_1474 = arith.addi %add3A_101, %add3A_1473 : vector<16xi32>
        %mul3A_1475 = arith.constant 8.000000e+00 : f32
        %mul3A_1476 = vector.broadcast %mul3A_1475 : f32 to vector<16xf32>
        %mul3A_1477 = arith.mulf %gather3A_1468, %mul3A_1476 : vector<16xf32>
        tpu.vector_store_idx %arg9[%add3A_1474, %add3A_1049], %mul3A_1477 : memref<128x128xf32, #tpu.memory_space<vmem>>[vector<16xi32>, vector<16xi32>], vector<16xf32>,
        %add3A_1478 = arith.constant 32 : i32
        %add3A_1479 = vector.broadcast %add3A_1478 : i32 to vector<16xi32>
        %add3A_1480 = arith.addi %and3A_13, %add3A_1479 : vector<16xi32>
        %gather3A_1481 = tpu.vector_load_idx %arg8[%add3A_1044, %add3A_1480] : memref<256x128xf32, #tpu.memory_space<vmem>>[vector<16xi32>, vector<16xi32>], vector<16xf32>,
        %mul3A_1482 = arith.constant 8 : i32
        %mul3A_1483 = arith.muli %mul3A_1482, %select_n3A_1042 : i32
        %add3A_1484 = arith.constant 64 : i32
        %add3A_1485 = arith.addi %add3A_1484, %mul3A_1483 : i32
        %add3A_1486 = vector.broadcast %add3A_1485 : i32 to vector<16xi32>
        %add3A_1487 = arith.addi %add3A_105, %add3A_1486 : vector<16xi32>
        %mul3A_1488 = arith.constant 8.000000e+00 : f32
        %mul3A_1489 = vector.broadcast %mul3A_1488 : f32 to vector<16xf32>
        %mul3A_1490 = arith.mulf %gather3A_1481, %mul3A_1489 : vector<16xf32>
        tpu.vector_store_idx %arg9[%add3A_1487, %add3A_1049], %mul3A_1490 : memref<128x128xf32, #tpu.memory_space<vmem>>[vector<16xi32>, vector<16xi32>], vector<16xf32>,
        %add3A_1491 = arith.constant 32 : i32
        %add3A_1492 = vector.broadcast %add3A_1491 : i32 to vector<16xi32>
        %add3A_1493 = arith.addi %and3A_19, %add3A_1492 : vector<16xi32>
        %gather3A_1494 = tpu.vector_load_idx %arg8[%add3A_1044, %add3A_1493] : memref<256x128xf32, #tpu.memory_space<vmem>>[vector<16xi32>, vector<16xi32>], vector<16xf32>,
        %mul3A_1495 = arith.constant 8 : i32
        %mul3A_1496 = arith.muli %mul3A_1495, %select_n3A_1042 : i32
        %add3A_1497 = arith.constant 64 : i32
        %add3A_1498 = arith.addi %add3A_1497, %mul3A_1496 : i32
        %add3A_1499 = vector.broadcast %add3A_1498 : i32 to vector<16xi32>
        %add3A_1500 = arith.addi %add3A_109, %add3A_1499 : vector<16xi32>
        %mul3A_1501 = arith.constant 8.000000e+00 : f32
        %mul3A_1502 = vector.broadcast %mul3A_1501 : f32 to vector<16xf32>
        %mul3A_1503 = arith.mulf %gather3A_1494, %mul3A_1502 : vector<16xf32>
        tpu.vector_store_idx %arg9[%add3A_1500, %add3A_1049], %mul3A_1503 : memref<128x128xf32, #tpu.memory_space<vmem>>[vector<16xi32>, vector<16xi32>], vector<16xf32>,
        %add3A_1504 = arith.constant 32 : i32
        %add3A_1505 = vector.broadcast %add3A_1504 : i32 to vector<16xi32>
        %add3A_1506 = arith.addi %and3A_25, %add3A_1505 : vector<16xi32>
        %gather3A_1507 = tpu.vector_load_idx %arg8[%add3A_1044, %add3A_1506] : memref<256x128xf32, #tpu.memory_space<vmem>>[vector<16xi32>, vector<16xi32>], vector<16xf32>,
        %mul3A_1508 = arith.constant 8 : i32
        %mul3A_1509 = arith.muli %mul3A_1508, %select_n3A_1042 : i32
        %add3A_1510 = arith.constant 64 : i32
        %add3A_1511 = arith.addi %add3A_1510, %mul3A_1509 : i32
        %add3A_1512 = vector.broadcast %add3A_1511 : i32 to vector<16xi32>
        %add3A_1513 = arith.addi %add3A_113, %add3A_1512 : vector<16xi32>
        %mul3A_1514 = arith.constant 8.000000e+00 : f32
        %mul3A_1515 = vector.broadcast %mul3A_1514 : f32 to vector<16xf32>
        %mul3A_1516 = arith.mulf %gather3A_1507, %mul3A_1515 : vector<16xf32>
        tpu.vector_store_idx %arg9[%add3A_1513, %add3A_1049], %mul3A_1516 : memref<128x128xf32, #tpu.memory_space<vmem>>[vector<16xi32>, vector<16xi32>], vector<16xf32>,
        %add3A_1517 = arith.constant 32 : i32
        %add3A_1518 = vector.broadcast %add3A_1517 : i32 to vector<16xi32>
        %add3A_1519 = arith.addi %and3A_31, %add3A_1518 : vector<16xi32>
        %gather3A_1520 = tpu.vector_load_idx %arg8[%add3A_1044, %add3A_1519] : memref<256x128xf32, #tpu.memory_space<vmem>>[vector<16xi32>, vector<16xi32>], vector<16xf32>,
        %mul3A_1521 = arith.constant 8 : i32
        %mul3A_1522 = arith.muli %mul3A_1521, %select_n3A_1042 : i32
        %add3A_1523 = arith.constant 64 : i32
        %add3A_1524 = arith.addi %add3A_1523, %mul3A_1522 : i32
        %add3A_1525 = vector.broadcast %add3A_1524 : i32 to vector<16xi32>
        %add3A_1526 = arith.addi %add3A_117, %add3A_1525 : vector<16xi32>
        %mul3A_1527 = arith.constant 8.000000e+00 : f32
        %mul3A_1528 = vector.broadcast %mul3A_1527 : f32 to vector<16xf32>
        %mul3A_1529 = arith.mulf %gather3A_1520, %mul3A_1528 : vector<16xf32>
        tpu.vector_store_idx %arg9[%add3A_1526, %add3A_1049], %mul3A_1529 : memref<128x128xf32, #tpu.memory_space<vmem>>[vector<16xi32>, vector<16xi32>], vector<16xf32>,
        %add3A_1530 = arith.constant 32 : i32
        %add3A_1531 = vector.broadcast %add3A_1530 : i32 to vector<16xi32>
        %add3A_1532 = arith.addi %and3A_37, %add3A_1531 : vector<16xi32>
        %gather3A_1533 = tpu.vector_load_idx %arg8[%add3A_1044, %add3A_1532] : memref<256x128xf32, #tpu.memory_space<vmem>>[vector<16xi32>, vector<16xi32>], vector<16xf32>,
        %mul3A_1534 = arith.constant 8 : i32
        %mul3A_1535 = arith.muli %mul3A_1534, %select_n3A_1042 : i32
        %add3A_1536 = arith.constant 64 : i32
        %add3A_1537 = arith.addi %add3A_1536, %mul3A_1535 : i32
        %add3A_1538 = vector.broadcast %add3A_1537 : i32 to vector<16xi32>
        %add3A_1539 = arith.addi %add3A_121, %add3A_1538 : vector<16xi32>
        %mul3A_1540 = arith.constant 8.000000e+00 : f32
        %mul3A_1541 = vector.broadcast %mul3A_1540 : f32 to vector<16xf32>
        %mul3A_1542 = arith.mulf %gather3A_1533, %mul3A_1541 : vector<16xf32>
        tpu.vector_store_idx %arg9[%add3A_1539, %add3A_1049], %mul3A_1542 : memref<128x128xf32, #tpu.memory_space<vmem>>[vector<16xi32>, vector<16xi32>], vector<16xf32>,
        %add3A_1543 = arith.constant 32 : i32
        %add3A_1544 = vector.broadcast %add3A_1543 : i32 to vector<16xi32>
        %add3A_1545 = arith.addi %and3A_43, %add3A_1544 : vector<16xi32>
        %gather3A_1546 = tpu.vector_load_idx %arg8[%add3A_1044, %add3A_1545] : memref<256x128xf32, #tpu.memory_space<vmem>>[vector<16xi32>, vector<16xi32>], vector<16xf32>,
        %mul3A_1547 = arith.constant 8 : i32
        %mul3A_1548 = arith.muli %mul3A_1547, %select_n3A_1042 : i32
        %add3A_1549 = arith.constant 64 : i32
        %add3A_1550 = arith.addi %add3A_1549, %mul3A_1548 : i32
        %add3A_1551 = vector.broadcast %add3A_1550 : i32 to vector<16xi32>
        %add3A_1552 = arith.addi %add3A_125, %add3A_1551 : vector<16xi32>
        %mul3A_1553 = arith.constant 8.000000e+00 : f32
        %mul3A_1554 = vector.broadcast %mul3A_1553 : f32 to vector<16xf32>
        %mul3A_1555 = arith.mulf %gather3A_1546, %mul3A_1554 : vector<16xf32>
        tpu.vector_store_idx %arg9[%add3A_1552, %add3A_1049], %mul3A_1555 : memref<128x128xf32, #tpu.memory_space<vmem>>[vector<16xi32>, vector<16xi32>], vector<16xf32>,
        %add3A_1556 = arith.constant 32 : i32
        %add3A_1557 = vector.broadcast %add3A_1556 : i32 to vector<16xi32>
        %add3A_1558 = arith.addi %and3A_49, %add3A_1557 : vector<16xi32>
        %gather3A_1559 = tpu.vector_load_idx %arg8[%add3A_1044, %add3A_1558] : memref<256x128xf32, #tpu.memory_space<vmem>>[vector<16xi32>, vector<16xi32>], vector<16xf32>,
        %mul3A_1560 = arith.constant 8 : i32
        %mul3A_1561 = arith.muli %mul3A_1560, %select_n3A_1042 : i32
        %add3A_1562 = arith.constant 64 : i32
        %add3A_1563 = arith.addi %add3A_1562, %mul3A_1561 : i32
        %add3A_1564 = vector.broadcast %add3A_1563 : i32 to vector<16xi32>
        %add3A_1565 = arith.addi %add3A_129, %add3A_1564 : vector<16xi32>
        %mul3A_1566 = arith.constant 8.000000e+00 : f32
        %mul3A_1567 = vector.broadcast %mul3A_1566 : f32 to vector<16xf32>
        %mul3A_1568 = arith.mulf %gather3A_1559, %mul3A_1567 : vector<16xf32>
        tpu.vector_store_idx %arg9[%add3A_1565, %add3A_1049], %mul3A_1568 : memref<128x128xf32, #tpu.memory_space<vmem>>[vector<16xi32>, vector<16xi32>], vector<16xf32>,
        %add3A_1569 = arith.constant 32 : i32
        %add3A_1570 = vector.broadcast %add3A_1569 : i32 to vector<16xi32>
        %add3A_1571 = arith.addi %and3A_55, %add3A_1570 : vector<16xi32>
        %gather3A_1572 = tpu.vector_load_idx %arg8[%add3A_1044, %add3A_1571] : memref<256x128xf32, #tpu.memory_space<vmem>>[vector<16xi32>, vector<16xi32>], vector<16xf32>,
        %mul3A_1573 = arith.constant 8 : i32
        %mul3A_1574 = arith.muli %mul3A_1573, %select_n3A_1042 : i32
        %add3A_1575 = arith.constant 64 : i32
        %add3A_1576 = arith.addi %add3A_1575, %mul3A_1574 : i32
        %add3A_1577 = vector.broadcast %add3A_1576 : i32 to vector<16xi32>
        %add3A_1578 = arith.addi %add3A_133, %add3A_1577 : vector<16xi32>
        %mul3A_1579 = arith.constant 8.000000e+00 : f32
        %mul3A_1580 = vector.broadcast %mul3A_1579 : f32 to vector<16xf32>
        %mul3A_1581 = arith.mulf %gather3A_1572, %mul3A_1580 : vector<16xf32>
        tpu.vector_store_idx %arg9[%add3A_1578, %add3A_1049], %mul3A_1581 : memref<128x128xf32, #tpu.memory_space<vmem>>[vector<16xi32>, vector<16xi32>], vector<16xf32>,
        %add3A_1582 = arith.constant 32 : i32
        %add3A_1583 = vector.broadcast %add3A_1582 : i32 to vector<16xi32>
        %add3A_1584 = arith.addi %and3A_61, %add3A_1583 : vector<16xi32>
        %gather3A_1585 = tpu.vector_load_idx %arg8[%add3A_1044, %add3A_1584] : memref<256x128xf32, #tpu.memory_space<vmem>>[vector<16xi32>, vector<16xi32>], vector<16xf32>,
        %mul3A_1586 = arith.constant 8 : i32
        %mul3A_1587 = arith.muli %mul3A_1586, %select_n3A_1042 : i32
        %add3A_1588 = arith.constant 64 : i32
        %add3A_1589 = arith.addi %add3A_1588, %mul3A_1587 : i32
        %add3A_1590 = vector.broadcast %add3A_1589 : i32 to vector<16xi32>
        %add3A_1591 = arith.addi %add3A_137, %add3A_1590 : vector<16xi32>
        %mul3A_1592 = arith.constant 8.000000e+00 : f32
        %mul3A_1593 = vector.broadcast %mul3A_1592 : f32 to vector<16xf32>
        %mul3A_1594 = arith.mulf %gather3A_1585, %mul3A_1593 : vector<16xf32>
        tpu.vector_store_idx %arg9[%add3A_1591, %add3A_1049], %mul3A_1594 : memref<128x128xf32, #tpu.memory_space<vmem>>[vector<16xi32>, vector<16xi32>], vector<16xf32>,
        %add3A_1595 = arith.constant 32 : i32
        %add3A_1596 = vector.broadcast %add3A_1595 : i32 to vector<16xi32>
        %add3A_1597 = arith.addi %and3A_67, %add3A_1596 : vector<16xi32>
        %gather3A_1598 = tpu.vector_load_idx %arg8[%add3A_1044, %add3A_1597] : memref<256x128xf32, #tpu.memory_space<vmem>>[vector<16xi32>, vector<16xi32>], vector<16xf32>,
        %mul3A_1599 = arith.constant 8 : i32
        %mul3A_1600 = arith.muli %mul3A_1599, %select_n3A_1042 : i32
        %add3A_1601 = arith.constant 64 : i32
        %add3A_1602 = arith.addi %add3A_1601, %mul3A_1600 : i32
        %add3A_1603 = vector.broadcast %add3A_1602 : i32 to vector<16xi32>
        %add3A_1604 = arith.addi %add3A_141, %add3A_1603 : vector<16xi32>
        %mul3A_1605 = arith.constant 8.000000e+00 : f32
        %mul3A_1606 = vector.broadcast %mul3A_1605 : f32 to vector<16xf32>
        %mul3A_1607 = arith.mulf %gather3A_1598, %mul3A_1606 : vector<16xf32>
        tpu.vector_store_idx %arg9[%add3A_1604, %add3A_1049], %mul3A_1607 : memref<128x128xf32, #tpu.memory_space<vmem>>[vector<16xi32>, vector<16xi32>], vector<16xf32>,
        %add3A_1608 = arith.constant 32 : i32
        %add3A_1609 = vector.broadcast %add3A_1608 : i32 to vector<16xi32>
        %add3A_1610 = arith.addi %and3A_73, %add3A_1609 : vector<16xi32>
        %gather3A_1611 = tpu.vector_load_idx %arg8[%add3A_1044, %add3A_1610] : memref<256x128xf32, #tpu.memory_space<vmem>>[vector<16xi32>, vector<16xi32>], vector<16xf32>,
        %mul3A_1612 = arith.constant 8 : i32
        %mul3A_1613 = arith.muli %mul3A_1612, %select_n3A_1042 : i32
        %add3A_1614 = arith.constant 64 : i32
        %add3A_1615 = arith.addi %add3A_1614, %mul3A_1613 : i32
        %add3A_1616 = vector.broadcast %add3A_1615 : i32 to vector<16xi32>
        %add3A_1617 = arith.addi %add3A_145, %add3A_1616 : vector<16xi32>
        %mul3A_1618 = arith.constant 8.000000e+00 : f32
        %mul3A_1619 = vector.broadcast %mul3A_1618 : f32 to vector<16xf32>
        %mul3A_1620 = arith.mulf %gather3A_1611, %mul3A_1619 : vector<16xf32>
        tpu.vector_store_idx %arg9[%add3A_1617, %add3A_1049], %mul3A_1620 : memref<128x128xf32, #tpu.memory_space<vmem>>[vector<16xi32>, vector<16xi32>], vector<16xf32>,
        %add3A_1621 = arith.constant 32 : i32
        %add3A_1622 = vector.broadcast %add3A_1621 : i32 to vector<16xi32>
        %add3A_1623 = arith.addi %and3A_79, %add3A_1622 : vector<16xi32>
        %gather3A_1624 = tpu.vector_load_idx %arg8[%add3A_1044, %add3A_1623] : memref<256x128xf32, #tpu.memory_space<vmem>>[vector<16xi32>, vector<16xi32>], vector<16xf32>,
        %mul3A_1625 = arith.constant 8 : i32
        %mul3A_1626 = arith.muli %mul3A_1625, %select_n3A_1042 : i32
        %add3A_1627 = arith.constant 64 : i32
        %add3A_1628 = arith.addi %add3A_1627, %mul3A_1626 : i32
        %add3A_1629 = vector.broadcast %add3A_1628 : i32 to vector<16xi32>
        %add3A_1630 = arith.addi %add3A_149, %add3A_1629 : vector<16xi32>
        %mul3A_1631 = arith.constant 8.000000e+00 : f32
        %mul3A_1632 = vector.broadcast %mul3A_1631 : f32 to vector<16xf32>
        %mul3A_1633 = arith.mulf %gather3A_1624, %mul3A_1632 : vector<16xf32>
        tpu.vector_store_idx %arg9[%add3A_1630, %add3A_1049], %mul3A_1633 : memref<128x128xf32, #tpu.memory_space<vmem>>[vector<16xi32>, vector<16xi32>], vector<16xf32>,
        %add3A_1634 = arith.constant 32 : i32
        %add3A_1635 = vector.broadcast %add3A_1634 : i32 to vector<16xi32>
        %add3A_1636 = arith.addi %and3A_85, %add3A_1635 : vector<16xi32>
        %gather3A_1637 = tpu.vector_load_idx %arg8[%add3A_1044, %add3A_1636] : memref<256x128xf32, #tpu.memory_space<vmem>>[vector<16xi32>, vector<16xi32>], vector<16xf32>,
        %mul3A_1638 = arith.constant 8 : i32
        %mul3A_1639 = arith.muli %mul3A_1638, %select_n3A_1042 : i32
        %add3A_1640 = arith.constant 64 : i32
        %add3A_1641 = arith.addi %add3A_1640, %mul3A_1639 : i32
        %add3A_1642 = vector.broadcast %add3A_1641 : i32 to vector<16xi32>
        %add3A_1643 = arith.addi %add3A_153, %add3A_1642 : vector<16xi32>
        %mul3A_1644 = arith.constant 8.000000e+00 : f32
        %mul3A_1645 = vector.broadcast %mul3A_1644 : f32 to vector<16xf32>
        %mul3A_1646 = arith.mulf %gather3A_1637, %mul3A_1645 : vector<16xf32>
        tpu.vector_store_idx %arg9[%add3A_1643, %add3A_1049], %mul3A_1646 : memref<128x128xf32, #tpu.memory_space<vmem>>[vector<16xi32>, vector<16xi32>], vector<16xf32>,
        %add3A_1647 = arith.constant 32 : i32
        %add3A_1648 = vector.broadcast %add3A_1647 : i32 to vector<16xi32>
        %add3A_1649 = arith.addi %and3A_91, %add3A_1648 : vector<16xi32>
        %gather3A_1650 = tpu.vector_load_idx %arg8[%add3A_1044, %add3A_1649] : memref<256x128xf32, #tpu.memory_space<vmem>>[vector<16xi32>, vector<16xi32>], vector<16xf32>,
        %mul3A_1651 = arith.constant 8 : i32
        %mul3A_1652 = arith.muli %mul3A_1651, %select_n3A_1042 : i32
        %add3A_1653 = arith.constant 64 : i32
        %add3A_1654 = arith.addi %add3A_1653, %mul3A_1652 : i32
        %add3A_1655 = vector.broadcast %add3A_1654 : i32 to vector<16xi32>
        %add3A_1656 = arith.addi %add3A_157, %add3A_1655 : vector<16xi32>
        %mul3A_1657 = arith.constant 8.000000e+00 : f32
        %mul3A_1658 = vector.broadcast %mul3A_1657 : f32 to vector<16xf32>
        %mul3A_1659 = arith.mulf %gather3A_1650, %mul3A_1658 : vector<16xf32>
        tpu.vector_store_idx %arg9[%add3A_1656, %add3A_1049], %mul3A_1659 : memref<128x128xf32, #tpu.memory_space<vmem>>[vector<16xi32>, vector<16xi32>], vector<16xf32>,
        %add3A_1660 = arith.constant 32 : i32
        %add3A_1661 = vector.broadcast %add3A_1660 : i32 to vector<16xi32>
        %add3A_1662 = arith.addi %and3A_97, %add3A_1661 : vector<16xi32>
        %gather3A_1663 = tpu.vector_load_idx %arg8[%add3A_1044, %add3A_1662] : memref<256x128xf32, #tpu.memory_space<vmem>>[vector<16xi32>, vector<16xi32>], vector<16xf32>,
        %mul3A_1664 = arith.constant 8 : i32
        %mul3A_1665 = arith.muli %mul3A_1664, %select_n3A_1042 : i32
        %add3A_1666 = arith.constant 64 : i32
        %add3A_1667 = arith.addi %add3A_1666, %mul3A_1665 : i32
        %add3A_1668 = vector.broadcast %add3A_1667 : i32 to vector<16xi32>
        %add3A_1669 = arith.addi %add3A_161, %add3A_1668 : vector<16xi32>
        %mul3A_1670 = arith.constant 8.000000e+00 : f32
        %mul3A_1671 = vector.broadcast %mul3A_1670 : f32 to vector<16xf32>
        %mul3A_1672 = arith.mulf %gather3A_1663, %mul3A_1671 : vector<16xf32>
        tpu.vector_store_idx %arg9[%add3A_1669, %add3A_1049], %mul3A_1672 : memref<128x128xf32, #tpu.memory_space<vmem>>[vector<16xi32>, vector<16xi32>], vector<16xf32>,
        %add3A_1673 = arith.constant 48 : i32
        %add3A_1674 = vector.broadcast %add3A_1673 : i32 to vector<16xi32>
        %add3A_1675 = arith.addi %and3A_7, %add3A_1674 : vector<16xi32>
        %gather3A_1676 = tpu.vector_load_idx %arg8[%add3A_1044, %add3A_1675] : memref<256x128xf32, #tpu.memory_space<vmem>>[vector<16xi32>, vector<16xi32>], vector<16xf32>,
        %mul3A_1677 = arith.constant 8 : i32
        %mul3A_1678 = arith.muli %mul3A_1677, %select_n3A_1042 : i32
        %add3A_1679 = arith.constant 96 : i32
        %add3A_1680 = arith.addi %add3A_1679, %mul3A_1678 : i32
        %add3A_1681 = vector.broadcast %add3A_1680 : i32 to vector<16xi32>
        %add3A_1682 = arith.addi %add3A_101, %add3A_1681 : vector<16xi32>
        %mul3A_1683 = arith.constant 8.000000e+00 : f32
        %mul3A_1684 = vector.broadcast %mul3A_1683 : f32 to vector<16xf32>
        %mul3A_1685 = arith.mulf %gather3A_1676, %mul3A_1684 : vector<16xf32>
        tpu.vector_store_idx %arg9[%add3A_1682, %add3A_1049], %mul3A_1685 : memref<128x128xf32, #tpu.memory_space<vmem>>[vector<16xi32>, vector<16xi32>], vector<16xf32>,
        %add3A_1686 = arith.constant 48 : i32
        %add3A_1687 = vector.broadcast %add3A_1686 : i32 to vector<16xi32>
        %add3A_1688 = arith.addi %and3A_13, %add3A_1687 : vector<16xi32>
        %gather3A_1689 = tpu.vector_load_idx %arg8[%add3A_1044, %add3A_1688] : memref<256x128xf32, #tpu.memory_space<vmem>>[vector<16xi32>, vector<16xi32>], vector<16xf32>,
        %mul3A_1690 = arith.constant 8 : i32
        %mul3A_1691 = arith.muli %mul3A_1690, %select_n3A_1042 : i32
        %add3A_1692 = arith.constant 96 : i32
        %add3A_1693 = arith.addi %add3A_1692, %mul3A_1691 : i32
        %add3A_1694 = vector.broadcast %add3A_1693 : i32 to vector<16xi32>
        %add3A_1695 = arith.addi %add3A_105, %add3A_1694 : vector<16xi32>
        %mul3A_1696 = arith.constant 8.000000e+00 : f32
        %mul3A_1697 = vector.broadcast %mul3A_1696 : f32 to vector<16xf32>
        %mul3A_1698 = arith.mulf %gather3A_1689, %mul3A_1697 : vector<16xf32>
        tpu.vector_store_idx %arg9[%add3A_1695, %add3A_1049], %mul3A_1698 : memref<128x128xf32, #tpu.memory_space<vmem>>[vector<16xi32>, vector<16xi32>], vector<16xf32>,
        %add3A_1699 = arith.constant 48 : i32
        %add3A_1700 = vector.broadcast %add3A_1699 : i32 to vector<16xi32>
        %add3A_1701 = arith.addi %and3A_19, %add3A_1700 : vector<16xi32>
        %gather3A_1702 = tpu.vector_load_idx %arg8[%add3A_1044, %add3A_1701] : memref<256x128xf32, #tpu.memory_space<vmem>>[vector<16xi32>, vector<16xi32>], vector<16xf32>,
        %mul3A_1703 = arith.constant 8 : i32
        %mul3A_1704 = arith.muli %mul3A_1703, %select_n3A_1042 : i32
        %add3A_1705 = arith.constant 96 : i32
        %add3A_1706 = arith.addi %add3A_1705, %mul3A_1704 : i32
        %add3A_1707 = vector.broadcast %add3A_1706 : i32 to vector<16xi32>
        %add3A_1708 = arith.addi %add3A_109, %add3A_1707 : vector<16xi32>
        %mul3A_1709 = arith.constant 8.000000e+00 : f32
        %mul3A_1710 = vector.broadcast %mul3A_1709 : f32 to vector<16xf32>
        %mul3A_1711 = arith.mulf %gather3A_1702, %mul3A_1710 : vector<16xf32>
        tpu.vector_store_idx %arg9[%add3A_1708, %add3A_1049], %mul3A_1711 : memref<128x128xf32, #tpu.memory_space<vmem>>[vector<16xi32>, vector<16xi32>], vector<16xf32>,
        %add3A_1712 = arith.constant 48 : i32
        %add3A_1713 = vector.broadcast %add3A_1712 : i32 to vector<16xi32>
        %add3A_1714 = arith.addi %and3A_25, %add3A_1713 : vector<16xi32>
        %gather3A_1715 = tpu.vector_load_idx %arg8[%add3A_1044, %add3A_1714] : memref<256x128xf32, #tpu.memory_space<vmem>>[vector<16xi32>, vector<16xi32>], vector<16xf32>,
        %mul3A_1716 = arith.constant 8 : i32
        %mul3A_1717 = arith.muli %mul3A_1716, %select_n3A_1042 : i32
        %add3A_1718 = arith.constant 96 : i32
        %add3A_1719 = arith.addi %add3A_1718, %mul3A_1717 : i32
        %add3A_1720 = vector.broadcast %add3A_1719 : i32 to vector<16xi32>
        %add3A_1721 = arith.addi %add3A_113, %add3A_1720 : vector<16xi32>
        %mul3A_1722 = arith.constant 8.000000e+00 : f32
        %mul3A_1723 = vector.broadcast %mul3A_1722 : f32 to vector<16xf32>
        %mul3A_1724 = arith.mulf %gather3A_1715, %mul3A_1723 : vector<16xf32>
        tpu.vector_store_idx %arg9[%add3A_1721, %add3A_1049], %mul3A_1724 : memref<128x128xf32, #tpu.memory_space<vmem>>[vector<16xi32>, vector<16xi32>], vector<16xf32>,
        %add3A_1725 = arith.constant 48 : i32
        %add3A_1726 = vector.broadcast %add3A_1725 : i32 to vector<16xi32>
        %add3A_1727 = arith.addi %and3A_31, %add3A_1726 : vector<16xi32>
        %gather3A_1728 = tpu.vector_load_idx %arg8[%add3A_1044, %add3A_1727] : memref<256x128xf32, #tpu.memory_space<vmem>>[vector<16xi32>, vector<16xi32>], vector<16xf32>,
        %mul3A_1729 = arith.constant 8 : i32
        %mul3A_1730 = arith.muli %mul3A_1729, %select_n3A_1042 : i32
        %add3A_1731 = arith.constant 96 : i32
        %add3A_1732 = arith.addi %add3A_1731, %mul3A_1730 : i32
        %add3A_1733 = vector.broadcast %add3A_1732 : i32 to vector<16xi32>
        %add3A_1734 = arith.addi %add3A_117, %add3A_1733 : vector<16xi32>
        %mul3A_1735 = arith.constant 8.000000e+00 : f32
        %mul3A_1736 = vector.broadcast %mul3A_1735 : f32 to vector<16xf32>
        %mul3A_1737 = arith.mulf %gather3A_1728, %mul3A_1736 : vector<16xf32>
        tpu.vector_store_idx %arg9[%add3A_1734, %add3A_1049], %mul3A_1737 : memref<128x128xf32, #tpu.memory_space<vmem>>[vector<16xi32>, vector<16xi32>], vector<16xf32>,
        %add3A_1738 = arith.constant 48 : i32
        %add3A_1739 = vector.broadcast %add3A_1738 : i32 to vector<16xi32>
        %add3A_1740 = arith.addi %and3A_37, %add3A_1739 : vector<16xi32>
        %gather3A_1741 = tpu.vector_load_idx %arg8[%add3A_1044, %add3A_1740] : memref<256x128xf32, #tpu.memory_space<vmem>>[vector<16xi32>, vector<16xi32>], vector<16xf32>,
        %mul3A_1742 = arith.constant 8 : i32
        %mul3A_1743 = arith.muli %mul3A_1742, %select_n3A_1042 : i32
        %add3A_1744 = arith.constant 96 : i32
        %add3A_1745 = arith.addi %add3A_1744, %mul3A_1743 : i32
        %add3A_1746 = vector.broadcast %add3A_1745 : i32 to vector<16xi32>
        %add3A_1747 = arith.addi %add3A_121, %add3A_1746 : vector<16xi32>
        %mul3A_1748 = arith.constant 8.000000e+00 : f32
        %mul3A_1749 = vector.broadcast %mul3A_1748 : f32 to vector<16xf32>
        %mul3A_1750 = arith.mulf %gather3A_1741, %mul3A_1749 : vector<16xf32>
        tpu.vector_store_idx %arg9[%add3A_1747, %add3A_1049], %mul3A_1750 : memref<128x128xf32, #tpu.memory_space<vmem>>[vector<16xi32>, vector<16xi32>], vector<16xf32>,
        %add3A_1751 = arith.constant 48 : i32
        %add3A_1752 = vector.broadcast %add3A_1751 : i32 to vector<16xi32>
        %add3A_1753 = arith.addi %and3A_43, %add3A_1752 : vector<16xi32>
        %gather3A_1754 = tpu.vector_load_idx %arg8[%add3A_1044, %add3A_1753] : memref<256x128xf32, #tpu.memory_space<vmem>>[vector<16xi32>, vector<16xi32>], vector<16xf32>,
        %mul3A_1755 = arith.constant 8 : i32
        %mul3A_1756 = arith.muli %mul3A_1755, %select_n3A_1042 : i32
        %add3A_1757 = arith.constant 96 : i32
        %add3A_1758 = arith.addi %add3A_1757, %mul3A_1756 : i32
        %add3A_1759 = vector.broadcast %add3A_1758 : i32 to vector<16xi32>
        %add3A_1760 = arith.addi %add3A_125, %add3A_1759 : vector<16xi32>
        %mul3A_1761 = arith.constant 8.000000e+00 : f32
        %mul3A_1762 = vector.broadcast %mul3A_1761 : f32 to vector<16xf32>
        %mul3A_1763 = arith.mulf %gather3A_1754, %mul3A_1762 : vector<16xf32>
        tpu.vector_store_idx %arg9[%add3A_1760, %add3A_1049], %mul3A_1763 : memref<128x128xf32, #tpu.memory_space<vmem>>[vector<16xi32>, vector<16xi32>], vector<16xf32>,
        %add3A_1764 = arith.constant 48 : i32
        %add3A_1765 = vector.broadcast %add3A_1764 : i32 to vector<16xi32>
        %add3A_1766 = arith.addi %and3A_49, %add3A_1765 : vector<16xi32>
        %gather3A_1767 = tpu.vector_load_idx %arg8[%add3A_1044, %add3A_1766] : memref<256x128xf32, #tpu.memory_space<vmem>>[vector<16xi32>, vector<16xi32>], vector<16xf32>,
        %mul3A_1768 = arith.constant 8 : i32
        %mul3A_1769 = arith.muli %mul3A_1768, %select_n3A_1042 : i32
        %add3A_1770 = arith.constant 96 : i32
        %add3A_1771 = arith.addi %add3A_1770, %mul3A_1769 : i32
        %add3A_1772 = vector.broadcast %add3A_1771 : i32 to vector<16xi32>
        %add3A_1773 = arith.addi %add3A_129, %add3A_1772 : vector<16xi32>
        %mul3A_1774 = arith.constant 8.000000e+00 : f32
        %mul3A_1775 = vector.broadcast %mul3A_1774 : f32 to vector<16xf32>
        %mul3A_1776 = arith.mulf %gather3A_1767, %mul3A_1775 : vector<16xf32>
        tpu.vector_store_idx %arg9[%add3A_1773, %add3A_1049], %mul3A_1776 : memref<128x128xf32, #tpu.memory_space<vmem>>[vector<16xi32>, vector<16xi32>], vector<16xf32>,
        %add3A_1777 = arith.constant 48 : i32
        %add3A_1778 = vector.broadcast %add3A_1777 : i32 to vector<16xi32>
        %add3A_1779 = arith.addi %and3A_55, %add3A_1778 : vector<16xi32>
        %gather3A_1780 = tpu.vector_load_idx %arg8[%add3A_1044, %add3A_1779] : memref<256x128xf32, #tpu.memory_space<vmem>>[vector<16xi32>, vector<16xi32>], vector<16xf32>,
        %mul3A_1781 = arith.constant 8 : i32
        %mul3A_1782 = arith.muli %mul3A_1781, %select_n3A_1042 : i32
        %add3A_1783 = arith.constant 96 : i32
        %add3A_1784 = arith.addi %add3A_1783, %mul3A_1782 : i32
        %add3A_1785 = vector.broadcast %add3A_1784 : i32 to vector<16xi32>
        %add3A_1786 = arith.addi %add3A_133, %add3A_1785 : vector<16xi32>
        %mul3A_1787 = arith.constant 8.000000e+00 : f32
        %mul3A_1788 = vector.broadcast %mul3A_1787 : f32 to vector<16xf32>
        %mul3A_1789 = arith.mulf %gather3A_1780, %mul3A_1788 : vector<16xf32>
        tpu.vector_store_idx %arg9[%add3A_1786, %add3A_1049], %mul3A_1789 : memref<128x128xf32, #tpu.memory_space<vmem>>[vector<16xi32>, vector<16xi32>], vector<16xf32>,
        %add3A_1790 = arith.constant 48 : i32
        %add3A_1791 = vector.broadcast %add3A_1790 : i32 to vector<16xi32>
        %add3A_1792 = arith.addi %and3A_61, %add3A_1791 : vector<16xi32>
        %gather3A_1793 = tpu.vector_load_idx %arg8[%add3A_1044, %add3A_1792] : memref<256x128xf32, #tpu.memory_space<vmem>>[vector<16xi32>, vector<16xi32>], vector<16xf32>,
        %mul3A_1794 = arith.constant 8 : i32
        %mul3A_1795 = arith.muli %mul3A_1794, %select_n3A_1042 : i32
        %add3A_1796 = arith.constant 96 : i32
        %add3A_1797 = arith.addi %add3A_1796, %mul3A_1795 : i32
        %add3A_1798 = vector.broadcast %add3A_1797 : i32 to vector<16xi32>
        %add3A_1799 = arith.addi %add3A_137, %add3A_1798 : vector<16xi32>
        %mul3A_1800 = arith.constant 8.000000e+00 : f32
        %mul3A_1801 = vector.broadcast %mul3A_1800 : f32 to vector<16xf32>
        %mul3A_1802 = arith.mulf %gather3A_1793, %mul3A_1801 : vector<16xf32>
        tpu.vector_store_idx %arg9[%add3A_1799, %add3A_1049], %mul3A_1802 : memref<128x128xf32, #tpu.memory_space<vmem>>[vector<16xi32>, vector<16xi32>], vector<16xf32>,
        %add3A_1803 = arith.constant 48 : i32
        %add3A_1804 = vector.broadcast %add3A_1803 : i32 to vector<16xi32>
        %add3A_1805 = arith.addi %and3A_67, %add3A_1804 : vector<16xi32>
        %gather3A_1806 = tpu.vector_load_idx %arg8[%add3A_1044, %add3A_1805] : memref<256x128xf32, #tpu.memory_space<vmem>>[vector<16xi32>, vector<16xi32>], vector<16xf32>,
        %mul3A_1807 = arith.constant 8 : i32
        %mul3A_1808 = arith.muli %mul3A_1807, %select_n3A_1042 : i32
        %add3A_1809 = arith.constant 96 : i32
        %add3A_1810 = arith.addi %add3A_1809, %mul3A_1808 : i32
        %add3A_1811 = vector.broadcast %add3A_1810 : i32 to vector<16xi32>
        %add3A_1812 = arith.addi %add3A_141, %add3A_1811 : vector<16xi32>
        %mul3A_1813 = arith.constant 8.000000e+00 : f32
        %mul3A_1814 = vector.broadcast %mul3A_1813 : f32 to vector<16xf32>
        %mul3A_1815 = arith.mulf %gather3A_1806, %mul3A_1814 : vector<16xf32>
        tpu.vector_store_idx %arg9[%add3A_1812, %add3A_1049], %mul3A_1815 : memref<128x128xf32, #tpu.memory_space<vmem>>[vector<16xi32>, vector<16xi32>], vector<16xf32>,
        %add3A_1816 = arith.constant 48 : i32
        %add3A_1817 = vector.broadcast %add3A_1816 : i32 to vector<16xi32>
        %add3A_1818 = arith.addi %and3A_73, %add3A_1817 : vector<16xi32>
        %gather3A_1819 = tpu.vector_load_idx %arg8[%add3A_1044, %add3A_1818] : memref<256x128xf32, #tpu.memory_space<vmem>>[vector<16xi32>, vector<16xi32>], vector<16xf32>,
        %mul3A_1820 = arith.constant 8 : i32
        %mul3A_1821 = arith.muli %mul3A_1820, %select_n3A_1042 : i32
        %add3A_1822 = arith.constant 96 : i32
        %add3A_1823 = arith.addi %add3A_1822, %mul3A_1821 : i32
        %add3A_1824 = vector.broadcast %add3A_1823 : i32 to vector<16xi32>
        %add3A_1825 = arith.addi %add3A_145, %add3A_1824 : vector<16xi32>
        %mul3A_1826 = arith.constant 8.000000e+00 : f32
        %mul3A_1827 = vector.broadcast %mul3A_1826 : f32 to vector<16xf32>
        %mul3A_1828 = arith.mulf %gather3A_1819, %mul3A_1827 : vector<16xf32>
        tpu.vector_store_idx %arg9[%add3A_1825, %add3A_1049], %mul3A_1828 : memref<128x128xf32, #tpu.memory_space<vmem>>[vector<16xi32>, vector<16xi32>], vector<16xf32>,
        %add3A_1829 = arith.constant 48 : i32
        %add3A_1830 = vector.broadcast %add3A_1829 : i32 to vector<16xi32>
        %add3A_1831 = arith.addi %and3A_79, %add3A_1830 : vector<16xi32>
        %gather3A_1832 = tpu.vector_load_idx %arg8[%add3A_1044, %add3A_1831] : memref<256x128xf32, #tpu.memory_space<vmem>>[vector<16xi32>, vector<16xi32>], vector<16xf32>,
        %mul3A_1833 = arith.constant 8 : i32
        %mul3A_1834 = arith.muli %mul3A_1833, %select_n3A_1042 : i32
        %add3A_1835 = arith.constant 96 : i32
        %add3A_1836 = arith.addi %add3A_1835, %mul3A_1834 : i32
        %add3A_1837 = vector.broadcast %add3A_1836 : i32 to vector<16xi32>
        %add3A_1838 = arith.addi %add3A_149, %add3A_1837 : vector<16xi32>
        %mul3A_1839 = arith.constant 8.000000e+00 : f32
        %mul3A_1840 = vector.broadcast %mul3A_1839 : f32 to vector<16xf32>
        %mul3A_1841 = arith.mulf %gather3A_1832, %mul3A_1840 : vector<16xf32>
        tpu.vector_store_idx %arg9[%add3A_1838, %add3A_1049], %mul3A_1841 : memref<128x128xf32, #tpu.memory_space<vmem>>[vector<16xi32>, vector<16xi32>], vector<16xf32>,
        %add3A_1842 = arith.constant 48 : i32
        %add3A_1843 = vector.broadcast %add3A_1842 : i32 to vector<16xi32>
        %add3A_1844 = arith.addi %and3A_85, %add3A_1843 : vector<16xi32>
        %gather3A_1845 = tpu.vector_load_idx %arg8[%add3A_1044, %add3A_1844] : memref<256x128xf32, #tpu.memory_space<vmem>>[vector<16xi32>, vector<16xi32>], vector<16xf32>,
        %mul3A_1846 = arith.constant 8 : i32
        %mul3A_1847 = arith.muli %mul3A_1846, %select_n3A_1042 : i32
        %add3A_1848 = arith.constant 96 : i32
        %add3A_1849 = arith.addi %add3A_1848, %mul3A_1847 : i32
        %add3A_1850 = vector.broadcast %add3A_1849 : i32 to vector<16xi32>
        %add3A_1851 = arith.addi %add3A_153, %add3A_1850 : vector<16xi32>
        %mul3A_1852 = arith.constant 8.000000e+00 : f32
        %mul3A_1853 = vector.broadcast %mul3A_1852 : f32 to vector<16xf32>
        %mul3A_1854 = arith.mulf %gather3A_1845, %mul3A_1853 : vector<16xf32>
        tpu.vector_store_idx %arg9[%add3A_1851, %add3A_1049], %mul3A_1854 : memref<128x128xf32, #tpu.memory_space<vmem>>[vector<16xi32>, vector<16xi32>], vector<16xf32>,
        %add3A_1855 = arith.constant 48 : i32
        %add3A_1856 = vector.broadcast %add3A_1855 : i32 to vector<16xi32>
        %add3A_1857 = arith.addi %and3A_91, %add3A_1856 : vector<16xi32>
        %gather3A_1858 = tpu.vector_load_idx %arg8[%add3A_1044, %add3A_1857] : memref<256x128xf32, #tpu.memory_space<vmem>>[vector<16xi32>, vector<16xi32>], vector<16xf32>,
        %mul3A_1859 = arith.constant 8 : i32
        %mul3A_1860 = arith.muli %mul3A_1859, %select_n3A_1042 : i32
        %add3A_1861 = arith.constant 96 : i32
        %add3A_1862 = arith.addi %add3A_1861, %mul3A_1860 : i32
        %add3A_1863 = vector.broadcast %add3A_1862 : i32 to vector<16xi32>
        %add3A_1864 = arith.addi %add3A_157, %add3A_1863 : vector<16xi32>
        %mul3A_1865 = arith.constant 8.000000e+00 : f32
        %mul3A_1866 = vector.broadcast %mul3A_1865 : f32 to vector<16xf32>
        %mul3A_1867 = arith.mulf %gather3A_1858, %mul3A_1866 : vector<16xf32>
        tpu.vector_store_idx %arg9[%add3A_1864, %add3A_1049], %mul3A_1867 : memref<128x128xf32, #tpu.memory_space<vmem>>[vector<16xi32>, vector<16xi32>], vector<16xf32>,
        %add3A_1868 = arith.constant 48 : i32
        %add3A_1869 = vector.broadcast %add3A_1868 : i32 to vector<16xi32>
        %add3A_1870 = arith.addi %and3A_97, %add3A_1869 : vector<16xi32>
        %gather3A_1871 = tpu.vector_load_idx %arg8[%add3A_1044, %add3A_1870] : memref<256x128xf32, #tpu.memory_space<vmem>>[vector<16xi32>, vector<16xi32>], vector<16xf32>,
        %mul3A_1872 = arith.constant 8 : i32
        %mul3A_1873 = arith.muli %mul3A_1872, %select_n3A_1042 : i32
        %add3A_1874 = arith.constant 96 : i32
        %add3A_1875 = arith.addi %add3A_1874, %mul3A_1873 : i32
        %add3A_1876 = vector.broadcast %add3A_1875 : i32 to vector<16xi32>
        %add3A_1877 = arith.addi %add3A_161, %add3A_1876 : vector<16xi32>
        %mul3A_1878 = arith.constant 8.000000e+00 : f32
        %mul3A_1879 = vector.broadcast %mul3A_1878 : f32 to vector<16xf32>
        %mul3A_1880 = arith.mulf %gather3A_1871, %mul3A_1879 : vector<16xf32>
        tpu.vector_store_idx %arg9[%add3A_1877, %add3A_1049], %mul3A_1880 : memref<128x128xf32, #tpu.memory_space<vmem>>[vector<16xi32>, vector<16xi32>], vector<16xf32>,
      }
      %scan3A_787 = arith.constant 16 : i32
      %add3A_788 = arith.constant 0 : i32
      %add3A_789 = arith.addi %add3A_762, %add3A_788 : i32
      %dma_start3A_790 = arith.constant 0 : i32
      %dma_start3A_791 = arith.constant 0 : i32
      %dma_start3A_792 = tpu.memref_slice %arg9[%dma_start3A_790, %dma_start3A_791] : memref<128x128xf32, #tpu.memory_space<vmem>> -> memref<8x128xf32, #tpu.memory_space<vmem>>
      %dma_start3A_793 = arith.constant 0 : i32
      %dma_start3A_794 = tpu.memref_slice %arg4[%select_n3A_743, %dma_start3A_793, %add3A_789] : memref<50x64x16384xf32, #tpu.memory_space<hbm>> -> memref<1x8x128xf32, #tpu.memory_space<hbm>>
      %dma_start3A_795 = tpu.memref_squeeze %dma_start3A_794 : memref<1x8x128xf32, #tpu.memory_space<hbm>> -> memref<8x128xf32, #tpu.memory_space<hbm>>
      %dma_start3A_796 = arith.constant 0 : i32
      %dma_start3A_797 = tpu.memref_slice %arg4[%select_n3A_743, %dma_start3A_796, %add3A_789] : memref<50x64x16384xf32, #tpu.memory_space<hbm>> -> memref<1x8x128xf32, #tpu.memory_space<hbm>>
      %dma_start3A_798 = tpu.memref_squeeze %dma_start3A_797 : memref<1x8x128xf32, #tpu.memory_space<hbm>> -> memref<8x128xf32, #tpu.memory_space<hbm>>
      %dma_start3A_799 = arith.constant 0 : i32
      %dma_start3A_800 = arith.constant 0 : i32
      %dma_start3A_801 = tpu.memref_slice %arg9[%dma_start3A_799, %dma_start3A_800] : memref<128x128xf32, #tpu.memory_space<vmem>> -> memref<8x128xf32, #tpu.memory_space<vmem>>
      tpu.enqueue_dma source(%dma_start3A_801 : memref<8x128xf32, #tpu.memory_space<vmem>>) target(%dma_start3A_798 : memref<8x128xf32, #tpu.memory_space<hbm>>) target_semaphore(%arg12 : memref<!tpu.dma_semaphore, #tpu.memory_space<semaphore_mem>>)
      %add3A_802 = arith.constant 128 : i32
      %add3A_803 = arith.addi %add3A_762, %add3A_802 : i32
      %dma_start3A_804 = arith.constant 8 : i32
      %dma_start3A_805 = arith.constant 0 : i32
      %dma_start3A_806 = tpu.memref_slice %arg9[%dma_start3A_804, %dma_start3A_805] : memref<128x128xf32, #tpu.memory_space<vmem>> -> memref<8x128xf32, #tpu.memory_space<vmem>>
      %dma_start3A_807 = arith.constant 0 : i32
      %dma_start3A_808 = tpu.memref_slice %arg4[%select_n3A_743, %dma_start3A_807, %add3A_803] : memref<50x64x16384xf32, #tpu.memory_space<hbm>> -> memref<1x8x128xf32, #tpu.memory_space<hbm>>
      %dma_start3A_809 = tpu.memref_squeeze %dma_start3A_808 : memref<1x8x128xf32, #tpu.memory_space<hbm>> -> memref<8x128xf32, #tpu.memory_space<hbm>>
      %dma_start3A_810 = arith.constant 0 : i32
      %dma_start3A_811 = tpu.memref_slice %arg4[%select_n3A_743, %dma_start3A_810, %add3A_803] : memref<50x64x16384xf32, #tpu.memory_space<hbm>> -> memref<1x8x128xf32, #tpu.memory_space<hbm>>
      %dma_start3A_812 = tpu.memref_squeeze %dma_start3A_811 : memref<1x8x128xf32, #tpu.memory_space<hbm>> -> memref<8x128xf32, #tpu.memory_space<hbm>>
      %dma_start3A_813 = arith.constant 8 : i32
      %dma_start3A_814 = arith.constant 0 : i32
      %dma_start3A_815 = tpu.memref_slice %arg9[%dma_start3A_813, %dma_start3A_814] : memref<128x128xf32, #tpu.memory_space<vmem>> -> memref<8x128xf32, #tpu.memory_space<vmem>>
      tpu.enqueue_dma source(%dma_start3A_815 : memref<8x128xf32, #tpu.memory_space<vmem>>) target(%dma_start3A_812 : memref<8x128xf32, #tpu.memory_space<hbm>>) target_semaphore(%arg12 : memref<!tpu.dma_semaphore, #tpu.memory_space<semaphore_mem>>)
      %add3A_816 = arith.constant 0 : i32
      %add3A_817 = arith.addi %add3A_762, %add3A_816 : i32
      %dma_start3A_818 = arith.constant 16 : i32
      %dma_start3A_819 = arith.constant 0 : i32
      %dma_start3A_820 = tpu.memref_slice %arg9[%dma_start3A_818, %dma_start3A_819] : memref<128x128xf32, #tpu.memory_space<vmem>> -> memref<8x128xf32, #tpu.memory_space<vmem>>
      %dma_start3A_821 = arith.constant 8 : i32
      %dma_start3A_822 = tpu.memref_slice %arg4[%select_n3A_743, %dma_start3A_821, %add3A_817] : memref<50x64x16384xf32, #tpu.memory_space<hbm>> -> memref<1x8x128xf32, #tpu.memory_space<hbm>>
      %dma_start3A_823 = tpu.memref_squeeze %dma_start3A_822 : memref<1x8x128xf32, #tpu.memory_space<hbm>> -> memref<8x128xf32, #tpu.memory_space<hbm>>
      %dma_start3A_824 = arith.constant 8 : i32
      %dma_start3A_825 = tpu.memref_slice %arg4[%select_n3A_743, %dma_start3A_824, %add3A_817] : memref<50x64x16384xf32, #tpu.memory_space<hbm>> -> memref<1x8x128xf32, #tpu.memory_space<hbm>>
      %dma_start3A_826 = tpu.memref_squeeze %dma_start3A_825 : memref<1x8x128xf32, #tpu.memory_space<hbm>> -> memref<8x128xf32, #tpu.memory_space<hbm>>
      %dma_start3A_827 = arith.constant 16 : i32
      %dma_start3A_828 = arith.constant 0 : i32
      %dma_start3A_829 = tpu.memref_slice %arg9[%dma_start3A_827, %dma_start3A_828] : memref<128x128xf32, #tpu.memory_space<vmem>> -> memref<8x128xf32, #tpu.memory_space<vmem>>
      tpu.enqueue_dma source(%dma_start3A_829 : memref<8x128xf32, #tpu.memory_space<vmem>>) target(%dma_start3A_826 : memref<8x128xf32, #tpu.memory_space<hbm>>) target_semaphore(%arg12 : memref<!tpu.dma_semaphore, #tpu.memory_space<semaphore_mem>>)
      %add3A_830 = arith.constant 128 : i32
      %add3A_831 = arith.addi %add3A_762, %add3A_830 : i32
      %dma_start3A_832 = arith.constant 24 : i32
      %dma_start3A_833 = arith.constant 0 : i32
      %dma_start3A_834 = tpu.memref_slice %arg9[%dma_start3A_832, %dma_start3A_833] : memref<128x128xf32, #tpu.memory_space<vmem>> -> memref<8x128xf32, #tpu.memory_space<vmem>>
      %dma_start3A_835 = arith.constant 8 : i32
      %dma_start3A_836 = tpu.memref_slice %arg4[%select_n3A_743, %dma_start3A_835, %add3A_831] : memref<50x64x16384xf32, #tpu.memory_space<hbm>> -> memref<1x8x128xf32, #tpu.memory_space<hbm>>
      %dma_start3A_837 = tpu.memref_squeeze %dma_start3A_836 : memref<1x8x128xf32, #tpu.memory_space<hbm>> -> memref<8x128xf32, #tpu.memory_space<hbm>>
      %dma_start3A_838 = arith.constant 8 : i32
      %dma_start3A_839 = tpu.memref_slice %arg4[%select_n3A_743, %dma_start3A_838, %add3A_831] : memref<50x64x16384xf32, #tpu.memory_space<hbm>> -> memref<1x8x128xf32, #tpu.memory_space<hbm>>
      %dma_start3A_840 = tpu.memref_squeeze %dma_start3A_839 : memref<1x8x128xf32, #tpu.memory_space<hbm>> -> memref<8x128xf32, #tpu.memory_space<hbm>>
      %dma_start3A_841 = arith.constant 24 : i32
      %dma_start3A_842 = arith.constant 0 : i32
      %dma_start3A_843 = tpu.memref_slice %arg9[%dma_start3A_841, %dma_start3A_842] : memref<128x128xf32, #tpu.memory_space<vmem>> -> memref<8x128xf32, #tpu.memory_space<vmem>>
      tpu.enqueue_dma source(%dma_start3A_843 : memref<8x128xf32, #tpu.memory_space<vmem>>) target(%dma_start3A_840 : memref<8x128xf32, #tpu.memory_space<hbm>>) target_semaphore(%arg12 : memref<!tpu.dma_semaphore, #tpu.memory_space<semaphore_mem>>)
      %add3A_844 = arith.constant 0 : i32
      %add3A_845 = arith.addi %add3A_762, %add3A_844 : i32
      %dma_start3A_846 = arith.constant 32 : i32
      %dma_start3A_847 = arith.constant 0 : i32
      %dma_start3A_848 = tpu.memref_slice %arg9[%dma_start3A_846, %dma_start3A_847] : memref<128x128xf32, #tpu.memory_space<vmem>> -> memref<8x128xf32, #tpu.memory_space<vmem>>
      %dma_start3A_849 = arith.constant 16 : i32
      %dma_start3A_850 = tpu.memref_slice %arg4[%select_n3A_743, %dma_start3A_849, %add3A_845] : memref<50x64x16384xf32, #tpu.memory_space<hbm>> -> memref<1x8x128xf32, #tpu.memory_space<hbm>>
      %dma_start3A_851 = tpu.memref_squeeze %dma_start3A_850 : memref<1x8x128xf32, #tpu.memory_space<hbm>> -> memref<8x128xf32, #tpu.memory_space<hbm>>
      %dma_start3A_852 = arith.constant 16 : i32
      %dma_start3A_853 = tpu.memref_slice %arg4[%select_n3A_743, %dma_start3A_852, %add3A_845] : memref<50x64x16384xf32, #tpu.memory_space<hbm>> -> memref<1x8x128xf32, #tpu.memory_space<hbm>>
      %dma_start3A_854 = tpu.memref_squeeze %dma_start3A_853 : memref<1x8x128xf32, #tpu.memory_space<hbm>> -> memref<8x128xf32, #tpu.memory_space<hbm>>
      %dma_start3A_855 = arith.constant 32 : i32
      %dma_start3A_856 = arith.constant 0 : i32
      %dma_start3A_857 = tpu.memref_slice %arg9[%dma_start3A_855, %dma_start3A_856] : memref<128x128xf32, #tpu.memory_space<vmem>> -> memref<8x128xf32, #tpu.memory_space<vmem>>
      tpu.enqueue_dma source(%dma_start3A_857 : memref<8x128xf32, #tpu.memory_space<vmem>>) target(%dma_start3A_854 : memref<8x128xf32, #tpu.memory_space<hbm>>) target_semaphore(%arg12 : memref<!tpu.dma_semaphore, #tpu.memory_space<semaphore_mem>>)
      %add3A_858 = arith.constant 128 : i32
      %add3A_859 = arith.addi %add3A_762, %add3A_858 : i32
      %dma_start3A_860 = arith.constant 40 : i32
      %dma_start3A_861 = arith.constant 0 : i32
      %dma_start3A_862 = tpu.memref_slice %arg9[%dma_start3A_860, %dma_start3A_861] : memref<128x128xf32, #tpu.memory_space<vmem>> -> memref<8x128xf32, #tpu.memory_space<vmem>>
      %dma_start3A_863 = arith.constant 16 : i32
      %dma_start3A_864 = tpu.memref_slice %arg4[%select_n3A_743, %dma_start3A_863, %add3A_859] : memref<50x64x16384xf32, #tpu.memory_space<hbm>> -> memref<1x8x128xf32, #tpu.memory_space<hbm>>
      %dma_start3A_865 = tpu.memref_squeeze %dma_start3A_864 : memref<1x8x128xf32, #tpu.memory_space<hbm>> -> memref<8x128xf32, #tpu.memory_space<hbm>>
      %dma_start3A_866 = arith.constant 16 : i32
      %dma_start3A_867 = tpu.memref_slice %arg4[%select_n3A_743, %dma_start3A_866, %add3A_859] : memref<50x64x16384xf32, #tpu.memory_space<hbm>> -> memref<1x8x128xf32, #tpu.memory_space<hbm>>
      %dma_start3A_868 = tpu.memref_squeeze %dma_start3A_867 : memref<1x8x128xf32, #tpu.memory_space<hbm>> -> memref<8x128xf32, #tpu.memory_space<hbm>>
      %dma_start3A_869 = arith.constant 40 : i32
      %dma_start3A_870 = arith.constant 0 : i32
      %dma_start3A_871 = tpu.memref_slice %arg9[%dma_start3A_869, %dma_start3A_870] : memref<128x128xf32, #tpu.memory_space<vmem>> -> memref<8x128xf32, #tpu.memory_space<vmem>>
      tpu.enqueue_dma source(%dma_start3A_871 : memref<8x128xf32, #tpu.memory_space<vmem>>) target(%dma_start3A_868 : memref<8x128xf32, #tpu.memory_space<hbm>>) target_semaphore(%arg12 : memref<!tpu.dma_semaphore, #tpu.memory_space<semaphore_mem>>)
      %add3A_872 = arith.constant 0 : i32
      %add3A_873 = arith.addi %add3A_762, %add3A_872 : i32
      %dma_start3A_874 = arith.constant 48 : i32
      %dma_start3A_875 = arith.constant 0 : i32
      %dma_start3A_876 = tpu.memref_slice %arg9[%dma_start3A_874, %dma_start3A_875] : memref<128x128xf32, #tpu.memory_space<vmem>> -> memref<8x128xf32, #tpu.memory_space<vmem>>
      %dma_start3A_877 = arith.constant 24 : i32
      %dma_start3A_878 = tpu.memref_slice %arg4[%select_n3A_743, %dma_start3A_877, %add3A_873] : memref<50x64x16384xf32, #tpu.memory_space<hbm>> -> memref<1x8x128xf32, #tpu.memory_space<hbm>>
      %dma_start3A_879 = tpu.memref_squeeze %dma_start3A_878 : memref<1x8x128xf32, #tpu.memory_space<hbm>> -> memref<8x128xf32, #tpu.memory_space<hbm>>
      %dma_start3A_880 = arith.constant 24 : i32
      %dma_start3A_881 = tpu.memref_slice %arg4[%select_n3A_743, %dma_start3A_880, %add3A_873] : memref<50x64x16384xf32, #tpu.memory_space<hbm>> -> memref<1x8x128xf32, #tpu.memory_space<hbm>>
      %dma_start3A_882 = tpu.memref_squeeze %dma_start3A_881 : memref<1x8x128xf32, #tpu.memory_space<hbm>> -> memref<8x128xf32, #tpu.memory_space<hbm>>
      %dma_start3A_883 = arith.constant 48 : i32
      %dma_start3A_884 = arith.constant 0 : i32
      %dma_start3A_885 = tpu.memref_slice %arg9[%dma_start3A_883, %dma_start3A_884] : memref<128x128xf32, #tpu.memory_space<vmem>> -> memref<8x128xf32, #tpu.memory_space<vmem>>
      tpu.enqueue_dma source(%dma_start3A_885 : memref<8x128xf32, #tpu.memory_space<vmem>>) target(%dma_start3A_882 : memref<8x128xf32, #tpu.memory_space<hbm>>) target_semaphore(%arg12 : memref<!tpu.dma_semaphore, #tpu.memory_space<semaphore_mem>>)
      %add3A_886 = arith.constant 128 : i32
      %add3A_887 = arith.addi %add3A_762, %add3A_886 : i32
      %dma_start3A_888 = arith.constant 56 : i32
      %dma_start3A_889 = arith.constant 0 : i32
      %dma_start3A_890 = tpu.memref_slice %arg9[%dma_start3A_888, %dma_start3A_889] : memref<128x128xf32, #tpu.memory_space<vmem>> -> memref<8x128xf32, #tpu.memory_space<vmem>>
      %dma_start3A_891 = arith.constant 24 : i32
      %dma_start3A_892 = tpu.memref_slice %arg4[%select_n3A_743, %dma_start3A_891, %add3A_887] : memref<50x64x16384xf32, #tpu.memory_space<hbm>> -> memref<1x8x128xf32, #tpu.memory_space<hbm>>
      %dma_start3A_893 = tpu.memref_squeeze %dma_start3A_892 : memref<1x8x128xf32, #tpu.memory_space<hbm>> -> memref<8x128xf32, #tpu.memory_space<hbm>>
      %dma_start3A_894 = arith.constant 24 : i32
      %dma_start3A_895 = tpu.memref_slice %arg4[%select_n3A_743, %dma_start3A_894, %add3A_887] : memref<50x64x16384xf32, #tpu.memory_space<hbm>> -> memref<1x8x128xf32, #tpu.memory_space<hbm>>
      %dma_start3A_896 = tpu.memref_squeeze %dma_start3A_895 : memref<1x8x128xf32, #tpu.memory_space<hbm>> -> memref<8x128xf32, #tpu.memory_space<hbm>>
      %dma_start3A_897 = arith.constant 56 : i32
      %dma_start3A_898 = arith.constant 0 : i32
      %dma_start3A_899 = tpu.memref_slice %arg9[%dma_start3A_897, %dma_start3A_898] : memref<128x128xf32, #tpu.memory_space<vmem>> -> memref<8x128xf32, #tpu.memory_space<vmem>>
      tpu.enqueue_dma source(%dma_start3A_899 : memref<8x128xf32, #tpu.memory_space<vmem>>) target(%dma_start3A_896 : memref<8x128xf32, #tpu.memory_space<hbm>>) target_semaphore(%arg12 : memref<!tpu.dma_semaphore, #tpu.memory_space<semaphore_mem>>)
      %add3A_900 = arith.constant 0 : i32
      %add3A_901 = arith.addi %add3A_762, %add3A_900 : i32
      %dma_start3A_902 = arith.constant 64 : i32
      %dma_start3A_903 = arith.constant 0 : i32
      %dma_start3A_904 = tpu.memref_slice %arg9[%dma_start3A_902, %dma_start3A_903] : memref<128x128xf32, #tpu.memory_space<vmem>> -> memref<8x128xf32, #tpu.memory_space<vmem>>
      %dma_start3A_905 = arith.constant 32 : i32
      %dma_start3A_906 = tpu.memref_slice %arg4[%select_n3A_743, %dma_start3A_905, %add3A_901] : memref<50x64x16384xf32, #tpu.memory_space<hbm>> -> memref<1x8x128xf32, #tpu.memory_space<hbm>>
      %dma_start3A_907 = tpu.memref_squeeze %dma_start3A_906 : memref<1x8x128xf32, #tpu.memory_space<hbm>> -> memref<8x128xf32, #tpu.memory_space<hbm>>
      %dma_start3A_908 = arith.constant 32 : i32
      %dma_start3A_909 = tpu.memref_slice %arg4[%select_n3A_743, %dma_start3A_908, %add3A_901] : memref<50x64x16384xf32, #tpu.memory_space<hbm>> -> memref<1x8x128xf32, #tpu.memory_space<hbm>>
      %dma_start3A_910 = tpu.memref_squeeze %dma_start3A_909 : memref<1x8x128xf32, #tpu.memory_space<hbm>> -> memref<8x128xf32, #tpu.memory_space<hbm>>
      %dma_start3A_911 = arith.constant 64 : i32
      %dma_start3A_912 = arith.constant 0 : i32
      %dma_start3A_913 = tpu.memref_slice %arg9[%dma_start3A_911, %dma_start3A_912] : memref<128x128xf32, #tpu.memory_space<vmem>> -> memref<8x128xf32, #tpu.memory_space<vmem>>
      tpu.enqueue_dma source(%dma_start3A_913 : memref<8x128xf32, #tpu.memory_space<vmem>>) target(%dma_start3A_910 : memref<8x128xf32, #tpu.memory_space<hbm>>) target_semaphore(%arg12 : memref<!tpu.dma_semaphore, #tpu.memory_space<semaphore_mem>>)
      %add3A_914 = arith.constant 128 : i32
      %add3A_915 = arith.addi %add3A_762, %add3A_914 : i32
      %dma_start3A_916 = arith.constant 72 : i32
      %dma_start3A_917 = arith.constant 0 : i32
      %dma_start3A_918 = tpu.memref_slice %arg9[%dma_start3A_916, %dma_start3A_917] : memref<128x128xf32, #tpu.memory_space<vmem>> -> memref<8x128xf32, #tpu.memory_space<vmem>>
      %dma_start3A_919 = arith.constant 32 : i32
      %dma_start3A_920 = tpu.memref_slice %arg4[%select_n3A_743, %dma_start3A_919, %add3A_915] : memref<50x64x16384xf32, #tpu.memory_space<hbm>> -> memref<1x8x128xf32, #tpu.memory_space<hbm>>
      %dma_start3A_921 = tpu.memref_squeeze %dma_start3A_920 : memref<1x8x128xf32, #tpu.memory_space<hbm>> -> memref<8x128xf32, #tpu.memory_space<hbm>>
      %dma_start3A_922 = arith.constant 32 : i32
      %dma_start3A_923 = tpu.memref_slice %arg4[%select_n3A_743, %dma_start3A_922, %add3A_915] : memref<50x64x16384xf32, #tpu.memory_space<hbm>> -> memref<1x8x128xf32, #tpu.memory_space<hbm>>
      %dma_start3A_924 = tpu.memref_squeeze %dma_start3A_923 : memref<1x8x128xf32, #tpu.memory_space<hbm>> -> memref<8x128xf32, #tpu.memory_space<hbm>>
      %dma_start3A_925 = arith.constant 72 : i32
      %dma_start3A_926 = arith.constant 0 : i32
      %dma_start3A_927 = tpu.memref_slice %arg9[%dma_start3A_925, %dma_start3A_926] : memref<128x128xf32, #tpu.memory_space<vmem>> -> memref<8x128xf32, #tpu.memory_space<vmem>>
      tpu.enqueue_dma source(%dma_start3A_927 : memref<8x128xf32, #tpu.memory_space<vmem>>) target(%dma_start3A_924 : memref<8x128xf32, #tpu.memory_space<hbm>>) target_semaphore(%arg12 : memref<!tpu.dma_semaphore, #tpu.memory_space<semaphore_mem>>)
      %add3A_928 = arith.constant 0 : i32
      %add3A_929 = arith.addi %add3A_762, %add3A_928 : i32
      %dma_start3A_930 = arith.constant 80 : i32
      %dma_start3A_931 = arith.constant 0 : i32
      %dma_start3A_932 = tpu.memref_slice %arg9[%dma_start3A_930, %dma_start3A_931] : memref<128x128xf32, #tpu.memory_space<vmem>> -> memref<8x128xf32, #tpu.memory_space<vmem>>
      %dma_start3A_933 = arith.constant 40 : i32
      %dma_start3A_934 = tpu.memref_slice %arg4[%select_n3A_743, %dma_start3A_933, %add3A_929] : memref<50x64x16384xf32, #tpu.memory_space<hbm>> -> memref<1x8x128xf32, #tpu.memory_space<hbm>>
      %dma_start3A_935 = tpu.memref_squeeze %dma_start3A_934 : memref<1x8x128xf32, #tpu.memory_space<hbm>> -> memref<8x128xf32, #tpu.memory_space<hbm>>
      %dma_start3A_936 = arith.constant 40 : i32
      %dma_start3A_937 = tpu.memref_slice %arg4[%select_n3A_743, %dma_start3A_936, %add3A_929] : memref<50x64x16384xf32, #tpu.memory_space<hbm>> -> memref<1x8x128xf32, #tpu.memory_space<hbm>>
      %dma_start3A_938 = tpu.memref_squeeze %dma_start3A_937 : memref<1x8x128xf32, #tpu.memory_space<hbm>> -> memref<8x128xf32, #tpu.memory_space<hbm>>
      %dma_start3A_939 = arith.constant 80 : i32
      %dma_start3A_940 = arith.constant 0 : i32
      %dma_start3A_941 = tpu.memref_slice %arg9[%dma_start3A_939, %dma_start3A_940] : memref<128x128xf32, #tpu.memory_space<vmem>> -> memref<8x128xf32, #tpu.memory_space<vmem>>
      tpu.enqueue_dma source(%dma_start3A_941 : memref<8x128xf32, #tpu.memory_space<vmem>>) target(%dma_start3A_938 : memref<8x128xf32, #tpu.memory_space<hbm>>) target_semaphore(%arg12 : memref<!tpu.dma_semaphore, #tpu.memory_space<semaphore_mem>>)
      %add3A_942 = arith.constant 128 : i32
      %add3A_943 = arith.addi %add3A_762, %add3A_942 : i32
      %dma_start3A_944 = arith.constant 88 : i32
      %dma_start3A_945 = arith.constant 0 : i32
      %dma_start3A_946 = tpu.memref_slice %arg9[%dma_start3A_944, %dma_start3A_945] : memref<128x128xf32, #tpu.memory_space<vmem>> -> memref<8x128xf32, #tpu.memory_space<vmem>>
      %dma_start3A_947 = arith.constant 40 : i32
      %dma_start3A_948 = tpu.memref_slice %arg4[%select_n3A_743, %dma_start3A_947, %add3A_943] : memref<50x64x16384xf32, #tpu.memory_space<hbm>> -> memref<1x8x128xf32, #tpu.memory_space<hbm>>
      %dma_start3A_949 = tpu.memref_squeeze %dma_start3A_948 : memref<1x8x128xf32, #tpu.memory_space<hbm>> -> memref<8x128xf32, #tpu.memory_space<hbm>>
      %dma_start3A_950 = arith.constant 40 : i32
      %dma_start3A_951 = tpu.memref_slice %arg4[%select_n3A_743, %dma_start3A_950, %add3A_943] : memref<50x64x16384xf32, #tpu.memory_space<hbm>> -> memref<1x8x128xf32, #tpu.memory_space<hbm>>
      %dma_start3A_952 = tpu.memref_squeeze %dma_start3A_951 : memref<1x8x128xf32, #tpu.memory_space<hbm>> -> memref<8x128xf32, #tpu.memory_space<hbm>>
      %dma_start3A_953 = arith.constant 88 : i32
      %dma_start3A_954 = arith.constant 0 : i32
      %dma_start3A_955 = tpu.memref_slice %arg9[%dma_start3A_953, %dma_start3A_954] : memref<128x128xf32, #tpu.memory_space<vmem>> -> memref<8x128xf32, #tpu.memory_space<vmem>>
      tpu.enqueue_dma source(%dma_start3A_955 : memref<8x128xf32, #tpu.memory_space<vmem>>) target(%dma_start3A_952 : memref<8x128xf32, #tpu.memory_space<hbm>>) target_semaphore(%arg12 : memref<!tpu.dma_semaphore, #tpu.memory_space<semaphore_mem>>)
      %add3A_956 = arith.constant 0 : i32
      %add3A_957 = arith.addi %add3A_762, %add3A_956 : i32
      %dma_start3A_958 = arith.constant 96 : i32
      %dma_start3A_959 = arith.constant 0 : i32
      %dma_start3A_960 = tpu.memref_slice %arg9[%dma_start3A_958, %dma_start3A_959] : memref<128x128xf32, #tpu.memory_space<vmem>> -> memref<8x128xf32, #tpu.memory_space<vmem>>
      %dma_start3A_961 = arith.constant 48 : i32
      %dma_start3A_962 = tpu.memref_slice %arg4[%select_n3A_743, %dma_start3A_961, %add3A_957] : memref<50x64x16384xf32, #tpu.memory_space<hbm>> -> memref<1x8x128xf32, #tpu.memory_space<hbm>>
      %dma_start3A_963 = tpu.memref_squeeze %dma_start3A_962 : memref<1x8x128xf32, #tpu.memory_space<hbm>> -> memref<8x128xf32, #tpu.memory_space<hbm>>
      %dma_start3A_964 = arith.constant 48 : i32
      %dma_start3A_965 = tpu.memref_slice %arg4[%select_n3A_743, %dma_start3A_964, %add3A_957] : memref<50x64x16384xf32, #tpu.memory_space<hbm>> -> memref<1x8x128xf32, #tpu.memory_space<hbm>>
      %dma_start3A_966 = tpu.memref_squeeze %dma_start3A_965 : memref<1x8x128xf32, #tpu.memory_space<hbm>> -> memref<8x128xf32, #tpu.memory_space<hbm>>
      %dma_start3A_967 = arith.constant 96 : i32
      %dma_start3A_968 = arith.constant 0 : i32
      %dma_start3A_969 = tpu.memref_slice %arg9[%dma_start3A_967, %dma_start3A_968] : memref<128x128xf32, #tpu.memory_space<vmem>> -> memref<8x128xf32, #tpu.memory_space<vmem>>
      tpu.enqueue_dma source(%dma_start3A_969 : memref<8x128xf32, #tpu.memory_space<vmem>>) target(%dma_start3A_966 : memref<8x128xf32, #tpu.memory_space<hbm>>) target_semaphore(%arg12 : memref<!tpu.dma_semaphore, #tpu.memory_space<semaphore_mem>>)
      %add3A_970 = arith.constant 128 : i32
      %add3A_971 = arith.addi %add3A_762, %add3A_970 : i32
      %dma_start3A_972 = arith.constant 104 : i32
      %dma_start3A_973 = arith.constant 0 : i32
      %dma_start3A_974 = tpu.memref_slice %arg9[%dma_start3A_972, %dma_start3A_973] : memref<128x128xf32, #tpu.memory_space<vmem>> -> memref<8x128xf32, #tpu.memory_space<vmem>>
      %dma_start3A_975 = arith.constant 48 : i32
      %dma_start3A_976 = tpu.memref_slice %arg4[%select_n3A_743, %dma_start3A_975, %add3A_971] : memref<50x64x16384xf32, #tpu.memory_space<hbm>> -> memref<1x8x128xf32, #tpu.memory_space<hbm>>
      %dma_start3A_977 = tpu.memref_squeeze %dma_start3A_976 : memref<1x8x128xf32, #tpu.memory_space<hbm>> -> memref<8x128xf32, #tpu.memory_space<hbm>>
      %dma_start3A_978 = arith.constant 48 : i32
      %dma_start3A_979 = tpu.memref_slice %arg4[%select_n3A_743, %dma_start3A_978, %add3A_971] : memref<50x64x16384xf32, #tpu.memory_space<hbm>> -> memref<1x8x128xf32, #tpu.memory_space<hbm>>
      %dma_start3A_980 = tpu.memref_squeeze %dma_start3A_979 : memref<1x8x128xf32, #tpu.memory_space<hbm>> -> memref<8x128xf32, #tpu.memory_space<hbm>>
      %dma_start3A_981 = arith.constant 104 : i32
      %dma_start3A_982 = arith.constant 0 : i32
      %dma_start3A_983 = tpu.memref_slice %arg9[%dma_start3A_981, %dma_start3A_982] : memref<128x128xf32, #tpu.memory_space<vmem>> -> memref<8x128xf32, #tpu.memory_space<vmem>>
      tpu.enqueue_dma source(%dma_start3A_983 : memref<8x128xf32, #tpu.memory_space<vmem>>) target(%dma_start3A_980 : memref<8x128xf32, #tpu.memory_space<hbm>>) target_semaphore(%arg12 : memref<!tpu.dma_semaphore, #tpu.memory_space<semaphore_mem>>)
      %add3A_984 = arith.constant 0 : i32
      %add3A_985 = arith.addi %add3A_762, %add3A_984 : i32
      %dma_start3A_986 = arith.constant 112 : i32
      %dma_start3A_987 = arith.constant 0 : i32
      %dma_start3A_988 = tpu.memref_slice %arg9[%dma_start3A_986, %dma_start3A_987] : memref<128x128xf32, #tpu.memory_space<vmem>> -> memref<8x128xf32, #tpu.memory_space<vmem>>
      %dma_start3A_989 = arith.constant 56 : i32
      %dma_start3A_990 = tpu.memref_slice %arg4[%select_n3A_743, %dma_start3A_989, %add3A_985] : memref<50x64x16384xf32, #tpu.memory_space<hbm>> -> memref<1x8x128xf32, #tpu.memory_space<hbm>>
      %dma_start3A_991 = tpu.memref_squeeze %dma_start3A_990 : memref<1x8x128xf32, #tpu.memory_space<hbm>> -> memref<8x128xf32, #tpu.memory_space<hbm>>
      %dma_start3A_992 = arith.constant 56 : i32
      %dma_start3A_993 = tpu.memref_slice %arg4[%select_n3A_743, %dma_start3A_992, %add3A_985] : memref<50x64x16384xf32, #tpu.memory_space<hbm>> -> memref<1x8x128xf32, #tpu.memory_space<hbm>>
      %dma_start3A_994 = tpu.memref_squeeze %dma_start3A_993 : memref<1x8x128xf32, #tpu.memory_space<hbm>> -> memref<8x128xf32, #tpu.memory_space<hbm>>
      %dma_start3A_995 = arith.constant 112 : i32
      %dma_start3A_996 = arith.constant 0 : i32
      %dma_start3A_997 = tpu.memref_slice %arg9[%dma_start3A_995, %dma_start3A_996] : memref<128x128xf32, #tpu.memory_space<vmem>> -> memref<8x128xf32, #tpu.memory_space<vmem>>
      tpu.enqueue_dma source(%dma_start3A_997 : memref<8x128xf32, #tpu.memory_space<vmem>>) target(%dma_start3A_994 : memref<8x128xf32, #tpu.memory_space<hbm>>) target_semaphore(%arg12 : memref<!tpu.dma_semaphore, #tpu.memory_space<semaphore_mem>>)
      %add3A_998 = arith.constant 128 : i32
      %add3A_999 = arith.addi %add3A_762, %add3A_998 : i32
      %dma_start3A_1000 = arith.constant 120 : i32
      %dma_start3A_1001 = arith.constant 0 : i32
      %dma_start3A_1002 = tpu.memref_slice %arg9[%dma_start3A_1000, %dma_start3A_1001] : memref<128x128xf32, #tpu.memory_space<vmem>> -> memref<8x128xf32, #tpu.memory_space<vmem>>
      %dma_start3A_1003 = arith.constant 56 : i32
      %dma_start3A_1004 = tpu.memref_slice %arg4[%select_n3A_743, %dma_start3A_1003, %add3A_999] : memref<50x64x16384xf32, #tpu.memory_space<hbm>> -> memref<1x8x128xf32, #tpu.memory_space<hbm>>
      %dma_start3A_1005 = tpu.memref_squeeze %dma_start3A_1004 : memref<1x8x128xf32, #tpu.memory_space<hbm>> -> memref<8x128xf32, #tpu.memory_space<hbm>>
      %dma_start3A_1006 = arith.constant 56 : i32
      %dma_start3A_1007 = tpu.memref_slice %arg4[%select_n3A_743, %dma_start3A_1006, %add3A_999] : memref<50x64x16384xf32, #tpu.memory_space<hbm>> -> memref<1x8x128xf32, #tpu.memory_space<hbm>>
      %dma_start3A_1008 = tpu.memref_squeeze %dma_start3A_1007 : memref<1x8x128xf32, #tpu.memory_space<hbm>> -> memref<8x128xf32, #tpu.memory_space<hbm>>
      %dma_start3A_1009 = arith.constant 120 : i32
      %dma_start3A_1010 = arith.constant 0 : i32
      %dma_start3A_1011 = tpu.memref_slice %arg9[%dma_start3A_1009, %dma_start3A_1010] : memref<128x128xf32, #tpu.memory_space<vmem>> -> memref<8x128xf32, #tpu.memory_space<vmem>>
      tpu.enqueue_dma source(%dma_start3A_1011 : memref<8x128xf32, #tpu.memory_space<vmem>>) target(%dma_start3A_1008 : memref<8x128xf32, #tpu.memory_space<hbm>>) target_semaphore(%arg12 : memref<!tpu.dma_semaphore, #tpu.memory_space<semaphore_mem>>)
    }
    %scan3A_184 = arith.constant 50 : i32
    %add3A_185 = arith.constant 256 : i32
    %add3A_186 = arith.addi %mul3A_2, %add3A_185 : i32
    %add3A_187 = arith.constant 0 : i32
    %add3A_188 = arith.addi %add3A_186, %add3A_187 : i32
    %dma_wait3A_189 = arith.constant 49 : i32
    %dma_wait3A_190 = arith.constant 0 : i32
    %dma_wait3A_191 = arith.constant 0 : i32
    %dma_wait3A_192 = tpu.memref_slice %arg9[%dma_wait3A_190, %dma_wait3A_191] : memref<128x128xf32, #tpu.memory_space<vmem>> -> memref<8x128xf32, #tpu.memory_space<vmem>>
    %dma_wait3A_193 = arith.constant 0 : i32
    %dma_wait3A_194 = tpu.memref_slice %arg4[%dma_wait3A_189, %dma_wait3A_193, %add3A_188] : memref<50x64x16384xf32, #tpu.memory_space<hbm>> -> memref<1x8x128xf32, #tpu.memory_space<hbm>>
    %dma_wait3A_195 = tpu.memref_squeeze %dma_wait3A_194 : memref<1x8x128xf32, #tpu.memory_space<hbm>> -> memref<8x128xf32, #tpu.memory_space<hbm>>
    %dma_wait3A_196 = arith.constant 0 : i32
    %dma_wait3A_197 = tpu.memref_slice %arg4[%dma_wait3A_189, %dma_wait3A_196, %add3A_188] : memref<50x64x16384xf32, #tpu.memory_space<hbm>> -> memref<1x8x128xf32, #tpu.memory_space<hbm>>
    %dma_wait3A_198 = tpu.memref_squeeze %dma_wait3A_197 : memref<1x8x128xf32, #tpu.memory_space<hbm>> -> memref<8x128xf32, #tpu.memory_space<hbm>>
    %dma_wait3A_199 = arith.constant 0 : i32
    %dma_wait3A_200 = arith.constant 0 : i32
    %dma_wait3A_201 = tpu.memref_slice %arg9[%dma_wait3A_199, %dma_wait3A_200] : memref<128x128xf32, #tpu.memory_space<vmem>> -> memref<8x128xf32, #tpu.memory_space<vmem>>
    tpu.wait_dma2 semaphore(%arg12 : memref<!tpu.dma_semaphore, #tpu.memory_space<semaphore_mem>>) src(%dma_wait3A_201 : memref<8x128xf32, #tpu.memory_space<vmem>>) dst(%dma_wait3A_198 : memref<8x128xf32, #tpu.memory_space<hbm>>)
    %add3A_202 = arith.constant 128 : i32
    %add3A_203 = arith.addi %add3A_186, %add3A_202 : i32
    %dma_wait3A_204 = arith.constant 49 : i32
    %dma_wait3A_205 = arith.constant 8 : i32
    %dma_wait3A_206 = arith.constant 0 : i32
    %dma_wait3A_207 = tpu.memref_slice %arg9[%dma_wait3A_205, %dma_wait3A_206] : memref<128x128xf32, #tpu.memory_space<vmem>> -> memref<8x128xf32, #tpu.memory_space<vmem>>
    %dma_wait3A_208 = arith.constant 0 : i32
    %dma_wait3A_209 = tpu.memref_slice %arg4[%dma_wait3A_204, %dma_wait3A_208, %add3A_203] : memref<50x64x16384xf32, #tpu.memory_space<hbm>> -> memref<1x8x128xf32, #tpu.memory_space<hbm>>
    %dma_wait3A_210 = tpu.memref_squeeze %dma_wait3A_209 : memref<1x8x128xf32, #tpu.memory_space<hbm>> -> memref<8x128xf32, #tpu.memory_space<hbm>>
    %dma_wait3A_211 = arith.constant 0 : i32
    %dma_wait3A_212 = tpu.memref_slice %arg4[%dma_wait3A_204, %dma_wait3A_211, %add3A_203] : memref<50x64x16384xf32, #tpu.memory_space<hbm>> -> memref<1x8x128xf32, #tpu.memory_space<hbm>>
    %dma_wait3A_213 = tpu.memref_squeeze %dma_wait3A_212 : memref<1x8x128xf32, #tpu.memory_space<hbm>> -> memref<8x128xf32, #tpu.memory_space<hbm>>
    %dma_wait3A_214 = arith.constant 8 : i32
    %dma_wait3A_215 = arith.constant 0 : i32
    %dma_wait3A_216 = tpu.memref_slice %arg9[%dma_wait3A_214, %dma_wait3A_215] : memref<128x128xf32, #tpu.memory_space<vmem>> -> memref<8x128xf32, #tpu.memory_space<vmem>>
    tpu.wait_dma2 semaphore(%arg12 : memref<!tpu.dma_semaphore, #tpu.memory_space<semaphore_mem>>) src(%dma_wait3A_216 : memref<8x128xf32, #tpu.memory_space<vmem>>) dst(%dma_wait3A_213 : memref<8x128xf32, #tpu.memory_space<hbm>>)
    %add3A_217 = arith.constant 0 : i32
    %add3A_218 = arith.addi %add3A_186, %add3A_217 : i32
    %dma_wait3A_219 = arith.constant 49 : i32
    %dma_wait3A_220 = arith.constant 16 : i32
    %dma_wait3A_221 = arith.constant 0 : i32
    %dma_wait3A_222 = tpu.memref_slice %arg9[%dma_wait3A_220, %dma_wait3A_221] : memref<128x128xf32, #tpu.memory_space<vmem>> -> memref<8x128xf32, #tpu.memory_space<vmem>>
    %dma_wait3A_223 = arith.constant 8 : i32
    %dma_wait3A_224 = tpu.memref_slice %arg4[%dma_wait3A_219, %dma_wait3A_223, %add3A_218] : memref<50x64x16384xf32, #tpu.memory_space<hbm>> -> memref<1x8x128xf32, #tpu.memory_space<hbm>>
    %dma_wait3A_225 = tpu.memref_squeeze %dma_wait3A_224 : memref<1x8x128xf32, #tpu.memory_space<hbm>> -> memref<8x128xf32, #tpu.memory_space<hbm>>
    %dma_wait3A_226 = arith.constant 8 : i32
    %dma_wait3A_227 = tpu.memref_slice %arg4[%dma_wait3A_219, %dma_wait3A_226, %add3A_218] : memref<50x64x16384xf32, #tpu.memory_space<hbm>> -> memref<1x8x128xf32, #tpu.memory_space<hbm>>
    %dma_wait3A_228 = tpu.memref_squeeze %dma_wait3A_227 : memref<1x8x128xf32, #tpu.memory_space<hbm>> -> memref<8x128xf32, #tpu.memory_space<hbm>>
    %dma_wait3A_229 = arith.constant 16 : i32
    %dma_wait3A_230 = arith.constant 0 : i32
    %dma_wait3A_231 = tpu.memref_slice %arg9[%dma_wait3A_229, %dma_wait3A_230] : memref<128x128xf32, #tpu.memory_space<vmem>> -> memref<8x128xf32, #tpu.memory_space<vmem>>
    tpu.wait_dma2 semaphore(%arg12 : memref<!tpu.dma_semaphore, #tpu.memory_space<semaphore_mem>>) src(%dma_wait3A_231 : memref<8x128xf32, #tpu.memory_space<vmem>>) dst(%dma_wait3A_228 : memref<8x128xf32, #tpu.memory_space<hbm>>)
    %add3A_232 = arith.constant 128 : i32
    %add3A_233 = arith.addi %add3A_186, %add3A_232 : i32
    %dma_wait3A_234 = arith.constant 49 : i32
    %dma_wait3A_235 = arith.constant 24 : i32
    %dma_wait3A_236 = arith.constant 0 : i32
    %dma_wait3A_237 = tpu.memref_slice %arg9[%dma_wait3A_235, %dma_wait3A_236] : memref<128x128xf32, #tpu.memory_space<vmem>> -> memref<8x128xf32, #tpu.memory_space<vmem>>
    %dma_wait3A_238 = arith.constant 8 : i32
    %dma_wait3A_239 = tpu.memref_slice %arg4[%dma_wait3A_234, %dma_wait3A_238, %add3A_233] : memref<50x64x16384xf32, #tpu.memory_space<hbm>> -> memref<1x8x128xf32, #tpu.memory_space<hbm>>
    %dma_wait3A_240 = tpu.memref_squeeze %dma_wait3A_239 : memref<1x8x128xf32, #tpu.memory_space<hbm>> -> memref<8x128xf32, #tpu.memory_space<hbm>>
    %dma_wait3A_241 = arith.constant 8 : i32
    %dma_wait3A_242 = tpu.memref_slice %arg4[%dma_wait3A_234, %dma_wait3A_241, %add3A_233] : memref<50x64x16384xf32, #tpu.memory_space<hbm>> -> memref<1x8x128xf32, #tpu.memory_space<hbm>>
    %dma_wait3A_243 = tpu.memref_squeeze %dma_wait3A_242 : memref<1x8x128xf32, #tpu.memory_space<hbm>> -> memref<8x128xf32, #tpu.memory_space<hbm>>
    %dma_wait3A_244 = arith.constant 24 : i32
    %dma_wait3A_245 = arith.constant 0 : i32
    %dma_wait3A_246 = tpu.memref_slice %arg9[%dma_wait3A_244, %dma_wait3A_245] : memref<128x128xf32, #tpu.memory_space<vmem>> -> memref<8x128xf32, #tpu.memory_space<vmem>>
    tpu.wait_dma2 semaphore(%arg12 : memref<!tpu.dma_semaphore, #tpu.memory_space<semaphore_mem>>) src(%dma_wait3A_246 : memref<8x128xf32, #tpu.memory_space<vmem>>) dst(%dma_wait3A_243 : memref<8x128xf32, #tpu.memory_space<hbm>>)
    %add3A_247 = arith.constant 0 : i32
    %add3A_248 = arith.addi %add3A_186, %add3A_247 : i32
    %dma_wait3A_249 = arith.constant 49 : i32
    %dma_wait3A_250 = arith.constant 32 : i32
    %dma_wait3A_251 = arith.constant 0 : i32
    %dma_wait3A_252 = tpu.memref_slice %arg9[%dma_wait3A_250, %dma_wait3A_251] : memref<128x128xf32, #tpu.memory_space<vmem>> -> memref<8x128xf32, #tpu.memory_space<vmem>>
    %dma_wait3A_253 = arith.constant 16 : i32
    %dma_wait3A_254 = tpu.memref_slice %arg4[%dma_wait3A_249, %dma_wait3A_253, %add3A_248] : memref<50x64x16384xf32, #tpu.memory_space<hbm>> -> memref<1x8x128xf32, #tpu.memory_space<hbm>>
    %dma_wait3A_255 = tpu.memref_squeeze %dma_wait3A_254 : memref<1x8x128xf32, #tpu.memory_space<hbm>> -> memref<8x128xf32, #tpu.memory_space<hbm>>
    %dma_wait3A_256 = arith.constant 16 : i32
    %dma_wait3A_257 = tpu.memref_slice %arg4[%dma_wait3A_249, %dma_wait3A_256, %add3A_248] : memref<50x64x16384xf32, #tpu.memory_space<hbm>> -> memref<1x8x128xf32, #tpu.memory_space<hbm>>
    %dma_wait3A_258 = tpu.memref_squeeze %dma_wait3A_257 : memref<1x8x128xf32, #tpu.memory_space<hbm>> -> memref<8x128xf32, #tpu.memory_space<hbm>>
    %dma_wait3A_259 = arith.constant 32 : i32
    %dma_wait3A_260 = arith.constant 0 : i32
    %dma_wait3A_261 = tpu.memref_slice %arg9[%dma_wait3A_259, %dma_wait3A_260] : memref<128x128xf32, #tpu.memory_space<vmem>> -> memref<8x128xf32, #tpu.memory_space<vmem>>
    tpu.wait_dma2 semaphore(%arg12 : memref<!tpu.dma_semaphore, #tpu.memory_space<semaphore_mem>>) src(%dma_wait3A_261 : memref<8x128xf32, #tpu.memory_space<vmem>>) dst(%dma_wait3A_258 : memref<8x128xf32, #tpu.memory_space<hbm>>)
    %add3A_262 = arith.constant 128 : i32
    %add3A_263 = arith.addi %add3A_186, %add3A_262 : i32
    %dma_wait3A_264 = arith.constant 49 : i32
    %dma_wait3A_265 = arith.constant 40 : i32
    %dma_wait3A_266 = arith.constant 0 : i32
    %dma_wait3A_267 = tpu.memref_slice %arg9[%dma_wait3A_265, %dma_wait3A_266] : memref<128x128xf32, #tpu.memory_space<vmem>> -> memref<8x128xf32, #tpu.memory_space<vmem>>
    %dma_wait3A_268 = arith.constant 16 : i32
    %dma_wait3A_269 = tpu.memref_slice %arg4[%dma_wait3A_264, %dma_wait3A_268, %add3A_263] : memref<50x64x16384xf32, #tpu.memory_space<hbm>> -> memref<1x8x128xf32, #tpu.memory_space<hbm>>
    %dma_wait3A_270 = tpu.memref_squeeze %dma_wait3A_269 : memref<1x8x128xf32, #tpu.memory_space<hbm>> -> memref<8x128xf32, #tpu.memory_space<hbm>>
    %dma_wait3A_271 = arith.constant 16 : i32
    %dma_wait3A_272 = tpu.memref_slice %arg4[%dma_wait3A_264, %dma_wait3A_271, %add3A_263] : memref<50x64x16384xf32, #tpu.memory_space<hbm>> -> memref<1x8x128xf32, #tpu.memory_space<hbm>>
    %dma_wait3A_273 = tpu.memref_squeeze %dma_wait3A_272 : memref<1x8x128xf32, #tpu.memory_space<hbm>> -> memref<8x128xf32, #tpu.memory_space<hbm>>
    %dma_wait3A_274 = arith.constant 40 : i32
    %dma_wait3A_275 = arith.constant 0 : i32
    %dma_wait3A_276 = tpu.memref_slice %arg9[%dma_wait3A_274, %dma_wait3A_275] : memref<128x128xf32, #tpu.memory_space<vmem>> -> memref<8x128xf32, #tpu.memory_space<vmem>>
    tpu.wait_dma2 semaphore(%arg12 : memref<!tpu.dma_semaphore, #tpu.memory_space<semaphore_mem>>) src(%dma_wait3A_276 : memref<8x128xf32, #tpu.memory_space<vmem>>) dst(%dma_wait3A_273 : memref<8x128xf32, #tpu.memory_space<hbm>>)
    %add3A_277 = arith.constant 0 : i32
    %add3A_278 = arith.addi %add3A_186, %add3A_277 : i32
    %dma_wait3A_279 = arith.constant 49 : i32
    %dma_wait3A_280 = arith.constant 48 : i32
    %dma_wait3A_281 = arith.constant 0 : i32
    %dma_wait3A_282 = tpu.memref_slice %arg9[%dma_wait3A_280, %dma_wait3A_281] : memref<128x128xf32, #tpu.memory_space<vmem>> -> memref<8x128xf32, #tpu.memory_space<vmem>>
    %dma_wait3A_283 = arith.constant 24 : i32
    %dma_wait3A_284 = tpu.memref_slice %arg4[%dma_wait3A_279, %dma_wait3A_283, %add3A_278] : memref<50x64x16384xf32, #tpu.memory_space<hbm>> -> memref<1x8x128xf32, #tpu.memory_space<hbm>>
    %dma_wait3A_285 = tpu.memref_squeeze %dma_wait3A_284 : memref<1x8x128xf32, #tpu.memory_space<hbm>> -> memref<8x128xf32, #tpu.memory_space<hbm>>
    %dma_wait3A_286 = arith.constant 24 : i32
    %dma_wait3A_287 = tpu.memref_slice %arg4[%dma_wait3A_279, %dma_wait3A_286, %add3A_278] : memref<50x64x16384xf32, #tpu.memory_space<hbm>> -> memref<1x8x128xf32, #tpu.memory_space<hbm>>
    %dma_wait3A_288 = tpu.memref_squeeze %dma_wait3A_287 : memref<1x8x128xf32, #tpu.memory_space<hbm>> -> memref<8x128xf32, #tpu.memory_space<hbm>>
    %dma_wait3A_289 = arith.constant 48 : i32
    %dma_wait3A_290 = arith.constant 0 : i32
    %dma_wait3A_291 = tpu.memref_slice %arg9[%dma_wait3A_289, %dma_wait3A_290] : memref<128x128xf32, #tpu.memory_space<vmem>> -> memref<8x128xf32, #tpu.memory_space<vmem>>
    tpu.wait_dma2 semaphore(%arg12 : memref<!tpu.dma_semaphore, #tpu.memory_space<semaphore_mem>>) src(%dma_wait3A_291 : memref<8x128xf32, #tpu.memory_space<vmem>>) dst(%dma_wait3A_288 : memref<8x128xf32, #tpu.memory_space<hbm>>)
    %add3A_292 = arith.constant 128 : i32
    %add3A_293 = arith.addi %add3A_186, %add3A_292 : i32
    %dma_wait3A_294 = arith.constant 49 : i32
    %dma_wait3A_295 = arith.constant 56 : i32
    %dma_wait3A_296 = arith.constant 0 : i32
    %dma_wait3A_297 = tpu.memref_slice %arg9[%dma_wait3A_295, %dma_wait3A_296] : memref<128x128xf32, #tpu.memory_space<vmem>> -> memref<8x128xf32, #tpu.memory_space<vmem>>
    %dma_wait3A_298 = arith.constant 24 : i32
    %dma_wait3A_299 = tpu.memref_slice %arg4[%dma_wait3A_294, %dma_wait3A_298, %add3A_293] : memref<50x64x16384xf32, #tpu.memory_space<hbm>> -> memref<1x8x128xf32, #tpu.memory_space<hbm>>
    %dma_wait3A_300 = tpu.memref_squeeze %dma_wait3A_299 : memref<1x8x128xf32, #tpu.memory_space<hbm>> -> memref<8x128xf32, #tpu.memory_space<hbm>>
    %dma_wait3A_301 = arith.constant 24 : i32
    %dma_wait3A_302 = tpu.memref_slice %arg4[%dma_wait3A_294, %dma_wait3A_301, %add3A_293] : memref<50x64x16384xf32, #tpu.memory_space<hbm>> -> memref<1x8x128xf32, #tpu.memory_space<hbm>>
    %dma_wait3A_303 = tpu.memref_squeeze %dma_wait3A_302 : memref<1x8x128xf32, #tpu.memory_space<hbm>> -> memref<8x128xf32, #tpu.memory_space<hbm>>
    %dma_wait3A_304 = arith.constant 56 : i32
    %dma_wait3A_305 = arith.constant 0 : i32
    %dma_wait3A_306 = tpu.memref_slice %arg9[%dma_wait3A_304, %dma_wait3A_305] : memref<128x128xf32, #tpu.memory_space<vmem>> -> memref<8x128xf32, #tpu.memory_space<vmem>>
    tpu.wait_dma2 semaphore(%arg12 : memref<!tpu.dma_semaphore, #tpu.memory_space<semaphore_mem>>) src(%dma_wait3A_306 : memref<8x128xf32, #tpu.memory_space<vmem>>) dst(%dma_wait3A_303 : memref<8x128xf32, #tpu.memory_space<hbm>>)
    %add3A_307 = arith.constant 0 : i32
    %add3A_308 = arith.addi %add3A_186, %add3A_307 : i32
    %dma_wait3A_309 = arith.constant 49 : i32
    %dma_wait3A_310 = arith.constant 64 : i32
    %dma_wait3A_311 = arith.constant 0 : i32
    %dma_wait3A_312 = tpu.memref_slice %arg9[%dma_wait3A_310, %dma_wait3A_311] : memref<128x128xf32, #tpu.memory_space<vmem>> -> memref<8x128xf32, #tpu.memory_space<vmem>>
    %dma_wait3A_313 = arith.constant 32 : i32
    %dma_wait3A_314 = tpu.memref_slice %arg4[%dma_wait3A_309, %dma_wait3A_313, %add3A_308] : memref<50x64x16384xf32, #tpu.memory_space<hbm>> -> memref<1x8x128xf32, #tpu.memory_space<hbm>>
    %dma_wait3A_315 = tpu.memref_squeeze %dma_wait3A_314 : memref<1x8x128xf32, #tpu.memory_space<hbm>> -> memref<8x128xf32, #tpu.memory_space<hbm>>
    %dma_wait3A_316 = arith.constant 32 : i32
    %dma_wait3A_317 = tpu.memref_slice %arg4[%dma_wait3A_309, %dma_wait3A_316, %add3A_308] : memref<50x64x16384xf32, #tpu.memory_space<hbm>> -> memref<1x8x128xf32, #tpu.memory_space<hbm>>
    %dma_wait3A_318 = tpu.memref_squeeze %dma_wait3A_317 : memref<1x8x128xf32, #tpu.memory_space<hbm>> -> memref<8x128xf32, #tpu.memory_space<hbm>>
    %dma_wait3A_319 = arith.constant 64 : i32
    %dma_wait3A_320 = arith.constant 0 : i32
    %dma_wait3A_321 = tpu.memref_slice %arg9[%dma_wait3A_319, %dma_wait3A_320] : memref<128x128xf32, #tpu.memory_space<vmem>> -> memref<8x128xf32, #tpu.memory_space<vmem>>
    tpu.wait_dma2 semaphore(%arg12 : memref<!tpu.dma_semaphore, #tpu.memory_space<semaphore_mem>>) src(%dma_wait3A_321 : memref<8x128xf32, #tpu.memory_space<vmem>>) dst(%dma_wait3A_318 : memref<8x128xf32, #tpu.memory_space<hbm>>)
    %add3A_322 = arith.constant 128 : i32
    %add3A_323 = arith.addi %add3A_186, %add3A_322 : i32
    %dma_wait3A_324 = arith.constant 49 : i32
    %dma_wait3A_325 = arith.constant 72 : i32
    %dma_wait3A_326 = arith.constant 0 : i32
    %dma_wait3A_327 = tpu.memref_slice %arg9[%dma_wait3A_325, %dma_wait3A_326] : memref<128x128xf32, #tpu.memory_space<vmem>> -> memref<8x128xf32, #tpu.memory_space<vmem>>
    %dma_wait3A_328 = arith.constant 32 : i32
    %dma_wait3A_329 = tpu.memref_slice %arg4[%dma_wait3A_324, %dma_wait3A_328, %add3A_323] : memref<50x64x16384xf32, #tpu.memory_space<hbm>> -> memref<1x8x128xf32, #tpu.memory_space<hbm>>
    %dma_wait3A_330 = tpu.memref_squeeze %dma_wait3A_329 : memref<1x8x128xf32, #tpu.memory_space<hbm>> -> memref<8x128xf32, #tpu.memory_space<hbm>>
    %dma_wait3A_331 = arith.constant 32 : i32
    %dma_wait3A_332 = tpu.memref_slice %arg4[%dma_wait3A_324, %dma_wait3A_331, %add3A_323] : memref<50x64x16384xf32, #tpu.memory_space<hbm>> -> memref<1x8x128xf32, #tpu.memory_space<hbm>>
    %dma_wait3A_333 = tpu.memref_squeeze %dma_wait3A_332 : memref<1x8x128xf32, #tpu.memory_space<hbm>> -> memref<8x128xf32, #tpu.memory_space<hbm>>
    %dma_wait3A_334 = arith.constant 72 : i32
    %dma_wait3A_335 = arith.constant 0 : i32
    %dma_wait3A_336 = tpu.memref_slice %arg9[%dma_wait3A_334, %dma_wait3A_335] : memref<128x128xf32, #tpu.memory_space<vmem>> -> memref<8x128xf32, #tpu.memory_space<vmem>>
    tpu.wait_dma2 semaphore(%arg12 : memref<!tpu.dma_semaphore, #tpu.memory_space<semaphore_mem>>) src(%dma_wait3A_336 : memref<8x128xf32, #tpu.memory_space<vmem>>) dst(%dma_wait3A_333 : memref<8x128xf32, #tpu.memory_space<hbm>>)
    %add3A_337 = arith.constant 0 : i32
    %add3A_338 = arith.addi %add3A_186, %add3A_337 : i32
    %dma_wait3A_339 = arith.constant 49 : i32
    %dma_wait3A_340 = arith.constant 80 : i32
    %dma_wait3A_341 = arith.constant 0 : i32
    %dma_wait3A_342 = tpu.memref_slice %arg9[%dma_wait3A_340, %dma_wait3A_341] : memref<128x128xf32, #tpu.memory_space<vmem>> -> memref<8x128xf32, #tpu.memory_space<vmem>>
    %dma_wait3A_343 = arith.constant 40 : i32
    %dma_wait3A_344 = tpu.memref_slice %arg4[%dma_wait3A_339, %dma_wait3A_343, %add3A_338] : memref<50x64x16384xf32, #tpu.memory_space<hbm>> -> memref<1x8x128xf32, #tpu.memory_space<hbm>>
    %dma_wait3A_345 = tpu.memref_squeeze %dma_wait3A_344 : memref<1x8x128xf32, #tpu.memory_space<hbm>> -> memref<8x128xf32, #tpu.memory_space<hbm>>
    %dma_wait3A_346 = arith.constant 40 : i32
    %dma_wait3A_347 = tpu.memref_slice %arg4[%dma_wait3A_339, %dma_wait3A_346, %add3A_338] : memref<50x64x16384xf32, #tpu.memory_space<hbm>> -> memref<1x8x128xf32, #tpu.memory_space<hbm>>
    %dma_wait3A_348 = tpu.memref_squeeze %dma_wait3A_347 : memref<1x8x128xf32, #tpu.memory_space<hbm>> -> memref<8x128xf32, #tpu.memory_space<hbm>>
    %dma_wait3A_349 = arith.constant 80 : i32
    %dma_wait3A_350 = arith.constant 0 : i32
    %dma_wait3A_351 = tpu.memref_slice %arg9[%dma_wait3A_349, %dma_wait3A_350] : memref<128x128xf32, #tpu.memory_space<vmem>> -> memref<8x128xf32, #tpu.memory_space<vmem>>
    tpu.wait_dma2 semaphore(%arg12 : memref<!tpu.dma_semaphore, #tpu.memory_space<semaphore_mem>>) src(%dma_wait3A_351 : memref<8x128xf32, #tpu.memory_space<vmem>>) dst(%dma_wait3A_348 : memref<8x128xf32, #tpu.memory_space<hbm>>)
    %add3A_352 = arith.constant 128 : i32
    %add3A_353 = arith.addi %add3A_186, %add3A_352 : i32
    %dma_wait3A_354 = arith.constant 49 : i32
    %dma_wait3A_355 = arith.constant 88 : i32
    %dma_wait3A_356 = arith.constant 0 : i32
    %dma_wait3A_357 = tpu.memref_slice %arg9[%dma_wait3A_355, %dma_wait3A_356] : memref<128x128xf32, #tpu.memory_space<vmem>> -> memref<8x128xf32, #tpu.memory_space<vmem>>
    %dma_wait3A_358 = arith.constant 40 : i32
    %dma_wait3A_359 = tpu.memref_slice %arg4[%dma_wait3A_354, %dma_wait3A_358, %add3A_353] : memref<50x64x16384xf32, #tpu.memory_space<hbm>> -> memref<1x8x128xf32, #tpu.memory_space<hbm>>
    %dma_wait3A_360 = tpu.memref_squeeze %dma_wait3A_359 : memref<1x8x128xf32, #tpu.memory_space<hbm>> -> memref<8x128xf32, #tpu.memory_space<hbm>>
    %dma_wait3A_361 = arith.constant 40 : i32
    %dma_wait3A_362 = tpu.memref_slice %arg4[%dma_wait3A_354, %dma_wait3A_361, %add3A_353] : memref<50x64x16384xf32, #tpu.memory_space<hbm>> -> memref<1x8x128xf32, #tpu.memory_space<hbm>>
    %dma_wait3A_363 = tpu.memref_squeeze %dma_wait3A_362 : memref<1x8x128xf32, #tpu.memory_space<hbm>> -> memref<8x128xf32, #tpu.memory_space<hbm>>
    %dma_wait3A_364 = arith.constant 88 : i32
    %dma_wait3A_365 = arith.constant 0 : i32
    %dma_wait3A_366 = tpu.memref_slice %arg9[%dma_wait3A_364, %dma_wait3A_365] : memref<128x128xf32, #tpu.memory_space<vmem>> -> memref<8x128xf32, #tpu.memory_space<vmem>>
    tpu.wait_dma2 semaphore(%arg12 : memref<!tpu.dma_semaphore, #tpu.memory_space<semaphore_mem>>) src(%dma_wait3A_366 : memref<8x128xf32, #tpu.memory_space<vmem>>) dst(%dma_wait3A_363 : memref<8x128xf32, #tpu.memory_space<hbm>>)
    %add3A_367 = arith.constant 0 : i32
    %add3A_368 = arith.addi %add3A_186, %add3A_367 : i32
    %dma_wait3A_369 = arith.constant 49 : i32
    %dma_wait3A_370 = arith.constant 96 : i32
    %dma_wait3A_371 = arith.constant 0 : i32
    %dma_wait3A_372 = tpu.memref_slice %arg9[%dma_wait3A_370, %dma_wait3A_371] : memref<128x128xf32, #tpu.memory_space<vmem>> -> memref<8x128xf32, #tpu.memory_space<vmem>>
    %dma_wait3A_373 = arith.constant 48 : i32
    %dma_wait3A_374 = tpu.memref_slice %arg4[%dma_wait3A_369, %dma_wait3A_373, %add3A_368] : memref<50x64x16384xf32, #tpu.memory_space<hbm>> -> memref<1x8x128xf32, #tpu.memory_space<hbm>>
    %dma_wait3A_375 = tpu.memref_squeeze %dma_wait3A_374 : memref<1x8x128xf32, #tpu.memory_space<hbm>> -> memref<8x128xf32, #tpu.memory_space<hbm>>
    %dma_wait3A_376 = arith.constant 48 : i32
    %dma_wait3A_377 = tpu.memref_slice %arg4[%dma_wait3A_369, %dma_wait3A_376, %add3A_368] : memref<50x64x16384xf32, #tpu.memory_space<hbm>> -> memref<1x8x128xf32, #tpu.memory_space<hbm>>
    %dma_wait3A_378 = tpu.memref_squeeze %dma_wait3A_377 : memref<1x8x128xf32, #tpu.memory_space<hbm>> -> memref<8x128xf32, #tpu.memory_space<hbm>>
    %dma_wait3A_379 = arith.constant 96 : i32
    %dma_wait3A_380 = arith.constant 0 : i32
    %dma_wait3A_381 = tpu.memref_slice %arg9[%dma_wait3A_379, %dma_wait3A_380] : memref<128x128xf32, #tpu.memory_space<vmem>> -> memref<8x128xf32, #tpu.memory_space<vmem>>
    tpu.wait_dma2 semaphore(%arg12 : memref<!tpu.dma_semaphore, #tpu.memory_space<semaphore_mem>>) src(%dma_wait3A_381 : memref<8x128xf32, #tpu.memory_space<vmem>>) dst(%dma_wait3A_378 : memref<8x128xf32, #tpu.memory_space<hbm>>)
    %add3A_382 = arith.constant 128 : i32
    %add3A_383 = arith.addi %add3A_186, %add3A_382 : i32
    %dma_wait3A_384 = arith.constant 49 : i32
    %dma_wait3A_385 = arith.constant 104 : i32
    %dma_wait3A_386 = arith.constant 0 : i32
    %dma_wait3A_387 = tpu.memref_slice %arg9[%dma_wait3A_385, %dma_wait3A_386] : memref<128x128xf32, #tpu.memory_space<vmem>> -> memref<8x128xf32, #tpu.memory_space<vmem>>
    %dma_wait3A_388 = arith.constant 48 : i32
    %dma_wait3A_389 = tpu.memref_slice %arg4[%dma_wait3A_384, %dma_wait3A_388, %add3A_383] : memref<50x64x16384xf32, #tpu.memory_space<hbm>> -> memref<1x8x128xf32, #tpu.memory_space<hbm>>
    %dma_wait3A_390 = tpu.memref_squeeze %dma_wait3A_389 : memref<1x8x128xf32, #tpu.memory_space<hbm>> -> memref<8x128xf32, #tpu.memory_space<hbm>>
    %dma_wait3A_391 = arith.constant 48 : i32
    %dma_wait3A_392 = tpu.memref_slice %arg4[%dma_wait3A_384, %dma_wait3A_391, %add3A_383] : memref<50x64x16384xf32, #tpu.memory_space<hbm>> -> memref<1x8x128xf32, #tpu.memory_space<hbm>>
    %dma_wait3A_393 = tpu.memref_squeeze %dma_wait3A_392 : memref<1x8x128xf32, #tpu.memory_space<hbm>> -> memref<8x128xf32, #tpu.memory_space<hbm>>
    %dma_wait3A_394 = arith.constant 104 : i32
    %dma_wait3A_395 = arith.constant 0 : i32
    %dma_wait3A_396 = tpu.memref_slice %arg9[%dma_wait3A_394, %dma_wait3A_395] : memref<128x128xf32, #tpu.memory_space<vmem>> -> memref<8x128xf32, #tpu.memory_space<vmem>>
    tpu.wait_dma2 semaphore(%arg12 : memref<!tpu.dma_semaphore, #tpu.memory_space<semaphore_mem>>) src(%dma_wait3A_396 : memref<8x128xf32, #tpu.memory_space<vmem>>) dst(%dma_wait3A_393 : memref<8x128xf32, #tpu.memory_space<hbm>>)
    %add3A_397 = arith.constant 0 : i32
    %add3A_398 = arith.addi %add3A_186, %add3A_397 : i32
    %dma_wait3A_399 = arith.constant 49 : i32
    %dma_wait3A_400 = arith.constant 112 : i32
    %dma_wait3A_401 = arith.constant 0 : i32
    %dma_wait3A_402 = tpu.memref_slice %arg9[%dma_wait3A_400, %dma_wait3A_401] : memref<128x128xf32, #tpu.memory_space<vmem>> -> memref<8x128xf32, #tpu.memory_space<vmem>>
    %dma_wait3A_403 = arith.constant 56 : i32
    %dma_wait3A_404 = tpu.memref_slice %arg4[%dma_wait3A_399, %dma_wait3A_403, %add3A_398] : memref<50x64x16384xf32, #tpu.memory_space<hbm>> -> memref<1x8x128xf32, #tpu.memory_space<hbm>>
    %dma_wait3A_405 = tpu.memref_squeeze %dma_wait3A_404 : memref<1x8x128xf32, #tpu.memory_space<hbm>> -> memref<8x128xf32, #tpu.memory_space<hbm>>
    %dma_wait3A_406 = arith.constant 56 : i32
    %dma_wait3A_407 = tpu.memref_slice %arg4[%dma_wait3A_399, %dma_wait3A_406, %add3A_398] : memref<50x64x16384xf32, #tpu.memory_space<hbm>> -> memref<1x8x128xf32, #tpu.memory_space<hbm>>
    %dma_wait3A_408 = tpu.memref_squeeze %dma_wait3A_407 : memref<1x8x128xf32, #tpu.memory_space<hbm>> -> memref<8x128xf32, #tpu.memory_space<hbm>>
    %dma_wait3A_409 = arith.constant 112 : i32
    %dma_wait3A_410 = arith.constant 0 : i32
    %dma_wait3A_411 = tpu.memref_slice %arg9[%dma_wait3A_409, %dma_wait3A_410] : memref<128x128xf32, #tpu.memory_space<vmem>> -> memref<8x128xf32, #tpu.memory_space<vmem>>
    tpu.wait_dma2 semaphore(%arg12 : memref<!tpu.dma_semaphore, #tpu.memory_space<semaphore_mem>>) src(%dma_wait3A_411 : memref<8x128xf32, #tpu.memory_space<vmem>>) dst(%dma_wait3A_408 : memref<8x128xf32, #tpu.memory_space<hbm>>)
    %add3A_412 = arith.constant 128 : i32
    %add3A_413 = arith.addi %add3A_186, %add3A_412 : i32
    %dma_wait3A_414 = arith.constant 49 : i32
    %dma_wait3A_415 = arith.constant 120 : i32
    %dma_wait3A_416 = arith.constant 0 : i32
    %dma_wait3A_417 = tpu.memref_slice %arg9[%dma_wait3A_415, %dma_wait3A_416] : memref<128x128xf32, #tpu.memory_space<vmem>> -> memref<8x128xf32, #tpu.memory_space<vmem>>
    %dma_wait3A_418 = arith.constant 56 : i32
    %dma_wait3A_419 = tpu.memref_slice %arg4[%dma_wait3A_414, %dma_wait3A_418, %add3A_413] : memref<50x64x16384xf32, #tpu.memory_space<hbm>> -> memref<1x8x128xf32, #tpu.memory_space<hbm>>
    %dma_wait3A_420 = tpu.memref_squeeze %dma_wait3A_419 : memref<1x8x128xf32, #tpu.memory_space<hbm>> -> memref<8x128xf32, #tpu.memory_space<hbm>>
    %dma_wait3A_421 = arith.constant 56 : i32
    %dma_wait3A_422 = tpu.memref_slice %arg4[%dma_wait3A_414, %dma_wait3A_421, %add3A_413] : memref<50x64x16384xf32, #tpu.memory_space<hbm>> -> memref<1x8x128xf32, #tpu.memory_space<hbm>>
    %dma_wait3A_423 = tpu.memref_squeeze %dma_wait3A_422 : memref<1x8x128xf32, #tpu.memory_space<hbm>> -> memref<8x128xf32, #tpu.memory_space<hbm>>
    %dma_wait3A_424 = arith.constant 120 : i32
    %dma_wait3A_425 = arith.constant 0 : i32
    %dma_wait3A_426 = tpu.memref_slice %arg9[%dma_wait3A_424, %dma_wait3A_425] : memref<128x128xf32, #tpu.memory_space<vmem>> -> memref<8x128xf32, #tpu.memory_space<vmem>>
    tpu.wait_dma2 semaphore(%arg12 : memref<!tpu.dma_semaphore, #tpu.memory_space<semaphore_mem>>) src(%dma_wait3A_426 : memref<8x128xf32, #tpu.memory_space<vmem>>) dst(%dma_wait3A_423 : memref<8x128xf32, #tpu.memory_space<hbm>>)
    return
  }
}

</mosaic_0001>

<sc_bundles>
// kernel: _lookup.3.cloned.1.call-start
scs
__scs_entry_jumppad:
0x0: {  	(pc) =	sbr.rel $0x88, $3  }
0x1: {  	(tag) =	ssettag $0x0;
	lr =	simm.s32 $0x1  }
0x2: {  	[smem:$0x3F9F] =	sst lr;
	_ =	strace $0xD0000000  }
0x3: {  	_ = 	snop  }
0x4: {  	_ = 	snop  }
0x5: {  	_ = 	snop  }
0x6: {  	_ = 	snop  }
0x7: {  	_ = 	snop  }
__scs_overlays_trampoline_lowered:
0x8: {  	[smem:$0x3FAE] =	sst s0  }
0x9: {  	[smem:$0x3FAF] =	sst s1  }
0xa: {  	[smem:$0x3FB0] =	sst s2  }
0xb: {  	[smem:$0x3FB1] =	sst s3  }
0xc: {  	[smem:$0x3FB2] =	sst s4  }
0xd: {  	[smem:$0x3FB3] =	sst s5  }
0xe: {  	[smem:$0x3FB4] =	sst s6  }
0xf: {  	[smem:$0x3FB5] =	sst s7  }
0x10: {  	[smem:$0x3FB6] =	sst s8  }
0x11: {  	[smem:$0x3FB7] =	sst s9;
	s0 =	simm.s32 @!p0 $0x0  }
0x12: {  	s1 =	sld [smem:$0x3F9D];
	s0 =	simm.s32 @p0 $0x1  }
0x13: {  	[smem:$0x3FB8] =	sst s0;
	s0 =	simm.s32 @!p1 $0x0  }
0x14: {  	s2 =	sld [smem:$0x3F9C];
	s0 =	simm.s32 @p1 $0x1  }
0x15: {  	[smem:$0x3FB9] =	sst s0;
	s0 =	simm.s32 @!p2 $0x0  }
0x16: {  	s3 =	sld [smem:$0x3FDB];
	s0 =	simm.s32 @p2 $0x1  }
0x17: {  	s4 =	simm.s32 $0x1BF5;
	[smem:$0x3FBB] =	sst s0  }
0x18: {  	s0 =	sld [smem:$0x3F9E];
	_ =	swait.ge [sflag:s4], $0x0  }
0x19: {  	s7 =	sld [smem:$0x3F9F]  }
0x1a: {  	s8 =	sadd.s32 $0xFFFFE003, lr  }
0x1b: {  	s9 =	sadd.s32 $0xFFFFFEF7, lr;
	s5 =	simm.s32 $0xFFFFFFFF;
	p2 =	slt.u32 s8, $0xFFFFF086  }
0x1c: {  	p1 =	slt.u32 s9, $0xF7A;
	s5 =	simm.s32 @!p2 $0x0  }
0x1d: {  	s5 =	simm.s32 @p1 $0x1;
	p0 =	seq.s32 s7, s2  }
0x1e: {  	s7 =	smul.u32 @!p0 $0xF7A, s2;
	p2 =	seq.s32 @!p0 s5, $0x0  }
0x1f: {  	s9 =	smul.u32 $0xF7A, s1;
	s8 =	simm.s32 @!p0 $0x1BF5;
	p2 =	por !p2, p0  }
0x20: {  	[sflag:s8] =	ssyncset.s32 @!p0 $0xFFFFF086;
	s6 =	sadd.s32 @!p0 s3, s7;
	s7 =	simm.s32 @!p0 $0x108  }
0x21: {  	s3 =	sadd.s32 s3, s9;
	s6 =	sadd.s32 @!p0 $0x88, s6;
	s7 =	simm.s32 @p2 $0x1082  }
0x22: {  	[simem:s7], [sflag:s8] =	dma.local @!p0 [hbm:s6], $0xF7A  }
0x23: {  	s9 =	sor.u32 $0xD0000000, s2;
	s6 =	simm.s32 $0x108;
	_ =	swait.ge @!p0 [sflag:s8], $0x0  }
0x24: {  	s3 =	sadd.s32 $0x88, s3;
	s6 =	simm.s32 @!p1 $0x1082;
	[sflag:s4] =	ssyncset.s32 $0xFFFFF086  }
0x25: {  	[simem:s6], [sflag:s4] =	dma.local [hbm:s3], $0xF7A  }
0x26: {  	[smem:$0x3F9F] =	sst s1;
	(tag) =	ssettag s2;
	_ =	strace s9  }
0x27: {  	s1 =	sld [smem:$0x3FAF]  }
0x28: {  	s2 =	sld [smem:$0x3FB0]  }
0x29: {  	s4 =	sld [smem:$0x3FB2]  }
0x2a: {  	p0 =	seq.s32 s5, $0x0;
	s5 =	sld [smem:$0x3FB3]  }
0x2b: {  	s6 =	sld [smem:$0x3FB4]  }
0x2c: {  	s7 =	sld [smem:$0x3FB5]  }
0x2d: {  	s3 =	simm.s32 $0x108;
	s8 =	sld [smem:$0x3FB6]  }
0x2e: {  	s3 =	simm.s32 @!p0 $0x1082;
	s9 =	sld [smem:$0x3FB7]  }
0x2f: {  	lr =	sadd.s32 s0, s3;
	s0 =	sld [smem:$0x3FAE]  }
0x30: {  	s3 =	sld [smem:$0x3FB1]  }
0x31: {  	[smem:$0x3FBA] =	sst s10  }
0x32: {  	s10 =	sld [smem:$0x3FB8];
	_ =	sdelay $0x3  }
0x33: {  	p0 =	seq.s32 s10, $0x1;
	s10 =	sld [smem:$0x3FBA];
	_ =	sdelay $0x3  }
0x34: {  	[smem:$0x3FBA] =	sst s10  }
0x35: {  	s10 =	sld [smem:$0x3FB9];
	_ =	sdelay $0x3  }
0x36: {  	p1 =	seq.s32 s10, $0x1;
	s10 =	sld [smem:$0x3FBA];
	_ =	sdelay $0x3  }
0x37: {  	[smem:$0x3FBA] =	sst s10  }
0x38: {  	s10 =	sld [smem:$0x3FBB]  }
0x39: {  	_ = 	snop;
	(pc) =	sbr.ind lr, $3  }
0x3a: {  	_ = 	snop  }
0x3b: {  	_ = 	snop  }
0x3c: {  	p2 =	seq.s32 s10, $0x1;
	s10 =	sld [smem:$0x3FBA]  }
0x3d: {  	_ =	shalt  }
0x3e: {  	_ =	shalt  }
0x3f: {  	_ =	shalt  }
0x40: {  	_ =	shalt  }
0x41: {  	_ =	shalt  }
0x42: {  	_ =	shalt  }
0x43: {  	_ =	shalt  }
0x44: {  	_ =	shalt  }
0x45: {  	_ =	shalt  }
0x46: {  	_ =	shalt  }
0x47: {  	_ =	shalt  }
0x48: {  	_ =	shalt  }
0x49: {  	_ =	shalt  }
0x4a: {  	_ =	shalt  }
0x4b: {  	_ =	shalt  }
0x4c: {  	_ =	shalt  }
0x4d: {  	_ =	shalt  }
0x4e: {  	_ =	shalt  }
0x4f: {  	_ =	shalt  }
0x50: {  	_ =	shalt  }
0x51: {  	_ =	shalt  }
0x52: {  	_ =	shalt  }
0x53: {  	_ =	shalt  }
0x54: {  	_ =	shalt  }
0x55: {  	_ =	shalt  }
0x56: {  	_ =	shalt  }
0x57: {  	_ =	shalt  }
0x58: {  	_ =	shalt  }
0x59: {  	_ =	shalt  }
0x5a: {  	_ =	shalt  }
0x5b: {  	_ =	shalt  }
0x5c: {  	_ =	shalt  }
0x5d: {  	_ =	shalt  }
0x5e: {  	_ =	shalt  }
0x5f: {  	_ =	shalt  }
0x60: {  	_ =	shalt  }
0x61: {  	_ =	shalt  }
0x62: {  	_ =	shalt  }
0x63: {  	_ =	shalt  }
0x64: {  	_ =	shalt  }
0x65: {  	_ =	shalt  }
0x66: {  	_ =	shalt  }
0x67: {  	_ =	shalt  }
0x68: {  	_ =	shalt  }
0x69: {  	_ =	shalt  }
0x6a: {  	_ =	shalt  }
0x6b: {  	_ =	shalt  }
0x6c: {  	_ =	shalt  }
0x6d: {  	_ =	shalt  }
0x6e: {  	_ =	shalt  }
0x6f: {  	_ =	shalt  }
0x70: {  	_ =	shalt  }
0x71: {  	_ =	shalt  }
0x72: {  	_ =	shalt  }
0x73: {  	_ =	shalt  }
0x74: {  	_ =	shalt  }
0x75: {  	_ =	shalt  }
0x76: {  	_ =	shalt  }
0x77: {  	_ =	shalt  }
0x78: {  	_ =	shalt  }
0x79: {  	_ =	shalt  }
0x7a: {  	_ =	shalt  }
0x7b: {  	_ =	shalt  }
0x7c: {  	_ =	shalt  }
0x7d: {  	_ =	shalt  }
0x7e: {  	_ =	shalt  }
0x7f: {  	_ =	shalt  }
0x80: {  	_ =	shalt  }
0x81: {  	_ =	shalt  }
0x82: {  	_ =	shalt  }
0x83: {  	_ =	shalt  }
0x84: {  	_ =	shalt  }
0x85: {  	_ =	shalt  }
0x86: {  	_ =	shalt  }
0x87: {  	_ =	shalt  }
.Lfunc_end0:
.L_simem_size_0:
called_computation_lowered:
.L_overlay_start_0:
0x88: {  	s2 =	sld [smem:$0x3FD9]  }
0x89: {  	s3 =	sld [smem:$0x3FFE];
	_ =	sdelay $0x1  }
0x8a: {  	s1 =	srdreg.scid  }
0x8b: {  	s0 =	sand.u32 $0x1, s1  }
0x8c: {  	s18 =	sshll.u32 s0, $0xA;
	s2 =	sadd.s32 s3, s2  }
0x8d: {  	s2 =	sadd.s32 s2, s18  }
0x8e: {  	[smem:$0x3FC6] =	sst s2  }
0x8f: {  	_ = 	snop  }
0x90: {  	s2 =	sld [smem:$0x3FC9]  }
0x91: {  	s19 =	sld [smem:$0x3FC8]  }
0x92: {  	s4 =	sld [smem:$0x3FD0];
	(tm) =	ssettm $0x1  }
0x93: {  	s5 =	sld [smem:$0x3FFB];
	_ =	sdelay $0x3  }
0x94: {  	_ =	strace s5  }
0x95: {  	s5 =	sld [smem:$0x3FFC];
	_ =	sdelay $0x3  }
0x96: {  	_ =	strace s5  }
0x97: {  	s5 =	sld [smem:$0x3FFD];
	_ =	sdelay $0x3  }
0x98: {  	_ =	strace s5  }
0x99: {  	_ =	strace $0x8FFFFFFF  }
0x9a: {  	s20 =	sld [smem:$0x3FDB];
	_ =	sdelay $0x1  }
0x9b: {  	s6 =	simm.s32 $_scs_section_size  }
0x9c: {  	s7 =	simm.s32 $_size__tile_overlayer_lowered;
	s8 =	simm.s32 $_tile_overlayer_lowered  }
0x9d: {  	s23 =	simm.s32 $0x1BFF;
	s22 =	sshll.u32 s8, $0x1;
	s5 =	sadd.s32 s6, s20  }
0x9e: {  	s9 =	simm.s32 $0x0;
	s21 =	sshll.u32 s7, $0x1;
	s7 =	sadd.s32 s22, s5  }
0x9f: {  	[timem:s9], [sflag:s23] =	dma.local [hbm:s7], s21  }
0xa0: {  	_ =	swait.ge [sflag:s23], s21  }
0xa1: {  	s6 =	ssub.s32 $0x0, s21;
	[sflag:s23] =	ssyncset.done $0x0  }
0xa2: {  	[sflag:s23] =	ssyncadd.s32 s6;
	_ =	sdelay $0x1  }
0xa3: {  	s24 =	simm.s32 $0x1B8B  }
0xa4: {  	_ =	swait.ge [sflag:s24], $0x1  }
0xa5: {  	[sflag:s24] =	ssyncset.done $0x0  }
0xa6: {  	s25 =	simm.s32 $0x1B8E;
	[sflag:s24] =	ssyncadd.s32 $0xFFFFFFFF  }
0xa7: {  	s26 =	simm.s32 $execute0_lowered;
	[smem:$0x3FD2] =	sst s25  }
0xa8: {  	s6 =	sshll.u32 s26, $0x1;
	_ =	strace $0x80000046;
	[dreg:$0x1] =	wrdreg $0xFFFFFFFF  }
0xa9: {  	s28 =	simm.s32 $_size_execute0_lowered;
	s5 =	sadd.s32 s5, s6;
	[dreg:$0x0] =	wrdreg $0x0  }
0xaa: {  	s6 =	sshll.u32 s28, $0x1;
	[dreg:$0x2] =	wrdreg s5  }
0xab: {  	[dreg:$0x3] =	wrdreg s6  }
0xac: {  	[dreg:$0x4] =	wrdreg $0xC0  }
0xad: {  	_ =	task [dreg:s9], $0x5FFFF  }
0xae: {  	[dreg:$0x1] =	wrdreg $0xFFFFFFFF  }
0xaf: {  	[dreg:$0x0] =	wrdreg $0x60  }
0xb0: {  	[dreg:$0x2] =	wrdreg s2  }
0xb1: {  	[dreg:$0x3] =	wrdreg s19  }
0xb2: {  	[dreg:$0x4] =	wrdreg s4  }
0xb3: {  	[dreg:$0x5] =	wrdreg $0x9  }
0xb4: {  	_ =	task.clear_ibuf [dreg:s9], $0x6FFFF;
	_ =	strace $0x90000046  }
0xb5: {  	s29 =	simm.s32 $0x9;
	_ =	strace $0x80000048  }
0xb6: {  	_ =	swait.ge [sflag:s29], $0x1  }
0xb7: {  	[sflag:s29] =	ssyncadd.s32 $0xFFFFFFFF  }
0xb8: {  	_ =	strace $0x90000048  }
0xb9: {  	_ =	sfence  }
0xba: {  	s30 =	sld [smem:$0x0];
	_ =	sdelay $0x2  }
0xbb: {  	s31 =	sshll.u32 s1, $0xD;
	s1 =	sshrl.u32 s1, $0x2  }
0xbc: {  	s3 =	sand.u32 $0x4000, s31;
	s1 =	sadd.s32 s1, s30  }
0xbd: {  	s0 =	sor.u32 s3, s0;
	s1 =	sshll.u32 s1, $0x11  }
0xbe: {  	s0 =	sor.u32 s1, s0  }
0xbf: {  	s0 =	sadd.s32 $0x8F2B, s0  }
0xc0: {  	[sflag:s0] =	ssyncadd.remote.s32 $0x1  }
0xc1: {  	_ =	sfence.sel $0xFFFF  }
0xc2: {  	[dreg:$0x0] =	wrdreg $0xFFFFFFFF;
	(pc) =	sbr.abs _section_cstart, $3  }
0xc3: {  	[dreg:$0x1] =	wrdreg $0xFFFFFFFF  }
0xc4: {  	_ =	task.clear_ibuf [dreg:s9], $0x2FFFF;
	_ =	strace $0x9FFFFFFF  }
0xc5: {  	(tm) =	ssettm $0x7FFFFFFF  }
tec
execute0_lowered:
.L_overlay_start_1:
0x0: {  	(tag) =	ssettag $0x1  }
0x1: {  	v0 =	vimm.s32 $0xB00;
	vm14 =	vcmask $0x300  }
0x2: {  	vm13 =	vcmask $0x704;
	vm12 =	vcmask $0xB08;
	vm11 =	vcmask $0xF0C  }
0x3: {  	vm10 =	vcmask $0x1310;
	vm9 =	vcmask $0x1714;
	vm8 =	vcmask $0x1B18  }
0x4: {  	vm7 =	vcmask $0x1F1C;
	vm6 =	vcmask $0x2320;
	vm5 =	vcmask $0x2724  }
0x5: {  	vm3 =	vcmask $0x2B28;
	vm1 =	vcmask $0x2F2C;
	vm4 =	vcmask $0x3330  }
0x6: {  	vm2 =	vcmask $0x3734;
	vm0 =	vcmask $0x3B38;
	v1 =	vimm.s32 $0xA80  }
0x7: {  	v2 =	vimm.s32 $0xA00;
	v3 =	vimm.s32 $0x980;
	v4 =	vimm.s32 $0x900  }
0x8: {  	v5 =	vimm.s32 $0x880;
	v6 =	vimm.s32 $0x800;
	v7 =	vimm.s32 $0x380  }
0x9: {  	v8 =	vimm.s32 $0x300;
	v9 =	vimm.s32 $0x280;
	v10 =	vimm.s32 $0x200  }
0xa: {  	v11 =	vimm.s32 $0x180;
	v12 =	vimm.s32 $0x100;
	v13 =	vimm.s32 $0x80  }
0xb: {  	v14 =	vimm.s32 $0x0;
	v15 =	vimm.s32 $0xB80;
	v16 =	vimm.s32 $0xFEDCBA9  }
0xc: {  	v17 =	vimm.s32 $0x87654321;
	v18 =	vimm.s32 $0x10FEDCBA;
	v19 =	vimm.s32 $0x98765432  }
0xd: {  	v20 =	vimm.s32 $0x210FEDCB;
	v21 =	vimm.s32 $0xA9876543;
	v23 =	vimm.s32 $0x3210FEDC  }
0xe: {  	v24 =	vimm.s32 $0xBA987654;
	v25 =	vimm.s32 $0x43210FED;
	v26 =	vimm.s32 $0xCBA98765  }
0xf: {  	v29 =	vimm.s32 $0xDCBA9876;
	v30 =	vimm.s32 $0x6543210F;
	v31 =	vimm.s32 $0xEDCBA987  }
0x10: {  	v32 =	vimm.s32 $0xFEDCBA98;
	v0 =	vsel vm14, $0xB80, v0;
	v1 =	vsel vm14, $0xB00, v1  }
0x11: {  	v2 =	vsel vm14, $0xA80, v2;
	v3 =	vsel vm14, $0xA00, v3;
	v4 =	vsel vm14, $0x980, v4  }
0x12: {  	v5 =	vsel vm14, $0x900, v5;
	v6 =	vsel vm14, $0x880, v6;
	v7 =	vsel vm14, $0x800, v7  }
0x13: {  	v8 =	vsel vm14, $0x380, v8;
	v9 =	vsel vm14, $0x300, v9;
	v10 =	vsel vm14, $0x280, v10  }
0x14: {  	v11 =	vsel vm14, $0x200, v11;
	v12 =	vsel vm14, $0x180, v12;
	v13 =	vsel vm14, $0x100, v13  }
0x15: {  	v14 =	vsel vm14, $0x80, v14;
	v15 =	vsel vm14, $0x0, v15;
	v16 =	vunpack.c.l.s4.s8 v16  }
0x16: {  	v17 =	vunpack.c.l.s4.s8 v17;
	v18 =	vunpack.c.l.s4.s8 v18;
	v19 =	vunpack.c.l.s4.s8 v19  }
0x17: {  	v20 =	vunpack.c.l.s4.s8 v20;
	v21 =	vunpack.c.l.s4.s8 v21;
	v23 =	vunpack.c.l.s4.s8 v23  }
0x18: {  	v24 =	vunpack.c.l.s4.s8 v24;
	v25 =	vunpack.c.l.s4.s8 v25;
	v26 =	vunpack.c.l.s4.s8 v26  }
0x19: {  	v29 =	vunpack.c.l.s4.s8 v29;
	v30 =	vunpack.c.l.s4.s8 v30;
	v31 =	vunpack.c.l.s4.s8 v31  }
0x1a: {  	v32 =	vunpack.c.l.s4.s8 v32;
	v0 =	vsel vm13, $0x0, v0;
	v1 =	vsel vm13, $0xB80, v1  }
0x1b: {  	v2 =	vsel vm13, $0xB00, v2;
	v3 =	vsel vm13, $0xA80, v3;
	v4 =	vsel vm13, $0xA00, v4  }
0x1c: {  	v5 =	vsel vm13, $0x980, v5;
	v6 =	vsel vm13, $0x900, v6;
	v7 =	vsel vm13, $0x880, v7  }
0x1d: {  	v8 =	vsel vm13, $0x800, v8;
	v9 =	vsel vm13, $0x380, v9;
	v10 =	vsel vm13, $0x300, v10  }
0x1e: {  	v11 =	vsel vm13, $0x280, v11;
	v12 =	vsel vm13, $0x200, v12;
	v13 =	vsel vm13, $0x180, v13  }
0x1f: {  	v14 =	vsel vm13, $0x100, v14;
	v15 =	vsel vm13, $0x80, v15;
	v0 =	vsel vm12, $0x80, v0  }
0x20: {  	v1 =	vsel vm12, $0x0, v1;
	v2 =	vsel vm12, $0xB80, v2;
	v3 =	vsel vm12, $0xB00, v3  }
0x21: {  	v4 =	vsel vm12, $0xA80, v4;
	v5 =	vsel vm12, $0xA00, v5;
	v6 =	vsel vm12, $0x980, v6  }
0x22: {  	v7 =	vsel vm12, $0x900, v7;
	v8 =	vsel vm12, $0x880, v8;
	v9 =	vsel vm12, $0x800, v9  }
0x23: {  	v10 =	vsel vm12, $0x380, v10;
	v11 =	vsel vm12, $0x300, v11;
	v12 =	vsel vm12, $0x280, v12  }
0x24: {  	v13 =	vsel vm12, $0x200, v13;
	v14 =	vsel vm12, $0x180, v14;
	v15 =	vsel vm12, $0x100, v15  }
0x25: {  	v16 =	vunpack.c.0.s8.s32 v16;
	v17 =	vunpack.c.0.s8.s32 v17;
	v18 =	vunpack.c.0.s8.s32 v18  }
0x26: {  	v19 =	vunpack.c.0.s8.s32 v19;
	v20 =	vunpack.c.0.s8.s32 v20;
	v21 =	vunpack.c.0.s8.s32 v21  }
0x27: {  	v23 =	vunpack.c.0.s8.s32 v23;
	v24 =	vunpack.c.0.s8.s32 v24;
	v29 =	vunpack.c.0.s8.s32 v29  }
0x28: {  	v30 =	vunpack.c.0.s8.s32 v30;
	v31 =	vunpack.c.0.s8.s32 v31;
	v62 =	vunpack.c.0.s8.s32 v32  }
0x29: {  	v0 =	vsel vm11, $0x100, v0;
	v1 =	vsel vm11, $0x80, v1;
	v2 =	vsel vm11, $0x0, v2  }
0x2a: {  	v3 =	vsel vm11, $0xB80, v3;
	v4 =	vsel vm11, $0xB00, v4;
	v5 =	vsel vm11, $0xA80, v5  }
0x2b: {  	v6 =	vsel vm11, $0xA00, v6;
	v7 =	vsel vm11, $0x980, v7;
	v8 =	vsel vm11, $0x900, v8  }
0x2c: {  	v9 =	vsel vm11, $0x880, v9;
	v10 =	vsel vm11, $0x800, v10;
	v11 =	vsel vm11, $0x380, v11  }
0x2d: {  	v12 =	vsel vm11, $0x300, v12;
	v13 =	vsel vm11, $0x280, v13;
	v14 =	vsel vm11, $0x200, v14  }
0x2e: {  	v15 =	vsel vm11, $0x180, v15;
	v3 =	vsel vm10, $0x0, v3;
	v5 =	vsel vm10, $0xB00, v5  }
0x2f: {  	v7 =	vsel vm10, $0xA00, v7;
	v8 =	vsel vm10, $0x980, v8;
	v10 =	vsel vm10, $0x880, v10  }
0x30: {  	v11 =	vsel vm10, $0x800, v11;
	v12 =	vsel vm10, $0x380, v12;
	v22 =	vcombine.low v17, v16  }
0x31: {  	v13 =	vsel vm10, $0x300, v13;
	v27 =	vcombine.low v19, v18;
	v28 =	vcombine.low v21, v20  }
0x32: {  	v15 =	vsel vm10, $0x200, v15;
	v16 =	vcombine.low v16, v17;
	v17 =	vcombine.low v18, v19  }
0x33: {  	v34 =	vcombine.low v20, v21;
	v20 =	vcombine.low v30, v31;
	v3 =	vsel vm9, $0x80, v3  }
0x34: {  	v5 =	vsel vm9, $0xB80, v5;
	v7 =	vsel vm9, $0xA80, v7;
	v8 =	vsel vm9, $0xA00, v8  }
0x35: {  	v10 =	vsel vm9, $0x900, v10;
	v11 =	vsel vm9, $0x880, v11;
	v12 =	vsel vm9, $0x800, v12  }
0x36: {  	v13 =	vsel vm9, $0x380, v13;
	v15 =	vsel vm9, $0x280, v15;
	v3 =	vsel vm8, $0x100, v3  }
0x37: {  	v5 =	vsel vm8, $0x0, v5;
	v7 =	vsel vm8, $0xB00, v7;
	v8 =	vsel vm8, $0xA80, v8  }
0x38: {  	v10 =	vsel vm8, $0x980, v10;
	v11 =	vsel vm8, $0x900, v11;
	v12 =	vsel vm8, $0x880, v12  }
0x39: {  	v13 =	vsel vm8, $0x800, v13;
	v15 =	vsel vm8, $0x300, v15;
	v61 =	vand.u32 $0xF, v27  }
0x3a: {  	v63 =	vand.u32 $0xF, v28;
	v28 =	vimm.s32 $0x543210FE;
	v54 =	vand.u32 $0xF, v16  }
0x3b: {  	v16 =	vcombine.low v23, v24;
	v52 =	vand.u32 $0xF, v34;
	v53 =	vand.u32 $0xF, v20  }
0x3c: {  	v3 =	vsel vm7, $0x180, v3;
	v5 =	vsel vm7, $0x80, v5;
	v7 =	vsel vm7, $0xB80, v7  }
0x3d: {  	v8 =	vsel vm7, $0xB00, v8;
	v10 =	vsel vm7, $0xA00, v10;
	v11 =	vsel vm7, $0x980, v11  }
0x3e: {  	v12 =	vsel vm7, $0x900, v12;
	v13 =	vsel vm7, $0x880, v13;
	v15 =	vsel vm7, $0x380, v15  }
0x3f: {  	v28 =	vunpack.c.l.s4.s8 v28;
	v3 =	vsel vm6, $0x200, v3;
	v5 =	vsel vm6, $0x100, v5  }
0x40: {  	v7 =	vsel vm6, $0x0, v7;
	v8 =	vsel vm6, $0xB80, v8;
	v10 =	vsel vm6, $0xA80, v10  }
0x41: {  	v11 =	vsel vm6, $0xA00, v11;
	v12 =	vsel vm6, $0x980, v12;
	v13 =	vsel vm6, $0x900, v13  }
0x42: {  	v15 =	vsel vm6, $0x800, v15;
	v57 =	vand.u32 $0xF, v16;
	v16 =	vimm.s32 $0x1C1B1A19  }
0x43: {  	v3 =	vsel vm5, $0x280, v3;
	v5 =	vsel vm5, $0x180, v5;
	v7 =	vsel vm5, $0x80, v7  }
0x44: {  	v8 =	vsel vm5, $0x0, v8;
	v10 =	vsel vm5, $0xB00, v10;
	v11 =	vsel vm5, $0xA80, v11  }
0x45: {  	v12 =	vsel vm5, $0xA00, v12;
	v13 =	vsel vm5, $0x980, v13;
	v15 =	vsel vm5, $0x880, v15  }
0x46: {  	v28 =	vunpack.c.0.s8.s32 v28;
	v3 =	vsel vm3, $0x300, v3;
	v5 =	vsel vm3, $0x200, v5  }
0x47: {  	v7 =	vsel vm3, $0x100, v7;
	v8 =	vsel vm3, $0x80, v8;
	v10 =	vsel vm3, $0xB80, v10  }
0x48: {  	v11 =	vsel vm3, $0xB00, v11;
	v12 =	vsel vm3, $0xA80, v12;
	v13 =	vsel vm3, $0xA00, v13  }
0x49: {  	v15 =	vsel vm3, $0x900, v15;
	v3 =	vsel vm1, $0x380, v3;
	v5 =	vsel vm1, $0x280, v5  }
0x4a: {  	v7 =	vsel vm1, $0x180, v7;
	v8 =	vsel vm1, $0x100, v8;
	v10 =	vsel vm1, $0x0, v10  }
0x4b: {  	v11 =	vsel vm1, $0xB80, v11;
	v12 =	vsel vm1, $0xB00, v12;
	v13 =	vsel vm1, $0xA80, v13  }
0x4c: {  	v15 =	vsel vm1, $0x980, v15;
	v3 =	vsel vm4, $0x800, v3;
	v5 =	vsel vm4, $0x300, v5  }
0x4d: {  	v7 =	vsel vm4, $0x200, v7;
	v8 =	vsel vm4, $0x180, v8;
	v10 =	vsel vm4, $0x80, v10  }
0x4e: {  	v11 =	vsel vm4, $0x0, v11;
	v12 =	vsel vm4, $0xB80, v12;
	v13 =	vsel vm4, $0xB00, v13  }
0x4f: {  	v15 =	vsel vm4, $0xA00, v15;
	v3 =	vsel vm2, $0x880, v3;
	v5 =	vsel vm2, $0x380, v5  }
0x50: {  	v7 =	vsel vm2, $0x280, v7;
	v8 =	vsel vm2, $0x200, v8;
	v10 =	vsel vm2, $0x100, v10  }
0x51: {  	v11 =	vsel vm2, $0x80, v11;
	v12 =	vsel vm2, $0x0, v12;
	v13 =	vsel vm2, $0xB80, v13  }
0x52: {  	v15 =	vsel vm2, $0xA80, v15;
	v3 =	vsel vm0, $0x900, v3;
	v58 =	vsel vm0, $0x800, v5  }
0x53: {  	v59 =	vsel vm0, $0x300, v7;
	v60 =	vsel vm0, $0x280, v8;
	v36 =	vsel vm0, $0x100, v11  }
0x54: {  	v45 =	vsel vm0, $0xB00, v15;
	v15 =	vand.u32 $0xF, v17;
	v5 =	vunpack.c.0.s8.s32 v16  }
0x55: {  	v16 =	vimm.s32 $0x101F1E1D;
	v11 =	vmovc v60;
	v60 =	vsel vm0, $0x80, v12;
	v12 =	vand.u32 $0xF, v22  }
0x56: {  	v22 =	vunpack.c.0.s8.s32 v25;
	v25 =	vunpack.c.0.s8.s32 v26;
	v26 =	vcombine.low v24, v23  }
0x57: {  	v17 =	vcombine.low v28, v29;
	v24 =	vunpack.c.0.s8.s32 v16;
	v16 =	vimm.s32 $0x14131211  }
0x58: {  	v38 =	vunpack.c.0.s8.s32 v16;
	v16 =	vimm.s32 $0x1D1C1B1A;
	v47 =	vand.u32 $0xF, v26  }
0x59: {  	v26 =	vcombine.low v29, v28;
	v28 =	vunpack.c.0.s8.s32 v16;
	v16 =	vimm.s32 $0x11101F1E  }
0x5a: {  	v43 =	vsel vm0, $0x0, v13;
	v21 =	vunpack.c.0.s8.s32 v16;
	v16 =	vimm.s32 $0x19181716  }
0x5b: {  	v27 =	vcombine.low v25, v22;
	v23 =	vunpack.c.0.s8.s32 v16;
	v16 =	vimm.s32 $0x1E1D1C1B  }
0x5c: {  	v37 =	vcombine.low v22, v25;
	v39 =	vunpack.c.0.s8.s32 v16;
	v16 =	vimm.s32 $0x16151413  }
0x5d: {  	v32 =	vand.u32 $0xF, v27;
	v34 =	vunpack.c.0.s8.s32 v16;
	v16 =	vimm.s32 $0x1A191817  }
0x5e: {  	v27 =	vcombine.low v31, v30;
	v40 =	vunpack.c.0.s8.s32 v16;
	v16 =	vimm.s32 $0x13121110  }
0x5f: {  	v31 =	vand.u32 $0xF, v17;
	v7 =	vunpack.c.0.s8.s32 v16;
	v16 =	vimm.s32 $0x17161514  }
0x60: {  	v17 =	vimm.s32 $0x18171615;
	v13 =	vunpack.c.0.s8.s32 v16;
	v16 =	vimm.s32 $0x2C2B2A29  }
0x61: {  	v25 =	vunpack.c.0.s8.s32 v17;
	v42 =	vunpack.c.0.s8.s32 v16;
	v16 =	vimm.s32 $0x202F2E2D  }
0x62: {  	v17 =	vimm.s32 $0x15141312;
	v50 =	vunpack.c.0.s8.s32 v16;
	v16 =	vimm.s32 $0x28272625  }
0x63: {  	v20 =	vunpack.c.0.s8.s32 v17;
	v17 =	vimm.s32 $0x1211101F;
	v16 =	vunpack.c.0.s8.s32 v16  }
0x64: {  	[tilespmem:$0x1FC20] =	vst v3;
	v3 =	vsel vm0, $0x180, v10;
	v22 =	vunpack.c.0.s8.s32 v17;
	v17 =	vimm.s32 $0x1F1E1D1C  }
0x65: {  	v48 =	vunpack.c.0.s8.s32 v17;
	v17 =	vimm.s32 $0x1B1A1918;
	[tilespmem:$0x1FC80] =	vst v16;
	v16 =	vimm.s32 $0x2D2C2B2A  }
0x66: {  	v41 =	vunpack.c.0.s8.s32 v17;
	v17 =	vimm.s32 $0x24232221;
	v16 =	vunpack.c.0.s8.s32 v16  }
0x67: {  	v0 =	vsel vm10, $0x180, v0;
	[tilespmem:$0x1FC40] =	vst v3;
	v3 =	vunpack.c.0.s8.s32 v17;
	v17 =	vimm.s32 $0x21202F2E  }
0x68: {  	v1 =	vsel vm10, $0x100, v1;
	v2 =	vsel vm10, $0x80, v2;
	[tilespmem:$0x1FC90] =	vst v16;
	v16 =	vunpack.c.0.s8.s32 v17  }
0x69: {  	v4 =	vsel vm10, $0xB80, v4;
	v6 =	vsel vm10, $0xA80, v6;
	v9 =	vsel vm10, $0x900, v9  }
0x6a: {  	v14 =	vsel vm10, $0x280, v14;
	v0 =	vsel vm9, $0x200, v0;
	[tilespmem:$0x1FCA0] =	vst v16;
	v16 =	vimm.s32 $0x25242322  }
0x6b: {  	v1 =	vsel vm9, $0x180, v1;
	v2 =	vsel vm9, $0x100, v2;
	v16 =	vunpack.c.0.s8.s32 v16  }
0x6c: {  	v4 =	vsel vm9, $0x0, v4;
	v6 =	vsel vm9, $0xB00, v6;
	v9 =	vsel vm9, $0x980, v9  }
0x6d: {  	v14 =	vsel vm9, $0x300, v14;
	v0 =	vsel vm8, $0x280, v0;
	[tilespmem:$0x1FCB0] =	vst v16;
	v16 =	vimm.s32 $0x29282726  }
0x6e: {  	v1 =	vsel vm8, $0x200, v1;
	v2 =	vsel vm8, $0x180, v2;
	v16 =	vunpack.c.0.s8.s32 v16  }
0x6f: {  	v4 =	vsel vm8, $0x80, v4;
	v6 =	vsel vm8, $0xB80, v6;
	v17 =	vimm.s32 $0x2E2D2C2B  }
0x70: {  	v9 =	vsel vm8, $0xA00, v9;
	v14 =	vsel vm8, $0x380, v14;
	[tilespmem:$0x1FCC0] =	vst v16;
	v16 =	vunpack.c.0.s8.s32 v17  }
0x71: {  	v0 =	vsel vm7, $0x300, v0;
	v1 =	vsel vm7, $0x280, v1;
	v2 =	vsel vm7, $0x200, v2  }
0x72: {  	v4 =	vsel vm7, $0x100, v4;
	v6 =	vsel vm7, $0x0, v6;
	[tilespmem:$0x1FCD0] =	vst v16;
	v16 =	vimm.s32 $0x2221202F  }
0x73: {  	v9 =	vsel vm7, $0xA80, v9;
	v14 =	vsel vm7, $0x800, v14;
	v16 =	vunpack.c.0.s8.s32 v16  }
0x74: {  	v0 =	vsel vm6, $0x380, v0;
	v1 =	vsel vm6, $0x300, v1;
	v2 =	vsel vm6, $0x280, v2  }
0x75: {  	v4 =	vsel vm6, $0x180, v4;
	v1 =	vsel vm5, $0x380, v1;
	[tilespmem:$0x1FCE0] =	vst v16;
	v16 =	vimm.s32 $0x26252423  }
0x76: {  	v6 =	vsel vm6, $0x80, v6;
	v1 =	vsel vm3, $0x800, v1;
	v16 =	vunpack.c.0.s8.s32 v16  }
0x77: {  	v9 =	vsel vm6, $0xB00, v9;
	v1 =	vsel vm1, $0x880, v1;
	v17 =	vimm.s32 $0x2A292827  }
0x78: {  	v14 =	vsel vm6, $0x880, v14;
	v1 =	vsel vm4, $0x900, v1;
	[tilespmem:$0x1FCF0] =	vst v16;
	v16 =	vunpack.c.0.s8.s32 v17  }
0x79: {  	[tilespmem:$0x1FC50] =	vst v61;
	v0 =	vsel vm5, $0x800, v0;
	v2 =	vsel vm5, $0x300, v2;
	v1 =	vsel vm2, $0x980, v1  }
0x7a: {  	v4 =	vsel vm5, $0x200, v4;
	v1 =	vsel vm0, $0xA00, v1;
	[tilespmem:$0x1FD00] =	vst v16;
	v16 =	vimm.s32 $0x2F2E2D2C  }
0x7b: {  	v6 =	vsel vm5, $0x100, v6;
	v9 =	vsel vm5, $0xB80, v9;
	[tilespmem:$0x1FC10] =	vst v1;
	v16 =	vunpack.c.0.s8.s32 v16  }
0x7c: {  	v14 =	vsel vm5, $0x900, v14;
	v0 =	vsel vm3, $0x880, v0;
	v2 =	vsel vm3, $0x380, v2;
	[tilespmem:$0x1FC30] =	vst v58  }
0x7d: {  	s6 =	rddreg [dreg:$0x0];
	v4 =	vsel vm3, $0x280, v4;
	v6 =	vsel vm3, $0x180, v6;
	[tilespmem:$0x1FD10] =	vst v16;
	v16 =	vimm.s32 $0x23222120  }
0x7e: {  	s19 =	rddreg [dreg:$0x1];
	s4 =	simm.s32 $0x0;
	v9 =	vsel vm3, $0x0, v9;
	v14 =	vsel vm3, $0x980, v14;
	[tilespmem:$0x1FC60] =	vst v39;
	v16 =	vunpack.c.0.s8.s32 v16  }
0x7f: {  	[smem:$0x7FF] =	sst s4;
	v0 =	vsel vm1, $0x900, v0;
	v2 =	vsel vm1, $0x800, v2;
	[tilespmem:$0x1FC70] =	vst v40;
	v17 =	vimm.s32 $0x27262524  }
0x80: {  	s3 =	rddreg [dreg:$0x2];
	v4 =	vsel vm1, $0x300, v4;
	v6 =	vsel vm1, $0x200, v6;
	_ =	strace $0x80000047;
	[tilespmem:$0x1FD20] =	vst v16;
	v16 =	vunpack.c.0.s8.s32 v17  }
0x81: {  	v9 =	vsel vm1, $0x80, v9;
	v14 =	vsel vm1, $0xA00, v14;
	v0 =	vsel vm4, $0x980, v0  }
0x82: {  	v2 =	vsel vm4, $0x880, v2;
	v4 =	vsel vm4, $0x380, v4;
	[tilespmem:$0x1FD30] =	vst v16;
	v16 =	vimm.s32 $0x2B2A2928  }
0x83: {  	v6 =	vsel vm4, $0x280, v6;
	v9 =	vsel vm4, $0x100, v9;
	v16 =	vunpack.c.0.s8.s32 v16  }
0x84: {  	v14 =	vsel vm4, $0xA80, v14;
	v0 =	vsel vm2, $0xA00, v0;
	v2 =	vsel vm2, $0x900, v2  }
0x85: {  	v4 =	vsel vm2, $0x800, v4;
	v6 =	vsel vm2, $0x300, v6;
	[tilespmem:$0x1FD40] =	vst v16;
	v16 =	vimm.s32 $0x3C3B3A39  }
0x86: {  	v9 =	vsel vm2, $0x180, v9;
	v14 =	vsel vm2, $0xB00, v14;
	v16 =	vunpack.c.0.s8.s32 v16  }
0x87: {  	v0 =	vsel vm0, $0xA80, v0;
	v46 =	vsel vm0, $0x980, v2;
	[tilespmem:$0x1FE50] =	vst v21;
	v17 =	vimm.s32 $0x303F3E3D  }
0x88: {  	v35 =	vsel vm0, $0x880, v4;
	v6 =	vsel vm0, $0x380, v6;
	[tilespmem:$0x1FD50] =	vst v16;
	v16 =	vunpack.c.0.s8.s32 v17  }
0x89: {  	v8 =	vsel vm0, $0x200, v9;
	v44 =	vsel vm0, $0xB80, v14;
	vm0 =	vcmask $0x1F10;
	[tilespmem:$0x1FE60] =	vst v20  }
0x8a: {  	v10 =	vmov v59;
	v59 =	vsel vm0, v21, v28;
	[tilespmem:$0x1FD60] =	vst v16;
	v16 =	vimm.s32 $0x34333231  }
0x8b: {  	v4 =	vmovc v0;
	v0 =	vand.u32 $0xF, v62;
	v62 =	vsel vm0, v23, v20;
	[tilespmem:$0x1FEB0] =	vst v59;
	v16 =	vunpack.c.0.s8.s32 v16  }
0x8c: {  	[tilespmem:$0x1FEC0] =	vst v62  }
0x8d: {  	[tilespmem:$0x1FD70] =	vst v16;
	v16 =	vimm.s32 $0x38373635  }
0x8e: {  	[tilespmem:$0x1FEE0] =	vst v25;
	v16 =	vunpack.c.0.s8.s32 v16  }
0x8f: {  	[tilespmem:$0x1FEF0] =	vst v28;
	v17 =	vimm.s32 $0x3D3C3B3A  }
0x90: {  	[tilespmem:$0x1FD80] =	vst v16;
	v16 =	vunpack.c.0.s8.s32 v17  }
0x91: {  	[tilespmem:$0x1FF00] =	vst v23  }
0x92: {  	[tilespmem:$0x1FD90] =	vst v16;
	v16 =	vimm.s32 $0x31303F3E  }
0x93: {  	[tilespmem:$0x1FF10] =	vst v34;
	v16 =	vunpack.c.0.s8.s32 v16  }
0x94: {  	[tilespmem:$0x1FF20] =	vst v41  }
0x95: {  	[tilespmem:$0x1FDA0] =	vst v16;
	v16 =	vimm.s32 $0x35343332  }
0x96: {  	[tilespmem:$0x1FF30] =	vst v42;
	v16 =	vunpack.c.0.s8.s32 v16  }
0x97: {  	[tilespmem:$0x1FF40] =	vst v50;
	v17 =	vimm.s32 $0x39383736  }
0x98: {  	v9 =	vand.u32 $0xF, v27;
	v27 =	vlaneseq.u32;
	[tilespmem:$0x1FDB0] =	vst v16;
	v16 =	vunpack.c.0.s8.s32 v17  }
0x99: {  	v51 =	vand.u32 $0xF, v26;
	v26 =	vmul.u32 $0x80, v27;
	[tilespmem:$0x1FF50] =	vst v3  }
0x9a: {  	s0 =	srdreg.scid;
	[tilespmem:$0x1FDC0] =	vst v16;
	v16 =	vimm.s32 $0x3E3D3C3B  }
0x9b: {  	s2 =	stileid.u32;
	s0 =	sand.u32 $0x1, s0;
	[tilespmem:$0x1FF60] =	vst v26;
	v16 =	vunpack.c.0.s8.s32 v16  }
0x9c: {  	s2 =	sshll.u32 s2, $0xA;
	s1 =	ssub.s32 $0x2, s0;
	s0 =	sshll.u32 s0, $0x9;
	[tilespmem:$0x1FF70] =	vst v48  }
0x9d: {  	s7 =	sor.u32 s0, s2;
	[tilespmem:$0x1FDD0] =	vst v16;
	v16 =	vimm.s32 $0x3231303F  }
0x9e: {  	s13 =	sshrl.u32 s7, $0x3;
	[tilespmem:$0x1FF80] =	vst v7;
	v16 =	vunpack.c.0.s8.s32 v16  }
0x9f: {  	s2 =	sshll.u32 s7, $0x3;
	s14 =	sadd.s32 s6, s13;
	[tilespmem:$0x1FF90] =	vst v13  }
0xa0: {  	s16 =	sor.u32 $0x400, s2;
	[dreg:$0x5] =	wrdreg s14;
	[tilespmem:$0x1FDE0] =	vst v16;
	v16 =	vimm.s32 $0x3A393837  }
0xa1: {  	s28 =	simm.s32 $0x1;
	s29 =	simm.s32 $0x10200;
	[dreg:$0x7] =	wrdreg s16;
	[tilespmem:$0x1FFA0] =	vst v12;
	v16 =	vunpack.c.0.s8.s32 v16  }
0xa2: {  	v33 =	vimm.s32 $0x76543210;
	s30 =	simm.s32 $0x10600;
	s17 =	sadd.s32 $0x4000, s3;
	[dreg:$0x4] =	wrdreg s7;
	[tilespmem:$0x1FFB0] =	vst v32  }
0xa3: {  	s31 =	simm.s32 $0x10A00;
	s18 =	sadd.s32 $0x8000, s3;
	[dreg:$0x8] =	wrdreg s17;
	[tilespmem:$0x1FE00] =	vst v16;
	v16 =	vimm.s32 $0x33323130  }
0xa4: {  	s9 =	simm.s32 $0x13600;
	v33 =	vunpack.c.l.s4.s8 v33;
	s20 =	sadd.s32 $0xC000, s3;
	[dreg:$0x9] =	wrdreg s18;
	[tilespmem:$0x1FFC0] =	vst v47;
	v16 =	vunpack.c.0.s8.s32 v16  }
0xa5: {  	s8 =	simm.s32 $0x13A00;
	s21 =	sadd.s32 $0x10000, s3;
	[dreg:$0xa] =	wrdreg s20;
	[tilespmem:$0x1FFD0] =	vst v9;
	v17 =	vimm.s32 $0x36353433  }
0xa6: {  	s11 =	simm.s32 $0x13E00;
	s22 =	sadd.s32 $0x14000, s3;
	v33 =	vunpack.c.0.s8.s32 v33;
	[dreg:$0xb] =	wrdreg s21;
	v17 =	vunpack.c.0.s8.s32 v17;
	[tilespmem:$0x1FE20] =	vst v16;
	v16 =	vimm.s32 $0x37363534  }
0xa7: {  	s15 =	sadd.s32 $0x20, s6;
	s5 =	sshrl.u32 s1, $0x1;
	[dreg:$0xc] =	wrdreg s22;
	[tilespmem:$0x1FFE0] =	vst v63;
	v16 =	vunpack.c.0.s8.s32 v16  }
0xa8: {  	v56 =	vimm.s32 $0x3F3E3D3C;
	s12 =	ssub.s32 s1, s5;
	s1 =	sadd.s32 s13, s15;
	v49 =	vcombine.low v0, v33;
	[dreg:$0x6] =	wrdreg s15;
	[tilespmem:$0x1FDF0] =	vst v17  }
0xa9: {  	s23 =	sadd.s32 $0x18000, s3;
	s24 =	sadd.s32 $0x1C000, s3;
	[dreg:$0xd] =	wrdreg s1;
	v17 =	vunpack.c.0.s8.s32 v56;
	[tilespmem:$0x1FE30] =	vst v16;
	v16 =	vimm.s32 $0x3B3A3938  }
0xaa: {  	s10 =	sor.u32 $0x4000, s7;
	s5 =	simm.s32 $0x11200;
	[dreg:$0xe] =	wrdreg s23;
	[tilespmem:$0x1FFF0] =	vst v49;
	v16 =	vunpack.c.0.s8.s32 v16  }
0xab: {  	s25 =	sor.u32 $0x800, s2;
	s26 =	sor.u32 $0xC00, s2;
	[dreg:$0xf] =	wrdreg s24;
	[tilespmem:$0x1FE10] =	vst v17  }
0xac: {  	s0 =	smax.u32 s12, $0x1;
	s2 =	simm.s32 $0x10E00;
	[dreg:$0x10] =	wrdreg s25;
	v17 =	vsel vm0, v25, v38;
	[tilespmem:$0x1FE40] =	vst v16;
	v16 =	vsel vm0, v24, v5  }
0xad: {  	s6 =	simm.s32 $0x13200;
	s12 =	simm.s32 $0x3;
	[dreg:$0x11] =	wrdreg s26;
	v20 =	vor.u32 $0x10, v27;
	[tilespmem:$0x1FE80] =	vst v16;
	v16 =	vcombine.low v17, v16  }
0xae: {  	[dreg:$0x12] =	wrdreg s0;
	s24 =	simm.s32 $0x200;
	s25 =	simm.s32 $0x5;
	[tilespmem:$0x1FE70] =	vst v20  }
0xaf: {  	s26 =	simm.s32 $0x8200;
	s7 =	simm.s32 $0x11600;
	s16 =	simm.s32 $0x11A00;
	[tilespmem:$0x1FEA0] =	vst v16;
	v16 =	vcombine.low v62, v59  }
0xb0: {  	v61 =	vmov v5;
	v55 =	vmov v24;
	s21 =	simm.s32 $0x11E00;
	s22 =	simm.s32 $0x12200;
	s0 =	simm.s32 $0x12600;
	[tilespmem:$0x1FE90] =	vst v17  }
0xb1: {  	v58 =	vand.u32 $0xF, v37;
	v30 =	vmovc v28;
	v33 =	vmovc v23;
	v29 =	vmov v25;
	s23 =	simm.s32 $0x12A00;
	s1 =	simm.s32 $0x12E00;
	s14 =	simm.s32 $0x0;
	v56 =	vmov v38;
	[tilespmem:$0x1FED0] =	vst v16  }
.LBB2_1:
0xb2: {  	[dreg:$0x13] =	wrdreg s14  }
0xb3: {  	s13 =	rddreg [dreg:$0x5];
	s17 =	simm.s32 $0x4  }
0xb4: {  	[tilespmem:s4], [sflag:$0x4] =	stream.linear.gather [hbm4b:s13+s4], $0x100, $0x38;
	[tilespmem:$0x14200] =	vst v63  }
0xb5: {  	_ =	swait.ge [sflag:s17], $0x100  }
0xb6: {  	[sflag:s17] =	ssyncset.done $0x0  }
0xb7: {  	s18 =	simm.s32 $0x100;
	[sflag:s17] =	ssyncadd.s32 $0xFFFFFF00  }
0xb8: {  	[tilespmem:s24], [sflag:$0x1] =	stream.indirect.gather [hbm4b:s19+s18], $0x80, s4, s18, $0xb8;
	[tilespmem:$0x14200] =	vst v63  }
0xb9: {  	s13 =	simm.s32 $0x0;
	s20 =	rddreg [dreg:$0xd]  }
0xba: {  	[tilespmem:s18], [sflag:$0x5] =	stream.linear.gather [hbm4b:s20+s4], $0x100, $0x38;
	[tilespmem:$0x14200] =	vst v63  }
.LBB2_2:
0xbb: {  	_ =	swait.ge [sflag:s25], $0x100  }
0xbc: {  	[sflag:s25] =	ssyncset.done $0x0  }
0xbd: {  	s14 =	simm.s32 $0x100;
	[sflag:s25] =	ssyncadd.s32 $0xFFFFFF00  }
0xbe: {  	[tilespmem:s26], [sflag:$0x2] =	stream.indirect.gather [hbm4b:s19+s14], $0x80, s14, s14, $0xb8;
	[tilespmem:$0x14200] =	vst v63  }
0xbf: {  	p0 =	seq.s32 s13, $0x31;
	_ =	swait.ge [sflag:s28], $0x8000  }
0xc0: {  	s14 =	sshll.u32 @!p0 s13, $0xE;
	[sflag:s28] =	ssyncset.done $0x0  }
0xc1: {  	s14 =	sadd.s32 @!p0 s10, s14;
	[sflag:s28] =	ssyncadd.s32 $0xFFFF8000  }
0xc2: {  	s14 =	sshrl.u32 @!p0 s14, $0x3;
	s15 =	rddreg [dreg:$0x0]  }
0xc3: {  	p1 =	seq.s32 @!p0 s13, $0x0;
	s14 =	sadd.s32 @!p0 s15, s14;
	s15 =	simm.s32 @!p0 $0x0  }
0xc4: {  	[tilespmem:s15], [sflag:$0x4] =	stream.linear.gather @!p0 [hbm4b:s14+s15], $0x100, $0x38;
	[tilespmem:$0x14200] =	vst v63  }
0xc5: {  	p0 =	por p0, !p1  }
0xc6: {  	_ =	swait.ge @p0 [sflag:s12], $0x400  }
0xc7: {  	[sflag:s12] =	ssyncset.done @p0 $0x0  }
0xc8: {  	[sflag:s12] =	ssyncadd.s32 @p0 $0xFFFFFC00  }
0xc9: {  	_ =	swait.ge @p0 [sflag:s12], $0x400  }
0xca: {  	[sflag:s12] =	ssyncset.done @p0 $0x0  }
0xcb: {  	[sflag:s12] =	ssyncadd.s32 @p0 $0xFFFFFC00  }
0xcc: {  	_ =	swait.ge @p0 [sflag:s12], $0x400  }
0xcd: {  	[sflag:s12] =	ssyncset.done @p0 $0x0  }
0xce: {  	[sflag:s12] =	ssyncadd.s32 @p0 $0xFFFFFC00  }
0xcf: {  	_ =	swait.ge @p0 [sflag:s12], $0x400  }
0xd0: {  	[sflag:s12] =	ssyncset.done @p0 $0x0  }
0xd1: {  	[sflag:s12] =	ssyncadd.s32 @p0 $0xFFFFFC00  }
0xd2: {  	_ =	swait.ge @p0 [sflag:s12], $0x400  }
0xd3: {  	[sflag:s12] =	ssyncset.done @p0 $0x0  }
0xd4: {  	[sflag:s12] =	ssyncadd.s32 @p0 $0xFFFFFC00  }
0xd5: {  	_ =	swait.ge @p0 [sflag:s12], $0x400  }
0xd6: {  	[sflag:s12] =	ssyncset.done @p0 $0x0  }
0xd7: {  	[sflag:s12] =	ssyncadd.s32 @p0 $0xFFFFFC00  }
0xd8: {  	_ =	swait.ge @p0 [sflag:s12], $0x400  }
0xd9: {  	[sflag:s12] =	ssyncset.done @p0 $0x0  }
0xda: {  	[sflag:s12] =	ssyncadd.s32 @p0 $0xFFFFFC00  }
0xdb: {  	_ =	swait.ge @p0 [sflag:s12], $0x400  }
0xdc: {  	[sflag:s12] =	ssyncset.done @p0 $0x0  }
0xdd: {  	[sflag:s12] =	ssyncadd.s32 @p0 $0xFFFFFC00  }
0xde: {  	_ =	swait.ge @p0 [sflag:s12], $0x400  }
0xdf: {  	[sflag:s12] =	ssyncset.done @p0 $0x0  }
0xe0: {  	[sflag:s12] =	ssyncadd.s32 @p0 $0xFFFFFC00  }
0xe1: {  	_ =	swait.ge @p0 [sflag:s12], $0x400  }
0xe2: {  	[sflag:s12] =	ssyncset.done @p0 $0x0  }
0xe3: {  	[sflag:s12] =	ssyncadd.s32 @p0 $0xFFFFFC00  }
0xe4: {  	_ =	swait.ge @p0 [sflag:s12], $0x400  }
0xe5: {  	[sflag:s12] =	ssyncset.done @p0 $0x0  }
0xe6: {  	[sflag:s12] =	ssyncadd.s32 @p0 $0xFFFFFC00  }
0xe7: {  	_ =	swait.ge @p0 [sflag:s12], $0x400  }
0xe8: {  	[sflag:s12] =	ssyncset.done @p0 $0x0  }
0xe9: {  	[sflag:s12] =	ssyncadd.s32 @p0 $0xFFFFFC00  }
0xea: {  	_ =	swait.ge @p0 [sflag:s12], $0x400  }
0xeb: {  	[sflag:s12] =	ssyncset.done @p0 $0x0  }
0xec: {  	[sflag:s12] =	ssyncadd.s32 @p0 $0xFFFFFC00  }
0xed: {  	_ =	swait.ge @p0 [sflag:s12], $0x400  }
0xee: {  	[sflag:s12] =	ssyncset.done @p0 $0x0  }
0xef: {  	[sflag:s12] =	ssyncadd.s32 @p0 $0xFFFFFC00  }
0xf0: {  	_ =	swait.ge @p0 [sflag:s12], $0x400  }
0xf1: {  	[sflag:s12] =	ssyncset.done @p0 $0x0  }
0xf2: {  	[sflag:s12] =	ssyncadd.s32 @p0 $0xFFFFFC00  }
0xf3: {  	_ =	swait.ge @p0 [sflag:s12], $0x400  }
0xf4: {  	[sflag:s12] =	ssyncset.done @p0 $0x0  }
0xf5: {  	s14 =	simm.s32 $0x0;
	s15 =	simm.s32 $0x0;
	[sflag:s12] =	ssyncadd.s32 @p0 $0xFFFFFC00  }
.LBB2_3:
0xf6: {  	v0 =	vld [tilespmem:$0x1FF60];
	_ =	sdelay $0x2  }
0xf7: {  	v16 =	vmov s14  }
0xf8: {  	v16 =	vshll.u32 v16, $0x7  }
0xf9: {  	v26 =	vor.u32 v0, v16  }
0xfa: {  	v16 =	vor.u32 v27, v26;
	_ =	sdelay $0x2  }
0xfb: {  	s17 =	sand.u32 $0x8, s15  }
0xfc: {  	v17 =	vmov s17  }
0xfd: {  	s18 =	sand.u32 $0x70, s14;
	v42 =	vlaneseq.u32;
	v17 =	vshll.u32 v17, $0x7;
	v16 =	vld.idx.msk [tilespmem:v16+s24+$0x0], $0xffff  }
0xfe: {  	v18 =	vor.u32 v45, v17;
	v27 =	vor.u32 s18, v42  }
0xff: {  	v18 =	vor.u32 v27, v18  }
0x100: {  	v19 =	vor.u32 v12, v26;
	_ =	sdelay $0x1  }
0x101: {  	v16 =	vmul.f32 $8.000000000e+00, v16  }
0x102: {  	v48 =	vld [tilespmem:$0x1FC50]  }
0x103: {  	[tilespmem:v18+s29+$0x0] =	vst.idx.msk $0xffff, v16  }
0x104: {  	v16 =	vld.idx.msk [tilespmem:v19+s24+$0x0], $0xffff  }
0x105: {  	v18 =	vor.u32 v44, v17  }
0x106: {  	v18 =	vor.u32 v27, v18  }
0x107: {  	v19 =	vor.u32 v48, v26;
	_ =	sdelay $0x1  }
0x108: {  	v16 =	vmul.f32 $8.000000000e+00, v16;
	_ =	sdelay $0x1  }
0x109: {  	[tilespmem:v18+s29+$0x0] =	vst.idx.msk $0xffff, v16  }
0x10a: {  	v16 =	vld.idx.msk [tilespmem:v19+s24+$0x0], $0xffff  }
0x10b: {  	v18 =	vor.u32 v43, v17  }
0x10c: {  	v18 =	vor.u32 v27, v18  }
0x10d: {  	v19 =	vor.u32 v63, v26;
	_ =	sdelay $0x1  }
0x10e: {  	v16 =	vmul.f32 $8.000000000e+00, v16;
	_ =	sdelay $0x1  }
0x10f: {  	[tilespmem:v18+s29+$0x0] =	vst.idx.msk $0xffff, v16  }
0x110: {  	v16 =	vld.idx.msk [tilespmem:v19+s24+$0x0], $0xffff  }
0x111: {  	v18 =	vor.u32 v60, v17  }
0x112: {  	v18 =	vor.u32 v27, v18  }
0x113: {  	v19 =	vor.u32 v47, v26;
	_ =	sdelay $0x1  }
0x114: {  	v16 =	vmul.f32 $8.000000000e+00, v16;
	_ =	sdelay $0x1  }
0x115: {  	[tilespmem:v18+s29+$0x0] =	vst.idx.msk $0xffff, v16  }
0x116: {  	v16 =	vld.idx.msk [tilespmem:v19+s24+$0x0], $0xffff  }
0x117: {  	v18 =	vor.u32 v36, v17  }
0x118: {  	v18 =	vor.u32 v27, v18  }
0x119: {  	v19 =	vor.u32 v32, v26  }
0x11a: {  	v40 =	vld [tilespmem:$0x1FC40]  }
0x11b: {  	v16 =	vmul.f32 $8.000000000e+00, v16;
	_ =	sdelay $0x1  }
0x11c: {  	[tilespmem:v18+s29+$0x0] =	vst.idx.msk $0xffff, v16  }
0x11d: {  	v16 =	vld.idx.msk [tilespmem:v19+s24+$0x0], $0xffff  }
0x11e: {  	v18 =	vor.u32 v40, v17  }
0x11f: {  	v18 =	vor.u32 v27, v18  }
0x120: {  	v19 =	vor.u32 v51, v26;
	_ =	sdelay $0x1  }
0x121: {  	v16 =	vmul.f32 $8.000000000e+00, v16;
	_ =	sdelay $0x1  }
0x122: {  	[tilespmem:v18+s29+$0x0] =	vst.idx.msk $0xffff, v16  }
0x123: {  	v16 =	vld.idx.msk [tilespmem:v19+s24+$0x0], $0xffff  }
0x124: {  	v18 =	vor.u32 v8, v17  }
0x125: {  	v18 =	vor.u32 v27, v18  }
0x126: {  	v19 =	vor.u32 v9, v26;
	_ =	sdelay $0x1  }
0x127: {  	v16 =	vmul.f32 $8.000000000e+00, v16;
	_ =	sdelay $0x1  }
0x128: {  	[tilespmem:v18+s29+$0x0] =	vst.idx.msk $0xffff, v16  }
0x129: {  	v16 =	vld.idx.msk [tilespmem:v19+s24+$0x0], $0xffff  }
0x12a: {  	v18 =	vor.u32 v11, v17  }
0x12b: {  	v18 =	vor.u32 v27, v18  }
0x12c: {  	v19 =	vor.u32 v49, v26;
	_ =	sdelay $0x1  }
0x12d: {  	v16 =	vmul.f32 $8.000000000e+00, v16;
	_ =	sdelay $0x1  }
0x12e: {  	[tilespmem:v18+s29+$0x0] =	vst.idx.msk $0xffff, v16  }
0x12f: {  	v16 =	vld.idx.msk [tilespmem:v19+s24+$0x0], $0xffff  }
0x130: {  	v18 =	vor.u32 v10, v17  }
0x131: {  	v18 =	vor.u32 v27, v18  }
0x132: {  	v19 =	vor.u32 v54, v26;
	_ =	sdelay $0x1  }
0x133: {  	v16 =	vmul.f32 $8.000000000e+00, v16;
	_ =	sdelay $0x1  }
0x134: {  	[tilespmem:v18+s29+$0x0] =	vst.idx.msk $0xffff, v16  }
0x135: {  	v16 =	vld.idx.msk [tilespmem:v19+s24+$0x0], $0xffff  }
0x136: {  	v18 =	vor.u32 v6, v17  }
0x137: {  	v18 =	vor.u32 v27, v18  }
0x138: {  	v19 =	vor.u32 v15, v26  }
0x139: {  	v25 =	vmov v29;
	v29 =	vmov v15;
	v15 =	vld [tilespmem:$0x1FC30]  }
0x13a: {  	v16 =	vmul.f32 $8.000000000e+00, v16;
	_ =	sdelay $0x1  }
0x13b: {  	[tilespmem:v18+s29+$0x0] =	vst.idx.msk $0xffff, v16  }
0x13c: {  	v16 =	vld.idx.msk [tilespmem:v19+s24+$0x0], $0xffff  }
0x13d: {  	v18 =	vor.u32 v15, v17  }
0x13e: {  	v18 =	vor.u32 v27, v18  }
0x13f: {  	v19 =	vor.u32 v52, v26;
	_ =	sdelay $0x1  }
0x140: {  	v16 =	vmul.f32 $8.000000000e+00, v16;
	_ =	sdelay $0x1  }
0x141: {  	[tilespmem:v18+s29+$0x0] =	vst.idx.msk $0xffff, v16  }
0x142: {  	v16 =	vld.idx.msk [tilespmem:v19+s24+$0x0], $0xffff  }
0x143: {  	v18 =	vor.u32 v35, v17  }
0x144: {  	v18 =	vor.u32 v27, v18  }
0x145: {  	v19 =	vor.u32 v57, v26  }
0x146: {  	v13 =	vld [tilespmem:$0x1FC20]  }
0x147: {  	v16 =	vmul.f32 $8.000000000e+00, v16;
	_ =	sdelay $0x1  }
0x148: {  	[tilespmem:v18+s29+$0x0] =	vst.idx.msk $0xffff, v16  }
0x149: {  	v16 =	vld.idx.msk [tilespmem:v19+s24+$0x0], $0xffff  }
0x14a: {  	v18 =	vor.u32 v13, v17  }
0x14b: {  	v18 =	vor.u32 v27, v18  }
0x14c: {  	v19 =	vor.u32 v58, v26;
	_ =	sdelay $0x1  }
0x14d: {  	v16 =	vmul.f32 $8.000000000e+00, v16;
	_ =	sdelay $0x1  }
0x14e: {  	[tilespmem:v18+s29+$0x0] =	vst.idx.msk $0xffff, v16  }
0x14f: {  	v16 =	vld.idx.msk [tilespmem:v19+s24+$0x0], $0xffff  }
0x150: {  	v18 =	vor.u32 v46, v17  }
0x151: {  	v18 =	vor.u32 v27, v18  }
0x152: {  	v19 =	vor.u32 v31, v26  }
0x153: {  	v39 =	vmov v8;
	v8 =	vld [tilespmem:$0x1FC10]  }
0x154: {  	v16 =	vmul.f32 $8.000000000e+00, v16;
	_ =	sdelay $0x1  }
0x155: {  	[tilespmem:v18+s29+$0x0] =	vst.idx.msk $0xffff, v16  }
0x156: {  	v16 =	vld.idx.msk [tilespmem:v19+s24+$0x0], $0xffff  }
0x157: {  	v18 =	vor.u32 v8, v17  }
0x158: {  	v18 =	vor.u32 v27, v18  }
0x159: {  	v19 =	vor.u32 v53, v26;
	_ =	sdelay $0x1  }
0x15a: {  	v16 =	vmul.f32 $8.000000000e+00, v16  }
0x15b: {  	v1 =	vld [tilespmem:$0x1FE70]  }
0x15c: {  	[tilespmem:v18+s29+$0x0] =	vst.idx.msk $0xffff, v16  }
0x15d: {  	v16 =	vld.idx.msk [tilespmem:v19+s24+$0x0], $0xffff  }
0x15e: {  	v17 =	vor.u32 v4, v17  }
0x15f: {  	v17 =	vor.u32 v27, v17  }
0x160: {  	v18 =	vor.u32 v1, v26;
	_ =	sdelay $0x1  }
0x161: {  	v16 =	vmul.f32 $8.000000000e+00, v16  }
0x162: {  	v50 =	vld [tilespmem:$0x1FEA0];
	s20 =	sor.u32 $0x20, s17  }
0x163: {  	[tilespmem:v17+s29+$0x0] =	vst.idx.msk $0xffff, v16;
	v16 =	vmov s20  }
0x164: {  	v17 =	vld.idx.msk [tilespmem:v18+s24+$0x0], $0xffff;
	v16 =	vshll.u32 v16, $0x7  }
0x165: {  	v18 =	vor.u32 v45, v16  }
0x166: {  	v18 =	vor.u32 v27, v18  }
0x167: {  	v19 =	vor.u32 v50, v26;
	_ =	sdelay $0x1  }
0x168: {  	v17 =	vmul.f32 $8.000000000e+00, v17  }
0x169: {  	v48 =	vmov v54;
	v54 =	vld [tilespmem:$0x1FED0]  }
0x16a: {  	[tilespmem:v18+s29+$0x0] =	vst.idx.msk $0xffff, v17  }
0x16b: {  	v17 =	vld.idx.msk [tilespmem:v19+s24+$0x0], $0xffff  }
0x16c: {  	v18 =	vor.u32 v44, v16  }
0x16d: {  	v38 =	vld [tilespmem:$0x1FC60];
	v18 =	vor.u32 v27, v18  }
0x16e: {  	v7 =	vmov v6;
	v6 =	vmov v57;
	v57 =	vld [tilespmem:$0x1FC70];
	v19 =	vor.u32 v54, v26;
	_ =	sdelay $0x1  }
0x16f: {  	v17 =	vmul.f32 $8.000000000e+00, v17;
	_ =	sdelay $0x1  }
0x170: {  	v2 =	vld [tilespmem:$0x1FF70];
	[tilespmem:v18+s29+$0x0] =	vst.idx.msk $0xffff, v17  }
0x171: {  	v18 =	vsel vm0, v22, v38;
	v17 =	vld.idx.msk [tilespmem:v19+s24+$0x0], $0xffff;
	v19 =	vsel vm0, v57, v34  }
0x172: {  	v5 =	vmov v58;
	v3 =	vld [tilespmem:$0x1FF80];
	v20 =	vor.u32 v43, v16;
	v58 =	vcombine.low v19, v18  }
0x173: {  	v59 =	vld [tilespmem:$0x1FF90];
	v20 =	vor.u32 v27, v20  }
0x174: {  	v37 =	vld [tilespmem:$0x1FF20];
	v21 =	vor.u32 v58, v26;
	_ =	sdelay $0x1  }
0x175: {  	v17 =	vmul.f32 $8.000000000e+00, v17;
	_ =	sdelay $0x1  }
0x176: {  	[tilespmem:v20+s29+$0x0] =	vst.idx.msk $0xffff, v17  }
0x177: {  	v20 =	vsel vm0, v3, v2;
	v17 =	vld.idx.msk [tilespmem:v21+s24+$0x0], $0xffff;
	v21 =	vsel vm0, v37, v59  }
0x178: {  	v23 =	vor.u32 v60, v16;
	v63 =	vcombine.low v21, v20  }
0x179: {  	v23 =	vor.u32 v27, v23  }
0x17a: {  	v24 =	vor.u32 v63, v26;
	_ =	sdelay $0x1  }
0x17b: {  	v17 =	vmul.f32 $8.000000000e+00, v17;
	_ =	sdelay $0x1  }
0x17c: {  	[tilespmem:v23+s29+$0x0] =	vst.idx.msk $0xffff, v17  }
0x17d: {  	v41 =	vmov v36;
	v23 =	vsel vm0, v56, v55;
	v17 =	vld.idx.msk [tilespmem:v24+s24+$0x0], $0xffff;
	v24 =	vsel vm0, v61, v25  }
0x17e: {  	v25 =	vor.u32 v41, v16;
	v32 =	vcombine.low v24, v23  }
0x17f: {  	v9 =	vld [tilespmem:$0x1FE60];
	v25 =	vor.u32 v27, v25  }
0x180: {  	v28 =	vmovc v52;
	v14 =	vmov v35;
	v52 =	vmov v31;
	v35 =	vld [tilespmem:$0x1FE50];
	v31 =	vor.u32 v32, v26;
	_ =	sdelay $0x1  }
0x181: {  	v17 =	vmul.f32 $8.000000000e+00, v17;
	_ =	sdelay $0x1  }
0x182: {  	[tilespmem:v25+s29+$0x0] =	vst.idx.msk $0xffff, v17  }
0x183: {  	v25 =	vsel vm0, v9, v35;
	v17 =	vld.idx.msk [tilespmem:v31+s24+$0x0], $0xffff;
	v31 =	vsel vm0, v30, v33  }
0x184: {  	v49 =	vor.u32 v40, v16;
	v1 =	vcombine.low v31, v25  }
0x185: {  	[tilespmem:$0x1FA20] =	vst v32;
	v32 =	vor.u32 v27, v49  }
0x186: {  	v50 =	vor.u32 v1, v26;
	_ =	sdelay $0x1  }
0x187: {  	v17 =	vmul.f32 $8.000000000e+00, v17;
	_ =	sdelay $0x1  }
0x188: {  	[tilespmem:v32+s29+$0x0] =	vst.idx.msk $0xffff, v17  }
0x189: {  	v33 =	vsel vm0, v38, v57;
	v32 =	vsel vm0, v34, v22;
	v17 =	vld.idx.msk [tilespmem:v50+s24+$0x0], $0xffff  }
0x18a: {  	v62 =	vmov v55;
	v54 =	vor.u32 v39, v16;
	v55 =	vcombine.low v33, v32  }
0x18b: {  	v34 =	vor.u32 v27, v54  }
0x18c: {  	[tilespmem:$0x1FA10] =	vst v63;
	v63 =	vmov v56;
	v56 =	vor.u32 v55, v26;
	_ =	sdelay $0x1  }
0x18d: {  	v17 =	vmul.f32 $8.000000000e+00, v17;
	_ =	sdelay $0x1  }
0x18e: {  	[tilespmem:v34+s29+$0x0] =	vst.idx.msk $0xffff, v17  }
0x18f: {  	[tilespmem:$0x1FA00] =	vst v58;
	v58 =	vsel vm0, v2, v37;
	v57 =	vsel vm0, v59, v3;
	v17 =	vld.idx.msk [tilespmem:v56+s24+$0x0], $0xffff  }
0x190: {  	v59 =	vor.u32 v11, v16;
	v38 =	vcombine.low v58, v57  }
0x191: {  	v49 =	vor.u32 v27, v59  }
0x192: {  	v35 =	vor.u32 v38, v26;
	v54 =	vld [tilespmem:$0x1FE80]  }
0x193: {  	[tilespmem:$0x1FA40] =	vst v55;
	v55 =	vld [tilespmem:$0x1FE90]  }
0x194: {  	v17 =	vmul.f32 $8.000000000e+00, v17;
	_ =	sdelay $0x1  }
0x195: {  	[tilespmem:v49+s29+$0x0] =	vst.idx.msk $0xffff, v17  }
0x196: {  	v17 =	vld.idx.msk [tilespmem:v35+s24+$0x0], $0xffff  }
0x197: {  	[tilespmem:$0x1FA30] =	vst v1;
	v50 =	vor.u32 v10, v16;
	v1 =	vcombine.low v54, v55  }
0x198: {  	v34 =	vor.u32 v27, v50  }
0x199: {  	v58 =	vld [tilespmem:$0x1FEB0];
	v56 =	vor.u32 v1, v26  }
0x19a: {  	v59 =	vld [tilespmem:$0x1FEC0]  }
0x19b: {  	v17 =	vmul.f32 $8.000000000e+00, v17;
	_ =	sdelay $0x1  }
0x19c: {  	[tilespmem:v34+s29+$0x0] =	vst.idx.msk $0xffff, v17  }
0x19d: {  	v17 =	vld.idx.msk [tilespmem:v56+s24+$0x0], $0xffff  }
0x19e: {  	v57 =	vor.u32 v7, v16;
	[tilespmem:$0x1FA60] =	vst v1;
	v1 =	vcombine.low v58, v59  }
0x19f: {  	v34 =	vor.u32 v27, v57  }
0x1a0: {  	v2 =	vor.u32 v1, v26;
	_ =	sdelay $0x1  }
0x1a1: {  	v17 =	vmul.f32 $8.000000000e+00, v17;
	_ =	sdelay $0x1  }
0x1a2: {  	[tilespmem:v34+s29+$0x0] =	vst.idx.msk $0xffff, v17  }
0x1a3: {  	v17 =	vld.idx.msk [tilespmem:v2+s24+$0x0], $0xffff  }
0x1a4: {  	v36 =	vor.u32 v15, v16;
	v37 =	vcombine.low v18, v19  }
0x1a5: {  	v18 =	vor.u32 v27, v36  }
0x1a6: {  	v19 =	vor.u32 v37, v26;
	_ =	sdelay $0x1  }
0x1a7: {  	v17 =	vmul.f32 $8.000000000e+00, v17;
	_ =	sdelay $0x1  }
0x1a8: {  	[tilespmem:v18+s29+$0x0] =	vst.idx.msk $0xffff, v17  }
0x1a9: {  	v17 =	vld.idx.msk [tilespmem:v19+s24+$0x0], $0xffff  }
0x1aa: {  	[tilespmem:$0x1FA50] =	vst v38;
	v38 =	vcombine.low v20, v21;
	v18 =	vor.u32 v14, v16  }
0x1ab: {  	v18 =	vor.u32 v27, v18  }
0x1ac: {  	v19 =	vor.u32 v38, v26;
	_ =	sdelay $0x1  }
0x1ad: {  	v17 =	vmul.f32 $8.000000000e+00, v17;
	_ =	sdelay $0x1  }
0x1ae: {  	[tilespmem:v18+s29+$0x0] =	vst.idx.msk $0xffff, v17  }
0x1af: {  	v17 =	vld.idx.msk [tilespmem:v19+s24+$0x0], $0xffff  }
0x1b0: {  	v49 =	vcombine.low v23, v24;
	v18 =	vor.u32 v13, v16  }
0x1b1: {  	v18 =	vor.u32 v27, v18  }
0x1b2: {  	v19 =	vor.u32 v49, v26;
	_ =	sdelay $0x1  }
0x1b3: {  	v17 =	vmul.f32 $8.000000000e+00, v17;
	_ =	sdelay $0x1  }
0x1b4: {  	[tilespmem:v18+s29+$0x0] =	vst.idx.msk $0xffff, v17  }
0x1b5: {  	v17 =	vld.idx.msk [tilespmem:v19+s24+$0x0], $0xffff  }
0x1b6: {  	v50 =	vcombine.low v25, v31;
	v18 =	vor.u32 v46, v16  }
0x1b7: {  	v18 =	vor.u32 v27, v18  }
0x1b8: {  	v19 =	vor.u32 v50, v26;
	_ =	sdelay $0x1  }
0x1b9: {  	v17 =	vmul.f32 $8.000000000e+00, v17;
	_ =	sdelay $0x1  }
0x1ba: {  	[tilespmem:v18+s29+$0x0] =	vst.idx.msk $0xffff, v17  }
0x1bb: {  	v17 =	vld.idx.msk [tilespmem:v19+s24+$0x0], $0xffff  }
0x1bc: {  	v54 =	vcombine.low v32, v33;
	v18 =	vor.u32 v8, v16  }
0x1bd: {  	v18 =	vor.u32 v27, v18  }
0x1be: {  	v19 =	vor.u32 v54, v26;
	_ =	sdelay $0x1  }
0x1bf: {  	v17 =	vmul.f32 $8.000000000e+00, v17;
	_ =	sdelay $0x1  }
0x1c0: {  	v3 =	vld [tilespmem:$0x1FF40];
	[tilespmem:v18+s29+$0x0] =	vst.idx.msk $0xffff, v17  }
0x1c1: {  	v17 =	vld.idx.msk [tilespmem:v19+s24+$0x0], $0xffff  }
0x1c2: {  	v55 =	vlaneseq.u32;
	v35 =	vld [tilespmem:$0x1FC80];
	v16 =	vor.u32 v4, v16  }
0x1c3: {  	v56 =	vor.u32 $0x20, v55;
	v34 =	vld [tilespmem:$0x1FF50];
	v16 =	vor.u32 v27, v16  }
0x1c4: {  	v2 =	vld [tilespmem:$0x1FF30];
	v18 =	vor.u32 v56, v26;
	_ =	sdelay $0x1  }
0x1c5: {  	v17 =	vmul.f32 $8.000000000e+00, v17  }
0x1c6: {  	s20 =	sor.u32 $0x40, s17  }
0x1c7: {  	v36 =	vld [tilespmem:$0x1FC90];
	[tilespmem:v16+s29+$0x0] =	vst.idx.msk $0xffff, v17;
	v16 =	vmov s20  }
0x1c8: {  	v19 =	vsel vm0, v35, v34;
	v17 =	vld.idx.msk [tilespmem:v18+s24+$0x0], $0xffff;
	v16 =	vshll.u32 v16, $0x7;
	v18 =	vsel vm0, v3, v2  }
0x1c9: {  	[tilespmem:$0x1FA80] =	vst v37;
	v37 =	vld [tilespmem:$0x1FCA0];
	v20 =	vor.u32 v45, v16;
	v57 =	vcombine.low v19, v18  }
0x1ca: {  	[tilespmem:$0x1FA90] =	vst v38;
	v38 =	vld [tilespmem:$0x1FCB0];
	v20 =	vor.u32 v27, v20  }
0x1cb: {  	[tilespmem:$0x1FAE0] =	vst v57;
	v21 =	vor.u32 v57, v26;
	v57 =	vld [tilespmem:$0x1FCC0];
	_ =	sdelay $0x1  }
0x1cc: {  	v17 =	vmul.f32 $8.000000000e+00, v17;
	_ =	sdelay $0x1  }
0x1cd: {  	v55 =	vld [tilespmem:$0x1FD00];
	[tilespmem:v20+s29+$0x0] =	vst.idx.msk $0xffff, v17  }
0x1ce: {  	v20 =	vsel vm0, v37, v36;
	v17 =	vld.idx.msk [tilespmem:v21+s24+$0x0], $0xffff;
	v21 =	vsel vm0, v57, v38  }
0x1cf: {  	[tilespmem:$0x1FAC0] =	vst v54;
	v54 =	vld [tilespmem:$0x1FCF0];
	v23 =	vor.u32 v44, v16;
	v58 =	vcombine.low v21, v20  }
0x1d0: {  	[tilespmem:$0x1FAD0] =	vst v56;
	v56 =	vld [tilespmem:$0x1FCE0];
	v23 =	vor.u32 v27, v23  }
0x1d1: {  	[tilespmem:$0x1FAF0] =	vst v58;
	v24 =	vor.u32 v58, v26;
	v58 =	vld [tilespmem:$0x1FCD0];
	_ =	sdelay $0x1  }
0x1d2: {  	v17 =	vmul.f32 $8.000000000e+00, v17;
	_ =	sdelay $0x1  }
0x1d3: {  	v0 =	vld [tilespmem:$0x1FD30];
	[tilespmem:v23+s29+$0x0] =	vst.idx.msk $0xffff, v17  }
0x1d4: {  	v17 =	vld.idx.msk [tilespmem:v24+s24+$0x0], $0xffff;
	v23 =	vsel vm0, v56, v58;
	v24 =	vsel vm0, v55, v54  }
0x1d5: {  	v30 =	vld [tilespmem:$0x1FD10];
	v25 =	vor.u32 v43, v16;
	v59 =	vcombine.low v24, v23  }
0x1d6: {  	v47 =	vmov v22;
	v22 =	vld [tilespmem:$0x1FD20];
	v25 =	vor.u32 v27, v25  }
0x1d7: {  	[tilespmem:$0x1FAA0] =	vst v49;
	v49 =	vld [tilespmem:$0x1FD40];
	v31 =	vor.u32 v59, v26;
	_ =	sdelay $0x1  }
0x1d8: {  	v17 =	vmul.f32 $8.000000000e+00, v17;
	_ =	sdelay $0x1  }
0x1d9: {  	[tilespmem:v25+s29+$0x0] =	vst.idx.msk $0xffff, v17  }
0x1da: {  	v25 =	vsel vm0, v22, v30;
	v17 =	vld.idx.msk [tilespmem:v31+s24+$0x0], $0xffff;
	v31 =	vsel vm0, v49, v0  }
0x1db: {  	v42 =	vmov v60;
	[tilespmem:$0x1FAB0] =	vst v50;
	v60 =	vor.u32 v60, v16;
	v50 =	vcombine.low v31, v25  }
0x1dc: {  	v32 =	vor.u32 v27, v60  }
0x1dd: {  	[tilespmem:$0x1FB00] =	vst v59;
	v59 =	vor.u32 v50, v26;
	_ =	sdelay $0x1  }
0x1de: {  	v17 =	vmul.f32 $8.000000000e+00, v17;
	_ =	sdelay $0x1  }
0x1df: {  	[tilespmem:v32+s29+$0x0] =	vst.idx.msk $0xffff, v17  }
0x1e0: {  	v33 =	vsel vm0, v2, v35;
	v32 =	vsel vm0, v34, v3;
	v17 =	vld.idx.msk [tilespmem:v59+s24+$0x0], $0xffff  }
0x1e1: {  	v60 =	vor.u32 v41, v16;
	[tilespmem:$0x1FB10] =	vst v50;
	v50 =	vcombine.low v33, v32  }
0x1e2: {  	v34 =	vor.u32 v27, v60  }
0x1e3: {  	v59 =	vor.u32 v50, v26;
	_ =	sdelay $0x1  }
0x1e4: {  	v17 =	vmul.f32 $8.000000000e+00, v17;
	_ =	sdelay $0x1  }
0x1e5: {  	[tilespmem:v34+s29+$0x0] =	vst.idx.msk $0xffff, v17  }
0x1e6: {  	v35 =	vsel vm0, v36, v57;
	v34 =	vsel vm0, v38, v37;
	v17 =	vld.idx.msk [tilespmem:v59+s24+$0x0], $0xffff  }
0x1e7: {  	v60 =	vor.u32 v40, v16;
	[tilespmem:$0x1FB20] =	vst v50;
	v50 =	vcombine.low v35, v34  }
0x1e8: {  	v36 =	vor.u32 v27, v60  }
0x1e9: {  	v57 =	vor.u32 v50, v26;
	_ =	sdelay $0x1  }
0x1ea: {  	v17 =	vmul.f32 $8.000000000e+00, v17;
	_ =	sdelay $0x1  }
0x1eb: {  	[tilespmem:v36+s29+$0x0] =	vst.idx.msk $0xffff, v17  }
0x1ec: {  	v37 =	vsel vm0, v58, v55;
	v36 =	vsel vm0, v54, v56;
	v17 =	vld.idx.msk [tilespmem:v57+s24+$0x0], $0xffff  }
0x1ed: {  	v58 =	vor.u32 v39, v16;
	v59 =	vcombine.low v37, v36  }
0x1ee: {  	v38 =	vor.u32 v27, v58  }
0x1ef: {  	v60 =	vor.u32 v59, v26;
	_ =	sdelay $0x1  }
0x1f0: {  	v17 =	vmul.f32 $8.000000000e+00, v17;
	_ =	sdelay $0x1  }
0x1f1: {  	[tilespmem:v38+s29+$0x0] =	vst.idx.msk $0xffff, v17  }
0x1f2: {  	[tilespmem:$0x1FA70] =	vst v1;
	v1 =	vsel vm0, v0, v22;
	v2 =	vsel vm0, v30, v49;
	v17 =	vld.idx.msk [tilespmem:v60+s24+$0x0], $0xffff  }
0x1f3: {  	v49 =	vor.u32 v11, v16;
	[tilespmem:$0x1FB30] =	vst v50;
	v50 =	vcombine.low v2, v1  }
0x1f4: {  	v54 =	vor.u32 v27, v49  }
0x1f5: {  	v55 =	vor.u32 v50, v26;
	_ =	sdelay $0x1  }
0x1f6: {  	v17 =	vmul.f32 $8.000000000e+00, v17;
	_ =	sdelay $0x1  }
0x1f7: {  	[tilespmem:v54+s29+$0x0] =	vst.idx.msk $0xffff, v17  }
0x1f8: {  	v17 =	vld.idx.msk [tilespmem:v55+s24+$0x0], $0xffff  }
0x1f9: {  	v56 =	vor.u32 v10, v16;
	v57 =	vcombine.low v18, v19  }
0x1fa: {  	v18 =	vor.u32 v27, v56  }
0x1fb: {  	v19 =	vor.u32 v57, v26;
	_ =	sdelay $0x1  }
0x1fc: {  	v17 =	vmul.f32 $8.000000000e+00, v17;
	_ =	sdelay $0x1  }
0x1fd: {  	[tilespmem:v18+s29+$0x0] =	vst.idx.msk $0xffff, v17  }
0x1fe: {  	v17 =	vld.idx.msk [tilespmem:v19+s24+$0x0], $0xffff  }
0x1ff: {  	v58 =	vcombine.low v20, v21;
	v18 =	vor.u32 v7, v16  }
0x200: {  	v18 =	vor.u32 v27, v18  }
0x201: {  	v19 =	vor.u32 v58, v26;
	_ =	sdelay $0x1  }
0x202: {  	v17 =	vmul.f32 $8.000000000e+00, v17;
	_ =	sdelay $0x1  }
0x203: {  	[tilespmem:v18+s29+$0x0] =	vst.idx.msk $0xffff, v17  }
0x204: {  	v17 =	vld.idx.msk [tilespmem:v19+s24+$0x0], $0xffff  }
0x205: {  	[tilespmem:$0x1FB40] =	vst v59;
	v59 =	vcombine.low v23, v24;
	v18 =	vor.u32 v15, v16  }
0x206: {  	v18 =	vor.u32 v27, v18  }
0x207: {  	v19 =	vor.u32 v59, v26;
	_ =	sdelay $0x1  }
0x208: {  	v17 =	vmul.f32 $8.000000000e+00, v17;
	_ =	sdelay $0x1  }
0x209: {  	[tilespmem:v18+s29+$0x0] =	vst.idx.msk $0xffff, v17  }
0x20a: {  	v17 =	vld.idx.msk [tilespmem:v19+s24+$0x0], $0xffff  }
0x20b: {  	v60 =	vcombine.low v25, v31;
	v18 =	vor.u32 v14, v16  }
0x20c: {  	v18 =	vor.u32 v27, v18  }
0x20d: {  	v19 =	vor.u32 v60, v26;
	_ =	sdelay $0x1  }
0x20e: {  	v17 =	vmul.f32 $8.000000000e+00, v17;
	_ =	sdelay $0x1  }
0x20f: {  	[tilespmem:v18+s29+$0x0] =	vst.idx.msk $0xffff, v17  }
0x210: {  	v17 =	vld.idx.msk [tilespmem:v19+s24+$0x0], $0xffff  }
0x211: {  	v33 =	vcombine.low v32, v33;
	v18 =	vor.u32 v13, v16  }
0x212: {  	v18 =	vor.u32 v27, v18  }
0x213: {  	v19 =	vor.u32 v33, v26;
	_ =	sdelay $0x1  }
0x214: {  	v17 =	vmul.f32 $8.000000000e+00, v17;
	_ =	sdelay $0x1  }
0x215: {  	[tilespmem:v18+s29+$0x0] =	vst.idx.msk $0xffff, v17  }
0x216: {  	v17 =	vld.idx.msk [tilespmem:v19+s24+$0x0], $0xffff  }
0x217: {  	v35 =	vcombine.low v34, v35;
	v18 =	vor.u32 v46, v16  }
0x218: {  	v18 =	vor.u32 v27, v18  }
0x219: {  	v19 =	vor.u32 v35, v26;
	_ =	sdelay $0x1  }
0x21a: {  	v17 =	vmul.f32 $8.000000000e+00, v17;
	_ =	sdelay $0x1  }
0x21b: {  	[tilespmem:v18+s29+$0x0] =	vst.idx.msk $0xffff, v17  }
0x21c: {  	v17 =	vld.idx.msk [tilespmem:v19+s24+$0x0], $0xffff  }
0x21d: {  	v38 =	vcombine.low v36, v37;
	v18 =	vor.u32 v8, v16  }
0x21e: {  	v18 =	vor.u32 v27, v18  }
0x21f: {  	v19 =	vor.u32 v38, v26;
	_ =	sdelay $0x1  }
0x220: {  	v17 =	vmul.f32 $8.000000000e+00, v17;
	_ =	sdelay $0x1  }
0x221: {  	v3 =	vld [tilespmem:$0x1FD70];
	[tilespmem:v18+s29+$0x0] =	vst.idx.msk $0xffff, v17  }
0x222: {  	v17 =	vld.idx.msk [tilespmem:v19+s24+$0x0], $0xffff  }
0x223: {  	v12 =	vmov v46;
	v2 =	vld [tilespmem:$0x1FD50];
	v46 =	vlaneseq.u32;
	v16 =	vor.u32 v4, v16  }
0x224: {  	v1 =	vld [tilespmem:$0x1FD60];
	v0 =	vor.u32 $0x30, v46;
	v16 =	vor.u32 v27, v16  }
0x225: {  	v55 =	vmov v29;
	v29 =	vld [tilespmem:$0x1FD80];
	v18 =	vor.u32 v0, v26;
	_ =	sdelay $0x1  }
0x226: {  	v17 =	vmul.f32 $8.000000000e+00, v17  }
0x227: {  	s17 =	sor.u32 $0x60, s17  }
0x228: {  	v30 =	vld [tilespmem:$0x1FD90];
	[tilespmem:v16+s29+$0x0] =	vst.idx.msk $0xffff, v17;
	v16 =	vmov s17  }
0x229: {  	v19 =	vsel vm0, v29, v3;
	v17 =	vld.idx.msk [tilespmem:v18+s24+$0x0], $0xffff;
	v22 =	vshll.u32 v16, $0x7;
	v18 =	vsel vm0, v1, v2  }
0x22a: {  	v32 =	vld [tilespmem:$0x1FDB0];
	v16 =	vor.u32 v45, v22;
	v49 =	vcombine.low v19, v18  }
0x22b: {  	v31 =	vld [tilespmem:$0x1FDA0];
	v16 =	vor.u32 v27, v16  }
0x22c: {  	[tilespmem:$0x1FBA0] =	vst v33;
	v33 =	vld [tilespmem:$0x1FDC0];
	v20 =	vor.u32 v49, v26;
	_ =	sdelay $0x1  }
0x22d: {  	v17 =	vmul.f32 $8.000000000e+00, v17;
	_ =	sdelay $0x1  }
0x22e: {  	v34 =	vmov v47;
	v47 =	vld [tilespmem:$0x1FDD0];
	[tilespmem:v16+s29+$0x0] =	vst.idx.msk $0xffff, v17  }
0x22f: {  	v21 =	vsel vm0, v33, v32;
	v16 =	vld.idx.msk [tilespmem:v20+s24+$0x0], $0xffff;
	v20 =	vsel vm0, v31, v30  }
0x230: {  	[tilespmem:$0x1FB50] =	vst v50;
	v54 =	vld [tilespmem:$0x1FDF0];
	v17 =	vor.u32 v44, v22;
	v50 =	vcombine.low v21, v20  }
0x231: {  	[tilespmem:$0x1FBB0] =	vst v35;
	v35 =	vld [tilespmem:$0x1FDE0];
	v17 =	vor.u32 v27, v17  }
0x232: {  	v46 =	vld [tilespmem:$0x1FE00];
	v23 =	vor.u32 v50, v26;
	_ =	sdelay $0x1  }
0x233: {  	v16 =	vmul.f32 $8.000000000e+00, v16;
	_ =	sdelay $0x1  }
0x234: {  	v9 =	vld [tilespmem:$0x1FE30];
	[tilespmem:v17+s29+$0x0] =	vst.idx.msk $0xffff, v16  }
0x235: {  	v24 =	vsel vm0, v46, v54;
	v16 =	vld.idx.msk [tilespmem:v23+s24+$0x0], $0xffff;
	v23 =	vsel vm0, v35, v47  }
0x236: {  	v36 =	vld [tilespmem:$0x1FE20];
	v17 =	vor.u32 v43, v22;
	v56 =	vcombine.low v24, v23  }
0x237: {  	[tilespmem:$0x1FB90] =	vst v60;
	v60 =	vld [tilespmem:$0x1FE40];
	v17 =	vor.u32 v27, v17  }
0x238: {  	[tilespmem:$0x1FBF0] =	vst v50;
	v50 =	vld [tilespmem:$0x1FE10];
	v25 =	vor.u32 v56, v26;
	_ =	sdelay $0x1  }
0x239: {  	v16 =	vmul.f32 $8.000000000e+00, v16;
	_ =	sdelay $0x1  }
0x23a: {  	[tilespmem:v17+s29+$0x0] =	vst.idx.msk $0xffff, v16  }
0x23b: {  	[tilespmem:$0x1FBD0] =	vst v0;
	v0 =	vsel vm0, v60, v9;
	v16 =	vld.idx.msk [tilespmem:v25+s24+$0x0], $0xffff;
	v25 =	vsel vm0, v36, v50  }
0x23c: {  	[tilespmem:$0x1FB80] =	vst v59;
	v17 =	vor.u32 v42, v22;
	v59 =	vcombine.low v0, v25  }
0x23d: {  	v17 =	vor.u32 v27, v17  }
0x23e: {  	[tilespmem:$0x1FB60] =	vst v57;
	v57 =	vor.u32 v59, v26;
	_ =	sdelay $0x1  }
0x23f: {  	v16 =	vmul.f32 $8.000000000e+00, v16;
	_ =	sdelay $0x1  }
0x240: {  	[tilespmem:v17+s29+$0x0] =	vst.idx.msk $0xffff, v16  }
0x241: {  	v1 =	vsel vm0, v3, v1;
	v2 =	vsel vm0, v2, v29;
	v16 =	vld.idx.msk [tilespmem:v57+s24+$0x0], $0xffff  }
0x242: {  	v37 =	vcombine.low v2, v1;
	v17 =	vor.u32 v41, v22  }
0x243: {  	v17 =	vor.u32 v27, v17  }
0x244: {  	[tilespmem:$0x1FB70] =	vst v58;
	v58 =	vor.u32 v37, v26;
	_ =	sdelay $0x1  }
0x245: {  	v16 =	vmul.f32 $8.000000000e+00, v16;
	_ =	sdelay $0x1  }
0x246: {  	[tilespmem:v17+s29+$0x0] =	vst.idx.msk $0xffff, v16  }
0x247: {  	v3 =	vsel vm0, v32, v31;
	v29 =	vmov v4;
	v4 =	vsel vm0, v30, v33;
	v16 =	vld.idx.msk [tilespmem:v58+s24+$0x0], $0xffff  }
0x248: {  	[tilespmem:$0x1FBC0] =	vst v38;
	v38 =	vcombine.low v4, v3;
	v17 =	vor.u32 v40, v22  }
0x249: {  	v17 =	vor.u32 v27, v17  }
0x24a: {  	v58 =	vmov v5;
	v5 =	vor.u32 v38, v26;
	_ =	sdelay $0x1  }
0x24b: {  	v16 =	vmul.f32 $8.000000000e+00, v16  }
0x24c: {  	[tilespmem:$0x1FC00] =	vst v56  }
0x24d: {  	[tilespmem:v17+s29+$0x0] =	vst.idx.msk $0xffff, v16  }
0x24e: {  	v56 =	vmovc v28;
	v28 =	vsel vm0, v47, v46;
	v57 =	vmov v6;
	v6 =	vsel vm0, v54, v35;
	v5 =	vld.idx.msk [tilespmem:v5+s24+$0x0], $0xffff  }
0x24f: {  	v17 =	vor.u32 v39, v22;
	v16 =	vcombine.low v28, v6  }
0x250: {  	v17 =	vor.u32 v27, v17  }
0x251: {  	v30 =	vmov v8;
	v8 =	vor.u32 v16, v26;
	_ =	sdelay $0x1  }
0x252: {  	v5 =	vmul.f32 $8.000000000e+00, v5;
	_ =	sdelay $0x1  }
0x253: {  	[tilespmem:v17+s29+$0x0] =	vst.idx.msk $0xffff, v5  }
0x254: {  	v17 =	vsel vm0, v50, v60;
	v5 =	vld.idx.msk [tilespmem:v8+s24+$0x0], $0xffff;
	v8 =	vsel vm0, v9, v36  }
0x255: {  	v9 =	vor.u32 v11, v22;
	v17 =	vcombine.low v17, v8  }
0x256: {  	v8 =	vor.u32 v27, v9  }
0x257: {  	v9 =	vor.u32 v17, v26;
	_ =	sdelay $0x1  }
0x258: {  	v5 =	vmul.f32 $8.000000000e+00, v5;
	_ =	sdelay $0x1  }
0x259: {  	[tilespmem:v8+s29+$0x0] =	vst.idx.msk $0xffff, v5  }
0x25a: {  	v5 =	vld.idx.msk [tilespmem:v9+s24+$0x0], $0xffff  }
0x25b: {  	v18 =	vcombine.low v18, v19;
	v8 =	vor.u32 v10, v22  }
0x25c: {  	v8 =	vor.u32 v27, v8  }
0x25d: {  	v9 =	vor.u32 v18, v26;
	_ =	sdelay $0x1  }
0x25e: {  	v5 =	vmul.f32 $8.000000000e+00, v5;
	_ =	sdelay $0x1  }
0x25f: {  	[tilespmem:v8+s29+$0x0] =	vst.idx.msk $0xffff, v5  }
0x260: {  	v5 =	vld.idx.msk [tilespmem:v9+s24+$0x0], $0xffff  }
0x261: {  	v19 =	vcombine.low v20, v21;
	v8 =	vor.u32 v7, v22  }
0x262: {  	v8 =	vor.u32 v27, v8  }
0x263: {  	v9 =	vor.u32 v19, v26;
	_ =	sdelay $0x1  }
0x264: {  	v5 =	vmul.f32 $8.000000000e+00, v5;
	_ =	sdelay $0x1  }
0x265: {  	[tilespmem:v8+s29+$0x0] =	vst.idx.msk $0xffff, v5  }
0x266: {  	v5 =	vld.idx.msk [tilespmem:v9+s24+$0x0], $0xffff  }
0x267: {  	v20 =	vcombine.low v23, v24;
	v8 =	vor.u32 v15, v22  }
0x268: {  	v8 =	vor.u32 v27, v8  }
0x269: {  	v9 =	vor.u32 v20, v26;
	_ =	sdelay $0x1  }
0x26a: {  	v5 =	vmul.f32 $8.000000000e+00, v5;
	_ =	sdelay $0x1  }
0x26b: {  	[tilespmem:v8+s29+$0x0] =	vst.idx.msk $0xffff, v5  }
0x26c: {  	v5 =	vld.idx.msk [tilespmem:v9+s24+$0x0], $0xffff  }
0x26d: {  	v21 =	vcombine.low v25, v0;
	v8 =	vor.u32 v14, v22  }
0x26e: {  	v36 =	vor.u32 v27, v8  }
0x26f: {  	v8 =	vor.u32 v21, v26;
	_ =	sdelay $0x1  }
0x270: {  	v5 =	vmul.f32 $8.000000000e+00, v5;
	_ =	sdelay $0x1  }
0x271: {  	[tilespmem:v36+s29+$0x0] =	vst.idx.msk $0xffff, v5  }
0x272: {  	v0 =	vld.idx.msk [tilespmem:v8+s24+$0x0], $0xffff  }
0x273: {  	v23 =	vcombine.low v1, v2;
	v5 =	vor.u32 v13, v22  }
0x274: {  	v8 =	vmov v39;
	v39 =	vor.u32 v27, v5  }
0x275: {  	v2 =	vor.u32 v23, v26;
	_ =	sdelay $0x1  }
0x276: {  	v0 =	vmul.f32 $8.000000000e+00, v0;
	_ =	sdelay $0x1  }
0x277: {  	[tilespmem:v39+s29+$0x0] =	vst.idx.msk $0xffff, v0  }
0x278: {  	v35 =	vmov v14;
	v14 =	vmov v12;
	v0 =	vld.idx.msk [tilespmem:v2+s24+$0x0], $0xffff  }
0x279: {  	v24 =	vcombine.low v3, v4;
	v40 =	vor.u32 v14, v22  }
0x27a: {  	v1 =	vor.u32 v27, v40  }
0x27b: {  	v36 =	vmov v41;
	v41 =	vor.u32 v24, v26;
	_ =	sdelay $0x1  }
0x27c: {  	v0 =	vmul.f32 $8.000000000e+00, v0;
	_ =	sdelay $0x1  }
0x27d: {  	[tilespmem:v1+s29+$0x0] =	vst.idx.msk $0xffff, v0  }
0x27e: {  	v5 =	vmov v30;
	v0 =	vld.idx.msk [tilespmem:v41+s24+$0x0], $0xffff  }
0x27f: {  	v25 =	vcombine.low v6, v28;
	v60 =	vmov v42;
	v42 =	vor.u32 v5, v22  }
0x280: {  	v1 =	vor.u32 v27, v42  }
0x281: {  	v54 =	vmov v48;
	v48 =	vor.u32 v25, v26;
	_ =	sdelay $0x1  }
0x282: {  	v32 =	vld [tilespmem:$0x1FFB0];
	v0 =	vmul.f32 $8.000000000e+00, v0  }
0x283: {  	v33 =	vld [tilespmem:$0x1FF00];
	[tilespmem:$0x1FBE0] =	vst v49  }
0x284: {  	v49 =	vld [tilespmem:$0x1FFF0];
	[tilespmem:v1+s29+$0x0] =	vst.idx.msk $0xffff, v0  }
0x285: {  	v4 =	vmov v29;
	v0 =	vld.idx.msk [tilespmem:v48+s24+$0x0], $0xffff  }
0x286: {  	v29 =	vld [tilespmem:$0x1FEE0];
	v50 =	vor.u32 v4, v22  }
0x287: {  	p0 =	sne.s32 s15, $0xF;
	v47 =	vld [tilespmem:$0x1FFC0];
	v1 =	vor.u32 v27, v50  }
.Ltmp0:
0x288: {  	v31 =	vmov v52;
	v52 =	vmov v56;
	v56 =	vmov v63;
	v63 =	vld [tilespmem:$0x1FFE0];
	(pc) =	sbr.rel @p0 .LBB2_3-.Ltmp0, $4  }
0x289: {  	v12 =	vld [tilespmem:$0x1FFA0]  }
0x28a: {  	v9 =	vld [tilespmem:$0x1FFD0];
	v0 =	vmul.f32 $8.000000000e+00, v0  }
0x28b: {  	v6 =	vmov v7;
	v30 =	vld [tilespmem:$0x1FEF0]  }
0x28c: {  	s14 =	sadd.s32 $0x10, s14;
	s15 =	sadd.s32 $0x1, s15;
	v15 =	vmovc v55;
	v55 =	vmovc v62;
	v46 =	vmov v14;
	v22 =	vmov v34;
	v34 =	vld [tilespmem:$0x1FF10];
	v27 =	vlaneseq.u32;
	[tilespmem:v1+s29+$0x0] =	vst.idx.msk $0xffff, v0  }
0x28d: {  	s14 =	sshll.u32 s13, $0x11;
	s15 =	rddreg [dreg:$0x4]  }
0x28e: {  	s15 =	sor.u32 s15, s14  }
0x28f: {  	s18 =	rddreg [dreg:$0x7];
	s14 =	sshll.u32 s13, $0x14;
	s17 =	sadd.s32 s3, s15  }
0x290: {  	[hbm4b:s17+s4] =	stream.linear.scatter [tilespmem:s29], [sflag:$0x3], $0x400, $0x38;
	[tilespmem:$0x14200] =	vst v63  }
0x291: {  	s17 =	sor.u32 s18, s14  }
0x292: {  	s17 =	sshrl.u32 s17, $0x3  }
0x293: {  	s18 =	rddreg [dreg:$0x8];
	s17 =	sadd.s32 s3, s17  }
0x294: {  	[hbm4b:s17+s4] =	stream.linear.scatter [tilespmem:s30], [sflag:$0x3], $0x400, $0x38;
	[tilespmem:$0x14200] =	vst v63  }
0x295: {  	s18 =	sadd.s32 s15, s18  }
0x296: {  	[hbm4b:s18+s4] =	stream.linear.scatter [tilespmem:s31], [sflag:$0x3], $0x400, $0x38;
	[tilespmem:$0x14200] =	vst v63  }
0x297: {  	s20 =	sadd.s32 $0x4000, s17  }
0x298: {  	[hbm4b:s20+s4] =	stream.linear.scatter [tilespmem:s2], [sflag:$0x3], $0x400, $0x38;
	[tilespmem:$0x14200] =	vst v63  }
0x299: {  	s20 =	rddreg [dreg:$0x9]  }
0x29a: {  	s18 =	sadd.s32 s15, s20  }
0x29b: {  	[hbm4b:s18+s4] =	stream.linear.scatter [tilespmem:s5], [sflag:$0x3], $0x400, $0x38;
	[tilespmem:$0x14200] =	vst v63  }
0x29c: {  	s20 =	sadd.s32 $0x8000, s17  }
0x29d: {  	[hbm4b:s20+s4] =	stream.linear.scatter [tilespmem:s7], [sflag:$0x3], $0x400, $0x38;
	[tilespmem:$0x14200] =	vst v63  }
0x29e: {  	s20 =	rddreg [dreg:$0xa]  }
0x29f: {  	s18 =	sadd.s32 s15, s20  }
0x2a0: {  	[hbm4b:s18+s4] =	stream.linear.scatter [tilespmem:s16], [sflag:$0x3], $0x400, $0x38;
	[tilespmem:$0x14200] =	vst v63  }
0x2a1: {  	s20 =	sadd.s32 $0xC000, s17  }
0x2a2: {  	[hbm4b:s20+s4] =	stream.linear.scatter [tilespmem:s21], [sflag:$0x3], $0x400, $0x38;
	[tilespmem:$0x14200] =	vst v63  }
0x2a3: {  	s20 =	rddreg [dreg:$0xb]  }
0x2a4: {  	s18 =	sadd.s32 s15, s20  }
0x2a5: {  	[hbm4b:s18+s4] =	stream.linear.scatter [tilespmem:s22], [sflag:$0x3], $0x400, $0x38;
	[tilespmem:$0x14200] =	vst v63  }
0x2a6: {  	s20 =	sadd.s32 $0x10000, s17  }
0x2a7: {  	[hbm4b:s20+s4] =	stream.linear.scatter [tilespmem:s0], [sflag:$0x3], $0x400, $0x38;
	[tilespmem:$0x14200] =	vst v63  }
0x2a8: {  	s20 =	rddreg [dreg:$0xc]  }
0x2a9: {  	s18 =	sadd.s32 s15, s20  }
0x2aa: {  	[hbm4b:s18+s4] =	stream.linear.scatter [tilespmem:s23], [sflag:$0x3], $0x400, $0x38;
	[tilespmem:$0x14200] =	vst v63  }
0x2ab: {  	s20 =	sadd.s32 $0x14000, s17  }
0x2ac: {  	[hbm4b:s20+s4] =	stream.linear.scatter [tilespmem:s1], [sflag:$0x3], $0x400, $0x38;
	[tilespmem:$0x14200] =	vst v63  }
0x2ad: {  	s20 =	rddreg [dreg:$0xe]  }
0x2ae: {  	s18 =	sadd.s32 s15, s20  }
0x2af: {  	[hbm4b:s18+s4] =	stream.linear.scatter [tilespmem:s6], [sflag:$0x3], $0x400, $0x38;
	[tilespmem:$0x14200] =	vst v63  }
0x2b0: {  	s20 =	sadd.s32 $0x18000, s17  }
0x2b1: {  	[hbm4b:s20+s4] =	stream.linear.scatter [tilespmem:s9], [sflag:$0x3], $0x400, $0x38;
	[tilespmem:$0x14200] =	vst v63  }
0x2b2: {  	s20 =	rddreg [dreg:$0xf]  }
0x2b3: {  	p0 =	sne.s32 s13, $0x31;
	s15 =	sadd.s32 s15, s20  }
0x2b4: {  	[hbm4b:s15+s4] =	stream.linear.scatter [tilespmem:s8], [sflag:$0x3], $0x400, $0x38;
	[tilespmem:$0x14200] =	vst v63  }
0x2b5: {  	s20 =	sadd.s32 $0x1C000, s17;
	s15 =	simm.s32 @p0 $0x4  }
0x2b6: {  	[hbm4b:s20+s4] =	stream.linear.scatter [tilespmem:s11], [sflag:$0x3], $0x400, $0x38;
	[tilespmem:$0x14200] =	vst v63  }
0x2b7: {  	_ =	swait.ge @p0 [sflag:s15], $0x100  }
0x2b8: {  	s18 =	simm.s32 @p0 $0x200;
	[sflag:s15] =	ssyncset.done @p0 $0x0  }
0x2b9: {  	s17 =	simm.s32 @p0 $0x0;
	[sflag:s15] =	ssyncadd.s32 @p0 $0xFFFFFF00;
	s15 =	simm.s32 @p0 $0x100  }
0x2ba: {  	[tilespmem:s18], [sflag:$0x1] =	stream.indirect.gather @p0 [hbm4b:s19+s15], $0x80, s17, s15, $0xb8;
	[tilespmem:$0x14200] =	vst v63  }
0x2bb: {  	s18 =	simm.s32 @p0 $0x2  }
0x2bc: {  	s20 =	smov.u32 s19;
	s19 =	sshll.u32 @p0 s13, $0xE;
	_ =	swait.ge @p0 [sflag:s18], $0x8000  }
0x2bd: {  	s19 =	sadd.s32 @p0 s10, s19;
	[sflag:s18] =	ssyncset.done @p0 $0x0  }
0x2be: {  	s19 =	sshrl.u32 @p0 s19, $0x3;
	[sflag:s18] =	ssyncadd.s32 @p0 $0xFFFF8000;
	s18 =	rddreg [dreg:$0x6]  }
0x2bf: {  	s18 =	sadd.s32 @p0 s19, s18  }
0x2c0: {  	[tilespmem:s15], [sflag:$0x5] =	stream.linear.gather @p0 [hbm4b:s18+s17], $0x100, $0x38;
	[tilespmem:$0x14200] =	vst v63  }
0x2c1: {  	s15 =	simm.s32 @!p0 $0x2  }
0x2c2: {  	_ =	swait.ge @!p0 [sflag:s15], $0x8000  }
0x2c3: {  	[sflag:s15] =	ssyncset.done @!p0 $0x0  }
0x2c4: {  	[sflag:s15] =	ssyncadd.s32 @!p0 $0xFFFF8000  }
0x2c5: {  	_ =	swait.ge [sflag:s12], $0x400  }
0x2c6: {  	[sflag:s12] =	ssyncset.done $0x0  }
0x2c7: {  	[sflag:s12] =	ssyncadd.s32 $0xFFFFFC00  }
0x2c8: {  	_ =	swait.ge [sflag:s12], $0x400  }
0x2c9: {  	[sflag:s12] =	ssyncset.done $0x0  }
0x2ca: {  	[sflag:s12] =	ssyncadd.s32 $0xFFFFFC00  }
0x2cb: {  	_ =	swait.ge [sflag:s12], $0x400  }
0x2cc: {  	[sflag:s12] =	ssyncset.done $0x0  }
0x2cd: {  	[sflag:s12] =	ssyncadd.s32 $0xFFFFFC00  }
0x2ce: {  	_ =	swait.ge [sflag:s12], $0x400  }
0x2cf: {  	[sflag:s12] =	ssyncset.done $0x0  }
0x2d0: {  	[sflag:s12] =	ssyncadd.s32 $0xFFFFFC00  }
0x2d1: {  	_ =	swait.ge [sflag:s12], $0x400  }
0x2d2: {  	[sflag:s12] =	ssyncset.done $0x0  }
0x2d3: {  	[sflag:s12] =	ssyncadd.s32 $0xFFFFFC00  }
0x2d4: {  	_ =	swait.ge [sflag:s12], $0x400  }
0x2d5: {  	[sflag:s12] =	ssyncset.done $0x0  }
0x2d6: {  	[sflag:s12] =	ssyncadd.s32 $0xFFFFFC00  }
0x2d7: {  	_ =	swait.ge [sflag:s12], $0x400  }
0x2d8: {  	[sflag:s12] =	ssyncset.done $0x0  }
0x2d9: {  	[sflag:s12] =	ssyncadd.s32 $0xFFFFFC00  }
0x2da: {  	_ =	swait.ge [sflag:s12], $0x400  }
0x2db: {  	[sflag:s12] =	ssyncset.done $0x0  }
0x2dc: {  	[sflag:s12] =	ssyncadd.s32 $0xFFFFFC00  }
0x2dd: {  	_ =	swait.ge [sflag:s12], $0x400  }
0x2de: {  	[sflag:s12] =	ssyncset.done $0x0  }
0x2df: {  	[sflag:s12] =	ssyncadd.s32 $0xFFFFFC00  }
0x2e0: {  	_ =	swait.ge [sflag:s12], $0x400  }
0x2e1: {  	[sflag:s12] =	ssyncset.done $0x0  }
0x2e2: {  	[sflag:s12] =	ssyncadd.s32 $0xFFFFFC00  }
0x2e3: {  	_ =	swait.ge [sflag:s12], $0x400  }
0x2e4: {  	[sflag:s12] =	ssyncset.done $0x0  }
0x2e5: {  	[sflag:s12] =	ssyncadd.s32 $0xFFFFFC00  }
0x2e6: {  	_ =	swait.ge [sflag:s12], $0x400  }
0x2e7: {  	[sflag:s12] =	ssyncset.done $0x0  }
0x2e8: {  	[sflag:s12] =	ssyncadd.s32 $0xFFFFFC00  }
0x2e9: {  	_ =	swait.ge [sflag:s12], $0x400  }
0x2ea: {  	[sflag:s12] =	ssyncset.done $0x0  }
0x2eb: {  	[sflag:s12] =	ssyncadd.s32 $0xFFFFFC00  }
0x2ec: {  	_ =	swait.ge [sflag:s12], $0x400  }
0x2ed: {  	[sflag:s12] =	ssyncset.done $0x0  }
0x2ee: {  	[sflag:s12] =	ssyncadd.s32 $0xFFFFFC00  }
0x2ef: {  	_ =	swait.ge [sflag:s12], $0x400  }
0x2f0: {  	[sflag:s12] =	ssyncset.done $0x0  }
0x2f1: {  	[sflag:s12] =	ssyncadd.s32 $0xFFFFFC00  }
0x2f2: {  	_ =	swait.ge [sflag:s12], $0x400  }
0x2f3: {  	[sflag:s12] =	ssyncset.done $0x0  }
0x2f4: {  	s17 =	simm.s32 $0x0;
	s15 =	simm.s32 $0x0;
	[sflag:s12] =	ssyncadd.s32 $0xFFFFFC00  }
.LBB2_5:
0x2f5: {  	v1 =	vld [tilespmem:$0x1FF60];
	_ =	sdelay $0x2  }
0x2f6: {  	v0 =	vmov s15  }
0x2f7: {  	v0 =	vshll.u32 v0, $0x7  }
0x2f8: {  	v26 =	vor.u32 v1, v0  }
0x2f9: {  	v0 =	vor.u32 v27, v26;
	_ =	sdelay $0x2  }
0x2fa: {  	s18 =	sand.u32 $0x8, s17  }
0x2fb: {  	v48 =	vmov s18  }
0x2fc: {  	s19 =	sand.u32 $0x70, s15;
	v2 =	vlaneseq.u32;
	v1 =	vshll.u32 v48, $0x7;
	v0 =	vld.idx.msk [tilespmem:v0+s26+$0x0], $0xffff  }
0x2fd: {  	v27 =	vor.u32 s19, v2;
	v50 =	vor.u32 v45, v1  }
0x2fe: {  	v2 =	vor.u32 v27, v50  }
0x2ff: {  	v3 =	vor.u32 v12, v26;
	_ =	sdelay $0x1  }
0x300: {  	v0 =	vmul.f32 $8.000000000e+00, v0;
	_ =	sdelay $0x1  }
0x301: {  	[tilespmem:v2+s29+$0x0] =	vst.idx.msk $0xffff, v0  }
0x302: {  	v0 =	vld.idx.msk [tilespmem:v3+s26+$0x0], $0xffff  }
0x303: {  	v3 =	vld [tilespmem:$0x1FC50];
	_ =	sdelay $0x2  }
0x304: {  	v62 =	vor.u32 v44, v1  }
0x305: {  	v2 =	vor.u32 v27, v62  }
0x306: {  	v3 =	vor.u32 v3, v26;
	_ =	sdelay $0x1  }
0x307: {  	v0 =	vmul.f32 $8.000000000e+00, v0;
	_ =	sdelay $0x1  }
0x308: {  	[tilespmem:v2+s29+$0x0] =	vst.idx.msk $0xffff, v0  }
0x309: {  	v0 =	vld.idx.msk [tilespmem:v3+s26+$0x0], $0xffff  }
0x30a: {  	v39 =	vor.u32 v43, v1  }
0x30b: {  	v2 =	vor.u32 v27, v39  }
0x30c: {  	v3 =	vor.u32 v63, v26;
	_ =	sdelay $0x1  }
0x30d: {  	v0 =	vmul.f32 $8.000000000e+00, v0;
	_ =	sdelay $0x1  }
0x30e: {  	[tilespmem:v2+s29+$0x0] =	vst.idx.msk $0xffff, v0  }
0x30f: {  	v0 =	vld.idx.msk [tilespmem:v3+s26+$0x0], $0xffff  }
0x310: {  	v40 =	vor.u32 v60, v1  }
0x311: {  	v2 =	vor.u32 v27, v40  }
0x312: {  	v3 =	vor.u32 v47, v26;
	_ =	sdelay $0x1  }
0x313: {  	v0 =	vmul.f32 $8.000000000e+00, v0;
	_ =	sdelay $0x1  }
0x314: {  	[tilespmem:v2+s29+$0x0] =	vst.idx.msk $0xffff, v0  }
0x315: {  	v0 =	vld.idx.msk [tilespmem:v3+s26+$0x0], $0xffff  }
0x316: {  	v41 =	vor.u32 v36, v1  }
0x317: {  	v2 =	vor.u32 v27, v41  }
0x318: {  	v3 =	vor.u32 v32, v26  }
0x319: {  	v62 =	vld [tilespmem:$0x1FC40]  }
0x31a: {  	v0 =	vmul.f32 $8.000000000e+00, v0;
	_ =	sdelay $0x1  }
0x31b: {  	[tilespmem:v2+s29+$0x0] =	vst.idx.msk $0xffff, v0  }
0x31c: {  	v0 =	vld.idx.msk [tilespmem:v3+s26+$0x0], $0xffff  }
0x31d: {  	v42 =	vor.u32 v62, v1  }
0x31e: {  	v2 =	vor.u32 v27, v42  }
0x31f: {  	v3 =	vor.u32 v51, v26;
	_ =	sdelay $0x1  }
0x320: {  	v0 =	vmul.f32 $8.000000000e+00, v0;
	_ =	sdelay $0x1  }
0x321: {  	[tilespmem:v2+s29+$0x0] =	vst.idx.msk $0xffff, v0  }
0x322: {  	v0 =	vld.idx.msk [tilespmem:v3+s26+$0x0], $0xffff  }
0x323: {  	v48 =	vor.u32 v8, v1  }
0x324: {  	v2 =	vor.u32 v27, v48  }
0x325: {  	v3 =	vor.u32 v9, v26;
	_ =	sdelay $0x1  }
0x326: {  	v0 =	vmul.f32 $8.000000000e+00, v0;
	_ =	sdelay $0x1  }
0x327: {  	[tilespmem:v2+s29+$0x0] =	vst.idx.msk $0xffff, v0  }
0x328: {  	v0 =	vld.idx.msk [tilespmem:v3+s26+$0x0], $0xffff  }
0x329: {  	v50 =	vor.u32 v11, v1  }
0x32a: {  	v2 =	vor.u32 v27, v50  }
0x32b: {  	v3 =	vor.u32 v49, v26;
	_ =	sdelay $0x1  }
0x32c: {  	v0 =	vmul.f32 $8.000000000e+00, v0;
	_ =	sdelay $0x1  }
0x32d: {  	[tilespmem:v2+s29+$0x0] =	vst.idx.msk $0xffff, v0  }
0x32e: {  	v0 =	vld.idx.msk [tilespmem:v3+s26+$0x0], $0xffff  }
0x32f: {  	v39 =	vor.u32 v10, v1  }
0x330: {  	v2 =	vor.u32 v27, v39  }
0x331: {  	v3 =	vor.u32 v54, v26;
	_ =	sdelay $0x1  }
0x332: {  	v0 =	vmul.f32 $8.000000000e+00, v0;
	_ =	sdelay $0x1  }
0x333: {  	[tilespmem:v2+s29+$0x0] =	vst.idx.msk $0xffff, v0  }
0x334: {  	v0 =	vld.idx.msk [tilespmem:v3+s26+$0x0], $0xffff  }
0x335: {  	v40 =	vor.u32 v6, v1  }
0x336: {  	v2 =	vor.u32 v27, v40  }
0x337: {  	v3 =	vor.u32 v15, v26  }
0x338: {  	v5 =	vld [tilespmem:$0x1FC30]  }
0x339: {  	v0 =	vmul.f32 $8.000000000e+00, v0;
	_ =	sdelay $0x1  }
0x33a: {  	[tilespmem:v2+s29+$0x0] =	vst.idx.msk $0xffff, v0  }
0x33b: {  	v0 =	vld.idx.msk [tilespmem:v3+s26+$0x0], $0xffff  }
0x33c: {  	v41 =	vor.u32 v5, v1  }
0x33d: {  	v2 =	vor.u32 v27, v41  }
0x33e: {  	v3 =	vor.u32 v52, v26;
	_ =	sdelay $0x1  }
0x33f: {  	v0 =	vmul.f32 $8.000000000e+00, v0;
	_ =	sdelay $0x1  }
0x340: {  	[tilespmem:v2+s29+$0x0] =	vst.idx.msk $0xffff, v0  }
0x341: {  	v0 =	vld.idx.msk [tilespmem:v3+s26+$0x0], $0xffff  }
0x342: {  	v42 =	vor.u32 v35, v1  }
0x343: {  	v2 =	vor.u32 v27, v42  }
0x344: {  	v3 =	vor.u32 v57, v26  }
0x345: {  	v28 =	vld [tilespmem:$0x1FC20]  }
0x346: {  	v0 =	vmul.f32 $8.000000000e+00, v0;
	_ =	sdelay $0x1  }
0x347: {  	[tilespmem:v2+s29+$0x0] =	vst.idx.msk $0xffff, v0  }
0x348: {  	v0 =	vld.idx.msk [tilespmem:v3+s26+$0x0], $0xffff  }
0x349: {  	v48 =	vor.u32 v28, v1  }
0x34a: {  	v2 =	vor.u32 v27, v48  }
0x34b: {  	v3 =	vor.u32 v58, v26;
	_ =	sdelay $0x1  }
0x34c: {  	v0 =	vmul.f32 $8.000000000e+00, v0;
	_ =	sdelay $0x1  }
0x34d: {  	[tilespmem:v2+s29+$0x0] =	vst.idx.msk $0xffff, v0  }
0x34e: {  	v0 =	vld.idx.msk [tilespmem:v3+s26+$0x0], $0xffff  }
0x34f: {  	v50 =	vor.u32 v46, v1  }
0x350: {  	v2 =	vor.u32 v27, v50  }
0x351: {  	v3 =	vor.u32 v31, v26  }
0x352: {  	v42 =	vld [tilespmem:$0x1FC10]  }
0x353: {  	v0 =	vmul.f32 $8.000000000e+00, v0;
	_ =	sdelay $0x1  }
0x354: {  	[tilespmem:v2+s29+$0x0] =	vst.idx.msk $0xffff, v0  }
0x355: {  	v0 =	vld.idx.msk [tilespmem:v3+s26+$0x0], $0xffff  }
0x356: {  	v39 =	vor.u32 v42, v1  }
0x357: {  	v2 =	vor.u32 v27, v39  }
0x358: {  	v3 =	vor.u32 v53, v26;
	_ =	sdelay $0x1  }
0x359: {  	v0 =	vmul.f32 $8.000000000e+00, v0  }
0x35a: {  	v40 =	vld [tilespmem:$0x1FE70]  }
0x35b: {  	[tilespmem:v2+s29+$0x0] =	vst.idx.msk $0xffff, v0  }
0x35c: {  	v0 =	vld.idx.msk [tilespmem:v3+s26+$0x0], $0xffff  }
0x35d: {  	v1 =	vor.u32 v4, v1  }
0x35e: {  	v1 =	vor.u32 v27, v1  }
0x35f: {  	v2 =	vor.u32 v40, v26;
	_ =	sdelay $0x1  }
0x360: {  	v0 =	vmul.f32 $8.000000000e+00, v0  }
0x361: {  	s19 =	sor.u32 $0x20, s18;
	v3 =	vld [tilespmem:$0x1FEA0]  }
0x362: {  	v41 =	vmov s19;
	[tilespmem:v1+s29+$0x0] =	vst.idx.msk $0xffff, v0  }
0x363: {  	v0 =	vshll.u32 v41, $0x7;
	v1 =	vld.idx.msk [tilespmem:v2+s26+$0x0], $0xffff  }
0x364: {  	v48 =	vor.u32 v45, v0  }
0x365: {  	v2 =	vor.u32 v27, v48  }
0x366: {  	v3 =	vor.u32 v3, v26;
	_ =	sdelay $0x1  }
0x367: {  	v1 =	vmul.f32 $8.000000000e+00, v1;
	_ =	sdelay $0x1  }
0x368: {  	[tilespmem:v2+s29+$0x0] =	vst.idx.msk $0xffff, v1  }
0x369: {  	v1 =	vld.idx.msk [tilespmem:v3+s26+$0x0], $0xffff  }
0x36a: {  	v3 =	vld [tilespmem:$0x1FED0];
	_ =	sdelay $0x2  }
0x36b: {  	v50 =	vor.u32 v44, v0  }
0x36c: {  	v2 =	vor.u32 v27, v50  }
0x36d: {  	v3 =	vor.u32 v3, v26;
	_ =	sdelay $0x1  }
0x36e: {  	v1 =	vmul.f32 $8.000000000e+00, v1;
	_ =	sdelay $0x1  }
0x36f: {  	[tilespmem:v2+s29+$0x0] =	vst.idx.msk $0xffff, v1  }
0x370: {  	v1 =	vld.idx.msk [tilespmem:v3+s26+$0x0], $0xffff  }
0x371: {  	v3 =	vld [tilespmem:$0x1FA00];
	_ =	sdelay $0x2  }
0x372: {  	v39 =	vor.u32 v43, v0  }
0x373: {  	v2 =	vor.u32 v27, v39  }
0x374: {  	v3 =	vor.u32 v3, v26;
	_ =	sdelay $0x1  }
0x375: {  	v1 =	vmul.f32 $8.000000000e+00, v1;
	_ =	sdelay $0x1  }
0x376: {  	[tilespmem:v2+s29+$0x0] =	vst.idx.msk $0xffff, v1  }
0x377: {  	v1 =	vld.idx.msk [tilespmem:v3+s26+$0x0], $0xffff  }
0x378: {  	v3 =	vld [tilespmem:$0x1FA10];
	_ =	sdelay $0x2  }
0x379: {  	v40 =	vor.u32 v60, v0  }
0x37a: {  	v2 =	vor.u32 v27, v40  }
0x37b: {  	v3 =	vor.u32 v3, v26;
	_ =	sdelay $0x1  }
0x37c: {  	v1 =	vmul.f32 $8.000000000e+00, v1;
	_ =	sdelay $0x1  }
0x37d: {  	[tilespmem:v2+s29+$0x0] =	vst.idx.msk $0xffff, v1  }
0x37e: {  	v1 =	vld.idx.msk [tilespmem:v3+s26+$0x0], $0xffff  }
0x37f: {  	v3 =	vld [tilespmem:$0x1FA20];
	_ =	sdelay $0x2  }
0x380: {  	v41 =	vor.u32 v36, v0  }
0x381: {  	v2 =	vor.u32 v27, v41  }
0x382: {  	v3 =	vor.u32 v3, v26;
	_ =	sdelay $0x1  }
0x383: {  	v1 =	vmul.f32 $8.000000000e+00, v1;
	_ =	sdelay $0x1  }
0x384: {  	[tilespmem:v2+s29+$0x0] =	vst.idx.msk $0xffff, v1  }
0x385: {  	v1 =	vld.idx.msk [tilespmem:v3+s26+$0x0], $0xffff  }
0x386: {  	v3 =	vld [tilespmem:$0x1FA30];
	_ =	sdelay $0x2  }
0x387: {  	v48 =	vor.u32 v62, v0  }
0x388: {  	v2 =	vor.u32 v27, v48  }
0x389: {  	v3 =	vor.u32 v3, v26;
	_ =	sdelay $0x1  }
0x38a: {  	v1 =	vmul.f32 $8.000000000e+00, v1;
	_ =	sdelay $0x1  }
0x38b: {  	[tilespmem:v2+s29+$0x0] =	vst.idx.msk $0xffff, v1  }
0x38c: {  	v1 =	vld.idx.msk [tilespmem:v3+s26+$0x0], $0xffff  }
0x38d: {  	v3 =	vld [tilespmem:$0x1FA40];
	_ =	sdelay $0x2  }
0x38e: {  	v50 =	vor.u32 v8, v0  }
0x38f: {  	v2 =	vor.u32 v27, v50  }
0x390: {  	v3 =	vor.u32 v3, v26;
	_ =	sdelay $0x1  }
0x391: {  	v1 =	vmul.f32 $8.000000000e+00, v1;
	_ =	sdelay $0x1  }
0x392: {  	[tilespmem:v2+s29+$0x0] =	vst.idx.msk $0xffff, v1  }
0x393: {  	v1 =	vld.idx.msk [tilespmem:v3+s26+$0x0], $0xffff  }
0x394: {  	v3 =	vld [tilespmem:$0x1FA50];
	_ =	sdelay $0x2  }
0x395: {  	v39 =	vor.u32 v11, v0  }
0x396: {  	v2 =	vor.u32 v27, v39  }
0x397: {  	v3 =	vor.u32 v3, v26;
	_ =	sdelay $0x1  }
0x398: {  	v1 =	vmul.f32 $8.000000000e+00, v1;
	_ =	sdelay $0x1  }
0x399: {  	[tilespmem:v2+s29+$0x0] =	vst.idx.msk $0xffff, v1  }
0x39a: {  	v1 =	vld.idx.msk [tilespmem:v3+s26+$0x0], $0xffff  }
0x39b: {  	v3 =	vld [tilespmem:$0x1FA60];
	_ =	sdelay $0x2  }
0x39c: {  	v40 =	vor.u32 v10, v0  }
0x39d: {  	v2 =	vor.u32 v27, v40  }
0x39e: {  	v3 =	vor.u32 v3, v26;
	_ =	sdelay $0x1  }
0x39f: {  	v1 =	vmul.f32 $8.000000000e+00, v1;
	_ =	sdelay $0x1  }
0x3a0: {  	[tilespmem:v2+s29+$0x0] =	vst.idx.msk $0xffff, v1  }
0x3a1: {  	v1 =	vld.idx.msk [tilespmem:v3+s26+$0x0], $0xffff  }
0x3a2: {  	v3 =	vld [tilespmem:$0x1FA70];
	_ =	sdelay $0x2  }
0x3a3: {  	v41 =	vor.u32 v6, v0  }
0x3a4: {  	v2 =	vor.u32 v27, v41  }
0x3a5: {  	v3 =	vor.u32 v3, v26;
	_ =	sdelay $0x1  }
0x3a6: {  	v1 =	vmul.f32 $8.000000000e+00, v1;
	_ =	sdelay $0x1  }
0x3a7: {  	[tilespmem:v2+s29+$0x0] =	vst.idx.msk $0xffff, v1  }
0x3a8: {  	v1 =	vld.idx.msk [tilespmem:v3+s26+$0x0], $0xffff  }
0x3a9: {  	v3 =	vld [tilespmem:$0x1FA80];
	_ =	sdelay $0x2  }
0x3aa: {  	v48 =	vor.u32 v5, v0  }
0x3ab: {  	v2 =	vor.u32 v27, v48  }
0x3ac: {  	v3 =	vor.u32 v3, v26;
	_ =	sdelay $0x1  }
0x3ad: {  	v1 =	vmul.f32 $8.000000000e+00, v1;
	_ =	sdelay $0x1  }
0x3ae: {  	[tilespmem:v2+s29+$0x0] =	vst.idx.msk $0xffff, v1  }
0x3af: {  	v1 =	vld.idx.msk [tilespmem:v3+s26+$0x0], $0xffff  }
0x3b0: {  	v3 =	vld [tilespmem:$0x1FA90];
	_ =	sdelay $0x2  }
0x3b1: {  	v50 =	vor.u32 v35, v0  }
0x3b2: {  	v2 =	vor.u32 v27, v50  }
0x3b3: {  	v3 =	vor.u32 v3, v26;
	_ =	sdelay $0x1  }
0x3b4: {  	v1 =	vmul.f32 $8.000000000e+00, v1;
	_ =	sdelay $0x1  }
0x3b5: {  	[tilespmem:v2+s29+$0x0] =	vst.idx.msk $0xffff, v1  }
0x3b6: {  	v1 =	vld.idx.msk [tilespmem:v3+s26+$0x0], $0xffff  }
0x3b7: {  	v3 =	vld [tilespmem:$0x1FAA0];
	_ =	sdelay $0x2  }
0x3b8: {  	v39 =	vor.u32 v28, v0  }
0x3b9: {  	v2 =	vor.u32 v27, v39  }
0x3ba: {  	v3 =	vor.u32 v3, v26;
	_ =	sdelay $0x1  }
0x3bb: {  	v1 =	vmul.f32 $8.000000000e+00, v1;
	_ =	sdelay $0x1  }
0x3bc: {  	[tilespmem:v2+s29+$0x0] =	vst.idx.msk $0xffff, v1  }
0x3bd: {  	v1 =	vld.idx.msk [tilespmem:v3+s26+$0x0], $0xffff  }
0x3be: {  	v3 =	vld [tilespmem:$0x1FAB0];
	_ =	sdelay $0x2  }
0x3bf: {  	v40 =	vor.u32 v46, v0  }
0x3c0: {  	v2 =	vor.u32 v27, v40  }
0x3c1: {  	v3 =	vor.u32 v3, v26;
	_ =	sdelay $0x1  }
0x3c2: {  	v1 =	vmul.f32 $8.000000000e+00, v1;
	_ =	sdelay $0x1  }
0x3c3: {  	[tilespmem:v2+s29+$0x0] =	vst.idx.msk $0xffff, v1  }
0x3c4: {  	v1 =	vld.idx.msk [tilespmem:v3+s26+$0x0], $0xffff  }
0x3c5: {  	v3 =	vld [tilespmem:$0x1FAC0];
	_ =	sdelay $0x2  }
0x3c6: {  	v41 =	vor.u32 v42, v0  }
0x3c7: {  	v2 =	vor.u32 v27, v41  }
0x3c8: {  	v3 =	vor.u32 v3, v26;
	_ =	sdelay $0x1  }
0x3c9: {  	v1 =	vmul.f32 $8.000000000e+00, v1  }
0x3ca: {  	v48 =	vld [tilespmem:$0x1FAD0]  }
0x3cb: {  	[tilespmem:v2+s29+$0x0] =	vst.idx.msk $0xffff, v1  }
0x3cc: {  	v1 =	vld.idx.msk [tilespmem:v3+s26+$0x0], $0xffff  }
0x3cd: {  	v0 =	vor.u32 v4, v0  }
0x3ce: {  	v0 =	vor.u32 v27, v0  }
0x3cf: {  	v2 =	vor.u32 v48, v26;
	_ =	sdelay $0x1  }
0x3d0: {  	v1 =	vmul.f32 $8.000000000e+00, v1  }
0x3d1: {  	s19 =	sor.u32 $0x40, s18;
	v3 =	vld [tilespmem:$0x1FAE0]  }
0x3d2: {  	v50 =	vmov s19;
	[tilespmem:v0+s29+$0x0] =	vst.idx.msk $0xffff, v1  }
0x3d3: {  	v0 =	vshll.u32 v50, $0x7;
	v1 =	vld.idx.msk [tilespmem:v2+s26+$0x0], $0xffff  }
0x3d4: {  	v39 =	vor.u32 v45, v0  }
0x3d5: {  	v2 =	vor.u32 v27, v39  }
0x3d6: {  	v3 =	vor.u32 v3, v26;
	_ =	sdelay $0x1  }
0x3d7: {  	v1 =	vmul.f32 $8.000000000e+00, v1;
	_ =	sdelay $0x1  }
0x3d8: {  	[tilespmem:v2+s29+$0x0] =	vst.idx.msk $0xffff, v1  }
0x3d9: {  	v1 =	vld.idx.msk [tilespmem:v3+s26+$0x0], $0xffff  }
0x3da: {  	v3 =	vld [tilespmem:$0x1FAF0];
	_ =	sdelay $0x2  }
0x3db: {  	v40 =	vor.u32 v44, v0  }
0x3dc: {  	v2 =	vor.u32 v27, v40  }
0x3dd: {  	v3 =	vor.u32 v3, v26;
	_ =	sdelay $0x1  }
0x3de: {  	v1 =	vmul.f32 $8.000000000e+00, v1;
	_ =	sdelay $0x1  }
0x3df: {  	[tilespmem:v2+s29+$0x0] =	vst.idx.msk $0xffff, v1  }
0x3e0: {  	v1 =	vld.idx.msk [tilespmem:v3+s26+$0x0], $0xffff  }
0x3e1: {  	v3 =	vld [tilespmem:$0x1FB00];
	_ =	sdelay $0x2  }
0x3e2: {  	v41 =	vor.u32 v43, v0  }
0x3e3: {  	v2 =	vor.u32 v27, v41  }
0x3e4: {  	v3 =	vor.u32 v3, v26;
	_ =	sdelay $0x1  }
0x3e5: {  	v1 =	vmul.f32 $8.000000000e+00, v1;
	_ =	sdelay $0x1  }
0x3e6: {  	[tilespmem:v2+s29+$0x0] =	vst.idx.msk $0xffff, v1  }
0x3e7: {  	v1 =	vld.idx.msk [tilespmem:v3+s26+$0x0], $0xffff  }
0x3e8: {  	v3 =	vld [tilespmem:$0x1FB10];
	_ =	sdelay $0x2  }
0x3e9: {  	v48 =	vor.u32 v60, v0  }
0x3ea: {  	v2 =	vor.u32 v27, v48  }
0x3eb: {  	v3 =	vor.u32 v3, v26;
	_ =	sdelay $0x1  }
0x3ec: {  	v1 =	vmul.f32 $8.000000000e+00, v1;
	_ =	sdelay $0x1  }
0x3ed: {  	[tilespmem:v2+s29+$0x0] =	vst.idx.msk $0xffff, v1  }
0x3ee: {  	v1 =	vld.idx.msk [tilespmem:v3+s26+$0x0], $0xffff  }
0x3ef: {  	v3 =	vld [tilespmem:$0x1FB20];
	_ =	sdelay $0x2  }
0x3f0: {  	v50 =	vor.u32 v36, v0  }
0x3f1: {  	v2 =	vor.u32 v27, v50  }
0x3f2: {  	v3 =	vor.u32 v3, v26;
	_ =	sdelay $0x1  }
0x3f3: {  	v1 =	vmul.f32 $8.000000000e+00, v1;
	_ =	sdelay $0x1  }
0x3f4: {  	[tilespmem:v2+s29+$0x0] =	vst.idx.msk $0xffff, v1  }
0x3f5: {  	v1 =	vld.idx.msk [tilespmem:v3+s26+$0x0], $0xffff  }
0x3f6: {  	v3 =	vld [tilespmem:$0x1FB30];
	_ =	sdelay $0x2  }
0x3f7: {  	v39 =	vor.u32 v62, v0  }
0x3f8: {  	v2 =	vor.u32 v27, v39  }
0x3f9: {  	v3 =	vor.u32 v3, v26;
	_ =	sdelay $0x1  }
0x3fa: {  	v1 =	vmul.f32 $8.000000000e+00, v1;
	_ =	sdelay $0x1  }
0x3fb: {  	[tilespmem:v2+s29+$0x0] =	vst.idx.msk $0xffff, v1  }
0x3fc: {  	v1 =	vld.idx.msk [tilespmem:v3+s26+$0x0], $0xffff  }
0x3fd: {  	v3 =	vld [tilespmem:$0x1FB40];
	_ =	sdelay $0x2  }
0x3fe: {  	v40 =	vor.u32 v8, v0  }
0x3ff: {  	v2 =	vor.u32 v27, v40  }
0x400: {  	v3 =	vor.u32 v3, v26;
	_ =	sdelay $0x1  }
0x401: {  	v1 =	vmul.f32 $8.000000000e+00, v1;
	_ =	sdelay $0x1  }
0x402: {  	[tilespmem:v2+s29+$0x0] =	vst.idx.msk $0xffff, v1  }
0x403: {  	v1 =	vld.idx.msk [tilespmem:v3+s26+$0x0], $0xffff  }
0x404: {  	v3 =	vld [tilespmem:$0x1FB50];
	_ =	sdelay $0x2  }
0x405: {  	v41 =	vor.u32 v11, v0  }
0x406: {  	v2 =	vor.u32 v27, v41  }
0x407: {  	v3 =	vor.u32 v3, v26;
	_ =	sdelay $0x1  }
0x408: {  	v1 =	vmul.f32 $8.000000000e+00, v1;
	_ =	sdelay $0x1  }
0x409: {  	[tilespmem:v2+s29+$0x0] =	vst.idx.msk $0xffff, v1  }
0x40a: {  	v1 =	vld.idx.msk [tilespmem:v3+s26+$0x0], $0xffff  }
0x40b: {  	v3 =	vld [tilespmem:$0x1FB60];
	_ =	sdelay $0x2  }
0x40c: {  	v48 =	vor.u32 v10, v0  }
0x40d: {  	v2 =	vor.u32 v27, v48  }
0x40e: {  	v3 =	vor.u32 v3, v26;
	_ =	sdelay $0x1  }
0x40f: {  	v1 =	vmul.f32 $8.000000000e+00, v1;
	_ =	sdelay $0x1  }
0x410: {  	[tilespmem:v2+s29+$0x0] =	vst.idx.msk $0xffff, v1  }
0x411: {  	v1 =	vld.idx.msk [tilespmem:v3+s26+$0x0], $0xffff  }
0x412: {  	v3 =	vld [tilespmem:$0x1FB70];
	_ =	sdelay $0x2  }
0x413: {  	v50 =	vor.u32 v6, v0  }
0x414: {  	v2 =	vor.u32 v27, v50  }
0x415: {  	v3 =	vor.u32 v3, v26;
	_ =	sdelay $0x1  }
0x416: {  	v1 =	vmul.f32 $8.000000000e+00, v1;
	_ =	sdelay $0x1  }
0x417: {  	[tilespmem:v2+s29+$0x0] =	vst.idx.msk $0xffff, v1  }
0x418: {  	v1 =	vld.idx.msk [tilespmem:v3+s26+$0x0], $0xffff  }
0x419: {  	v3 =	vld [tilespmem:$0x1FB80];
	_ =	sdelay $0x2  }
0x41a: {  	v39 =	vor.u32 v5, v0  }
0x41b: {  	v2 =	vor.u32 v27, v39  }
0x41c: {  	v3 =	vor.u32 v3, v26;
	_ =	sdelay $0x1  }
0x41d: {  	v1 =	vmul.f32 $8.000000000e+00, v1;
	_ =	sdelay $0x1  }
0x41e: {  	[tilespmem:v2+s29+$0x0] =	vst.idx.msk $0xffff, v1  }
0x41f: {  	v1 =	vld.idx.msk [tilespmem:v3+s26+$0x0], $0xffff  }
0x420: {  	v3 =	vld [tilespmem:$0x1FB90];
	_ =	sdelay $0x2  }
0x421: {  	v40 =	vor.u32 v35, v0  }
0x422: {  	v2 =	vor.u32 v27, v40  }
0x423: {  	v3 =	vor.u32 v3, v26;
	_ =	sdelay $0x1  }
0x424: {  	v1 =	vmul.f32 $8.000000000e+00, v1;
	_ =	sdelay $0x1  }
0x425: {  	[tilespmem:v2+s29+$0x0] =	vst.idx.msk $0xffff, v1  }
0x426: {  	v1 =	vld.idx.msk [tilespmem:v3+s26+$0x0], $0xffff  }
0x427: {  	v3 =	vld [tilespmem:$0x1FBA0];
	_ =	sdelay $0x2  }
0x428: {  	v41 =	vor.u32 v28, v0  }
0x429: {  	v2 =	vor.u32 v27, v41  }
0x42a: {  	v3 =	vor.u32 v3, v26;
	_ =	sdelay $0x1  }
0x42b: {  	v1 =	vmul.f32 $8.000000000e+00, v1;
	_ =	sdelay $0x1  }
0x42c: {  	[tilespmem:v2+s29+$0x0] =	vst.idx.msk $0xffff, v1  }
0x42d: {  	v1 =	vld.idx.msk [tilespmem:v3+s26+$0x0], $0xffff  }
0x42e: {  	v3 =	vld [tilespmem:$0x1FBB0];
	_ =	sdelay $0x2  }
0x42f: {  	v48 =	vor.u32 v46, v0  }
0x430: {  	v2 =	vor.u32 v27, v48  }
0x431: {  	v3 =	vor.u32 v3, v26;
	_ =	sdelay $0x1  }
0x432: {  	v1 =	vmul.f32 $8.000000000e+00, v1;
	_ =	sdelay $0x1  }
0x433: {  	[tilespmem:v2+s29+$0x0] =	vst.idx.msk $0xffff, v1  }
0x434: {  	v1 =	vld.idx.msk [tilespmem:v3+s26+$0x0], $0xffff  }
0x435: {  	v3 =	vld [tilespmem:$0x1FBC0];
	_ =	sdelay $0x2  }
0x436: {  	v50 =	vor.u32 v42, v0  }
0x437: {  	v2 =	vor.u32 v27, v50  }
0x438: {  	v3 =	vor.u32 v3, v26;
	_ =	sdelay $0x1  }
0x439: {  	v1 =	vmul.f32 $8.000000000e+00, v1  }
0x43a: {  	v39 =	vld [tilespmem:$0x1FBD0]  }
0x43b: {  	[tilespmem:v2+s29+$0x0] =	vst.idx.msk $0xffff, v1  }
0x43c: {  	v1 =	vld.idx.msk [tilespmem:v3+s26+$0x0], $0xffff  }
0x43d: {  	v0 =	vor.u32 v4, v0  }
0x43e: {  	v0 =	vor.u32 v27, v0  }
0x43f: {  	v2 =	vor.u32 v39, v26;
	_ =	sdelay $0x1  }
0x440: {  	v1 =	vmul.f32 $8.000000000e+00, v1  }
0x441: {  	s18 =	sor.u32 $0x60, s18;
	v3 =	vld [tilespmem:$0x1FBE0]  }
0x442: {  	v40 =	vmov s18;
	[tilespmem:v0+s29+$0x0] =	vst.idx.msk $0xffff, v1  }
0x443: {  	v0 =	vshll.u32 v40, $0x7;
	v1 =	vld.idx.msk [tilespmem:v2+s26+$0x0], $0xffff  }
0x444: {  	v41 =	vor.u32 v45, v0  }
0x445: {  	v2 =	vor.u32 v27, v41  }
0x446: {  	v3 =	vor.u32 v3, v26;
	_ =	sdelay $0x1  }
0x447: {  	v1 =	vmul.f32 $8.000000000e+00, v1;
	_ =	sdelay $0x1  }
0x448: {  	[tilespmem:v2+s29+$0x0] =	vst.idx.msk $0xffff, v1  }
0x449: {  	v1 =	vld.idx.msk [tilespmem:v3+s26+$0x0], $0xffff  }
0x44a: {  	v3 =	vld [tilespmem:$0x1FBF0];
	_ =	sdelay $0x2  }
0x44b: {  	v48 =	vor.u32 v44, v0  }
0x44c: {  	v2 =	vor.u32 v27, v48  }
0x44d: {  	v3 =	vor.u32 v3, v26;
	_ =	sdelay $0x1  }
0x44e: {  	v1 =	vmul.f32 $8.000000000e+00, v1;
	_ =	sdelay $0x1  }
0x44f: {  	[tilespmem:v2+s29+$0x0] =	vst.idx.msk $0xffff, v1  }
0x450: {  	v1 =	vld.idx.msk [tilespmem:v3+s26+$0x0], $0xffff  }
0x451: {  	v3 =	vld [tilespmem:$0x1FC00];
	_ =	sdelay $0x2  }
0x452: {  	v50 =	vor.u32 v43, v0  }
0x453: {  	v2 =	vor.u32 v27, v50  }
0x454: {  	v3 =	vor.u32 v3, v26;
	_ =	sdelay $0x1  }
0x455: {  	v1 =	vmul.f32 $8.000000000e+00, v1;
	_ =	sdelay $0x1  }
0x456: {  	[tilespmem:v2+s29+$0x0] =	vst.idx.msk $0xffff, v1  }
0x457: {  	v1 =	vld.idx.msk [tilespmem:v3+s26+$0x0], $0xffff  }
0x458: {  	v39 =	vor.u32 v60, v0  }
0x459: {  	v2 =	vor.u32 v27, v39  }
0x45a: {  	v3 =	vor.u32 v59, v26;
	_ =	sdelay $0x1  }
0x45b: {  	v1 =	vmul.f32 $8.000000000e+00, v1;
	_ =	sdelay $0x1  }
0x45c: {  	[tilespmem:v2+s29+$0x0] =	vst.idx.msk $0xffff, v1  }
0x45d: {  	v1 =	vld.idx.msk [tilespmem:v3+s26+$0x0], $0xffff  }
0x45e: {  	v40 =	vor.u32 v36, v0  }
0x45f: {  	v2 =	vor.u32 v27, v40  }
0x460: {  	v3 =	vor.u32 v37, v26;
	_ =	sdelay $0x1  }
0x461: {  	v1 =	vmul.f32 $8.000000000e+00, v1;
	_ =	sdelay $0x1  }
0x462: {  	[tilespmem:v2+s29+$0x0] =	vst.idx.msk $0xffff, v1  }
0x463: {  	v1 =	vld.idx.msk [tilespmem:v3+s26+$0x0], $0xffff  }
0x464: {  	v41 =	vor.u32 v62, v0  }
0x465: {  	v2 =	vor.u32 v27, v41  }
0x466: {  	v3 =	vor.u32 v38, v26;
	_ =	sdelay $0x1  }
0x467: {  	v1 =	vmul.f32 $8.000000000e+00, v1;
	_ =	sdelay $0x1  }
0x468: {  	[tilespmem:v2+s29+$0x0] =	vst.idx.msk $0xffff, v1  }
0x469: {  	v1 =	vld.idx.msk [tilespmem:v3+s26+$0x0], $0xffff  }
0x46a: {  	v48 =	vor.u32 v8, v0  }
0x46b: {  	v2 =	vor.u32 v27, v48  }
0x46c: {  	v3 =	vor.u32 v16, v26;
	_ =	sdelay $0x1  }
0x46d: {  	v1 =	vmul.f32 $8.000000000e+00, v1;
	_ =	sdelay $0x1  }
0x46e: {  	[tilespmem:v2+s29+$0x0] =	vst.idx.msk $0xffff, v1  }
0x46f: {  	v1 =	vld.idx.msk [tilespmem:v3+s26+$0x0], $0xffff  }
0x470: {  	v50 =	vor.u32 v11, v0  }
0x471: {  	v2 =	vor.u32 v27, v50  }
0x472: {  	v3 =	vor.u32 v17, v26;
	_ =	sdelay $0x1  }
0x473: {  	v1 =	vmul.f32 $8.000000000e+00, v1;
	_ =	sdelay $0x1  }
0x474: {  	[tilespmem:v2+s29+$0x0] =	vst.idx.msk $0xffff, v1  }
0x475: {  	v1 =	vld.idx.msk [tilespmem:v3+s26+$0x0], $0xffff  }
0x476: {  	v62 =	vor.u32 v10, v0  }
0x477: {  	v2 =	vor.u32 v27, v62  }
0x478: {  	v3 =	vor.u32 v18, v26;
	_ =	sdelay $0x1  }
0x479: {  	v1 =	vmul.f32 $8.000000000e+00, v1;
	_ =	sdelay $0x1  }
0x47a: {  	[tilespmem:v2+s29+$0x0] =	vst.idx.msk $0xffff, v1  }
0x47b: {  	v1 =	vld.idx.msk [tilespmem:v3+s26+$0x0], $0xffff  }
0x47c: {  	v39 =	vor.u32 v6, v0  }
0x47d: {  	v2 =	vor.u32 v27, v39  }
0x47e: {  	v3 =	vor.u32 v19, v26;
	_ =	sdelay $0x1  }
0x47f: {  	v1 =	vmul.f32 $8.000000000e+00, v1;
	_ =	sdelay $0x1  }
0x480: {  	[tilespmem:v2+s29+$0x0] =	vst.idx.msk $0xffff, v1  }
0x481: {  	v1 =	vld.idx.msk [tilespmem:v3+s26+$0x0], $0xffff  }
0x482: {  	v40 =	vor.u32 v5, v0  }
0x483: {  	v2 =	vor.u32 v27, v40  }
0x484: {  	v3 =	vor.u32 v20, v26;
	_ =	sdelay $0x1  }
0x485: {  	v1 =	vmul.f32 $8.000000000e+00, v1;
	_ =	sdelay $0x1  }
0x486: {  	[tilespmem:v2+s29+$0x0] =	vst.idx.msk $0xffff, v1  }
0x487: {  	v1 =	vld.idx.msk [tilespmem:v3+s26+$0x0], $0xffff  }
0x488: {  	v41 =	vor.u32 v35, v0  }
0x489: {  	v2 =	vor.u32 v27, v41  }
0x48a: {  	v3 =	vor.u32 v21, v26;
	_ =	sdelay $0x1  }
0x48b: {  	v1 =	vmul.f32 $8.000000000e+00, v1;
	_ =	sdelay $0x1  }
0x48c: {  	[tilespmem:v2+s29+$0x0] =	vst.idx.msk $0xffff, v1  }
0x48d: {  	v1 =	vld.idx.msk [tilespmem:v3+s26+$0x0], $0xffff  }
0x48e: {  	v48 =	vor.u32 v28, v0  }
0x48f: {  	v2 =	vor.u32 v27, v48  }
0x490: {  	v3 =	vor.u32 v23, v26;
	_ =	sdelay $0x1  }
0x491: {  	v1 =	vmul.f32 $8.000000000e+00, v1;
	_ =	sdelay $0x1  }
0x492: {  	[tilespmem:v2+s29+$0x0] =	vst.idx.msk $0xffff, v1  }
0x493: {  	v1 =	vld.idx.msk [tilespmem:v3+s26+$0x0], $0xffff  }
0x494: {  	v50 =	vor.u32 v46, v0  }
0x495: {  	v2 =	vor.u32 v27, v50  }
0x496: {  	v3 =	vor.u32 v24, v26;
	_ =	sdelay $0x1  }
0x497: {  	v1 =	vmul.f32 $8.000000000e+00, v1;
	_ =	sdelay $0x1  }
0x498: {  	[tilespmem:v2+s29+$0x0] =	vst.idx.msk $0xffff, v1  }
0x499: {  	v1 =	vld.idx.msk [tilespmem:v3+s26+$0x0], $0xffff  }
0x49a: {  	v62 =	vor.u32 v42, v0  }
0x49b: {  	v2 =	vor.u32 v27, v62  }
0x49c: {  	v3 =	vor.u32 v25, v26;
	_ =	sdelay $0x1  }
0x49d: {  	v1 =	vmul.f32 $8.000000000e+00, v1;
	_ =	sdelay $0x1  }
0x49e: {  	[tilespmem:v2+s29+$0x0] =	vst.idx.msk $0xffff, v1  }
0x49f: {  	v1 =	vld.idx.msk [tilespmem:v3+s26+$0x0], $0xffff  }
0x4a0: {  	v0 =	vor.u32 v4, v0  }
0x4a1: {  	p0 =	sne.s32 s17, $0xF;
	v0 =	vor.u32 v27, v0  }
.Ltmp1:
0x4a2: {  	_ = 	snop;
	(pc) =	sbr.rel @p0 .LBB2_5-.Ltmp1, $3  }
0x4a3: {  	_ = 	snop  }
0x4a4: {  	v1 =	vmul.f32 $8.000000000e+00, v1;
	_ =	sdelay $0x1  }
0x4a5: {  	s15 =	sadd.s32 $0x10, s15;
	s17 =	sadd.s32 $0x1, s17;
	v27 =	vlaneseq.u32;
	[tilespmem:v0+s29+$0x0] =	vst.idx.msk $0xffff, v1  }
0x4a6: {  	s15 =	rddreg [dreg:$0x10]  }
0x4a7: {  	s19 =	rddreg [dreg:$0x11];
	s15 =	sor.u32 s15, s14  }
0x4a8: {  	s18 =	sor.u32 s19, s14;
	s15 =	sshrl.u32 s15, $0x3  }
0x4a9: {  	s14 =	sshrl.u32 s18, $0x3;
	s17 =	sadd.s32 s3, s15  }
0x4aa: {  	[hbm4b:s17+s4] =	stream.linear.scatter [tilespmem:s29], [sflag:$0x3], $0x400, $0x38;
	[tilespmem:$0x14200] =	vst v63  }
0x4ab: {  	s19 =	sadd.s32 s3, s14;
	s18 =	sor.u32 $0x4000, s15  }
0x4ac: {  	[hbm4b:s19+s4] =	stream.linear.scatter [tilespmem:s30], [sflag:$0x3], $0x400, $0x38;
	[tilespmem:$0x14200] =	vst v63  }
0x4ad: {  	s17 =	sadd.s32 s3, s18;
	s19 =	sor.u32 $0x4000, s14  }
0x4ae: {  	[hbm4b:s17+s4] =	stream.linear.scatter [tilespmem:s31], [sflag:$0x3], $0x400, $0x38;
	[tilespmem:$0x14200] =	vst v63  }
0x4af: {  	s18 =	sor.u32 $0x8000, s15;
	s17 =	sadd.s32 s3, s19  }
0x4b0: {  	[hbm4b:s17+s4] =	stream.linear.scatter [tilespmem:s2], [sflag:$0x3], $0x400, $0x38;
	[tilespmem:$0x14200] =	vst v63  }
0x4b1: {  	s19 =	sor.u32 $0x8000, s14;
	s17 =	sadd.s32 s3, s18  }
0x4b2: {  	[hbm4b:s17+s4] =	stream.linear.scatter [tilespmem:s5], [sflag:$0x3], $0x400, $0x38;
	[tilespmem:$0x14200] =	vst v63  }
0x4b3: {  	s18 =	sor.u32 $0xC000, s15;
	s17 =	sadd.s32 s3, s19  }
0x4b4: {  	[hbm4b:s17+s4] =	stream.linear.scatter [tilespmem:s7], [sflag:$0x3], $0x400, $0x38;
	[tilespmem:$0x14200] =	vst v63  }
0x4b5: {  	s19 =	sor.u32 $0xC000, s14;
	s17 =	sadd.s32 s3, s18  }
0x4b6: {  	[hbm4b:s17+s4] =	stream.linear.scatter [tilespmem:s16], [sflag:$0x3], $0x400, $0x38;
	[tilespmem:$0x14200] =	vst v63  }
0x4b7: {  	s18 =	sor.u32 $0x10000, s15;
	s17 =	sadd.s32 s3, s19  }
0x4b8: {  	[hbm4b:s17+s4] =	stream.linear.scatter [tilespmem:s21], [sflag:$0x3], $0x400, $0x38;
	[tilespmem:$0x14200] =	vst v63  }
0x4b9: {  	s19 =	sor.u32 $0x10000, s14;
	s17 =	sadd.s32 s3, s18  }
0x4ba: {  	[hbm4b:s17+s4] =	stream.linear.scatter [tilespmem:s22], [sflag:$0x3], $0x400, $0x38;
	[tilespmem:$0x14200] =	vst v63  }
0x4bb: {  	s18 =	sor.u32 $0x14000, s15;
	s17 =	sadd.s32 s3, s19  }
0x4bc: {  	[hbm4b:s17+s4] =	stream.linear.scatter [tilespmem:s0], [sflag:$0x3], $0x400, $0x38;
	[tilespmem:$0x14200] =	vst v63  }
0x4bd: {  	s19 =	sor.u32 $0x14000, s14;
	s17 =	sadd.s32 s3, s18  }
0x4be: {  	[hbm4b:s17+s4] =	stream.linear.scatter [tilespmem:s23], [sflag:$0x3], $0x400, $0x38;
	[tilespmem:$0x14200] =	vst v63  }
0x4bf: {  	s18 =	sor.u32 $0x18000, s15;
	s17 =	sadd.s32 s3, s19  }
0x4c0: {  	[hbm4b:s17+s4] =	stream.linear.scatter [tilespmem:s1], [sflag:$0x3], $0x400, $0x38;
	[tilespmem:$0x14200] =	vst v63  }
0x4c1: {  	s13 =	sadd.s32 $0x1, s13;
	s19 =	sor.u32 $0x18000, s14;
	s17 =	sadd.s32 s3, s18  }
0x4c2: {  	[hbm4b:s17+s4] =	stream.linear.scatter [tilespmem:s6], [sflag:$0x3], $0x400, $0x38;
	[tilespmem:$0x14200] =	vst v63  }
0x4c3: {  	p0 =	sne.s32 s13, $0x32;
	s17 =	sadd.s32 s3, s19  }
0x4c4: {  	[hbm4b:s17+s4] =	stream.linear.scatter [tilespmem:s9], [sflag:$0x3], $0x400, $0x38;
	[tilespmem:$0x14200] =	vst v63  }
.Ltmp2:
0x4c5: {  	s15 =	sor.u32 $0x1C000, s15;
	(pc) =	sbr.rel @p0 .LBB2_2-.Ltmp2, $4  }
0x4c6: {  	s15 =	sadd.s32 s3, s15;
	s14 =	sor.u32 $0x1C000, s14  }
0x4c7: {  	[hbm4b:s15+s4] =	stream.linear.scatter [tilespmem:s8], [sflag:$0x3], $0x400, $0x38;
	[tilespmem:$0x14200] =	vst v63  }
0x4c8: {  	s14 =	sadd.s32 s3, s14;
	s19 =	smov.u32 s20  }
0x4c9: {  	[hbm4b:s14+s4] =	stream.linear.scatter [tilespmem:s11], [sflag:$0x3], $0x400, $0x38;
	[tilespmem:$0x14200] =	vst v63  }
0x4ca: {  	_ =	swait.ge [sflag:s12], $0x400  }
0x4cb: {  	[sflag:s12] =	ssyncset.done $0x0  }
0x4cc: {  	[sflag:s12] =	ssyncadd.s32 $0xFFFFFC00  }
0x4cd: {  	_ =	swait.ge [sflag:s12], $0x400  }
0x4ce: {  	[sflag:s12] =	ssyncset.done $0x0  }
0x4cf: {  	[sflag:s12] =	ssyncadd.s32 $0xFFFFFC00  }
0x4d0: {  	_ =	swait.ge [sflag:s12], $0x400  }
0x4d1: {  	[sflag:s12] =	ssyncset.done $0x0  }
0x4d2: {  	[sflag:s12] =	ssyncadd.s32 $0xFFFFFC00  }
0x4d3: {  	_ =	swait.ge [sflag:s12], $0x400  }
0x4d4: {  	[sflag:s12] =	ssyncset.done $0x0  }
0x4d5: {  	[sflag:s12] =	ssyncadd.s32 $0xFFFFFC00  }
0x4d6: {  	_ =	swait.ge [sflag:s12], $0x400  }
0x4d7: {  	[sflag:s12] =	ssyncset.done $0x0  }
0x4d8: {  	[sflag:s12] =	ssyncadd.s32 $0xFFFFFC00  }
0x4d9: {  	_ =	swait.ge [sflag:s12], $0x400  }
0x4da: {  	[sflag:s12] =	ssyncset.done $0x0  }
0x4db: {  	[sflag:s12] =	ssyncadd.s32 $0xFFFFFC00  }
0x4dc: {  	_ =	swait.ge [sflag:s12], $0x400  }
0x4dd: {  	[sflag:s12] =	ssyncset.done $0x0  }
0x4de: {  	[sflag:s12] =	ssyncadd.s32 $0xFFFFFC00  }
0x4df: {  	_ =	swait.ge [sflag:s12], $0x400  }
0x4e0: {  	[sflag:s12] =	ssyncset.done $0x0  }
0x4e1: {  	[sflag:s12] =	ssyncadd.s32 $0xFFFFFC00  }
0x4e2: {  	_ =	swait.ge [sflag:s12], $0x400  }
0x4e3: {  	[sflag:s12] =	ssyncset.done $0x0  }
0x4e4: {  	[sflag:s12] =	ssyncadd.s32 $0xFFFFFC00  }
0x4e5: {  	_ =	swait.ge [sflag:s12], $0x400  }
0x4e6: {  	[sflag:s12] =	ssyncset.done $0x0  }
0x4e7: {  	[sflag:s12] =	ssyncadd.s32 $0xFFFFFC00  }
0x4e8: {  	_ =	swait.ge [sflag:s12], $0x400  }
0x4e9: {  	[sflag:s12] =	ssyncset.done $0x0  }
0x4ea: {  	[sflag:s12] =	ssyncadd.s32 $0xFFFFFC00  }
0x4eb: {  	_ =	swait.ge [sflag:s12], $0x400  }
0x4ec: {  	[sflag:s12] =	ssyncset.done $0x0  }
0x4ed: {  	[sflag:s12] =	ssyncadd.s32 $0xFFFFFC00  }
0x4ee: {  	_ =	swait.ge [sflag:s12], $0x400  }
0x4ef: {  	[sflag:s12] =	ssyncset.done $0x0  }
0x4f0: {  	[sflag:s12] =	ssyncadd.s32 $0xFFFFFC00  }
0x4f1: {  	_ =	swait.ge [sflag:s12], $0x400  }
0x4f2: {  	[sflag:s12] =	ssyncset.done $0x0  }
0x4f3: {  	[sflag:s12] =	ssyncadd.s32 $0xFFFFFC00  }
0x4f4: {  	_ =	swait.ge [sflag:s12], $0x400  }
0x4f5: {  	[sflag:s12] =	ssyncset.done $0x0  }
0x4f6: {  	[sflag:s12] =	ssyncadd.s32 $0xFFFFFC00  }
0x4f7: {  	_ =	swait.ge [sflag:s12], $0x400  }
0x4f8: {  	s14 =	rddreg [dreg:$0x13]  }
0x4f9: {  	s13 =	rddreg [dreg:$0x12];
	s14 =	sadd.s32 $0x1, s14  }
0x4fa: {  	p0 =	sne.s32 s14, s13  }
.Ltmp3:
0x4fb: {  	_ = 	snop;
	(pc) =	sbr.rel @p0 .LBB2_1-.Ltmp3, $3  }
0x4fc: {  	_ =	sdelay $0x1  }
0x4fd: {  	[sflag:s12] =	ssyncset.done $0x0  }
0x4fe: {  	[sflag:s12] =	ssyncadd.s32 $0xFFFFFC00  }
0x4ff: {  	_ =	sfence.sel $0x180000  }
0x500: {  	[bflag:$0x0] =	sbarrier.arrive $0xFFFF  }
0x501: {  	_ =	strace $0x90000047  }
0x502: {  	s0 =	stileid.u32;
	[bflag:$0x2] =	sbarrier.arrive $0xFFFF  }
0x503: {  	p0 =	sne.s32 s0, $0x0;
	s0 =	rddreg [dreg:$0x3]  }
0x504: {  	s0 =	sadd.s32 @!p0 $0x100000, s0  }
0x505: {  	[sflag:s0] =	ssyncadd.tile.s32 @!p0 $0x1;
	_ =	shalt  }
.Lfunc_end2:
_tile_overlayer_lowered:
.L_overlay_start_2:
0x506: {  	(tag) =	ssettag $0x2  }
0x507: {  	s0 =	rddreg [dreg:$0x0];
	s2 =	stileid.u32  }
0x508: {  	s1 =	rddreg [dreg:$0x1];
	p0 =	sne.s32 s2, $0x0  }
0x509: {  	s3 =	rddreg [dreg:$0x2];
	[bflag:$0x3] =	sbarrier.arrive $0xFFFF;
	s2 =	simm.s32 @!p0 $0x1C06  }
0x50a: {  	[timem:s3], [sflag:s2] =	dma.local @!p0 [hbm:s0], s1  }
0x50b: {  	s0 =	simm.s32 @!p0 $0x6  }
0x50c: {  	_ =	swait.ge @!p0 [sflag:s0], s1  }
0x50d: {  	s1 =	ssub.s32 @!p0 $0x0, s1;
	[sflag:s0] =	ssyncset.done @!p0 $0x0  }
0x50e: {  	[sflag:s0] =	ssyncadd.s32 @!p0 s1  }
0x50f: {  	[bflag:$0x3] =	sbarrier.arrive $0xFFFF  }
0x510: {  	_ =	shalt  }

</sc_bundles>
